<compile_context>
chip_gen: v7x
topology: tpu7x:2x2x1
jax: 0.10.2.dev20260603
libtpu: 0.0.44.dev20260713+nightly
codegen_flags: <defaults>
</compile_context>

<pallas_src>
import functools

import jax
import jax.numpy as jnp
from jax import lax
from jax.experimental import pallas as pl
from jax.experimental.pallas import tpu as pltpu
from jax.experimental.pallas import tpu_sc as plsc

_ILV = plsc.PackFormat.INTERLEAVED

POOL = 7
H = 64
W = 64
C = 256
N_ROI = 2000
ROWS = N_ROI * POOL * POOL
GROUP = 16
NCHUNKS = ROWS // GROUP
NC, NS = 2, 16
NW = NC * NS
CHUNKS_PER = -(-NCHUNKS // NW)


def _rpn_pool_body(feat_hbm, roi_hbm, tab_hbm, out_hbm, roi_v, tab_v, idx0,
                   idx1, w0, w1, g0, g1, ob0, ob1, semg0, semg1, semo0,
                   semo1):
    idx_b = (idx0, idx1)
    w_b = (w0, w1)
    g_b = (g0, g1)
    ob_b = (ob0, ob1)
    semg = (semg0, semg1)
    semo = (semo0, semo1)

    wid = lax.axis_index("s") * NC + lax.axis_index("c")
    pltpu.sync_copy(roi_hbm, roi_v)
    start = wid * CHUNKS_PER
    count = jnp.minimum(CHUNKS_PER, NCHUNKS - start)
    lanes = lax.iota(jnp.int32, 16)
    l4 = lanes * 4

    pltpu.sync_copy(tab_hbm, tab_v)

    def issue_gather(k, b):
        p = (start + k) * GROUP + lanes
        n = p // (POOL * POOL)
        q = p - n * (POOL * POOL)
        i = plsc.load_gather(tab_v, [q])
        j = q - i * POOL
        b4 = n * 4
        y1 = plsc.load_gather(roi_v, [b4])
        x1 = plsc.load_gather(roi_v, [b4 + 1])
        y2 = plsc.load_gather(roi_v, [b4 + 2])
        x2 = plsc.load_gather(roi_v, [b4 + 3])
        h = jnp.maximum(x2 - x1, 1)
        w = jnp.maximum(y2 - y1, 1)
        h7 = h.astype(jnp.float32) / float(POOL)
        w7 = w.astype(jnp.float32) / float(POOL)
        rpos = i.astype(jnp.float32) * h7
        cpos = j.astype(jnp.float32) * w7
        r0 = rpos.astype(jnp.int32)
        c0 = cpos.astype(jnp.int32)
        rf = rpos - r0.astype(jnp.float32)
        cf = cpos - c0.astype(jnp.float32)
        r1 = jnp.minimum(r0 + 1, h - 1)
        c1 = jnp.minimum(c0 + 1, w - 1)
        R0 = jnp.clip(x1 + r0, 0, H - 1)
        R1 = jnp.clip(x1 + r1, 0, H - 1)
        C0 = jnp.clip(y1 + c0, 0, W - 1)
        C1 = jnp.clip(y1 + c1, 0, W - 1)
        plsc.store_scatter(idx_b[b], [l4], R0 * W + C0)
        plsc.store_scatter(idx_b[b], [l4 + 1], R0 * W + C1)
        plsc.store_scatter(idx_b[b], [l4 + 2], R1 * W + C0)
        plsc.store_scatter(idx_b[b], [l4 + 3], R1 * W + C1)
        wr0 = 1.0 - rf
        wc0 = 1.0 - cf
        plsc.store_scatter(w_b[b], [l4], wr0 * wc0)
        plsc.store_scatter(w_b[b], [l4 + 1], wr0 * cf)
        plsc.store_scatter(w_b[b], [l4 + 2], rf * wc0)
        plsc.store_scatter(w_b[b], [l4 + 3], rf * cf)
        pltpu.async_copy(feat_hbm.at[idx_b[b]], g_b[b], semg[b])

    def process(k, b):
        @pl.when(k + 1 < count)
        def _pref():
            issue_gather(k + 1, 1 - b)

        pltpu.make_async_copy(feat_hbm.at[idx_b[b]], g_b[b], semg[b]).wait()

        @pl.when(k >= 2)
        def _drain():
            pltpu.make_async_copy(
                ob_b[b],
                out_hbm.at[pl.ds((start + k - 2) * GROUP * C, GROUP * C)],
                semo[b]).wait()

        g_v = g_b[b]
        ob_v = ob_b[b]
        w_v = w_b[b]

        def row_body(r, rcarry):
            r4 = r * 4
            w00 = plsc.load_gather(w_v, [jnp.full((16,), 0, jnp.int32) + r4])
            w01 = plsc.load_gather(w_v, [jnp.full((16,), 1, jnp.int32) + r4])
            w10 = plsc.load_gather(w_v, [jnp.full((16,), 2, jnp.int32) + r4])
            w11 = plsc.load_gather(w_v, [jnp.full((16,), 3, jnp.int32) + r4])
            wb00 = plsc.pack(w00, w00, format=_ILV)
            wb01 = plsc.pack(w01, w01, format=_ILV)
            wb10 = plsc.pack(w10, w10, format=_ILV)
            wb11 = plsc.pack(w11, w11, format=_ILV)
            for t in range(C // 32):
                s = pl.ds(t * 16, 16)
                m0 = plsc.bitcast(g_v[r4, s], jnp.bfloat16) * wb00
                m1 = plsc.bitcast(g_v[r4 + 1, s], jnp.bfloat16) * wb01
                m2 = plsc.bitcast(g_v[r4 + 2, s], jnp.bfloat16) * wb10
                m3 = plsc.bitcast(g_v[r4 + 3, s], jnp.bfloat16) * wb11
                acca, accb = plsc.unpack((m0 + m1) + (m2 + m3), format=_ILV)
                ob_v[pl.ds(r * C + t * 16, 16)] = acca
                ob_v[pl.ds(r * C + C // 2 + t * 16, 16)] = accb
            return rcarry

        lax.fori_loop(0, GROUP, row_body, 0, unroll=4)
        pltpu.async_copy(
            ob_v, out_hbm.at[pl.ds((start + k) * GROUP * C, GROUP * C)],
            semo[b])

    issue_gather(0, 0)

    def outer(t, carry):
        for b in range(2):
            k = t * 2 + b

            @pl.when(k < count)
            def _():
                process(k, b)

        return carry

    lax.fori_loop(0, CHUNKS_PER // 2, outer, 0)

    for b in range(2):
        last = count - 1 - ((count - 1 + b) % 2)
        pltpu.make_async_copy(
            ob_b[b], out_hbm.at[pl.ds((start + last) * GROUP * C, GROUP * C)],
            semo[b]).wait()


@functools.partial(
    pl.kernel,
    out_type=jax.ShapeDtypeStruct((ROWS * C,), jnp.float32),
    mesh=plsc.VectorSubcoreMesh(core_axis_name="c", subcore_axis_name="s"),
    scratch_types=[
        pltpu.VMEM((N_ROI * 4,), jnp.int32),
        pltpu.VMEM((64,), jnp.int32),
        pltpu.VMEM((GROUP * 4,), jnp.int32),
        pltpu.VMEM((GROUP * 4,), jnp.int32),
        pltpu.VMEM((GROUP * 4,), jnp.float32),
        pltpu.VMEM((GROUP * 4,), jnp.float32),
        pltpu.VMEM((GROUP * 4, C // 2), jnp.int32),
        pltpu.VMEM((GROUP * 4, C // 2), jnp.int32),
        pltpu.VMEM((GROUP * C,), jnp.float32),
        pltpu.VMEM((GROUP * C,), jnp.float32),
        pltpu.SemaphoreType.DMA,
        pltpu.SemaphoreType.DMA,
        pltpu.SemaphoreType.DMA,
        pltpu.SemaphoreType.DMA,
    ],
    compiler_params=pltpu.CompilerParams(needs_layout_passes=False),
)
def _rpn_pool_sc(feat_hbm, roi_hbm, tab_hbm, out_hbm, roi_v, tab_v, idx0,
                 idx1, w0, w1, g0, g1, ob0, ob1, semg0, semg1, semo0, semo1):
    _rpn_pool_body(feat_hbm, roi_hbm, tab_hbm, out_hbm, roi_v, tab_v, idx0,
                   idx1, w0, w1, g0, g1, ob0, ob1, semg0, semg1, semo0, semo1)


_QDIV_TAB = [min(e, POOL * POOL - 1) // POOL for e in range(64)]


_COL_PERM = [(e // 2) + (e % 2) * (C // 2) for e in range(C)]


def kernel(features, roi):
    feat = features.reshape(H * W, C).astype(jnp.bfloat16)[
        :, jnp.asarray(_COL_PERM, dtype=jnp.int32)]
    feat = jax.lax.bitcast_convert_type(
        feat.reshape(H * W, C // 2, 2), jnp.int32)
    roi32 = roi.astype(jnp.int32).reshape(N_ROI * 4)
    tab = jnp.asarray(_QDIV_TAB, dtype=jnp.int32)
    out = _rpn_pool_sc(feat, roi32, tab)
    return out.reshape(N_ROI, POOL, POOL, C)

# --- scband reference (transcript-rebuilt; emitter-appended) ---
"""Pipeline reference for scband-rpnpooling-7352984011596 (READ-ONLY COPY).

The authoritative reference and input builder live on the scoring server;
editing this copy changes nothing except your own understanding.
"""

import jax, jax.numpy as jnp
import numpy as np

POOL = 7


def setup_inputs(seed: int = 0) -> dict:
    key = jax.random.key(seed)
    k1, k2 = jax.random.split(key)
    features = jax.random.normal(k1, (1, 64, 64, 256), dtype=jnp.float32)
    # sorted along last axis -> b0<=b1<=b2<=b3 so (y1,x1,y2,x2) gives valid non-negative extents
    roi = jnp.sort(jax.random.randint(k2, (1, 2000, 4), 0, 64), axis=-1).astype(jnp.int64)
    return {"features": features, "roi": roi}


def _roi_pool(features, bbox):
    # bbox = (imageDim, y1, x1, y2, x2); original slices features[d, x1:x2, y1:y2, :]
    d, y1, x1, y2, x2 = bbox[0], bbox[1], bbox[2], bbox[3], bbox[4]
    img = features[d]  # (H, W, C) dynamic gather on batch dim
    H, W = img.shape[0], img.shape[1]
    h = jnp.maximum(x2 - x1, 1)  # rows of the crop (first spatial axis)
    w = jnp.maximum(y2 - y1, 1)  # cols of the crop (second spatial axis)
    # TF1 resize_images bilinear, align_corners=False: src = dst * (in/out)
    rpos = jnp.arange(POOL, dtype=jnp.float32) * (h.astype(jnp.float32) / POOL)
    r0 = jnp.floor(rpos).astype(jnp.int32)
    r1 = jnp.minimum(r0 + 1, h - 1)
    rf = rpos - r0.astype(jnp.float32)
    cpos = jnp.arange(POOL, dtype=jnp.float32) * (w.astype(jnp.float32) / POOL)
    c0 = jnp.floor(cpos).astype(jnp.int32)
    c1 = jnp.minimum(c0 + 1, w - 1)
    cf = cpos - c0.astype(jnp.float32)
    R0 = jnp.clip(x1 + r0, 0, H - 1)
    R1 = jnp.clip(x1 + r1, 0, H - 1)
    C0 = jnp.clip(y1 + c0, 0, W - 1)
    C1 = jnp.clip(y1 + c1, 0, W - 1)
    g00 = img[R0[:, None], C0[None, :], :]
    g01 = img[R0[:, None], C1[None, :], :]
    g10 = img[R1[:, None], C0[None, :], :]
    g11 = img[R1[:, None], C1[None, :], :]
    cfb = cf[None, :, None]
    rfb = rf[:, None, None]
    top = g00 * (1.0 - cfb) + g01 * cfb
    bot = g10 * (1.0 - cfb) + g11 * cfb
    return top * (1.0 - rfb) + bot * rfb  # (POOL, POOL, C)


def reference(features, roi):
    roi = roi.astype(jnp.int32)
    B, N = roi.shape[0], roi.shape[1]
    dims = jnp.broadcast_to(jnp.arange(B, dtype=jnp.int32)[:, None, None], (B, N, 1))
    rois = jnp.concatenate([dims, roi], axis=-1).reshape(-1, 5)  # (B*N, 5)
    return jax.vmap(lambda b: _roi_pool(features, b))(rois)  # (B*N, POOL, POOL, C)

if __name__ == "__main__":
    import jax
    _d = setup_inputs()
    print(jax.jit(kernel)(*tuple(_d.values())))

</pallas_src>

<mosaic_0001>
#map = affine_map<(d0, d1) -> (0, 0)>
#map1 = affine_map<(d0, d1) -> (0)>
module attributes {stable_mosaic.version = 14 : i64} {
  func.func @_rpn_pool_sc(%arg0: i32, %arg1: i32, %arg2: memref<4096x128xi32, #tpu.memory_space<hbm>>, %arg3: memref<8000xi32, #tpu.memory_space<hbm>>, %arg4: memref<64xi32, #tpu.memory_space<hbm>>, %arg5: memref<25088000xf32, #tpu.memory_space<hbm>>, %arg6: memref<8000xi32, #tpu.memory_space<vmem>>, %arg7: memref<64xi32, #tpu.memory_space<vmem>>, %arg8: memref<64xi32, #tpu.memory_space<vmem>>, %arg9: memref<64xi32, #tpu.memory_space<vmem>>, %arg10: memref<64xf32, #tpu.memory_space<vmem>>, %arg11: memref<64xf32, #tpu.memory_space<vmem>>, %arg12: memref<64x128xi32, #tpu.memory_space<vmem>>, %arg13: memref<64x128xi32, #tpu.memory_space<vmem>>, %arg14: memref<4096xf32, #tpu.memory_space<vmem>>, %arg15: memref<4096xf32, #tpu.memory_space<vmem>>, %arg16: memref<!tpu.dma_semaphore, #tpu.memory_space<semaphore_mem>>, %arg17: memref<!tpu.dma_semaphore, #tpu.memory_space<semaphore_mem>>, %arg18: memref<!tpu.dma_semaphore, #tpu.memory_space<semaphore_mem>>, %arg19: memref<!tpu.dma_semaphore, #tpu.memory_space<semaphore_mem>>) attributes {dimension_semantics = [#tpu.dimension_semantics<core_parallel>, #tpu.dimension_semantics<subcore_parallel>], iteration_bounds = array<i64: 2, 16>, scalar_prefetch = 0 : i64, scratch_operands = 14 : i64, tpu.core_type = #tpu.core_type<sc_vector_subcore>, window_params = [{transform_indices = #map}, {transform_indices = #map1}, {transform_indices = #map1}, {transform_indices = #map1}]} {
    %mul3A = arith.constant 2 : i32
    %mul3A_0 = arith.muli %arg1, %mul3A : i32
    %add3A = arith.addi %mul3A_0, %arg0 : i32
    "tpu.region"() ({
      %run_scoped3A = tpu.sem_alloc : memref<!tpu.dma_semaphore, #tpu.memory_space<semaphore_mem>>
      tpu.enqueue_dma source(%arg3 : memref<8000xi32, #tpu.memory_space<hbm>>) target(%arg6 : memref<8000xi32, #tpu.memory_space<vmem>>) target_semaphore(%run_scoped3A : memref<!tpu.dma_semaphore, #tpu.memory_space<semaphore_mem>>)
      tpu.wait_dma2 semaphore(%run_scoped3A : memref<!tpu.dma_semaphore, #tpu.memory_space<semaphore_mem>>) src(%arg3 : memref<8000xi32, #tpu.memory_space<hbm>>) dst(%arg6 : memref<8000xi32, #tpu.memory_space<vmem>>)
      tpu.yield
    }) : () -> ()
    %mul3A_1 = arith.constant 192 : i32
    %mul3A_2 = arith.muli %add3A, %mul3A_1 : i32
    %sub3A = arith.constant 6125 : i32
    %sub3A_3 = arith.subi %sub3A, %mul3A_2 : i32
    %min3A = arith.constant 192 : i32
    %min3A_4 = arith.minsi %min3A, %sub3A_3 : i32
    %iota3A = tpu.iota {dimensions = array<i32: 0>} : vector<16xi32>
    %mul3A_5 = arith.constant 4 : i32
    %mul3A_6 = vector.broadcast %mul3A_5 : i32 to vector<16xi32>
    %mul3A_7 = arith.muli %iota3A, %mul3A_6 : vector<16xi32>
    "tpu.region"() ({
      %run_scoped3A = tpu.sem_alloc : memref<!tpu.dma_semaphore, #tpu.memory_space<semaphore_mem>>
      tpu.enqueue_dma source(%arg4 : memref<64xi32, #tpu.memory_space<hbm>>) target(%arg7 : memref<64xi32, #tpu.memory_space<vmem>>) target_semaphore(%run_scoped3A : memref<!tpu.dma_semaphore, #tpu.memory_space<semaphore_mem>>)
      tpu.wait_dma2 semaphore(%run_scoped3A : memref<!tpu.dma_semaphore, #tpu.memory_space<semaphore_mem>>) src(%arg4 : memref<64xi32, #tpu.memory_space<hbm>>) dst(%arg7 : memref<64xi32, #tpu.memory_space<vmem>>)
      tpu.yield
    }) : () -> ()
    %add3A_8 = arith.constant 0 : i32
    %add3A_9 = arith.addi %mul3A_2, %add3A_8 : i32
    %mul3A_10 = arith.constant 16 : i32
    %mul3A_11 = arith.muli %add3A_9, %mul3A_10 : i32
    %add3A_12 = vector.broadcast %mul3A_11 : i32 to vector<16xi32>
    %add3A_13 = arith.addi %add3A_12, %iota3A : vector<16xi32>
    %jit3A = arith.constant 49 : i32
    %div3A = vector.broadcast %jit3A : i32 to vector<16xi32>
    %div3A_14 = arith.divsi %add3A_13, %div3A : vector<16xi32>
    %sign3A = arith.constant 0 : i32
    %sign3A_15 = vector.broadcast %sign3A : i32 to vector<16xi32>
    %sign3A_16 = arith.cmpi sgt, %add3A_13, %sign3A_15 : vector<16xi32>
    %sign3A_17 = arith.extui %sign3A_16 : vector<16xi1> to vector<16xi32>
    %sign3A_18 = arith.constant 0 : i32
    %sign3A_19 = vector.broadcast %sign3A_18 : i32 to vector<16xi32>
    %sign3A_20 = arith.cmpi slt, %add3A_13, %sign3A_19 : vector<16xi32>
    %sign3A_21 = arith.extui %sign3A_20 : vector<16xi1> to vector<16xi32>
    %sign3A_22 = arith.subi %sign3A_17, %sign3A_21 : vector<16xi32>
    %sign3A_23 = arith.constant 0 : i32
    %sign3A_24 = arith.cmpi sgt, %jit3A, %sign3A_23 : i32
    %sign3A_25 = arith.extui %sign3A_24 : i1 to i32
    %sign3A_26 = arith.constant 0 : i32
    %sign3A_27 = arith.cmpi slt, %jit3A, %sign3A_26 : i32
    %sign3A_28 = arith.extui %sign3A_27 : i1 to i32
    %sign3A_29 = arith.subi %sign3A_25, %sign3A_28 : i32
    %ne3A = vector.broadcast %sign3A_29 : i32 to vector<16xi32>
    %ne3A_30 = arith.cmpi ne, %sign3A_22, %ne3A : vector<16xi32>
    %rem3A = vector.broadcast %jit3A : i32 to vector<16xi32>
    %rem3A_31 = arith.remsi %add3A_13, %rem3A : vector<16xi32>
    %ne3A_32 = arith.constant 0 : i32
    %ne3A_33 = vector.broadcast %ne3A_32 : i32 to vector<16xi32>
    %ne3A_34 = arith.cmpi ne, %rem3A_31, %ne3A_33 : vector<16xi32>
    %and3A = arith.andi %ne3A_30, %ne3A_34 : vector<16xi1>
    %sub3A_35 = arith.constant 1 : i32
    %sub3A_36 = vector.broadcast %sub3A_35 : i32 to vector<16xi32>
    %sub3A_37 = arith.subi %div3A_14, %sub3A_36 : vector<16xi32>
    %select_n3A = arith.select %and3A, %sub3A_37, %div3A_14 : vector<16xi1>, vector<16xi32>
    %mul3A_38 = arith.constant 49 : i32
    %mul3A_39 = vector.broadcast %mul3A_38 : i32 to vector<16xi32>
    %mul3A_40 = arith.muli %select_n3A, %mul3A_39 : vector<16xi32>
    %sub3A_41 = arith.subi %add3A_13, %mul3A_40 : vector<16xi32>
    %gather3A = tpu.vector_load_idx %arg7[%sub3A_41] : memref<64xi32, #tpu.memory_space<vmem>>[vector<16xi32>], vector<16xi32>,
    %mul3A_42 = arith.constant 7 : i32
    %mul3A_43 = vector.broadcast %mul3A_42 : i32 to vector<16xi32>
    %mul3A_44 = arith.muli %gather3A, %mul3A_43 : vector<16xi32>
    %sub3A_45 = arith.subi %sub3A_41, %mul3A_44 : vector<16xi32>
    %mul3A_46 = arith.constant 4 : i32
    %mul3A_47 = vector.broadcast %mul3A_46 : i32 to vector<16xi32>
    %mul3A_48 = arith.muli %select_n3A, %mul3A_47 : vector<16xi32>
    %gather3A_49 = tpu.vector_load_idx %arg6[%mul3A_48] : memref<8000xi32, #tpu.memory_space<vmem>>[vector<16xi32>], vector<16xi32>,
    %add3A_50 = arith.constant 1 : i32
    %add3A_51 = vector.broadcast %add3A_50 : i32 to vector<16xi32>
    %add3A_52 = arith.addi %mul3A_48, %add3A_51 : vector<16xi32>
    %gather3A_53 = tpu.vector_load_idx %arg6[%add3A_52] : memref<8000xi32, #tpu.memory_space<vmem>>[vector<16xi32>], vector<16xi32>,
    %add3A_54 = arith.constant 2 : i32
    %add3A_55 = vector.broadcast %add3A_54 : i32 to vector<16xi32>
    %add3A_56 = arith.addi %mul3A_48, %add3A_55 : vector<16xi32>
    %gather3A_57 = tpu.vector_load_idx %arg6[%add3A_56] : memref<8000xi32, #tpu.memory_space<vmem>>[vector<16xi32>], vector<16xi32>,
    %add3A_58 = arith.constant 3 : i32
    %add3A_59 = vector.broadcast %add3A_58 : i32 to vector<16xi32>
    %add3A_60 = arith.addi %mul3A_48, %add3A_59 : vector<16xi32>
    %gather3A_61 = tpu.vector_load_idx %arg6[%add3A_60] : memref<8000xi32, #tpu.memory_space<vmem>>[vector<16xi32>], vector<16xi32>,
    %sub3A_62 = arith.subi %gather3A_61, %gather3A_53 : vector<16xi32>
    %max3A = arith.constant 1 : i32
    %max3A_63 = vector.broadcast %max3A : i32 to vector<16xi32>
    %max3A_64 = arith.maxsi %sub3A_62, %max3A_63 : vector<16xi32>
    %sub3A_65 = arith.subi %gather3A_57, %gather3A_49 : vector<16xi32>
    %max3A_66 = arith.constant 1 : i32
    %max3A_67 = vector.broadcast %max3A_66 : i32 to vector<16xi32>
    %max3A_68 = arith.maxsi %sub3A_65, %max3A_67 : vector<16xi32>
    %convert_element_type3A = arith.sitofp %max3A_64 : vector<16xi32> to vector<16xf32>
    %div3A_69 = arith.constant 7.000000e+00 : f32
    %div3A_70 = vector.broadcast %div3A_69 : f32 to vector<16xf32>
    %div3A_71 = arith.divf %convert_element_type3A, %div3A_70 : vector<16xf32>
    %convert_element_type3A_72 = arith.sitofp %max3A_68 : vector<16xi32> to vector<16xf32>
    %div3A_73 = arith.constant 7.000000e+00 : f32
    %div3A_74 = vector.broadcast %div3A_73 : f32 to vector<16xf32>
    %div3A_75 = arith.divf %convert_element_type3A_72, %div3A_74 : vector<16xf32>
    %convert_element_type3A_76 = arith.sitofp %gather3A : vector<16xi32> to vector<16xf32>
    %mul3A_77 = arith.mulf %convert_element_type3A_76, %div3A_71 : vector<16xf32>
    %convert_element_type3A_78 = arith.sitofp %sub3A_45 : vector<16xi32> to vector<16xf32>
    %mul3A_79 = arith.mulf %convert_element_type3A_78, %div3A_75 : vector<16xf32>
    %convert_element_type3A_80 = arith.fptosi %mul3A_77 : vector<16xf32> to vector<16xi32>
    %convert_element_type3A_81 = arith.fptosi %mul3A_79 : vector<16xf32> to vector<16xi32>
    %convert_element_type3A_82 = arith.sitofp %convert_element_type3A_80 : vector<16xi32> to vector<16xf32>
    %sub3A_83 = arith.subf %mul3A_77, %convert_element_type3A_82 : vector<16xf32>
    %convert_element_type3A_84 = arith.sitofp %convert_element_type3A_81 : vector<16xi32> to vector<16xf32>
    %sub3A_85 = arith.subf %mul3A_79, %convert_element_type3A_84 : vector<16xf32>
    %add3A_86 = arith.constant 1 : i32
    %add3A_87 = vector.broadcast %add3A_86 : i32 to vector<16xi32>
    %add3A_88 = arith.addi %convert_element_type3A_80, %add3A_87 : vector<16xi32>
    %sub3A_89 = arith.constant 1 : i32
    %sub3A_90 = vector.broadcast %sub3A_89 : i32 to vector<16xi32>
    %sub3A_91 = arith.subi %max3A_64, %sub3A_90 : vector<16xi32>
    %min3A_92 = arith.minsi %add3A_88, %sub3A_91 : vector<16xi32>
    %add3A_93 = arith.constant 1 : i32
    %add3A_94 = vector.broadcast %add3A_93 : i32 to vector<16xi32>
    %add3A_95 = arith.addi %convert_element_type3A_81, %add3A_94 : vector<16xi32>
    %sub3A_96 = arith.constant 1 : i32
    %sub3A_97 = vector.broadcast %sub3A_96 : i32 to vector<16xi32>
    %sub3A_98 = arith.subi %max3A_68, %sub3A_97 : vector<16xi32>
    %min3A_99 = arith.minsi %add3A_95, %sub3A_98 : vector<16xi32>
    %add3A_100 = arith.addi %gather3A_53, %convert_element_type3A_80 : vector<16xi32>
    %jit3A_101 = arith.constant 0 : i32
    %jit3A_102 = arith.constant 63 : i32
    %max3A_103 = vector.broadcast %jit3A_101 : i32 to vector<16xi32>
    %max3A_104 = arith.maxsi %max3A_103, %add3A_100 : vector<16xi32>
    %min3A_105 = vector.broadcast %jit3A_102 : i32 to vector<16xi32>
    %min3A_106 = arith.minsi %min3A_105, %max3A_104 : vector<16xi32>
    %add3A_107 = arith.addi %gather3A_53, %min3A_92 : vector<16xi32>
    %jit3A_108 = arith.constant 0 : i32
    %jit3A_109 = arith.constant 63 : i32
    %max3A_110 = vector.broadcast %jit3A_108 : i32 to vector<16xi32>
    %max3A_111 = arith.maxsi %max3A_110, %add3A_107 : vector<16xi32>
    %min3A_112 = vector.broadcast %jit3A_109 : i32 to vector<16xi32>
    %min3A_113 = arith.minsi %min3A_112, %max3A_111 : vector<16xi32>
    %add3A_114 = arith.addi %gather3A_49, %convert_element_type3A_81 : vector<16xi32>
    %jit3A_115 = arith.constant 0 : i32
    %jit3A_116 = arith.constant 63 : i32
    %max3A_117 = vector.broadcast %jit3A_115 : i32 to vector<16xi32>
    %max3A_118 = arith.maxsi %max3A_117, %add3A_114 : vector<16xi32>
    %min3A_119 = vector.broadcast %jit3A_116 : i32 to vector<16xi32>
    %min3A_120 = arith.minsi %min3A_119, %max3A_118 : vector<16xi32>
    %add3A_121 = arith.addi %gather3A_49, %min3A_99 : vector<16xi32>
    %jit3A_122 = arith.constant 0 : i32
    %jit3A_123 = arith.constant 63 : i32
    %max3A_124 = vector.broadcast %jit3A_122 : i32 to vector<16xi32>
    %max3A_125 = arith.maxsi %max3A_124, %add3A_121 : vector<16xi32>
    %min3A_126 = vector.broadcast %jit3A_123 : i32 to vector<16xi32>
    %min3A_127 = arith.minsi %min3A_126, %max3A_125 : vector<16xi32>
    %mul3A_128 = arith.constant 64 : i32
    %mul3A_129 = vector.broadcast %mul3A_128 : i32 to vector<16xi32>
    %mul3A_130 = arith.muli %min3A_106, %mul3A_129 : vector<16xi32>
    %add3A_131 = arith.addi %mul3A_130, %min3A_120 : vector<16xi32>
    tpu.vector_store_idx %arg8[%mul3A_7], %add3A_131 : memref<64xi32, #tpu.memory_space<vmem>>[vector<16xi32>], vector<16xi32>,
    %add3A_132 = arith.constant 1 : i32
    %add3A_133 = vector.broadcast %add3A_132 : i32 to vector<16xi32>
    %add3A_134 = arith.addi %mul3A_7, %add3A_133 : vector<16xi32>
    %mul3A_135 = arith.constant 64 : i32
    %mul3A_136 = vector.broadcast %mul3A_135 : i32 to vector<16xi32>
    %mul3A_137 = arith.muli %min3A_106, %mul3A_136 : vector<16xi32>
    %add3A_138 = arith.addi %mul3A_137, %min3A_127 : vector<16xi32>
    tpu.vector_store_idx %arg8[%add3A_134], %add3A_138 : memref<64xi32, #tpu.memory_space<vmem>>[vector<16xi32>], vector<16xi32>,
    %add3A_139 = arith.constant 2 : i32
    %add3A_140 = vector.broadcast %add3A_139 : i32 to vector<16xi32>
    %add3A_141 = arith.addi %mul3A_7, %add3A_140 : vector<16xi32>
    %mul3A_142 = arith.constant 64 : i32
    %mul3A_143 = vector.broadcast %mul3A_142 : i32 to vector<16xi32>
    %mul3A_144 = arith.muli %min3A_113, %mul3A_143 : vector<16xi32>
    %add3A_145 = arith.addi %mul3A_144, %min3A_120 : vector<16xi32>
    tpu.vector_store_idx %arg8[%add3A_141], %add3A_145 : memref<64xi32, #tpu.memory_space<vmem>>[vector<16xi32>], vector<16xi32>,
    %add3A_146 = arith.constant 3 : i32
    %add3A_147 = vector.broadcast %add3A_146 : i32 to vector<16xi32>
    %add3A_148 = arith.addi %mul3A_7, %add3A_147 : vector<16xi32>
    %mul3A_149 = arith.constant 64 : i32
    %mul3A_150 = vector.broadcast %mul3A_149 : i32 to vector<16xi32>
    %mul3A_151 = arith.muli %min3A_113, %mul3A_150 : vector<16xi32>
    %add3A_152 = arith.addi %mul3A_151, %min3A_127 : vector<16xi32>
    tpu.vector_store_idx %arg8[%add3A_148], %add3A_152 : memref<64xi32, #tpu.memory_space<vmem>>[vector<16xi32>], vector<16xi32>,
    %sub3A_153 = arith.constant 1.000000e+00 : f32
    %sub3A_154 = vector.broadcast %sub3A_153 : f32 to vector<16xf32>
    %sub3A_155 = arith.subf %sub3A_154, %sub3A_83 : vector<16xf32>
    %sub3A_156 = arith.constant 1.000000e+00 : f32
    %sub3A_157 = vector.broadcast %sub3A_156 : f32 to vector<16xf32>
    %sub3A_158 = arith.subf %sub3A_157, %sub3A_85 : vector<16xf32>
    %mul3A_159 = arith.mulf %sub3A_155, %sub3A_158 : vector<16xf32>
    tpu.vector_store_idx %arg10[%mul3A_7], %mul3A_159 : memref<64xf32, #tpu.memory_space<vmem>>[vector<16xi32>], vector<16xf32>,
    %add3A_160 = arith.constant 1 : i32
    %add3A_161 = vector.broadcast %add3A_160 : i32 to vector<16xi32>
    %add3A_162 = arith.addi %mul3A_7, %add3A_161 : vector<16xi32>
    %mul3A_163 = arith.mulf %sub3A_155, %sub3A_85 : vector<16xf32>
    tpu.vector_store_idx %arg10[%add3A_162], %mul3A_163 : memref<64xf32, #tpu.memory_space<vmem>>[vector<16xi32>], vector<16xf32>,
    %add3A_164 = arith.constant 2 : i32
    %add3A_165 = vector.broadcast %add3A_164 : i32 to vector<16xi32>
    %add3A_166 = arith.addi %mul3A_7, %add3A_165 : vector<16xi32>
    %mul3A_167 = arith.mulf %sub3A_83, %sub3A_158 : vector<16xf32>
    tpu.vector_store_idx %arg10[%add3A_166], %mul3A_167 : memref<64xf32, #tpu.memory_space<vmem>>[vector<16xi32>], vector<16xf32>,
    %add3A_168 = arith.constant 3 : i32
    %add3A_169 = vector.broadcast %add3A_168 : i32 to vector<16xi32>
    %add3A_170 = arith.addi %mul3A_7, %add3A_169 : vector<16xi32>
    %mul3A_171 = arith.mulf %sub3A_83, %sub3A_85 : vector<16xf32>
    tpu.vector_store_idx %arg10[%add3A_170], %mul3A_171 : memref<64xf32, #tpu.memory_space<vmem>>[vector<16xi32>], vector<16xf32>,
    %dma_start3A = arith.constant 0 : i32
    %dma_start3A_172 = arith.constant 0 : i32
    %dma_start3A_173 = tpu.memref_slice %arg2[%dma_start3A, %dma_start3A_172] : memref<4096x128xi32, #tpu.memory_space<hbm>> -> memref<4096x128xi32, #tpu.memory_space<hbm>>
    tpu.enqueue_indirect_dma source(%dma_start3A_173 : memref<4096x128xi32, #tpu.memory_space<hbm>>) target(%arg12 : memref<64x128xi32, #tpu.memory_space<vmem>>) offsets(%arg8 : memref<64xi32, #tpu.memory_space<vmem>>) semaphore(%arg16 : memref<!tpu.dma_semaphore, #tpu.memory_space<semaphore_mem>>)
    %scan3A = arith.constant 0 : i32
    %scan3A_174 = arith.constant 0 : i32
    %scan3A_175 = arith.constant 96 : i32
    %scan3A_176 = arith.addi %scan3A_174, %scan3A_175 : i32
    %scan3A_177 = arith.constant 1 : i32
    scf.for %scan3A_236 = %scan3A_174 to %scan3A_176 step %scan3A_177  : i32 {
      %mul3A_237 = arith.constant 2 : i32
      %mul3A_238 = arith.muli %scan3A_236, %mul3A_237 : i32
      %add3A_239 = arith.constant 0 : i32
      %add3A_240 = arith.addi %mul3A_238, %add3A_239 : i32
      %lt3A_241 = arith.cmpi slt, %add3A_240, %min3A_4 : i32
      %convert_element_type3A_242 = arith.extui %lt3A_241 : i1 to i32
      %cond3A = arith.constant 0 : i32
      %cond3A_243 = arith.cmpi ne, %convert_element_type3A_242, %cond3A : i32
      scf.if %cond3A_243 {
        %add3A_252 = arith.constant 1 : i32
        %add3A_253 = arith.addi %add3A_240, %add3A_252 : i32
        %lt3A_254 = arith.cmpi slt, %add3A_253, %min3A_4 : i32
        %convert_element_type3A_255 = arith.extui %lt3A_254 : i1 to i32
        %cond3A_256 = arith.constant 0 : i32
        %cond3A_257 = arith.cmpi ne, %convert_element_type3A_255, %cond3A_256 : i32
        scf.if %cond3A_257 {
          %add3A_278 = arith.constant 1 : i32
          %add3A_279 = arith.addi %add3A_240, %add3A_278 : i32
          %add3A_280 = arith.addi %mul3A_2, %add3A_279 : i32
          %mul3A_281 = arith.constant 16 : i32
          %mul3A_282 = arith.muli %add3A_280, %mul3A_281 : i32
          %add3A_283 = vector.broadcast %mul3A_282 : i32 to vector<16xi32>
          %add3A_284 = arith.addi %add3A_283, %iota3A : vector<16xi32>
          %jit3A_285 = arith.constant 49 : i32
          %div3A_286 = vector.broadcast %jit3A_285 : i32 to vector<16xi32>
          %div3A_287 = arith.divsi %add3A_284, %div3A_286 : vector<16xi32>
          %sign3A_288 = arith.constant 0 : i32
          %sign3A_289 = vector.broadcast %sign3A_288 : i32 to vector<16xi32>
          %sign3A_290 = arith.cmpi sgt, %add3A_284, %sign3A_289 : vector<16xi32>
          %sign3A_291 = arith.extui %sign3A_290 : vector<16xi1> to vector<16xi32>
          %sign3A_292 = arith.constant 0 : i32
          %sign3A_293 = vector.broadcast %sign3A_292 : i32 to vector<16xi32>
          %sign3A_294 = arith.cmpi slt, %add3A_284, %sign3A_293 : vector<16xi32>
          %sign3A_295 = arith.extui %sign3A_294 : vector<16xi1> to vector<16xi32>
          %sign3A_296 = arith.subi %sign3A_291, %sign3A_295 : vector<16xi32>
          %sign3A_297 = arith.constant 0 : i32
          %sign3A_298 = arith.cmpi sgt, %jit3A_285, %sign3A_297 : i32
          %sign3A_299 = arith.extui %sign3A_298 : i1 to i32
          %sign3A_300 = arith.constant 0 : i32
          %sign3A_301 = arith.cmpi slt, %jit3A_285, %sign3A_300 : i32
          %sign3A_302 = arith.extui %sign3A_301 : i1 to i32
          %sign3A_303 = arith.subi %sign3A_299, %sign3A_302 : i32
          %ne3A_304 = vector.broadcast %sign3A_303 : i32 to vector<16xi32>
          %ne3A_305 = arith.cmpi ne, %sign3A_296, %ne3A_304 : vector<16xi32>
          %rem3A_306 = vector.broadcast %jit3A_285 : i32 to vector<16xi32>
          %rem3A_307 = arith.remsi %add3A_284, %rem3A_306 : vector<16xi32>
          %ne3A_308 = arith.constant 0 : i32
          %ne3A_309 = vector.broadcast %ne3A_308 : i32 to vector<16xi32>
          %ne3A_310 = arith.cmpi ne, %rem3A_307, %ne3A_309 : vector<16xi32>
          %and3A_311 = arith.andi %ne3A_305, %ne3A_310 : vector<16xi1>
          %sub3A_312 = arith.constant 1 : i32
          %sub3A_313 = vector.broadcast %sub3A_312 : i32 to vector<16xi32>
          %sub3A_314 = arith.subi %div3A_287, %sub3A_313 : vector<16xi32>
          %select_n3A_315 = arith.select %and3A_311, %sub3A_314, %div3A_287 : vector<16xi1>, vector<16xi32>
          %mul3A_316 = arith.constant 49 : i32
          %mul3A_317 = vector.broadcast %mul3A_316 : i32 to vector<16xi32>
          %mul3A_318 = arith.muli %select_n3A_315, %mul3A_317 : vector<16xi32>
          %sub3A_319 = arith.subi %add3A_284, %mul3A_318 : vector<16xi32>
          %gather3A_320 = tpu.vector_load_idx %arg7[%sub3A_319] : memref<64xi32, #tpu.memory_space<vmem>>[vector<16xi32>], vector<16xi32>,
          %mul3A_321 = arith.constant 7 : i32
          %mul3A_322 = vector.broadcast %mul3A_321 : i32 to vector<16xi32>
          %mul3A_323 = arith.muli %gather3A_320, %mul3A_322 : vector<16xi32>
          %sub3A_324 = arith.subi %sub3A_319, %mul3A_323 : vector<16xi32>
          %mul3A_325 = arith.constant 4 : i32
          %mul3A_326 = vector.broadcast %mul3A_325 : i32 to vector<16xi32>
          %mul3A_327 = arith.muli %select_n3A_315, %mul3A_326 : vector<16xi32>
          %gather3A_328 = tpu.vector_load_idx %arg6[%mul3A_327] : memref<8000xi32, #tpu.memory_space<vmem>>[vector<16xi32>], vector<16xi32>,
          %add3A_329 = arith.constant 1 : i32
          %add3A_330 = vector.broadcast %add3A_329 : i32 to vector<16xi32>
          %add3A_331 = arith.addi %mul3A_327, %add3A_330 : vector<16xi32>
          %gather3A_332 = tpu.vector_load_idx %arg6[%add3A_331] : memref<8000xi32, #tpu.memory_space<vmem>>[vector<16xi32>], vector<16xi32>,
          %add3A_333 = arith.constant 2 : i32
          %add3A_334 = vector.broadcast %add3A_333 : i32 to vector<16xi32>
          %add3A_335 = arith.addi %mul3A_327, %add3A_334 : vector<16xi32>
          %gather3A_336 = tpu.vector_load_idx %arg6[%add3A_335] : memref<8000xi32, #tpu.memory_space<vmem>>[vector<16xi32>], vector<16xi32>,
          %add3A_337 = arith.constant 3 : i32
          %add3A_338 = vector.broadcast %add3A_337 : i32 to vector<16xi32>
          %add3A_339 = arith.addi %mul3A_327, %add3A_338 : vector<16xi32>
          %gather3A_340 = tpu.vector_load_idx %arg6[%add3A_339] : memref<8000xi32, #tpu.memory_space<vmem>>[vector<16xi32>], vector<16xi32>,
          %sub3A_341 = arith.subi %gather3A_340, %gather3A_332 : vector<16xi32>
          %max3A_342 = arith.constant 1 : i32
          %max3A_343 = vector.broadcast %max3A_342 : i32 to vector<16xi32>
          %max3A_344 = arith.maxsi %sub3A_341, %max3A_343 : vector<16xi32>
          %sub3A_345 = arith.subi %gather3A_336, %gather3A_328 : vector<16xi32>
          %max3A_346 = arith.constant 1 : i32
          %max3A_347 = vector.broadcast %max3A_346 : i32 to vector<16xi32>
          %max3A_348 = arith.maxsi %sub3A_345, %max3A_347 : vector<16xi32>
          %convert_element_type3A_349 = arith.sitofp %max3A_344 : vector<16xi32> to vector<16xf32>
          %div3A_350 = arith.constant 7.000000e+00 : f32
          %div3A_351 = vector.broadcast %div3A_350 : f32 to vector<16xf32>
          %div3A_352 = arith.divf %convert_element_type3A_349, %div3A_351 : vector<16xf32>
          %convert_element_type3A_353 = arith.sitofp %max3A_348 : vector<16xi32> to vector<16xf32>
          %div3A_354 = arith.constant 7.000000e+00 : f32
          %div3A_355 = vector.broadcast %div3A_354 : f32 to vector<16xf32>
          %div3A_356 = arith.divf %convert_element_type3A_353, %div3A_355 : vector<16xf32>
          %convert_element_type3A_357 = arith.sitofp %gather3A_320 : vector<16xi32> to vector<16xf32>
          %mul3A_358 = arith.mulf %convert_element_type3A_357, %div3A_352 : vector<16xf32>
          %convert_element_type3A_359 = arith.sitofp %sub3A_324 : vector<16xi32> to vector<16xf32>
          %mul3A_360 = arith.mulf %convert_element_type3A_359, %div3A_356 : vector<16xf32>
          %convert_element_type3A_361 = arith.fptosi %mul3A_358 : vector<16xf32> to vector<16xi32>
          %convert_element_type3A_362 = arith.fptosi %mul3A_360 : vector<16xf32> to vector<16xi32>
          %convert_element_type3A_363 = arith.sitofp %convert_element_type3A_361 : vector<16xi32> to vector<16xf32>
          %sub3A_364 = arith.subf %mul3A_358, %convert_element_type3A_363 : vector<16xf32>
          %convert_element_type3A_365 = arith.sitofp %convert_element_type3A_362 : vector<16xi32> to vector<16xf32>
          %sub3A_366 = arith.subf %mul3A_360, %convert_element_type3A_365 : vector<16xf32>
          %add3A_367 = arith.constant 1 : i32
          %add3A_368 = vector.broadcast %add3A_367 : i32 to vector<16xi32>
          %add3A_369 = arith.addi %convert_element_type3A_361, %add3A_368 : vector<16xi32>
          %sub3A_370 = arith.constant 1 : i32
          %sub3A_371 = vector.broadcast %sub3A_370 : i32 to vector<16xi32>
          %sub3A_372 = arith.subi %max3A_344, %sub3A_371 : vector<16xi32>
          %min3A_373 = arith.minsi %add3A_369, %sub3A_372 : vector<16xi32>
          %add3A_374 = arith.constant 1 : i32
          %add3A_375 = vector.broadcast %add3A_374 : i32 to vector<16xi32>
          %add3A_376 = arith.addi %convert_element_type3A_362, %add3A_375 : vector<16xi32>
          %sub3A_377 = arith.constant 1 : i32
          %sub3A_378 = vector.broadcast %sub3A_377 : i32 to vector<16xi32>
          %sub3A_379 = arith.subi %max3A_348, %sub3A_378 : vector<16xi32>
          %min3A_380 = arith.minsi %add3A_376, %sub3A_379 : vector<16xi32>
          %add3A_381 = arith.addi %gather3A_332, %convert_element_type3A_361 : vector<16xi32>
          %jit3A_382 = arith.constant 0 : i32
          %jit3A_383 = arith.constant 63 : i32
          %max3A_384 = vector.broadcast %jit3A_382 : i32 to vector<16xi32>
          %max3A_385 = arith.maxsi %max3A_384, %add3A_381 : vector<16xi32>
          %min3A_386 = vector.broadcast %jit3A_383 : i32 to vector<16xi32>
          %min3A_387 = arith.minsi %min3A_386, %max3A_385 : vector<16xi32>
          %add3A_388 = arith.addi %gather3A_332, %min3A_373 : vector<16xi32>
          %jit3A_389 = arith.constant 0 : i32
          %jit3A_390 = arith.constant 63 : i32
          %max3A_391 = vector.broadcast %jit3A_389 : i32 to vector<16xi32>
          %max3A_392 = arith.maxsi %max3A_391, %add3A_388 : vector<16xi32>
          %min3A_393 = vector.broadcast %jit3A_390 : i32 to vector<16xi32>
          %min3A_394 = arith.minsi %min3A_393, %max3A_392 : vector<16xi32>
          %add3A_395 = arith.addi %gather3A_328, %convert_element_type3A_362 : vector<16xi32>
          %jit3A_396 = arith.constant 0 : i32
          %jit3A_397 = arith.constant 63 : i32
          %max3A_398 = vector.broadcast %jit3A_396 : i32 to vector<16xi32>
          %max3A_399 = arith.maxsi %max3A_398, %add3A_395 : vector<16xi32>
          %min3A_400 = vector.broadcast %jit3A_397 : i32 to vector<16xi32>
          %min3A_401 = arith.minsi %min3A_400, %max3A_399 : vector<16xi32>
          %add3A_402 = arith.addi %gather3A_328, %min3A_380 : vector<16xi32>
          %jit3A_403 = arith.constant 0 : i32
          %jit3A_404 = arith.constant 63 : i32
          %max3A_405 = vector.broadcast %jit3A_403 : i32 to vector<16xi32>
          %max3A_406 = arith.maxsi %max3A_405, %add3A_402 : vector<16xi32>
          %min3A_407 = vector.broadcast %jit3A_404 : i32 to vector<16xi32>
          %min3A_408 = arith.minsi %min3A_407, %max3A_406 : vector<16xi32>
          %mul3A_409 = arith.constant 64 : i32
          %mul3A_410 = vector.broadcast %mul3A_409 : i32 to vector<16xi32>
          %mul3A_411 = arith.muli %min3A_387, %mul3A_410 : vector<16xi32>
          %add3A_412 = arith.addi %mul3A_411, %min3A_401 : vector<16xi32>
          tpu.vector_store_idx %arg9[%mul3A_7], %add3A_412 : memref<64xi32, #tpu.memory_space<vmem>>[vector<16xi32>], vector<16xi32>,
          %add3A_413 = arith.constant 1 : i32
          %add3A_414 = vector.broadcast %add3A_413 : i32 to vector<16xi32>
          %add3A_415 = arith.addi %mul3A_7, %add3A_414 : vector<16xi32>
          %mul3A_416 = arith.constant 64 : i32
          %mul3A_417 = vector.broadcast %mul3A_416 : i32 to vector<16xi32>
          %mul3A_418 = arith.muli %min3A_387, %mul3A_417 : vector<16xi32>
          %add3A_419 = arith.addi %mul3A_418, %min3A_408 : vector<16xi32>
          tpu.vector_store_idx %arg9[%add3A_415], %add3A_419 : memref<64xi32, #tpu.memory_space<vmem>>[vector<16xi32>], vector<16xi32>,
          %add3A_420 = arith.constant 2 : i32
          %add3A_421 = vector.broadcast %add3A_420 : i32 to vector<16xi32>
          %add3A_422 = arith.addi %mul3A_7, %add3A_421 : vector<16xi32>
          %mul3A_423 = arith.constant 64 : i32
          %mul3A_424 = vector.broadcast %mul3A_423 : i32 to vector<16xi32>
          %mul3A_425 = arith.muli %min3A_394, %mul3A_424 : vector<16xi32>
          %add3A_426 = arith.addi %mul3A_425, %min3A_401 : vector<16xi32>
          tpu.vector_store_idx %arg9[%add3A_422], %add3A_426 : memref<64xi32, #tpu.memory_space<vmem>>[vector<16xi32>], vector<16xi32>,
          %add3A_427 = arith.constant 3 : i32
          %add3A_428 = vector.broadcast %add3A_427 : i32 to vector<16xi32>
          %add3A_429 = arith.addi %mul3A_7, %add3A_428 : vector<16xi32>
          %mul3A_430 = arith.constant 64 : i32
          %mul3A_431 = vector.broadcast %mul3A_430 : i32 to vector<16xi32>
          %mul3A_432 = arith.muli %min3A_394, %mul3A_431 : vector<16xi32>
          %add3A_433 = arith.addi %mul3A_432, %min3A_408 : vector<16xi32>
          tpu.vector_store_idx %arg9[%add3A_429], %add3A_433 : memref<64xi32, #tpu.memory_space<vmem>>[vector<16xi32>], vector<16xi32>,
          %sub3A_434 = arith.constant 1.000000e+00 : f32
          %sub3A_435 = vector.broadcast %sub3A_434 : f32 to vector<16xf32>
          %sub3A_436 = arith.subf %sub3A_435, %sub3A_364 : vector<16xf32>
          %sub3A_437 = arith.constant 1.000000e+00 : f32
          %sub3A_438 = vector.broadcast %sub3A_437 : f32 to vector<16xf32>
          %sub3A_439 = arith.subf %sub3A_438, %sub3A_366 : vector<16xf32>
          %mul3A_440 = arith.mulf %sub3A_436, %sub3A_439 : vector<16xf32>
          tpu.vector_store_idx %arg11[%mul3A_7], %mul3A_440 : memref<64xf32, #tpu.memory_space<vmem>>[vector<16xi32>], vector<16xf32>,
          %add3A_441 = arith.constant 1 : i32
          %add3A_442 = vector.broadcast %add3A_441 : i32 to vector<16xi32>
          %add3A_443 = arith.addi %mul3A_7, %add3A_442 : vector<16xi32>
          %mul3A_444 = arith.mulf %sub3A_436, %sub3A_366 : vector<16xf32>
          tpu.vector_store_idx %arg11[%add3A_443], %mul3A_444 : memref<64xf32, #tpu.memory_space<vmem>>[vector<16xi32>], vector<16xf32>,
          %add3A_445 = arith.constant 2 : i32
          %add3A_446 = vector.broadcast %add3A_445 : i32 to vector<16xi32>
          %add3A_447 = arith.addi %mul3A_7, %add3A_446 : vector<16xi32>
          %mul3A_448 = arith.mulf %sub3A_364, %sub3A_439 : vector<16xf32>
          tpu.vector_store_idx %arg11[%add3A_447], %mul3A_448 : memref<64xf32, #tpu.memory_space<vmem>>[vector<16xi32>], vector<16xf32>,
          %add3A_449 = arith.constant 3 : i32
          %add3A_450 = vector.broadcast %add3A_449 : i32 to vector<16xi32>
          %add3A_451 = arith.addi %mul3A_7, %add3A_450 : vector<16xi32>
          %mul3A_452 = arith.mulf %sub3A_364, %sub3A_366 : vector<16xf32>
          tpu.vector_store_idx %arg11[%add3A_451], %mul3A_452 : memref<64xf32, #tpu.memory_space<vmem>>[vector<16xi32>], vector<16xf32>,
          %dma_start3A_453 = arith.constant 0 : i32
          %dma_start3A_454 = arith.constant 0 : i32
          %dma_start3A_455 = tpu.memref_slice %arg2[%dma_start3A_453, %dma_start3A_454] : memref<4096x128xi32, #tpu.memory_space<hbm>> -> memref<4096x128xi32, #tpu.memory_space<hbm>>
          tpu.enqueue_indirect_dma source(%dma_start3A_455 : memref<4096x128xi32, #tpu.memory_space<hbm>>) target(%arg13 : memref<64x128xi32, #tpu.memory_space<vmem>>) offsets(%arg9 : memref<64xi32, #tpu.memory_space<vmem>>) semaphore(%arg17 : memref<!tpu.dma_semaphore, #tpu.memory_space<semaphore_mem>>)
        } else {
        }
        %dma_wait3A_258 = arith.constant 0 : i32
        %dma_wait3A_259 = arith.constant 0 : i32
        %dma_wait3A_260 = tpu.memref_slice %arg2[%dma_wait3A_258, %dma_wait3A_259] : memref<4096x128xi32, #tpu.memory_space<hbm>> -> memref<4096x128xi32, #tpu.memory_space<hbm>>
        tpu.wait_indirect_dma semaphore(%arg16 : memref<!tpu.dma_semaphore, #tpu.memory_space<semaphore_mem>>) src(%dma_wait3A_260 : memref<4096x128xi32, #tpu.memory_space<hbm>>) dst(%arg12 : memref<64x128xi32, #tpu.memory_space<vmem>>)
        %ge3A = arith.constant 2 : i32
        %ge3A_261 = arith.cmpi sge, %add3A_240, %ge3A : i32
        %convert_element_type3A_262 = arith.extui %ge3A_261 : i1 to i32
        %cond3A_263 = arith.constant 0 : i32
        %cond3A_264 = arith.cmpi ne, %convert_element_type3A_262, %cond3A_263 : i32
        scf.if %cond3A_264 {
          %add3A_278 = arith.addi %mul3A_2, %add3A_240 : i32
          %sub3A_279 = arith.constant 2 : i32
          %sub3A_280 = arith.subi %add3A_278, %sub3A_279 : i32
          %mul3A_281 = arith.constant 16 : i32
          %mul3A_282 = arith.muli %sub3A_280, %mul3A_281 : i32
          %mul3A_283 = arith.constant 256 : i32
          %mul3A_284 = arith.muli %mul3A_282, %mul3A_283 : i32
          %dma_wait3A_285 = tpu.memref_slice %arg5[%mul3A_284] : memref<25088000xf32, #tpu.memory_space<hbm>> -> memref<4096xf32, #tpu.memory_space<hbm>>
          %dma_wait3A_286 = tpu.memref_slice %arg5[%mul3A_284] : memref<25088000xf32, #tpu.memory_space<hbm>> -> memref<4096xf32, #tpu.memory_space<hbm>>
          tpu.wait_dma2 semaphore(%arg18 : memref<!tpu.dma_semaphore, #tpu.memory_space<semaphore_mem>>) src(%arg14 : memref<4096xf32, #tpu.memory_space<vmem>>) dst(%dma_wait3A_286 : memref<4096xf32, #tpu.memory_space<hbm>>)
        } else {
        }
        %scan3A_265 = arith.constant 0 : i32
        %scan3A_266 = arith.constant 0 : i32
        %scan3A_267 = arith.constant 16 : i32
        %scan3A_268 = arith.addi %scan3A_266, %scan3A_267 : i32
        %scan3A_269 = arith.constant 4 : i32
        scf.for %scan3A_278 = %scan3A_266 to %scan3A_268 step %scan3A_269  : i32 {
          %mul3A_279 = arith.constant 4 : i32
          %mul3A_280 = arith.muli %scan3A_278, %mul3A_279 : i32
          %broadcast_in_dim3A = arith.constant 0 : i32
          %broadcast_in_dim3A_281 = vector.broadcast %broadcast_in_dim3A : i32 to vector<16xi32>
          %add3A_282 = vector.broadcast %mul3A_280 : i32 to vector<16xi32>
          %add3A_283 = arith.addi %broadcast_in_dim3A_281, %add3A_282 : vector<16xi32>
          %gather3A_284 = tpu.vector_load_idx %arg10[%add3A_283] : memref<64xf32, #tpu.memory_space<vmem>>[vector<16xi32>], vector<16xf32>,
          %broadcast_in_dim3A_285 = arith.constant 1 : i32
          %broadcast_in_dim3A_286 = vector.broadcast %broadcast_in_dim3A_285 : i32 to vector<16xi32>
          %add3A_287 = vector.broadcast %mul3A_280 : i32 to vector<16xi32>
          %add3A_288 = arith.addi %broadcast_in_dim3A_286, %add3A_287 : vector<16xi32>
          %gather3A_289 = tpu.vector_load_idx %arg10[%add3A_288] : memref<64xf32, #tpu.memory_space<vmem>>[vector<16xi32>], vector<16xf32>,
          %broadcast_in_dim3A_290 = arith.constant 2 : i32
          %broadcast_in_dim3A_291 = vector.broadcast %broadcast_in_dim3A_290 : i32 to vector<16xi32>
          %add3A_292 = vector.broadcast %mul3A_280 : i32 to vector<16xi32>
          %add3A_293 = arith.addi %broadcast_in_dim3A_291, %add3A_292 : vector<16xi32>
          %gather3A_294 = tpu.vector_load_idx %arg10[%add3A_293] : memref<64xf32, #tpu.memory_space<vmem>>[vector<16xi32>], vector<16xf32>,
          %broadcast_in_dim3A_295 = arith.constant 3 : i32
          %broadcast_in_dim3A_296 = vector.broadcast %broadcast_in_dim3A_295 : i32 to vector<16xi32>
          %add3A_297 = vector.broadcast %mul3A_280 : i32 to vector<16xi32>
          %add3A_298 = arith.addi %broadcast_in_dim3A_296, %add3A_297 : vector<16xi32>
          %gather3A_299 = tpu.vector_load_idx %arg10[%add3A_298] : memref<64xf32, #tpu.memory_space<vmem>>[vector<16xi32>], vector<16xf32>,
          %pack3A = tpu.pack_subelements %gather3A_284, %gather3A_284 {pack_format = #tpu.pack_format<interleaved>, positions = array<i32: 0, 1>} : vector<16xf32>, vector<16xf32> -> vector<32xbf16>
          %pack3A_300 = tpu.pack_subelements %gather3A_289, %gather3A_289 {pack_format = #tpu.pack_format<interleaved>, positions = array<i32: 0, 1>} : vector<16xf32>, vector<16xf32> -> vector<32xbf16>
          %pack3A_301 = tpu.pack_subelements %gather3A_294, %gather3A_294 {pack_format = #tpu.pack_format<interleaved>, positions = array<i32: 0, 1>} : vector<16xf32>, vector<16xf32> -> vector<32xbf16>
          %pack3A_302 = tpu.pack_subelements %gather3A_299, %gather3A_299 {pack_format = #tpu.pack_format<interleaved>, positions = array<i32: 0, 1>} : vector<16xf32>, vector<16xf32> -> vector<32xbf16>
          %get3A = arith.index_cast %mul3A_280 : i32 to index
          %get3A_303 = arith.constant 0 : index
          %get3A_304 = tpu.vector_load %arg12[%get3A, %get3A_303] {strides = array<i32>} : memref<64x128xi32, #tpu.memory_space<vmem>>, vector<16xi32>,
          %bitcast3A = vector.bitcast %get3A_304 : vector<16xi32> to vector<32xbf16>
          %mul3A_305 = arith.mulf %bitcast3A, %pack3A : vector<32xbf16>
          %add3A_306 = arith.constant 1 : i32
          %add3A_307 = arith.addi %mul3A_280, %add3A_306 : i32
          %get3A_308 = arith.index_cast %add3A_307 : i32 to index
          %get3A_309 = arith.constant 0 : index
          %get3A_310 = tpu.vector_load %arg12[%get3A_308, %get3A_309] {strides = array<i32>} : memref<64x128xi32, #tpu.memory_space<vmem>>, vector<16xi32>,
          %bitcast3A_311 = vector.bitcast %get3A_310 : vector<16xi32> to vector<32xbf16>
          %mul3A_312 = arith.mulf %bitcast3A_311, %pack3A_300 : vector<32xbf16>
          %add3A_313 = arith.constant 2 : i32
          %add3A_314 = arith.addi %mul3A_280, %add3A_313 : i32
          %get3A_315 = arith.index_cast %add3A_314 : i32 to index
          %get3A_316 = arith.constant 0 : index
          %get3A_317 = tpu.vector_load %arg12[%get3A_315, %get3A_316] {strides = array<i32>} : memref<64x128xi32, #tpu.memory_space<vmem>>, vector<16xi32>,
          %bitcast3A_318 = vector.bitcast %get3A_317 : vector<16xi32> to vector<32xbf16>
          %mul3A_319 = arith.mulf %bitcast3A_318, %pack3A_301 : vector<32xbf16>
          %add3A_320 = arith.constant 3 : i32
          %add3A_321 = arith.addi %mul3A_280, %add3A_320 : i32
          %get3A_322 = arith.index_cast %add3A_321 : i32 to index
          %get3A_323 = arith.constant 0 : index
          %get3A_324 = tpu.vector_load %arg12[%get3A_322, %get3A_323] {strides = array<i32>} : memref<64x128xi32, #tpu.memory_space<vmem>>, vector<16xi32>,
          %bitcast3A_325 = vector.bitcast %get3A_324 : vector<16xi32> to vector<32xbf16>
          %mul3A_326 = arith.mulf %bitcast3A_325, %pack3A_302 : vector<32xbf16>
          %add3A_327 = arith.addf %mul3A_305, %mul3A_312 : vector<32xbf16>
          %add3A_328 = arith.addf %mul3A_319, %mul3A_326 : vector<32xbf16>
          %add3A_329 = arith.addf %add3A_327, %add3A_328 : vector<32xbf16>
          %unpack3A = tpu.unpack_subelements %add3A_329, 0 {pack_format = #tpu.pack_format<interleaved>} : vector<32xbf16> -> vector<16xf32>
          %unpack3A_330 = tpu.unpack_subelements %add3A_329, 1 {pack_format = #tpu.pack_format<interleaved>} : vector<32xbf16> -> vector<16xf32>
          %mul3A_331 = arith.constant 256 : i32
          %mul3A_332 = arith.muli %scan3A_278, %mul3A_331 : i32
          %add3A_333 = arith.constant 0 : i32
          %add3A_334 = arith.addi %mul3A_332, %add3A_333 : i32
          %swap3A = arith.index_cast %add3A_334 : i32 to index
          %swap3A_335 = tpu.vector_load %arg14[%swap3A] {strides = array<i32>} : memref<4096xf32, #tpu.memory_space<vmem>>, vector<16xf32>,
          tpu.vector_store %arg14[%swap3A], %unpack3A {strides = array<i32>} : memref<4096xf32, #tpu.memory_space<vmem>>, vector<16xf32>,
          %mul3A_336 = arith.constant 256 : i32
          %mul3A_337 = arith.muli %scan3A_278, %mul3A_336 : i32
          %add3A_338 = arith.constant 128 : i32
          %add3A_339 = arith.addi %mul3A_337, %add3A_338 : i32
          %add3A_340 = arith.constant 0 : i32
          %add3A_341 = arith.addi %add3A_339, %add3A_340 : i32
          %swap3A_342 = arith.index_cast %add3A_341 : i32 to index
          %swap3A_343 = tpu.vector_load %arg14[%swap3A_342] {strides = array<i32>} : memref<4096xf32, #tpu.memory_space<vmem>>, vector<16xf32>,
          tpu.vector_store %arg14[%swap3A_342], %unpack3A_330 {strides = array<i32>} : memref<4096xf32, #tpu.memory_space<vmem>>, vector<16xf32>,
          %get3A_344 = arith.index_cast %mul3A_280 : i32 to index
          %get3A_345 = arith.constant 16 : index
          %get3A_346 = tpu.vector_load %arg12[%get3A_344, %get3A_345] {strides = array<i32>} : memref<64x128xi32, #tpu.memory_space<vmem>>, vector<16xi32>,
          %bitcast3A_347 = vector.bitcast %get3A_346 : vector<16xi32> to vector<32xbf16>
          %mul3A_348 = arith.mulf %bitcast3A_347, %pack3A : vector<32xbf16>
          %add3A_349 = arith.constant 1 : i32
          %add3A_350 = arith.addi %mul3A_280, %add3A_349 : i32
          %get3A_351 = arith.index_cast %add3A_350 : i32 to index
          %get3A_352 = arith.constant 16 : index
          %get3A_353 = tpu.vector_load %arg12[%get3A_351, %get3A_352] {strides = array<i32>} : memref<64x128xi32, #tpu.memory_space<vmem>>, vector<16xi32>,
          %bitcast3A_354 = vector.bitcast %get3A_353 : vector<16xi32> to vector<32xbf16>
          %mul3A_355 = arith.mulf %bitcast3A_354, %pack3A_300 : vector<32xbf16>
          %add3A_356 = arith.constant 2 : i32
          %add3A_357 = arith.addi %mul3A_280, %add3A_356 : i32
          %get3A_358 = arith.index_cast %add3A_357 : i32 to index
          %get3A_359 = arith.constant 16 : index
          %get3A_360 = tpu.vector_load %arg12[%get3A_358, %get3A_359] {strides = array<i32>} : memref<64x128xi32, #tpu.memory_space<vmem>>, vector<16xi32>,
          %bitcast3A_361 = vector.bitcast %get3A_360 : vector<16xi32> to vector<32xbf16>
          %mul3A_362 = arith.mulf %bitcast3A_361, %pack3A_301 : vector<32xbf16>
          %add3A_363 = arith.constant 3 : i32
          %add3A_364 = arith.addi %mul3A_280, %add3A_363 : i32
          %get3A_365 = arith.index_cast %add3A_364 : i32 to index
          %get3A_366 = arith.constant 16 : index
          %get3A_367 = tpu.vector_load %arg12[%get3A_365, %get3A_366] {strides = array<i32>} : memref<64x128xi32, #tpu.memory_space<vmem>>, vector<16xi32>,
          %bitcast3A_368 = vector.bitcast %get3A_367 : vector<16xi32> to vector<32xbf16>
          %mul3A_369 = arith.mulf %bitcast3A_368, %pack3A_302 : vector<32xbf16>
          %add3A_370 = arith.addf %mul3A_348, %mul3A_355 : vector<32xbf16>
          %add3A_371 = arith.addf %mul3A_362, %mul3A_369 : vector<32xbf16>
          %add3A_372 = arith.addf %add3A_370, %add3A_371 : vector<32xbf16>
          %unpack3A_373 = tpu.unpack_subelements %add3A_372, 0 {pack_format = #tpu.pack_format<interleaved>} : vector<32xbf16> -> vector<16xf32>
          %unpack3A_374 = tpu.unpack_subelements %add3A_372, 1 {pack_format = #tpu.pack_format<interleaved>} : vector<32xbf16> -> vector<16xf32>
          %mul3A_375 = arith.constant 256 : i32
          %mul3A_376 = arith.muli %scan3A_278, %mul3A_375 : i32
          %add3A_377 = arith.constant 16 : i32
          %add3A_378 = arith.addi %mul3A_376, %add3A_377 : i32
          %swap3A_379 = arith.index_cast %add3A_378 : i32 to index
          %swap3A_380 = tpu.vector_load %arg14[%swap3A_379] {strides = array<i32>} : memref<4096xf32, #tpu.memory_space<vmem>>, vector<16xf32>,
          tpu.vector_store %arg14[%swap3A_379], %unpack3A_373 {strides = array<i32>} : memref<4096xf32, #tpu.memory_space<vmem>>, vector<16xf32>,
          %mul3A_381 = arith.constant 256 : i32
          %mul3A_382 = arith.muli %scan3A_278, %mul3A_381 : i32
          %add3A_383 = arith.constant 128 : i32
          %add3A_384 = arith.addi %mul3A_382, %add3A_383 : i32
          %add3A_385 = arith.constant 16 : i32
          %add3A_386 = arith.addi %add3A_384, %add3A_385 : i32
          %swap3A_387 = arith.index_cast %add3A_386 : i32 to index
          %swap3A_388 = tpu.vector_load %arg14[%swap3A_387] {strides = array<i32>} : memref<4096xf32, #tpu.memory_space<vmem>>, vector<16xf32>,
          tpu.vector_store %arg14[%swap3A_387], %unpack3A_374 {strides = array<i32>} : memref<4096xf32, #tpu.memory_space<vmem>>, vector<16xf32>,
          %get3A_389 = arith.index_cast %mul3A_280 : i32 to index
          %get3A_390 = arith.constant 32 : index
          %get3A_391 = tpu.vector_load %arg12[%get3A_389, %get3A_390] {strides = array<i32>} : memref<64x128xi32, #tpu.memory_space<vmem>>, vector<16xi32>,
          %bitcast3A_392 = vector.bitcast %get3A_391 : vector<16xi32> to vector<32xbf16>
          %mul3A_393 = arith.mulf %bitcast3A_392, %pack3A : vector<32xbf16>
          %add3A_394 = arith.constant 1 : i32
          %add3A_395 = arith.addi %mul3A_280, %add3A_394 : i32
          %get3A_396 = arith.index_cast %add3A_395 : i32 to index
          %get3A_397 = arith.constant 32 : index
          %get3A_398 = tpu.vector_load %arg12[%get3A_396, %get3A_397] {strides = array<i32>} : memref<64x128xi32, #tpu.memory_space<vmem>>, vector<16xi32>,
          %bitcast3A_399 = vector.bitcast %get3A_398 : vector<16xi32> to vector<32xbf16>
          %mul3A_400 = arith.mulf %bitcast3A_399, %pack3A_300 : vector<32xbf16>
          %add3A_401 = arith.constant 2 : i32
          %add3A_402 = arith.addi %mul3A_280, %add3A_401 : i32
          %get3A_403 = arith.index_cast %add3A_402 : i32 to index
          %get3A_404 = arith.constant 32 : index
          %get3A_405 = tpu.vector_load %arg12[%get3A_403, %get3A_404] {strides = array<i32>} : memref<64x128xi32, #tpu.memory_space<vmem>>, vector<16xi32>,
          %bitcast3A_406 = vector.bitcast %get3A_405 : vector<16xi32> to vector<32xbf16>
          %mul3A_407 = arith.mulf %bitcast3A_406, %pack3A_301 : vector<32xbf16>
          %add3A_408 = arith.constant 3 : i32
          %add3A_409 = arith.addi %mul3A_280, %add3A_408 : i32
          %get3A_410 = arith.index_cast %add3A_409 : i32 to index
          %get3A_411 = arith.constant 32 : index
          %get3A_412 = tpu.vector_load %arg12[%get3A_410, %get3A_411] {strides = array<i32>} : memref<64x128xi32, #tpu.memory_space<vmem>>, vector<16xi32>,
          %bitcast3A_413 = vector.bitcast %get3A_412 : vector<16xi32> to vector<32xbf16>
          %mul3A_414 = arith.mulf %bitcast3A_413, %pack3A_302 : vector<32xbf16>
          %add3A_415 = arith.addf %mul3A_393, %mul3A_400 : vector<32xbf16>
          %add3A_416 = arith.addf %mul3A_407, %mul3A_414 : vector<32xbf16>
          %add3A_417 = arith.addf %add3A_415, %add3A_416 : vector<32xbf16>
          %unpack3A_418 = tpu.unpack_subelements %add3A_417, 0 {pack_format = #tpu.pack_format<interleaved>} : vector<32xbf16> -> vector<16xf32>
          %unpack3A_419 = tpu.unpack_subelements %add3A_417, 1 {pack_format = #tpu.pack_format<interleaved>} : vector<32xbf16> -> vector<16xf32>
          %mul3A_420 = arith.constant 256 : i32
          %mul3A_421 = arith.muli %scan3A_278, %mul3A_420 : i32
          %add3A_422 = arith.constant 32 : i32
          %add3A_423 = arith.addi %mul3A_421, %add3A_422 : i32
          %swap3A_424 = arith.index_cast %add3A_423 : i32 to index
          %swap3A_425 = tpu.vector_load %arg14[%swap3A_424] {strides = array<i32>} : memref<4096xf32, #tpu.memory_space<vmem>>, vector<16xf32>,
          tpu.vector_store %arg14[%swap3A_424], %unpack3A_418 {strides = array<i32>} : memref<4096xf32, #tpu.memory_space<vmem>>, vector<16xf32>,
          %mul3A_426 = arith.constant 256 : i32
          %mul3A_427 = arith.muli %scan3A_278, %mul3A_426 : i32
          %add3A_428 = arith.constant 128 : i32
          %add3A_429 = arith.addi %mul3A_427, %add3A_428 : i32
          %add3A_430 = arith.constant 32 : i32
          %add3A_431 = arith.addi %add3A_429, %add3A_430 : i32
          %swap3A_432 = arith.index_cast %add3A_431 : i32 to index
          %swap3A_433 = tpu.vector_load %arg14[%swap3A_432] {strides = array<i32>} : memref<4096xf32, #tpu.memory_space<vmem>>, vector<16xf32>,
          tpu.vector_store %arg14[%swap3A_432], %unpack3A_419 {strides = array<i32>} : memref<4096xf32, #tpu.memory_space<vmem>>, vector<16xf32>,
          %get3A_434 = arith.index_cast %mul3A_280 : i32 to index
          %get3A_435 = arith.constant 48 : index
          %get3A_436 = tpu.vector_load %arg12[%get3A_434, %get3A_435] {strides = array<i32>} : memref<64x128xi32, #tpu.memory_space<vmem>>, vector<16xi32>,
          %bitcast3A_437 = vector.bitcast %get3A_436 : vector<16xi32> to vector<32xbf16>
          %mul3A_438 = arith.mulf %bitcast3A_437, %pack3A : vector<32xbf16>
          %add3A_439 = arith.constant 1 : i32
          %add3A_440 = arith.addi %mul3A_280, %add3A_439 : i32
          %get3A_441 = arith.index_cast %add3A_440 : i32 to index
          %get3A_442 = arith.constant 48 : index
          %get3A_443 = tpu.vector_load %arg12[%get3A_441, %get3A_442] {strides = array<i32>} : memref<64x128xi32, #tpu.memory_space<vmem>>, vector<16xi32>,
          %bitcast3A_444 = vector.bitcast %get3A_443 : vector<16xi32> to vector<32xbf16>
          %mul3A_445 = arith.mulf %bitcast3A_444, %pack3A_300 : vector<32xbf16>
          %add3A_446 = arith.constant 2 : i32
          %add3A_447 = arith.addi %mul3A_280, %add3A_446 : i32
          %get3A_448 = arith.index_cast %add3A_447 : i32 to index
          %get3A_449 = arith.constant 48 : index
          %get3A_450 = tpu.vector_load %arg12[%get3A_448, %get3A_449] {strides = array<i32>} : memref<64x128xi32, #tpu.memory_space<vmem>>, vector<16xi32>,
          %bitcast3A_451 = vector.bitcast %get3A_450 : vector<16xi32> to vector<32xbf16>
          %mul3A_452 = arith.mulf %bitcast3A_451, %pack3A_301 : vector<32xbf16>
          %add3A_453 = arith.constant 3 : i32
          %add3A_454 = arith.addi %mul3A_280, %add3A_453 : i32
          %get3A_455 = arith.index_cast %add3A_454 : i32 to index
          %get3A_456 = arith.constant 48 : index
          %get3A_457 = tpu.vector_load %arg12[%get3A_455, %get3A_456] {strides = array<i32>} : memref<64x128xi32, #tpu.memory_space<vmem>>, vector<16xi32>,
          %bitcast3A_458 = vector.bitcast %get3A_457 : vector<16xi32> to vector<32xbf16>
          %mul3A_459 = arith.mulf %bitcast3A_458, %pack3A_302 : vector<32xbf16>
          %add3A_460 = arith.addf %mul3A_438, %mul3A_445 : vector<32xbf16>
          %add3A_461 = arith.addf %mul3A_452, %mul3A_459 : vector<32xbf16>
          %add3A_462 = arith.addf %add3A_460, %add3A_461 : vector<32xbf16>
          %unpack3A_463 = tpu.unpack_subelements %add3A_462, 0 {pack_format = #tpu.pack_format<interleaved>} : vector<32xbf16> -> vector<16xf32>
          %unpack3A_464 = tpu.unpack_subelements %add3A_462, 1 {pack_format = #tpu.pack_format<interleaved>} : vector<32xbf16> -> vector<16xf32>
          %mul3A_465 = arith.constant 256 : i32
          %mul3A_466 = arith.muli %scan3A_278, %mul3A_465 : i32
          %add3A_467 = arith.constant 48 : i32
          %add3A_468 = arith.addi %mul3A_466, %add3A_467 : i32
          %swap3A_469 = arith.index_cast %add3A_468 : i32 to index
          %swap3A_470 = tpu.vector_load %arg14[%swap3A_469] {strides = array<i32>} : memref<4096xf32, #tpu.memory_space<vmem>>, vector<16xf32>,
          tpu.vector_store %arg14[%swap3A_469], %unpack3A_463 {strides = array<i32>} : memref<4096xf32, #tpu.memory_space<vmem>>, vector<16xf32>,
          %mul3A_471 = arith.constant 256 : i32
          %mul3A_472 = arith.muli %scan3A_278, %mul3A_471 : i32
          %add3A_473 = arith.constant 128 : i32
          %add3A_474 = arith.addi %mul3A_472, %add3A_473 : i32
          %add3A_475 = arith.constant 48 : i32
          %add3A_476 = arith.addi %add3A_474, %add3A_475 : i32
          %swap3A_477 = arith.index_cast %add3A_476 : i32 to index
          %swap3A_478 = tpu.vector_load %arg14[%swap3A_477] {strides = array<i32>} : memref<4096xf32, #tpu.memory_space<vmem>>, vector<16xf32>,
          tpu.vector_store %arg14[%swap3A_477], %unpack3A_464 {strides = array<i32>} : memref<4096xf32, #tpu.memory_space<vmem>>, vector<16xf32>,
          %get3A_479 = arith.index_cast %mul3A_280 : i32 to index
          %get3A_480 = arith.constant 64 : index
          %get3A_481 = tpu.vector_load %arg12[%get3A_479, %get3A_480] {strides = array<i32>} : memref<64x128xi32, #tpu.memory_space<vmem>>, vector<16xi32>,
          %bitcast3A_482 = vector.bitcast %get3A_481 : vector<16xi32> to vector<32xbf16>
          %mul3A_483 = arith.mulf %bitcast3A_482, %pack3A : vector<32xbf16>
          %add3A_484 = arith.constant 1 : i32
          %add3A_485 = arith.addi %mul3A_280, %add3A_484 : i32
          %get3A_486 = arith.index_cast %add3A_485 : i32 to index
          %get3A_487 = arith.constant 64 : index
          %get3A_488 = tpu.vector_load %arg12[%get3A_486, %get3A_487] {strides = array<i32>} : memref<64x128xi32, #tpu.memory_space<vmem>>, vector<16xi32>,
          %bitcast3A_489 = vector.bitcast %get3A_488 : vector<16xi32> to vector<32xbf16>
          %mul3A_490 = arith.mulf %bitcast3A_489, %pack3A_300 : vector<32xbf16>
          %add3A_491 = arith.constant 2 : i32
          %add3A_492 = arith.addi %mul3A_280, %add3A_491 : i32
          %get3A_493 = arith.index_cast %add3A_492 : i32 to index
          %get3A_494 = arith.constant 64 : index
          %get3A_495 = tpu.vector_load %arg12[%get3A_493, %get3A_494] {strides = array<i32>} : memref<64x128xi32, #tpu.memory_space<vmem>>, vector<16xi32>,
          %bitcast3A_496 = vector.bitcast %get3A_495 : vector<16xi32> to vector<32xbf16>
          %mul3A_497 = arith.mulf %bitcast3A_496, %pack3A_301 : vector<32xbf16>
          %add3A_498 = arith.constant 3 : i32
          %add3A_499 = arith.addi %mul3A_280, %add3A_498 : i32
          %get3A_500 = arith.index_cast %add3A_499 : i32 to index
          %get3A_501 = arith.constant 64 : index
          %get3A_502 = tpu.vector_load %arg12[%get3A_500, %get3A_501] {strides = array<i32>} : memref<64x128xi32, #tpu.memory_space<vmem>>, vector<16xi32>,
          %bitcast3A_503 = vector.bitcast %get3A_502 : vector<16xi32> to vector<32xbf16>
          %mul3A_504 = arith.mulf %bitcast3A_503, %pack3A_302 : vector<32xbf16>
          %add3A_505 = arith.addf %mul3A_483, %mul3A_490 : vector<32xbf16>
          %add3A_506 = arith.addf %mul3A_497, %mul3A_504 : vector<32xbf16>
          %add3A_507 = arith.addf %add3A_505, %add3A_506 : vector<32xbf16>
          %unpack3A_508 = tpu.unpack_subelements %add3A_507, 0 {pack_format = #tpu.pack_format<interleaved>} : vector<32xbf16> -> vector<16xf32>
          %unpack3A_509 = tpu.unpack_subelements %add3A_507, 1 {pack_format = #tpu.pack_format<interleaved>} : vector<32xbf16> -> vector<16xf32>
          %mul3A_510 = arith.constant 256 : i32
          %mul3A_511 = arith.muli %scan3A_278, %mul3A_510 : i32
          %add3A_512 = arith.constant 64 : i32
          %add3A_513 = arith.addi %mul3A_511, %add3A_512 : i32
          %swap3A_514 = arith.index_cast %add3A_513 : i32 to index
          %swap3A_515 = tpu.vector_load %arg14[%swap3A_514] {strides = array<i32>} : memref<4096xf32, #tpu.memory_space<vmem>>, vector<16xf32>,
          tpu.vector_store %arg14[%swap3A_514], %unpack3A_508 {strides = array<i32>} : memref<4096xf32, #tpu.memory_space<vmem>>, vector<16xf32>,
          %mul3A_516 = arith.constant 256 : i32
          %mul3A_517 = arith.muli %scan3A_278, %mul3A_516 : i32
          %add3A_518 = arith.constant 128 : i32
          %add3A_519 = arith.addi %mul3A_517, %add3A_518 : i32
          %add3A_520 = arith.constant 64 : i32
          %add3A_521 = arith.addi %add3A_519, %add3A_520 : i32
          %swap3A_522 = arith.index_cast %add3A_521 : i32 to index
          %swap3A_523 = tpu.vector_load %arg14[%swap3A_522] {strides = array<i32>} : memref<4096xf32, #tpu.memory_space<vmem>>, vector<16xf32>,
          tpu.vector_store %arg14[%swap3A_522], %unpack3A_509 {strides = array<i32>} : memref<4096xf32, #tpu.memory_space<vmem>>, vector<16xf32>,
          %get3A_524 = arith.index_cast %mul3A_280 : i32 to index
          %get3A_525 = arith.constant 80 : index
          %get3A_526 = tpu.vector_load %arg12[%get3A_524, %get3A_525] {strides = array<i32>} : memref<64x128xi32, #tpu.memory_space<vmem>>, vector<16xi32>,
          %bitcast3A_527 = vector.bitcast %get3A_526 : vector<16xi32> to vector<32xbf16>
          %mul3A_528 = arith.mulf %bitcast3A_527, %pack3A : vector<32xbf16>
          %add3A_529 = arith.constant 1 : i32
          %add3A_530 = arith.addi %mul3A_280, %add3A_529 : i32
          %get3A_531 = arith.index_cast %add3A_530 : i32 to index
          %get3A_532 = arith.constant 80 : index
          %get3A_533 = tpu.vector_load %arg12[%get3A_531, %get3A_532] {strides = array<i32>} : memref<64x128xi32, #tpu.memory_space<vmem>>, vector<16xi32>,
          %bitcast3A_534 = vector.bitcast %get3A_533 : vector<16xi32> to vector<32xbf16>
          %mul3A_535 = arith.mulf %bitcast3A_534, %pack3A_300 : vector<32xbf16>
          %add3A_536 = arith.constant 2 : i32
          %add3A_537 = arith.addi %mul3A_280, %add3A_536 : i32
          %get3A_538 = arith.index_cast %add3A_537 : i32 to index
          %get3A_539 = arith.constant 80 : index
          %get3A_540 = tpu.vector_load %arg12[%get3A_538, %get3A_539] {strides = array<i32>} : memref<64x128xi32, #tpu.memory_space<vmem>>, vector<16xi32>,
          %bitcast3A_541 = vector.bitcast %get3A_540 : vector<16xi32> to vector<32xbf16>
          %mul3A_542 = arith.mulf %bitcast3A_541, %pack3A_301 : vector<32xbf16>
          %add3A_543 = arith.constant 3 : i32
          %add3A_544 = arith.addi %mul3A_280, %add3A_543 : i32
          %get3A_545 = arith.index_cast %add3A_544 : i32 to index
          %get3A_546 = arith.constant 80 : index
          %get3A_547 = tpu.vector_load %arg12[%get3A_545, %get3A_546] {strides = array<i32>} : memref<64x128xi32, #tpu.memory_space<vmem>>, vector<16xi32>,
          %bitcast3A_548 = vector.bitcast %get3A_547 : vector<16xi32> to vector<32xbf16>
          %mul3A_549 = arith.mulf %bitcast3A_548, %pack3A_302 : vector<32xbf16>
          %add3A_550 = arith.addf %mul3A_528, %mul3A_535 : vector<32xbf16>
          %add3A_551 = arith.addf %mul3A_542, %mul3A_549 : vector<32xbf16>
          %add3A_552 = arith.addf %add3A_550, %add3A_551 : vector<32xbf16>
          %unpack3A_553 = tpu.unpack_subelements %add3A_552, 0 {pack_format = #tpu.pack_format<interleaved>} : vector<32xbf16> -> vector<16xf32>
          %unpack3A_554 = tpu.unpack_subelements %add3A_552, 1 {pack_format = #tpu.pack_format<interleaved>} : vector<32xbf16> -> vector<16xf32>
          %mul3A_555 = arith.constant 256 : i32
          %mul3A_556 = arith.muli %scan3A_278, %mul3A_555 : i32
          %add3A_557 = arith.constant 80 : i32
          %add3A_558 = arith.addi %mul3A_556, %add3A_557 : i32
          %swap3A_559 = arith.index_cast %add3A_558 : i32 to index
          %swap3A_560 = tpu.vector_load %arg14[%swap3A_559] {strides = array<i32>} : memref<4096xf32, #tpu.memory_space<vmem>>, vector<16xf32>,
          tpu.vector_store %arg14[%swap3A_559], %unpack3A_553 {strides = array<i32>} : memref<4096xf32, #tpu.memory_space<vmem>>, vector<16xf32>,
          %mul3A_561 = arith.constant 256 : i32
          %mul3A_562 = arith.muli %scan3A_278, %mul3A_561 : i32
          %add3A_563 = arith.constant 128 : i32
          %add3A_564 = arith.addi %mul3A_562, %add3A_563 : i32
          %add3A_565 = arith.constant 80 : i32
          %add3A_566 = arith.addi %add3A_564, %add3A_565 : i32
          %swap3A_567 = arith.index_cast %add3A_566 : i32 to index
          %swap3A_568 = tpu.vector_load %arg14[%swap3A_567] {strides = array<i32>} : memref<4096xf32, #tpu.memory_space<vmem>>, vector<16xf32>,
          tpu.vector_store %arg14[%swap3A_567], %unpack3A_554 {strides = array<i32>} : memref<4096xf32, #tpu.memory_space<vmem>>, vector<16xf32>,
          %get3A_569 = arith.index_cast %mul3A_280 : i32 to index
          %get3A_570 = arith.constant 96 : index
          %get3A_571 = tpu.vector_load %arg12[%get3A_569, %get3A_570] {strides = array<i32>} : memref<64x128xi32, #tpu.memory_space<vmem>>, vector<16xi32>,
          %bitcast3A_572 = vector.bitcast %get3A_571 : vector<16xi32> to vector<32xbf16>
          %mul3A_573 = arith.mulf %bitcast3A_572, %pack3A : vector<32xbf16>
          %add3A_574 = arith.constant 1 : i32
          %add3A_575 = arith.addi %mul3A_280, %add3A_574 : i32
          %get3A_576 = arith.index_cast %add3A_575 : i32 to index
          %get3A_577 = arith.constant 96 : index
          %get3A_578 = tpu.vector_load %arg12[%get3A_576, %get3A_577] {strides = array<i32>} : memref<64x128xi32, #tpu.memory_space<vmem>>, vector<16xi32>,
          %bitcast3A_579 = vector.bitcast %get3A_578 : vector<16xi32> to vector<32xbf16>
          %mul3A_580 = arith.mulf %bitcast3A_579, %pack3A_300 : vector<32xbf16>
          %add3A_581 = arith.constant 2 : i32
          %add3A_582 = arith.addi %mul3A_280, %add3A_581 : i32
          %get3A_583 = arith.index_cast %add3A_582 : i32 to index
          %get3A_584 = arith.constant 96 : index
          %get3A_585 = tpu.vector_load %arg12[%get3A_583, %get3A_584] {strides = array<i32>} : memref<64x128xi32, #tpu.memory_space<vmem>>, vector<16xi32>,
          %bitcast3A_586 = vector.bitcast %get3A_585 : vector<16xi32> to vector<32xbf16>
          %mul3A_587 = arith.mulf %bitcast3A_586, %pack3A_301 : vector<32xbf16>
          %add3A_588 = arith.constant 3 : i32
          %add3A_589 = arith.addi %mul3A_280, %add3A_588 : i32
          %get3A_590 = arith.index_cast %add3A_589 : i32 to index
          %get3A_591 = arith.constant 96 : index
          %get3A_592 = tpu.vector_load %arg12[%get3A_590, %get3A_591] {strides = array<i32>} : memref<64x128xi32, #tpu.memory_space<vmem>>, vector<16xi32>,
          %bitcast3A_593 = vector.bitcast %get3A_592 : vector<16xi32> to vector<32xbf16>
          %mul3A_594 = arith.mulf %bitcast3A_593, %pack3A_302 : vector<32xbf16>
          %add3A_595 = arith.addf %mul3A_573, %mul3A_580 : vector<32xbf16>
          %add3A_596 = arith.addf %mul3A_587, %mul3A_594 : vector<32xbf16>
          %add3A_597 = arith.addf %add3A_595, %add3A_596 : vector<32xbf16>
          %unpack3A_598 = tpu.unpack_subelements %add3A_597, 0 {pack_format = #tpu.pack_format<interleaved>} : vector<32xbf16> -> vector<16xf32>
          %unpack3A_599 = tpu.unpack_subelements %add3A_597, 1 {pack_format = #tpu.pack_format<interleaved>} : vector<32xbf16> -> vector<16xf32>
          %mul3A_600 = arith.constant 256 : i32
          %mul3A_601 = arith.muli %scan3A_278, %mul3A_600 : i32
          %add3A_602 = arith.constant 96 : i32
          %add3A_603 = arith.addi %mul3A_601, %add3A_602 : i32
          %swap3A_604 = arith.index_cast %add3A_603 : i32 to index
          %swap3A_605 = tpu.vector_load %arg14[%swap3A_604] {strides = array<i32>} : memref<4096xf32, #tpu.memory_space<vmem>>, vector<16xf32>,
          tpu.vector_store %arg14[%swap3A_604], %unpack3A_598 {strides = array<i32>} : memref<4096xf32, #tpu.memory_space<vmem>>, vector<16xf32>,
          %mul3A_606 = arith.constant 256 : i32
          %mul3A_607 = arith.muli %scan3A_278, %mul3A_606 : i32
          %add3A_608 = arith.constant 128 : i32
          %add3A_609 = arith.addi %mul3A_607, %add3A_608 : i32
          %add3A_610 = arith.constant 96 : i32
          %add3A_611 = arith.addi %add3A_609, %add3A_610 : i32
          %swap3A_612 = arith.index_cast %add3A_611 : i32 to index
          %swap3A_613 = tpu.vector_load %arg14[%swap3A_612] {strides = array<i32>} : memref<4096xf32, #tpu.memory_space<vmem>>, vector<16xf32>,
          tpu.vector_store %arg14[%swap3A_612], %unpack3A_599 {strides = array<i32>} : memref<4096xf32, #tpu.memory_space<vmem>>, vector<16xf32>,
          %get3A_614 = arith.index_cast %mul3A_280 : i32 to index
          %get3A_615 = arith.constant 112 : index
          %get3A_616 = tpu.vector_load %arg12[%get3A_614, %get3A_615] {strides = array<i32>} : memref<64x128xi32, #tpu.memory_space<vmem>>, vector<16xi32>,
          %bitcast3A_617 = vector.bitcast %get3A_616 : vector<16xi32> to vector<32xbf16>
          %mul3A_618 = arith.mulf %bitcast3A_617, %pack3A : vector<32xbf16>
          %add3A_619 = arith.constant 1 : i32
          %add3A_620 = arith.addi %mul3A_280, %add3A_619 : i32
          %get3A_621 = arith.index_cast %add3A_620 : i32 to index
          %get3A_622 = arith.constant 112 : index
          %get3A_623 = tpu.vector_load %arg12[%get3A_621, %get3A_622] {strides = array<i32>} : memref<64x128xi32, #tpu.memory_space<vmem>>, vector<16xi32>,
          %bitcast3A_624 = vector.bitcast %get3A_623 : vector<16xi32> to vector<32xbf16>
          %mul3A_625 = arith.mulf %bitcast3A_624, %pack3A_300 : vector<32xbf16>
          %add3A_626 = arith.constant 2 : i32
          %add3A_627 = arith.addi %mul3A_280, %add3A_626 : i32
          %get3A_628 = arith.index_cast %add3A_627 : i32 to index
          %get3A_629 = arith.constant 112 : index
          %get3A_630 = tpu.vector_load %arg12[%get3A_628, %get3A_629] {strides = array<i32>} : memref<64x128xi32, #tpu.memory_space<vmem>>, vector<16xi32>,
          %bitcast3A_631 = vector.bitcast %get3A_630 : vector<16xi32> to vector<32xbf16>
          %mul3A_632 = arith.mulf %bitcast3A_631, %pack3A_301 : vector<32xbf16>
          %add3A_633 = arith.constant 3 : i32
          %add3A_634 = arith.addi %mul3A_280, %add3A_633 : i32
          %get3A_635 = arith.index_cast %add3A_634 : i32 to index
          %get3A_636 = arith.constant 112 : index
          %get3A_637 = tpu.vector_load %arg12[%get3A_635, %get3A_636] {strides = array<i32>} : memref<64x128xi32, #tpu.memory_space<vmem>>, vector<16xi32>,
          %bitcast3A_638 = vector.bitcast %get3A_637 : vector<16xi32> to vector<32xbf16>
          %mul3A_639 = arith.mulf %bitcast3A_638, %pack3A_302 : vector<32xbf16>
          %add3A_640 = arith.addf %mul3A_618, %mul3A_625 : vector<32xbf16>
          %add3A_641 = arith.addf %mul3A_632, %mul3A_639 : vector<32xbf16>
          %add3A_642 = arith.addf %add3A_640, %add3A_641 : vector<32xbf16>
          %unpack3A_643 = tpu.unpack_subelements %add3A_642, 0 {pack_format = #tpu.pack_format<interleaved>} : vector<32xbf16> -> vector<16xf32>
          %unpack3A_644 = tpu.unpack_subelements %add3A_642, 1 {pack_format = #tpu.pack_format<interleaved>} : vector<32xbf16> -> vector<16xf32>
          %mul3A_645 = arith.constant 256 : i32
          %mul3A_646 = arith.muli %scan3A_278, %mul3A_645 : i32
          %add3A_647 = arith.constant 112 : i32
          %add3A_648 = arith.addi %mul3A_646, %add3A_647 : i32
          %swap3A_649 = arith.index_cast %add3A_648 : i32 to index
          %swap3A_650 = tpu.vector_load %arg14[%swap3A_649] {strides = array<i32>} : memref<4096xf32, #tpu.memory_space<vmem>>, vector<16xf32>,
          tpu.vector_store %arg14[%swap3A_649], %unpack3A_643 {strides = array<i32>} : memref<4096xf32, #tpu.memory_space<vmem>>, vector<16xf32>,
          %mul3A_651 = arith.constant 256 : i32
          %mul3A_652 = arith.muli %scan3A_278, %mul3A_651 : i32
          %add3A_653 = arith.constant 128 : i32
          %add3A_654 = arith.addi %mul3A_652, %add3A_653 : i32
          %add3A_655 = arith.constant 112 : i32
          %add3A_656 = arith.addi %add3A_654, %add3A_655 : i32
          %swap3A_657 = arith.index_cast %add3A_656 : i32 to index
          %swap3A_658 = tpu.vector_load %arg14[%swap3A_657] {strides = array<i32>} : memref<4096xf32, #tpu.memory_space<vmem>>, vector<16xf32>,
          tpu.vector_store %arg14[%swap3A_657], %unpack3A_644 {strides = array<i32>} : memref<4096xf32, #tpu.memory_space<vmem>>, vector<16xf32>,
          %scan3A_659 = arith.constant 1 : i32
          %scan3A_660 = arith.addi %scan3A_278, %scan3A_659 : i32
          %mul3A_661 = arith.constant 4 : i32
          %mul3A_662 = arith.muli %scan3A_660, %mul3A_661 : i32
          %broadcast_in_dim3A_663 = arith.constant 0 : i32
          %broadcast_in_dim3A_664 = vector.broadcast %broadcast_in_dim3A_663 : i32 to vector<16xi32>
          %add3A_665 = vector.broadcast %mul3A_662 : i32 to vector<16xi32>
          %add3A_666 = arith.addi %broadcast_in_dim3A_664, %add3A_665 : vector<16xi32>
          %gather3A_667 = tpu.vector_load_idx %arg10[%add3A_666] : memref<64xf32, #tpu.memory_space<vmem>>[vector<16xi32>], vector<16xf32>,
          %broadcast_in_dim3A_668 = arith.constant 1 : i32
          %broadcast_in_dim3A_669 = vector.broadcast %broadcast_in_dim3A_668 : i32 to vector<16xi32>
          %add3A_670 = vector.broadcast %mul3A_662 : i32 to vector<16xi32>
          %add3A_671 = arith.addi %broadcast_in_dim3A_669, %add3A_670 : vector<16xi32>
          %gather3A_672 = tpu.vector_load_idx %arg10[%add3A_671] : memref<64xf32, #tpu.memory_space<vmem>>[vector<16xi32>], vector<16xf32>,
          %broadcast_in_dim3A_673 = arith.constant 2 : i32
          %broadcast_in_dim3A_674 = vector.broadcast %broadcast_in_dim3A_673 : i32 to vector<16xi32>
          %add3A_675 = vector.broadcast %mul3A_662 : i32 to vector<16xi32>
          %add3A_676 = arith.addi %broadcast_in_dim3A_674, %add3A_675 : vector<16xi32>
          %gather3A_677 = tpu.vector_load_idx %arg10[%add3A_676] : memref<64xf32, #tpu.memory_space<vmem>>[vector<16xi32>], vector<16xf32>,
          %broadcast_in_dim3A_678 = arith.constant 3 : i32
          %broadcast_in_dim3A_679 = vector.broadcast %broadcast_in_dim3A_678 : i32 to vector<16xi32>
          %add3A_680 = vector.broadcast %mul3A_662 : i32 to vector<16xi32>
          %add3A_681 = arith.addi %broadcast_in_dim3A_679, %add3A_680 : vector<16xi32>
          %gather3A_682 = tpu.vector_load_idx %arg10[%add3A_681] : memref<64xf32, #tpu.memory_space<vmem>>[vector<16xi32>], vector<16xf32>,
          %pack3A_683 = tpu.pack_subelements %gather3A_667, %gather3A_667 {pack_format = #tpu.pack_format<interleaved>, positions = array<i32: 0, 1>} : vector<16xf32>, vector<16xf32> -> vector<32xbf16>
          %pack3A_684 = tpu.pack_subelements %gather3A_672, %gather3A_672 {pack_format = #tpu.pack_format<interleaved>, positions = array<i32: 0, 1>} : vector<16xf32>, vector<16xf32> -> vector<32xbf16>
          %pack3A_685 = tpu.pack_subelements %gather3A_677, %gather3A_677 {pack_format = #tpu.pack_format<interleaved>, positions = array<i32: 0, 1>} : vector<16xf32>, vector<16xf32> -> vector<32xbf16>
          %pack3A_686 = tpu.pack_subelements %gather3A_682, %gather3A_682 {pack_format = #tpu.pack_format<interleaved>, positions = array<i32: 0, 1>} : vector<16xf32>, vector<16xf32> -> vector<32xbf16>
          %get3A_687 = arith.index_cast %mul3A_662 : i32 to index
          %get3A_688 = arith.constant 0 : index
          %get3A_689 = tpu.vector_load %arg12[%get3A_687, %get3A_688] {strides = array<i32>} : memref<64x128xi32, #tpu.memory_space<vmem>>, vector<16xi32>,
          %bitcast3A_690 = vector.bitcast %get3A_689 : vector<16xi32> to vector<32xbf16>
          %mul3A_691 = arith.mulf %bitcast3A_690, %pack3A_683 : vector<32xbf16>
          %add3A_692 = arith.constant 1 : i32
          %add3A_693 = arith.addi %mul3A_662, %add3A_692 : i32
          %get3A_694 = arith.index_cast %add3A_693 : i32 to index
          %get3A_695 = arith.constant 0 : index
          %get3A_696 = tpu.vector_load %arg12[%get3A_694, %get3A_695] {strides = array<i32>} : memref<64x128xi32, #tpu.memory_space<vmem>>, vector<16xi32>,
          %bitcast3A_697 = vector.bitcast %get3A_696 : vector<16xi32> to vector<32xbf16>
          %mul3A_698 = arith.mulf %bitcast3A_697, %pack3A_684 : vector<32xbf16>
          %add3A_699 = arith.constant 2 : i32
          %add3A_700 = arith.addi %mul3A_662, %add3A_699 : i32
          %get3A_701 = arith.index_cast %add3A_700 : i32 to index
          %get3A_702 = arith.constant 0 : index
          %get3A_703 = tpu.vector_load %arg12[%get3A_701, %get3A_702] {strides = array<i32>} : memref<64x128xi32, #tpu.memory_space<vmem>>, vector<16xi32>,
          %bitcast3A_704 = vector.bitcast %get3A_703 : vector<16xi32> to vector<32xbf16>
          %mul3A_705 = arith.mulf %bitcast3A_704, %pack3A_685 : vector<32xbf16>
          %add3A_706 = arith.constant 3 : i32
          %add3A_707 = arith.addi %mul3A_662, %add3A_706 : i32
          %get3A_708 = arith.index_cast %add3A_707 : i32 to index
          %get3A_709 = arith.constant 0 : index
          %get3A_710 = tpu.vector_load %arg12[%get3A_708, %get3A_709] {strides = array<i32>} : memref<64x128xi32, #tpu.memory_space<vmem>>, vector<16xi32>,
          %bitcast3A_711 = vector.bitcast %get3A_710 : vector<16xi32> to vector<32xbf16>
          %mul3A_712 = arith.mulf %bitcast3A_711, %pack3A_686 : vector<32xbf16>
          %add3A_713 = arith.addf %mul3A_691, %mul3A_698 : vector<32xbf16>
          %add3A_714 = arith.addf %mul3A_705, %mul3A_712 : vector<32xbf16>
          %add3A_715 = arith.addf %add3A_713, %add3A_714 : vector<32xbf16>
          %unpack3A_716 = tpu.unpack_subelements %add3A_715, 0 {pack_format = #tpu.pack_format<interleaved>} : vector<32xbf16> -> vector<16xf32>
          %unpack3A_717 = tpu.unpack_subelements %add3A_715, 1 {pack_format = #tpu.pack_format<interleaved>} : vector<32xbf16> -> vector<16xf32>
          %mul3A_718 = arith.constant 256 : i32
          %mul3A_719 = arith.muli %scan3A_660, %mul3A_718 : i32
          %add3A_720 = arith.constant 0 : i32
          %add3A_721 = arith.addi %mul3A_719, %add3A_720 : i32
          %swap3A_722 = arith.index_cast %add3A_721 : i32 to index
          %swap3A_723 = tpu.vector_load %arg14[%swap3A_722] {strides = array<i32>} : memref<4096xf32, #tpu.memory_space<vmem>>, vector<16xf32>,
          tpu.vector_store %arg14[%swap3A_722], %unpack3A_716 {strides = array<i32>} : memref<4096xf32, #tpu.memory_space<vmem>>, vector<16xf32>,
          %mul3A_724 = arith.constant 256 : i32
          %mul3A_725 = arith.muli %scan3A_660, %mul3A_724 : i32
          %add3A_726 = arith.constant 128 : i32
          %add3A_727 = arith.addi %mul3A_725, %add3A_726 : i32
          %add3A_728 = arith.constant 0 : i32
          %add3A_729 = arith.addi %add3A_727, %add3A_728 : i32
          %swap3A_730 = arith.index_cast %add3A_729 : i32 to index
          %swap3A_731 = tpu.vector_load %arg14[%swap3A_730] {strides = array<i32>} : memref<4096xf32, #tpu.memory_space<vmem>>, vector<16xf32>,
          tpu.vector_store %arg14[%swap3A_730], %unpack3A_717 {strides = array<i32>} : memref<4096xf32, #tpu.memory_space<vmem>>, vector<16xf32>,
          %get3A_732 = arith.index_cast %mul3A_662 : i32 to index
          %get3A_733 = arith.constant 16 : index
          %get3A_734 = tpu.vector_load %arg12[%get3A_732, %get3A_733] {strides = array<i32>} : memref<64x128xi32, #tpu.memory_space<vmem>>, vector<16xi32>,
          %bitcast3A_735 = vector.bitcast %get3A_734 : vector<16xi32> to vector<32xbf16>
          %mul3A_736 = arith.mulf %bitcast3A_735, %pack3A_683 : vector<32xbf16>
          %add3A_737 = arith.constant 1 : i32
          %add3A_738 = arith.addi %mul3A_662, %add3A_737 : i32
          %get3A_739 = arith.index_cast %add3A_738 : i32 to index
          %get3A_740 = arith.constant 16 : index
          %get3A_741 = tpu.vector_load %arg12[%get3A_739, %get3A_740] {strides = array<i32>} : memref<64x128xi32, #tpu.memory_space<vmem>>, vector<16xi32>,
          %bitcast3A_742 = vector.bitcast %get3A_741 : vector<16xi32> to vector<32xbf16>
          %mul3A_743 = arith.mulf %bitcast3A_742, %pack3A_684 : vector<32xbf16>
          %add3A_744 = arith.constant 2 : i32
          %add3A_745 = arith.addi %mul3A_662, %add3A_744 : i32
          %get3A_746 = arith.index_cast %add3A_745 : i32 to index
          %get3A_747 = arith.constant 16 : index
          %get3A_748 = tpu.vector_load %arg12[%get3A_746, %get3A_747] {strides = array<i32>} : memref<64x128xi32, #tpu.memory_space<vmem>>, vector<16xi32>,
          %bitcast3A_749 = vector.bitcast %get3A_748 : vector<16xi32> to vector<32xbf16>
          %mul3A_750 = arith.mulf %bitcast3A_749, %pack3A_685 : vector<32xbf16>
          %add3A_751 = arith.constant 3 : i32
          %add3A_752 = arith.addi %mul3A_662, %add3A_751 : i32
          %get3A_753 = arith.index_cast %add3A_752 : i32 to index
          %get3A_754 = arith.constant 16 : index
          %get3A_755 = tpu.vector_load %arg12[%get3A_753, %get3A_754] {strides = array<i32>} : memref<64x128xi32, #tpu.memory_space<vmem>>, vector<16xi32>,
          %bitcast3A_756 = vector.bitcast %get3A_755 : vector<16xi32> to vector<32xbf16>
          %mul3A_757 = arith.mulf %bitcast3A_756, %pack3A_686 : vector<32xbf16>
          %add3A_758 = arith.addf %mul3A_736, %mul3A_743 : vector<32xbf16>
          %add3A_759 = arith.addf %mul3A_750, %mul3A_757 : vector<32xbf16>
          %add3A_760 = arith.addf %add3A_758, %add3A_759 : vector<32xbf16>
          %unpack3A_761 = tpu.unpack_subelements %add3A_760, 0 {pack_format = #tpu.pack_format<interleaved>} : vector<32xbf16> -> vector<16xf32>
          %unpack3A_762 = tpu.unpack_subelements %add3A_760, 1 {pack_format = #tpu.pack_format<interleaved>} : vector<32xbf16> -> vector<16xf32>
          %mul3A_763 = arith.constant 256 : i32
          %mul3A_764 = arith.muli %scan3A_660, %mul3A_763 : i32
          %add3A_765 = arith.constant 16 : i32
          %add3A_766 = arith.addi %mul3A_764, %add3A_765 : i32
          %swap3A_767 = arith.index_cast %add3A_766 : i32 to index
          %swap3A_768 = tpu.vector_load %arg14[%swap3A_767] {strides = array<i32>} : memref<4096xf32, #tpu.memory_space<vmem>>, vector<16xf32>,
          tpu.vector_store %arg14[%swap3A_767], %unpack3A_761 {strides = array<i32>} : memref<4096xf32, #tpu.memory_space<vmem>>, vector<16xf32>,
          %mul3A_769 = arith.constant 256 : i32
          %mul3A_770 = arith.muli %scan3A_660, %mul3A_769 : i32
          %add3A_771 = arith.constant 128 : i32
          %add3A_772 = arith.addi %mul3A_770, %add3A_771 : i32
          %add3A_773 = arith.constant 16 : i32
          %add3A_774 = arith.addi %add3A_772, %add3A_773 : i32
          %swap3A_775 = arith.index_cast %add3A_774 : i32 to index
          %swap3A_776 = tpu.vector_load %arg14[%swap3A_775] {strides = array<i32>} : memref<4096xf32, #tpu.memory_space<vmem>>, vector<16xf32>,
          tpu.vector_store %arg14[%swap3A_775], %unpack3A_762 {strides = array<i32>} : memref<4096xf32, #tpu.memory_space<vmem>>, vector<16xf32>,
          %get3A_777 = arith.index_cast %mul3A_662 : i32 to index
          %get3A_778 = arith.constant 32 : index
          %get3A_779 = tpu.vector_load %arg12[%get3A_777, %get3A_778] {strides = array<i32>} : memref<64x128xi32, #tpu.memory_space<vmem>>, vector<16xi32>,
          %bitcast3A_780 = vector.bitcast %get3A_779 : vector<16xi32> to vector<32xbf16>
          %mul3A_781 = arith.mulf %bitcast3A_780, %pack3A_683 : vector<32xbf16>
          %add3A_782 = arith.constant 1 : i32
          %add3A_783 = arith.addi %mul3A_662, %add3A_782 : i32
          %get3A_784 = arith.index_cast %add3A_783 : i32 to index
          %get3A_785 = arith.constant 32 : index
          %get3A_786 = tpu.vector_load %arg12[%get3A_784, %get3A_785] {strides = array<i32>} : memref<64x128xi32, #tpu.memory_space<vmem>>, vector<16xi32>,
          %bitcast3A_787 = vector.bitcast %get3A_786 : vector<16xi32> to vector<32xbf16>
          %mul3A_788 = arith.mulf %bitcast3A_787, %pack3A_684 : vector<32xbf16>
          %add3A_789 = arith.constant 2 : i32
          %add3A_790 = arith.addi %mul3A_662, %add3A_789 : i32
          %get3A_791 = arith.index_cast %add3A_790 : i32 to index
          %get3A_792 = arith.constant 32 : index
          %get3A_793 = tpu.vector_load %arg12[%get3A_791, %get3A_792] {strides = array<i32>} : memref<64x128xi32, #tpu.memory_space<vmem>>, vector<16xi32>,
          %bitcast3A_794 = vector.bitcast %get3A_793 : vector<16xi32> to vector<32xbf16>
          %mul3A_795 = arith.mulf %bitcast3A_794, %pack3A_685 : vector<32xbf16>
          %add3A_796 = arith.constant 3 : i32
          %add3A_797 = arith.addi %mul3A_662, %add3A_796 : i32
          %get3A_798 = arith.index_cast %add3A_797 : i32 to index
          %get3A_799 = arith.constant 32 : index
          %get3A_800 = tpu.vector_load %arg12[%get3A_798, %get3A_799] {strides = array<i32>} : memref<64x128xi32, #tpu.memory_space<vmem>>, vector<16xi32>,
          %bitcast3A_801 = vector.bitcast %get3A_800 : vector<16xi32> to vector<32xbf16>
          %mul3A_802 = arith.mulf %bitcast3A_801, %pack3A_686 : vector<32xbf16>
          %add3A_803 = arith.addf %mul3A_781, %mul3A_788 : vector<32xbf16>
          %add3A_804 = arith.addf %mul3A_795, %mul3A_802 : vector<32xbf16>
          %add3A_805 = arith.addf %add3A_803, %add3A_804 : vector<32xbf16>
          %unpack3A_806 = tpu.unpack_subelements %add3A_805, 0 {pack_format = #tpu.pack_format<interleaved>} : vector<32xbf16> -> vector<16xf32>
          %unpack3A_807 = tpu.unpack_subelements %add3A_805, 1 {pack_format = #tpu.pack_format<interleaved>} : vector<32xbf16> -> vector<16xf32>
          %mul3A_808 = arith.constant 256 : i32
          %mul3A_809 = arith.muli %scan3A_660, %mul3A_808 : i32
          %add3A_810 = arith.constant 32 : i32
          %add3A_811 = arith.addi %mul3A_809, %add3A_810 : i32
          %swap3A_812 = arith.index_cast %add3A_811 : i32 to index
          %swap3A_813 = tpu.vector_load %arg14[%swap3A_812] {strides = array<i32>} : memref<4096xf32, #tpu.memory_space<vmem>>, vector<16xf32>,
          tpu.vector_store %arg14[%swap3A_812], %unpack3A_806 {strides = array<i32>} : memref<4096xf32, #tpu.memory_space<vmem>>, vector<16xf32>,
          %mul3A_814 = arith.constant 256 : i32
          %mul3A_815 = arith.muli %scan3A_660, %mul3A_814 : i32
          %add3A_816 = arith.constant 128 : i32
          %add3A_817 = arith.addi %mul3A_815, %add3A_816 : i32
          %add3A_818 = arith.constant 32 : i32
          %add3A_819 = arith.addi %add3A_817, %add3A_818 : i32
          %swap3A_820 = arith.index_cast %add3A_819 : i32 to index
          %swap3A_821 = tpu.vector_load %arg14[%swap3A_820] {strides = array<i32>} : memref<4096xf32, #tpu.memory_space<vmem>>, vector<16xf32>,
          tpu.vector_store %arg14[%swap3A_820], %unpack3A_807 {strides = array<i32>} : memref<4096xf32, #tpu.memory_space<vmem>>, vector<16xf32>,
          %get3A_822 = arith.index_cast %mul3A_662 : i32 to index
          %get3A_823 = arith.constant 48 : index
          %get3A_824 = tpu.vector_load %arg12[%get3A_822, %get3A_823] {strides = array<i32>} : memref<64x128xi32, #tpu.memory_space<vmem>>, vector<16xi32>,
          %bitcast3A_825 = vector.bitcast %get3A_824 : vector<16xi32> to vector<32xbf16>
          %mul3A_826 = arith.mulf %bitcast3A_825, %pack3A_683 : vector<32xbf16>
          %add3A_827 = arith.constant 1 : i32
          %add3A_828 = arith.addi %mul3A_662, %add3A_827 : i32
          %get3A_829 = arith.index_cast %add3A_828 : i32 to index
          %get3A_830 = arith.constant 48 : index
          %get3A_831 = tpu.vector_load %arg12[%get3A_829, %get3A_830] {strides = array<i32>} : memref<64x128xi32, #tpu.memory_space<vmem>>, vector<16xi32>,
          %bitcast3A_832 = vector.bitcast %get3A_831 : vector<16xi32> to vector<32xbf16>
          %mul3A_833 = arith.mulf %bitcast3A_832, %pack3A_684 : vector<32xbf16>
          %add3A_834 = arith.constant 2 : i32
          %add3A_835 = arith.addi %mul3A_662, %add3A_834 : i32
          %get3A_836 = arith.index_cast %add3A_835 : i32 to index
          %get3A_837 = arith.constant 48 : index
          %get3A_838 = tpu.vector_load %arg12[%get3A_836, %get3A_837] {strides = array<i32>} : memref<64x128xi32, #tpu.memory_space<vmem>>, vector<16xi32>,
          %bitcast3A_839 = vector.bitcast %get3A_838 : vector<16xi32> to vector<32xbf16>
          %mul3A_840 = arith.mulf %bitcast3A_839, %pack3A_685 : vector<32xbf16>
          %add3A_841 = arith.constant 3 : i32
          %add3A_842 = arith.addi %mul3A_662, %add3A_841 : i32
          %get3A_843 = arith.index_cast %add3A_842 : i32 to index
          %get3A_844 = arith.constant 48 : index
          %get3A_845 = tpu.vector_load %arg12[%get3A_843, %get3A_844] {strides = array<i32>} : memref<64x128xi32, #tpu.memory_space<vmem>>, vector<16xi32>,
          %bitcast3A_846 = vector.bitcast %get3A_845 : vector<16xi32> to vector<32xbf16>
          %mul3A_847 = arith.mulf %bitcast3A_846, %pack3A_686 : vector<32xbf16>
          %add3A_848 = arith.addf %mul3A_826, %mul3A_833 : vector<32xbf16>
          %add3A_849 = arith.addf %mul3A_840, %mul3A_847 : vector<32xbf16>
          %add3A_850 = arith.addf %add3A_848, %add3A_849 : vector<32xbf16>
          %unpack3A_851 = tpu.unpack_subelements %add3A_850, 0 {pack_format = #tpu.pack_format<interleaved>} : vector<32xbf16> -> vector<16xf32>
          %unpack3A_852 = tpu.unpack_subelements %add3A_850, 1 {pack_format = #tpu.pack_format<interleaved>} : vector<32xbf16> -> vector<16xf32>
          %mul3A_853 = arith.constant 256 : i32
          %mul3A_854 = arith.muli %scan3A_660, %mul3A_853 : i32
          %add3A_855 = arith.constant 48 : i32
          %add3A_856 = arith.addi %mul3A_854, %add3A_855 : i32
          %swap3A_857 = arith.index_cast %add3A_856 : i32 to index
          %swap3A_858 = tpu.vector_load %arg14[%swap3A_857] {strides = array<i32>} : memref<4096xf32, #tpu.memory_space<vmem>>, vector<16xf32>,
          tpu.vector_store %arg14[%swap3A_857], %unpack3A_851 {strides = array<i32>} : memref<4096xf32, #tpu.memory_space<vmem>>, vector<16xf32>,
          %mul3A_859 = arith.constant 256 : i32
          %mul3A_860 = arith.muli %scan3A_660, %mul3A_859 : i32
          %add3A_861 = arith.constant 128 : i32
          %add3A_862 = arith.addi %mul3A_860, %add3A_861 : i32
          %add3A_863 = arith.constant 48 : i32
          %add3A_864 = arith.addi %add3A_862, %add3A_863 : i32
          %swap3A_865 = arith.index_cast %add3A_864 : i32 to index
          %swap3A_866 = tpu.vector_load %arg14[%swap3A_865] {strides = array<i32>} : memref<4096xf32, #tpu.memory_space<vmem>>, vector<16xf32>,
          tpu.vector_store %arg14[%swap3A_865], %unpack3A_852 {strides = array<i32>} : memref<4096xf32, #tpu.memory_space<vmem>>, vector<16xf32>,
          %get3A_867 = arith.index_cast %mul3A_662 : i32 to index
          %get3A_868 = arith.constant 64 : index
          %get3A_869 = tpu.vector_load %arg12[%get3A_867, %get3A_868] {strides = array<i32>} : memref<64x128xi32, #tpu.memory_space<vmem>>, vector<16xi32>,
          %bitcast3A_870 = vector.bitcast %get3A_869 : vector<16xi32> to vector<32xbf16>
          %mul3A_871 = arith.mulf %bitcast3A_870, %pack3A_683 : vector<32xbf16>
          %add3A_872 = arith.constant 1 : i32
          %add3A_873 = arith.addi %mul3A_662, %add3A_872 : i32
          %get3A_874 = arith.index_cast %add3A_873 : i32 to index
          %get3A_875 = arith.constant 64 : index
          %get3A_876 = tpu.vector_load %arg12[%get3A_874, %get3A_875] {strides = array<i32>} : memref<64x128xi32, #tpu.memory_space<vmem>>, vector<16xi32>,
          %bitcast3A_877 = vector.bitcast %get3A_876 : vector<16xi32> to vector<32xbf16>
          %mul3A_878 = arith.mulf %bitcast3A_877, %pack3A_684 : vector<32xbf16>
          %add3A_879 = arith.constant 2 : i32
          %add3A_880 = arith.addi %mul3A_662, %add3A_879 : i32
          %get3A_881 = arith.index_cast %add3A_880 : i32 to index
          %get3A_882 = arith.constant 64 : index
          %get3A_883 = tpu.vector_load %arg12[%get3A_881, %get3A_882] {strides = array<i32>} : memref<64x128xi32, #tpu.memory_space<vmem>>, vector<16xi32>,
          %bitcast3A_884 = vector.bitcast %get3A_883 : vector<16xi32> to vector<32xbf16>
          %mul3A_885 = arith.mulf %bitcast3A_884, %pack3A_685 : vector<32xbf16>
          %add3A_886 = arith.constant 3 : i32
          %add3A_887 = arith.addi %mul3A_662, %add3A_886 : i32
          %get3A_888 = arith.index_cast %add3A_887 : i32 to index
          %get3A_889 = arith.constant 64 : index
          %get3A_890 = tpu.vector_load %arg12[%get3A_888, %get3A_889] {strides = array<i32>} : memref<64x128xi32, #tpu.memory_space<vmem>>, vector<16xi32>,
          %bitcast3A_891 = vector.bitcast %get3A_890 : vector<16xi32> to vector<32xbf16>
          %mul3A_892 = arith.mulf %bitcast3A_891, %pack3A_686 : vector<32xbf16>
          %add3A_893 = arith.addf %mul3A_871, %mul3A_878 : vector<32xbf16>
          %add3A_894 = arith.addf %mul3A_885, %mul3A_892 : vector<32xbf16>
          %add3A_895 = arith.addf %add3A_893, %add3A_894 : vector<32xbf16>
          %unpack3A_896 = tpu.unpack_subelements %add3A_895, 0 {pack_format = #tpu.pack_format<interleaved>} : vector<32xbf16> -> vector<16xf32>
          %unpack3A_897 = tpu.unpack_subelements %add3A_895, 1 {pack_format = #tpu.pack_format<interleaved>} : vector<32xbf16> -> vector<16xf32>
          %mul3A_898 = arith.constant 256 : i32
          %mul3A_899 = arith.muli %scan3A_660, %mul3A_898 : i32
          %add3A_900 = arith.constant 64 : i32
          %add3A_901 = arith.addi %mul3A_899, %add3A_900 : i32
          %swap3A_902 = arith.index_cast %add3A_901 : i32 to index
          %swap3A_903 = tpu.vector_load %arg14[%swap3A_902] {strides = array<i32>} : memref<4096xf32, #tpu.memory_space<vmem>>, vector<16xf32>,
          tpu.vector_store %arg14[%swap3A_902], %unpack3A_896 {strides = array<i32>} : memref<4096xf32, #tpu.memory_space<vmem>>, vector<16xf32>,
          %mul3A_904 = arith.constant 256 : i32
          %mul3A_905 = arith.muli %scan3A_660, %mul3A_904 : i32
          %add3A_906 = arith.constant 128 : i32
          %add3A_907 = arith.addi %mul3A_905, %add3A_906 : i32
          %add3A_908 = arith.constant 64 : i32
          %add3A_909 = arith.addi %add3A_907, %add3A_908 : i32
          %swap3A_910 = arith.index_cast %add3A_909 : i32 to index
          %swap3A_911 = tpu.vector_load %arg14[%swap3A_910] {strides = array<i32>} : memref<4096xf32, #tpu.memory_space<vmem>>, vector<16xf32>,
          tpu.vector_store %arg14[%swap3A_910], %unpack3A_897 {strides = array<i32>} : memref<4096xf32, #tpu.memory_space<vmem>>, vector<16xf32>,
          %get3A_912 = arith.index_cast %mul3A_662 : i32 to index
          %get3A_913 = arith.constant 80 : index
          %get3A_914 = tpu.vector_load %arg12[%get3A_912, %get3A_913] {strides = array<i32>} : memref<64x128xi32, #tpu.memory_space<vmem>>, vector<16xi32>,
          %bitcast3A_915 = vector.bitcast %get3A_914 : vector<16xi32> to vector<32xbf16>
          %mul3A_916 = arith.mulf %bitcast3A_915, %pack3A_683 : vector<32xbf16>
          %add3A_917 = arith.constant 1 : i32
          %add3A_918 = arith.addi %mul3A_662, %add3A_917 : i32
          %get3A_919 = arith.index_cast %add3A_918 : i32 to index
          %get3A_920 = arith.constant 80 : index
          %get3A_921 = tpu.vector_load %arg12[%get3A_919, %get3A_920] {strides = array<i32>} : memref<64x128xi32, #tpu.memory_space<vmem>>, vector<16xi32>,
          %bitcast3A_922 = vector.bitcast %get3A_921 : vector<16xi32> to vector<32xbf16>
          %mul3A_923 = arith.mulf %bitcast3A_922, %pack3A_684 : vector<32xbf16>
          %add3A_924 = arith.constant 2 : i32
          %add3A_925 = arith.addi %mul3A_662, %add3A_924 : i32
          %get3A_926 = arith.index_cast %add3A_925 : i32 to index
          %get3A_927 = arith.constant 80 : index
          %get3A_928 = tpu.vector_load %arg12[%get3A_926, %get3A_927] {strides = array<i32>} : memref<64x128xi32, #tpu.memory_space<vmem>>, vector<16xi32>,
          %bitcast3A_929 = vector.bitcast %get3A_928 : vector<16xi32> to vector<32xbf16>
          %mul3A_930 = arith.mulf %bitcast3A_929, %pack3A_685 : vector<32xbf16>
          %add3A_931 = arith.constant 3 : i32
          %add3A_932 = arith.addi %mul3A_662, %add3A_931 : i32
          %get3A_933 = arith.index_cast %add3A_932 : i32 to index
          %get3A_934 = arith.constant 80 : index
          %get3A_935 = tpu.vector_load %arg12[%get3A_933, %get3A_934] {strides = array<i32>} : memref<64x128xi32, #tpu.memory_space<vmem>>, vector<16xi32>,
          %bitcast3A_936 = vector.bitcast %get3A_935 : vector<16xi32> to vector<32xbf16>
          %mul3A_937 = arith.mulf %bitcast3A_936, %pack3A_686 : vector<32xbf16>
          %add3A_938 = arith.addf %mul3A_916, %mul3A_923 : vector<32xbf16>
          %add3A_939 = arith.addf %mul3A_930, %mul3A_937 : vector<32xbf16>
          %add3A_940 = arith.addf %add3A_938, %add3A_939 : vector<32xbf16>
          %unpack3A_941 = tpu.unpack_subelements %add3A_940, 0 {pack_format = #tpu.pack_format<interleaved>} : vector<32xbf16> -> vector<16xf32>
          %unpack3A_942 = tpu.unpack_subelements %add3A_940, 1 {pack_format = #tpu.pack_format<interleaved>} : vector<32xbf16> -> vector<16xf32>
          %mul3A_943 = arith.constant 256 : i32
          %mul3A_944 = arith.muli %scan3A_660, %mul3A_943 : i32
          %add3A_945 = arith.constant 80 : i32
          %add3A_946 = arith.addi %mul3A_944, %add3A_945 : i32
          %swap3A_947 = arith.index_cast %add3A_946 : i32 to index
          %swap3A_948 = tpu.vector_load %arg14[%swap3A_947] {strides = array<i32>} : memref<4096xf32, #tpu.memory_space<vmem>>, vector<16xf32>,
          tpu.vector_store %arg14[%swap3A_947], %unpack3A_941 {strides = array<i32>} : memref<4096xf32, #tpu.memory_space<vmem>>, vector<16xf32>,
          %mul3A_949 = arith.constant 256 : i32
          %mul3A_950 = arith.muli %scan3A_660, %mul3A_949 : i32
          %add3A_951 = arith.constant 128 : i32
          %add3A_952 = arith.addi %mul3A_950, %add3A_951 : i32
          %add3A_953 = arith.constant 80 : i32
          %add3A_954 = arith.addi %add3A_952, %add3A_953 : i32
          %swap3A_955 = arith.index_cast %add3A_954 : i32 to index
          %swap3A_956 = tpu.vector_load %arg14[%swap3A_955] {strides = array<i32>} : memref<4096xf32, #tpu.memory_space<vmem>>, vector<16xf32>,
          tpu.vector_store %arg14[%swap3A_955], %unpack3A_942 {strides = array<i32>} : memref<4096xf32, #tpu.memory_space<vmem>>, vector<16xf32>,
          %get3A_957 = arith.index_cast %mul3A_662 : i32 to index
          %get3A_958 = arith.constant 96 : index
          %get3A_959 = tpu.vector_load %arg12[%get3A_957, %get3A_958] {strides = array<i32>} : memref<64x128xi32, #tpu.memory_space<vmem>>, vector<16xi32>,
          %bitcast3A_960 = vector.bitcast %get3A_959 : vector<16xi32> to vector<32xbf16>
          %mul3A_961 = arith.mulf %bitcast3A_960, %pack3A_683 : vector<32xbf16>
          %add3A_962 = arith.constant 1 : i32
          %add3A_963 = arith.addi %mul3A_662, %add3A_962 : i32
          %get3A_964 = arith.index_cast %add3A_963 : i32 to index
          %get3A_965 = arith.constant 96 : index
          %get3A_966 = tpu.vector_load %arg12[%get3A_964, %get3A_965] {strides = array<i32>} : memref<64x128xi32, #tpu.memory_space<vmem>>, vector<16xi32>,
          %bitcast3A_967 = vector.bitcast %get3A_966 : vector<16xi32> to vector<32xbf16>
          %mul3A_968 = arith.mulf %bitcast3A_967, %pack3A_684 : vector<32xbf16>
          %add3A_969 = arith.constant 2 : i32
          %add3A_970 = arith.addi %mul3A_662, %add3A_969 : i32
          %get3A_971 = arith.index_cast %add3A_970 : i32 to index
          %get3A_972 = arith.constant 96 : index
          %get3A_973 = tpu.vector_load %arg12[%get3A_971, %get3A_972] {strides = array<i32>} : memref<64x128xi32, #tpu.memory_space<vmem>>, vector<16xi32>,
          %bitcast3A_974 = vector.bitcast %get3A_973 : vector<16xi32> to vector<32xbf16>
          %mul3A_975 = arith.mulf %bitcast3A_974, %pack3A_685 : vector<32xbf16>
          %add3A_976 = arith.constant 3 : i32
          %add3A_977 = arith.addi %mul3A_662, %add3A_976 : i32
          %get3A_978 = arith.index_cast %add3A_977 : i32 to index
          %get3A_979 = arith.constant 96 : index
          %get3A_980 = tpu.vector_load %arg12[%get3A_978, %get3A_979] {strides = array<i32>} : memref<64x128xi32, #tpu.memory_space<vmem>>, vector<16xi32>,
          %bitcast3A_981 = vector.bitcast %get3A_980 : vector<16xi32> to vector<32xbf16>
          %mul3A_982 = arith.mulf %bitcast3A_981, %pack3A_686 : vector<32xbf16>
          %add3A_983 = arith.addf %mul3A_961, %mul3A_968 : vector<32xbf16>
          %add3A_984 = arith.addf %mul3A_975, %mul3A_982 : vector<32xbf16>
          %add3A_985 = arith.addf %add3A_983, %add3A_984 : vector<32xbf16>
          %unpack3A_986 = tpu.unpack_subelements %add3A_985, 0 {pack_format = #tpu.pack_format<interleaved>} : vector<32xbf16> -> vector<16xf32>
          %unpack3A_987 = tpu.unpack_subelements %add3A_985, 1 {pack_format = #tpu.pack_format<interleaved>} : vector<32xbf16> -> vector<16xf32>
          %mul3A_988 = arith.constant 256 : i32
          %mul3A_989 = arith.muli %scan3A_660, %mul3A_988 : i32
          %add3A_990 = arith.constant 96 : i32
          %add3A_991 = arith.addi %mul3A_989, %add3A_990 : i32
          %swap3A_992 = arith.index_cast %add3A_991 : i32 to index
          %swap3A_993 = tpu.vector_load %arg14[%swap3A_992] {strides = array<i32>} : memref<4096xf32, #tpu.memory_space<vmem>>, vector<16xf32>,
          tpu.vector_store %arg14[%swap3A_992], %unpack3A_986 {strides = array<i32>} : memref<4096xf32, #tpu.memory_space<vmem>>, vector<16xf32>,
          %mul3A_994 = arith.constant 256 : i32
          %mul3A_995 = arith.muli %scan3A_660, %mul3A_994 : i32
          %add3A_996 = arith.constant 128 : i32
          %add3A_997 = arith.addi %mul3A_995, %add3A_996 : i32
          %add3A_998 = arith.constant 96 : i32
          %add3A_999 = arith.addi %add3A_997, %add3A_998 : i32
          %swap3A_1000 = arith.index_cast %add3A_999 : i32 to index
          %swap3A_1001 = tpu.vector_load %arg14[%swap3A_1000] {strides = array<i32>} : memref<4096xf32, #tpu.memory_space<vmem>>, vector<16xf32>,
          tpu.vector_store %arg14[%swap3A_1000], %unpack3A_987 {strides = array<i32>} : memref<4096xf32, #tpu.memory_space<vmem>>, vector<16xf32>,
          %get3A_1002 = arith.index_cast %mul3A_662 : i32 to index
          %get3A_1003 = arith.constant 112 : index
          %get3A_1004 = tpu.vector_load %arg12[%get3A_1002, %get3A_1003] {strides = array<i32>} : memref<64x128xi32, #tpu.memory_space<vmem>>, vector<16xi32>,
          %bitcast3A_1005 = vector.bitcast %get3A_1004 : vector<16xi32> to vector<32xbf16>
          %mul3A_1006 = arith.mulf %bitcast3A_1005, %pack3A_683 : vector<32xbf16>
          %add3A_1007 = arith.constant 1 : i32
          %add3A_1008 = arith.addi %mul3A_662, %add3A_1007 : i32
          %get3A_1009 = arith.index_cast %add3A_1008 : i32 to index
          %get3A_1010 = arith.constant 112 : index
          %get3A_1011 = tpu.vector_load %arg12[%get3A_1009, %get3A_1010] {strides = array<i32>} : memref<64x128xi32, #tpu.memory_space<vmem>>, vector<16xi32>,
          %bitcast3A_1012 = vector.bitcast %get3A_1011 : vector<16xi32> to vector<32xbf16>
          %mul3A_1013 = arith.mulf %bitcast3A_1012, %pack3A_684 : vector<32xbf16>
          %add3A_1014 = arith.constant 2 : i32
          %add3A_1015 = arith.addi %mul3A_662, %add3A_1014 : i32
          %get3A_1016 = arith.index_cast %add3A_1015 : i32 to index
          %get3A_1017 = arith.constant 112 : index
          %get3A_1018 = tpu.vector_load %arg12[%get3A_1016, %get3A_1017] {strides = array<i32>} : memref<64x128xi32, #tpu.memory_space<vmem>>, vector<16xi32>,
          %bitcast3A_1019 = vector.bitcast %get3A_1018 : vector<16xi32> to vector<32xbf16>
          %mul3A_1020 = arith.mulf %bitcast3A_1019, %pack3A_685 : vector<32xbf16>
          %add3A_1021 = arith.constant 3 : i32
          %add3A_1022 = arith.addi %mul3A_662, %add3A_1021 : i32
          %get3A_1023 = arith.index_cast %add3A_1022 : i32 to index
          %get3A_1024 = arith.constant 112 : index
          %get3A_1025 = tpu.vector_load %arg12[%get3A_1023, %get3A_1024] {strides = array<i32>} : memref<64x128xi32, #tpu.memory_space<vmem>>, vector<16xi32>,
          %bitcast3A_1026 = vector.bitcast %get3A_1025 : vector<16xi32> to vector<32xbf16>
          %mul3A_1027 = arith.mulf %bitcast3A_1026, %pack3A_686 : vector<32xbf16>
          %add3A_1028 = arith.addf %mul3A_1006, %mul3A_1013 : vector<32xbf16>
          %add3A_1029 = arith.addf %mul3A_1020, %mul3A_1027 : vector<32xbf16>
          %add3A_1030 = arith.addf %add3A_1028, %add3A_1029 : vector<32xbf16>
          %unpack3A_1031 = tpu.unpack_subelements %add3A_1030, 0 {pack_format = #tpu.pack_format<interleaved>} : vector<32xbf16> -> vector<16xf32>
          %unpack3A_1032 = tpu.unpack_subelements %add3A_1030, 1 {pack_format = #tpu.pack_format<interleaved>} : vector<32xbf16> -> vector<16xf32>
          %mul3A_1033 = arith.constant 256 : i32
          %mul3A_1034 = arith.muli %scan3A_660, %mul3A_1033 : i32
          %add3A_1035 = arith.constant 112 : i32
          %add3A_1036 = arith.addi %mul3A_1034, %add3A_1035 : i32
          %swap3A_1037 = arith.index_cast %add3A_1036 : i32 to index
          %swap3A_1038 = tpu.vector_load %arg14[%swap3A_1037] {strides = array<i32>} : memref<4096xf32, #tpu.memory_space<vmem>>, vector<16xf32>,
          tpu.vector_store %arg14[%swap3A_1037], %unpack3A_1031 {strides = array<i32>} : memref<4096xf32, #tpu.memory_space<vmem>>, vector<16xf32>,
          %mul3A_1039 = arith.constant 256 : i32
          %mul3A_1040 = arith.muli %scan3A_660, %mul3A_1039 : i32
          %add3A_1041 = arith.constant 128 : i32
          %add3A_1042 = arith.addi %mul3A_1040, %add3A_1041 : i32
          %add3A_1043 = arith.constant 112 : i32
          %add3A_1044 = arith.addi %add3A_1042, %add3A_1043 : i32
          %swap3A_1045 = arith.index_cast %add3A_1044 : i32 to index
          %swap3A_1046 = tpu.vector_load %arg14[%swap3A_1045] {strides = array<i32>} : memref<4096xf32, #tpu.memory_space<vmem>>, vector<16xf32>,
          tpu.vector_store %arg14[%swap3A_1045], %unpack3A_1032 {strides = array<i32>} : memref<4096xf32, #tpu.memory_space<vmem>>, vector<16xf32>,
          %scan3A_1047 = arith.constant 2 : i32
          %scan3A_1048 = arith.addi %scan3A_278, %scan3A_1047 : i32
          %mul3A_1049 = arith.constant 4 : i32
          %mul3A_1050 = arith.muli %scan3A_1048, %mul3A_1049 : i32
          %broadcast_in_dim3A_1051 = arith.constant 0 : i32
          %broadcast_in_dim3A_1052 = vector.broadcast %broadcast_in_dim3A_1051 : i32 to vector<16xi32>
          %add3A_1053 = vector.broadcast %mul3A_1050 : i32 to vector<16xi32>
          %add3A_1054 = arith.addi %broadcast_in_dim3A_1052, %add3A_1053 : vector<16xi32>
          %gather3A_1055 = tpu.vector_load_idx %arg10[%add3A_1054] : memref<64xf32, #tpu.memory_space<vmem>>[vector<16xi32>], vector<16xf32>,
          %broadcast_in_dim3A_1056 = arith.constant 1 : i32
          %broadcast_in_dim3A_1057 = vector.broadcast %broadcast_in_dim3A_1056 : i32 to vector<16xi32>
          %add3A_1058 = vector.broadcast %mul3A_1050 : i32 to vector<16xi32>
          %add3A_1059 = arith.addi %broadcast_in_dim3A_1057, %add3A_1058 : vector<16xi32>
          %gather3A_1060 = tpu.vector_load_idx %arg10[%add3A_1059] : memref<64xf32, #tpu.memory_space<vmem>>[vector<16xi32>], vector<16xf32>,
          %broadcast_in_dim3A_1061 = arith.constant 2 : i32
          %broadcast_in_dim3A_1062 = vector.broadcast %broadcast_in_dim3A_1061 : i32 to vector<16xi32>
          %add3A_1063 = vector.broadcast %mul3A_1050 : i32 to vector<16xi32>
          %add3A_1064 = arith.addi %broadcast_in_dim3A_1062, %add3A_1063 : vector<16xi32>
          %gather3A_1065 = tpu.vector_load_idx %arg10[%add3A_1064] : memref<64xf32, #tpu.memory_space<vmem>>[vector<16xi32>], vector<16xf32>,
          %broadcast_in_dim3A_1066 = arith.constant 3 : i32
          %broadcast_in_dim3A_1067 = vector.broadcast %broadcast_in_dim3A_1066 : i32 to vector<16xi32>
          %add3A_1068 = vector.broadcast %mul3A_1050 : i32 to vector<16xi32>
          %add3A_1069 = arith.addi %broadcast_in_dim3A_1067, %add3A_1068 : vector<16xi32>
          %gather3A_1070 = tpu.vector_load_idx %arg10[%add3A_1069] : memref<64xf32, #tpu.memory_space<vmem>>[vector<16xi32>], vector<16xf32>,
          %pack3A_1071 = tpu.pack_subelements %gather3A_1055, %gather3A_1055 {pack_format = #tpu.pack_format<interleaved>, positions = array<i32: 0, 1>} : vector<16xf32>, vector<16xf32> -> vector<32xbf16>
          %pack3A_1072 = tpu.pack_subelements %gather3A_1060, %gather3A_1060 {pack_format = #tpu.pack_format<interleaved>, positions = array<i32: 0, 1>} : vector<16xf32>, vector<16xf32> -> vector<32xbf16>
          %pack3A_1073 = tpu.pack_subelements %gather3A_1065, %gather3A_1065 {pack_format = #tpu.pack_format<interleaved>, positions = array<i32: 0, 1>} : vector<16xf32>, vector<16xf32> -> vector<32xbf16>
          %pack3A_1074 = tpu.pack_subelements %gather3A_1070, %gather3A_1070 {pack_format = #tpu.pack_format<interleaved>, positions = array<i32: 0, 1>} : vector<16xf32>, vector<16xf32> -> vector<32xbf16>
          %get3A_1075 = arith.index_cast %mul3A_1050 : i32 to index
          %get3A_1076 = arith.constant 0 : index
          %get3A_1077 = tpu.vector_load %arg12[%get3A_1075, %get3A_1076] {strides = array<i32>} : memref<64x128xi32, #tpu.memory_space<vmem>>, vector<16xi32>,
          %bitcast3A_1078 = vector.bitcast %get3A_1077 : vector<16xi32> to vector<32xbf16>
          %mul3A_1079 = arith.mulf %bitcast3A_1078, %pack3A_1071 : vector<32xbf16>
          %add3A_1080 = arith.constant 1 : i32
          %add3A_1081 = arith.addi %mul3A_1050, %add3A_1080 : i32
          %get3A_1082 = arith.index_cast %add3A_1081 : i32 to index
          %get3A_1083 = arith.constant 0 : index
          %get3A_1084 = tpu.vector_load %arg12[%get3A_1082, %get3A_1083] {strides = array<i32>} : memref<64x128xi32, #tpu.memory_space<vmem>>, vector<16xi32>,
          %bitcast3A_1085 = vector.bitcast %get3A_1084 : vector<16xi32> to vector<32xbf16>
          %mul3A_1086 = arith.mulf %bitcast3A_1085, %pack3A_1072 : vector<32xbf16>
          %add3A_1087 = arith.constant 2 : i32
          %add3A_1088 = arith.addi %mul3A_1050, %add3A_1087 : i32
          %get3A_1089 = arith.index_cast %add3A_1088 : i32 to index
          %get3A_1090 = arith.constant 0 : index
          %get3A_1091 = tpu.vector_load %arg12[%get3A_1089, %get3A_1090] {strides = array<i32>} : memref<64x128xi32, #tpu.memory_space<vmem>>, vector<16xi32>,
          %bitcast3A_1092 = vector.bitcast %get3A_1091 : vector<16xi32> to vector<32xbf16>
          %mul3A_1093 = arith.mulf %bitcast3A_1092, %pack3A_1073 : vector<32xbf16>
          %add3A_1094 = arith.constant 3 : i32
          %add3A_1095 = arith.addi %mul3A_1050, %add3A_1094 : i32
          %get3A_1096 = arith.index_cast %add3A_1095 : i32 to index
          %get3A_1097 = arith.constant 0 : index
          %get3A_1098 = tpu.vector_load %arg12[%get3A_1096, %get3A_1097] {strides = array<i32>} : memref<64x128xi32, #tpu.memory_space<vmem>>, vector<16xi32>,
          %bitcast3A_1099 = vector.bitcast %get3A_1098 : vector<16xi32> to vector<32xbf16>
          %mul3A_1100 = arith.mulf %bitcast3A_1099, %pack3A_1074 : vector<32xbf16>
          %add3A_1101 = arith.addf %mul3A_1079, %mul3A_1086 : vector<32xbf16>
          %add3A_1102 = arith.addf %mul3A_1093, %mul3A_1100 : vector<32xbf16>
          %add3A_1103 = arith.addf %add3A_1101, %add3A_1102 : vector<32xbf16>
          %unpack3A_1104 = tpu.unpack_subelements %add3A_1103, 0 {pack_format = #tpu.pack_format<interleaved>} : vector<32xbf16> -> vector<16xf32>
          %unpack3A_1105 = tpu.unpack_subelements %add3A_1103, 1 {pack_format = #tpu.pack_format<interleaved>} : vector<32xbf16> -> vector<16xf32>
          %mul3A_1106 = arith.constant 256 : i32
          %mul3A_1107 = arith.muli %scan3A_1048, %mul3A_1106 : i32
          %add3A_1108 = arith.constant 0 : i32
          %add3A_1109 = arith.addi %mul3A_1107, %add3A_1108 : i32
          %swap3A_1110 = arith.index_cast %add3A_1109 : i32 to index
          %swap3A_1111 = tpu.vector_load %arg14[%swap3A_1110] {strides = array<i32>} : memref<4096xf32, #tpu.memory_space<vmem>>, vector<16xf32>,
          tpu.vector_store %arg14[%swap3A_1110], %unpack3A_1104 {strides = array<i32>} : memref<4096xf32, #tpu.memory_space<vmem>>, vector<16xf32>,
          %mul3A_1112 = arith.constant 256 : i32
          %mul3A_1113 = arith.muli %scan3A_1048, %mul3A_1112 : i32
          %add3A_1114 = arith.constant 128 : i32
          %add3A_1115 = arith.addi %mul3A_1113, %add3A_1114 : i32
          %add3A_1116 = arith.constant 0 : i32
          %add3A_1117 = arith.addi %add3A_1115, %add3A_1116 : i32
          %swap3A_1118 = arith.index_cast %add3A_1117 : i32 to index
          %swap3A_1119 = tpu.vector_load %arg14[%swap3A_1118] {strides = array<i32>} : memref<4096xf32, #tpu.memory_space<vmem>>, vector<16xf32>,
          tpu.vector_store %arg14[%swap3A_1118], %unpack3A_1105 {strides = array<i32>} : memref<4096xf32, #tpu.memory_space<vmem>>, vector<16xf32>,
          %get3A_1120 = arith.index_cast %mul3A_1050 : i32 to index
          %get3A_1121 = arith.constant 16 : index
          %get3A_1122 = tpu.vector_load %arg12[%get3A_1120, %get3A_1121] {strides = array<i32>} : memref<64x128xi32, #tpu.memory_space<vmem>>, vector<16xi32>,
          %bitcast3A_1123 = vector.bitcast %get3A_1122 : vector<16xi32> to vector<32xbf16>
          %mul3A_1124 = arith.mulf %bitcast3A_1123, %pack3A_1071 : vector<32xbf16>
          %add3A_1125 = arith.constant 1 : i32
          %add3A_1126 = arith.addi %mul3A_1050, %add3A_1125 : i32
          %get3A_1127 = arith.index_cast %add3A_1126 : i32 to index
          %get3A_1128 = arith.constant 16 : index
          %get3A_1129 = tpu.vector_load %arg12[%get3A_1127, %get3A_1128] {strides = array<i32>} : memref<64x128xi32, #tpu.memory_space<vmem>>, vector<16xi32>,
          %bitcast3A_1130 = vector.bitcast %get3A_1129 : vector<16xi32> to vector<32xbf16>
          %mul3A_1131 = arith.mulf %bitcast3A_1130, %pack3A_1072 : vector<32xbf16>
          %add3A_1132 = arith.constant 2 : i32
          %add3A_1133 = arith.addi %mul3A_1050, %add3A_1132 : i32
          %get3A_1134 = arith.index_cast %add3A_1133 : i32 to index
          %get3A_1135 = arith.constant 16 : index
          %get3A_1136 = tpu.vector_load %arg12[%get3A_1134, %get3A_1135] {strides = array<i32>} : memref<64x128xi32, #tpu.memory_space<vmem>>, vector<16xi32>,
          %bitcast3A_1137 = vector.bitcast %get3A_1136 : vector<16xi32> to vector<32xbf16>
          %mul3A_1138 = arith.mulf %bitcast3A_1137, %pack3A_1073 : vector<32xbf16>
          %add3A_1139 = arith.constant 3 : i32
          %add3A_1140 = arith.addi %mul3A_1050, %add3A_1139 : i32
          %get3A_1141 = arith.index_cast %add3A_1140 : i32 to index
          %get3A_1142 = arith.constant 16 : index
          %get3A_1143 = tpu.vector_load %arg12[%get3A_1141, %get3A_1142] {strides = array<i32>} : memref<64x128xi32, #tpu.memory_space<vmem>>, vector<16xi32>,
          %bitcast3A_1144 = vector.bitcast %get3A_1143 : vector<16xi32> to vector<32xbf16>
          %mul3A_1145 = arith.mulf %bitcast3A_1144, %pack3A_1074 : vector<32xbf16>
          %add3A_1146 = arith.addf %mul3A_1124, %mul3A_1131 : vector<32xbf16>
          %add3A_1147 = arith.addf %mul3A_1138, %mul3A_1145 : vector<32xbf16>
          %add3A_1148 = arith.addf %add3A_1146, %add3A_1147 : vector<32xbf16>
          %unpack3A_1149 = tpu.unpack_subelements %add3A_1148, 0 {pack_format = #tpu.pack_format<interleaved>} : vector<32xbf16> -> vector<16xf32>
          %unpack3A_1150 = tpu.unpack_subelements %add3A_1148, 1 {pack_format = #tpu.pack_format<interleaved>} : vector<32xbf16> -> vector<16xf32>
          %mul3A_1151 = arith.constant 256 : i32
          %mul3A_1152 = arith.muli %scan3A_1048, %mul3A_1151 : i32
          %add3A_1153 = arith.constant 16 : i32
          %add3A_1154 = arith.addi %mul3A_1152, %add3A_1153 : i32
          %swap3A_1155 = arith.index_cast %add3A_1154 : i32 to index
          %swap3A_1156 = tpu.vector_load %arg14[%swap3A_1155] {strides = array<i32>} : memref<4096xf32, #tpu.memory_space<vmem>>, vector<16xf32>,
          tpu.vector_store %arg14[%swap3A_1155], %unpack3A_1149 {strides = array<i32>} : memref<4096xf32, #tpu.memory_space<vmem>>, vector<16xf32>,
          %mul3A_1157 = arith.constant 256 : i32
          %mul3A_1158 = arith.muli %scan3A_1048, %mul3A_1157 : i32
          %add3A_1159 = arith.constant 128 : i32
          %add3A_1160 = arith.addi %mul3A_1158, %add3A_1159 : i32
          %add3A_1161 = arith.constant 16 : i32
          %add3A_1162 = arith.addi %add3A_1160, %add3A_1161 : i32
          %swap3A_1163 = arith.index_cast %add3A_1162 : i32 to index
          %swap3A_1164 = tpu.vector_load %arg14[%swap3A_1163] {strides = array<i32>} : memref<4096xf32, #tpu.memory_space<vmem>>, vector<16xf32>,
          tpu.vector_store %arg14[%swap3A_1163], %unpack3A_1150 {strides = array<i32>} : memref<4096xf32, #tpu.memory_space<vmem>>, vector<16xf32>,
          %get3A_1165 = arith.index_cast %mul3A_1050 : i32 to index
          %get3A_1166 = arith.constant 32 : index
          %get3A_1167 = tpu.vector_load %arg12[%get3A_1165, %get3A_1166] {strides = array<i32>} : memref<64x128xi32, #tpu.memory_space<vmem>>, vector<16xi32>,
          %bitcast3A_1168 = vector.bitcast %get3A_1167 : vector<16xi32> to vector<32xbf16>
          %mul3A_1169 = arith.mulf %bitcast3A_1168, %pack3A_1071 : vector<32xbf16>
          %add3A_1170 = arith.constant 1 : i32
          %add3A_1171 = arith.addi %mul3A_1050, %add3A_1170 : i32
          %get3A_1172 = arith.index_cast %add3A_1171 : i32 to index
          %get3A_1173 = arith.constant 32 : index
          %get3A_1174 = tpu.vector_load %arg12[%get3A_1172, %get3A_1173] {strides = array<i32>} : memref<64x128xi32, #tpu.memory_space<vmem>>, vector<16xi32>,
          %bitcast3A_1175 = vector.bitcast %get3A_1174 : vector<16xi32> to vector<32xbf16>
          %mul3A_1176 = arith.mulf %bitcast3A_1175, %pack3A_1072 : vector<32xbf16>
          %add3A_1177 = arith.constant 2 : i32
          %add3A_1178 = arith.addi %mul3A_1050, %add3A_1177 : i32
          %get3A_1179 = arith.index_cast %add3A_1178 : i32 to index
          %get3A_1180 = arith.constant 32 : index
          %get3A_1181 = tpu.vector_load %arg12[%get3A_1179, %get3A_1180] {strides = array<i32>} : memref<64x128xi32, #tpu.memory_space<vmem>>, vector<16xi32>,
          %bitcast3A_1182 = vector.bitcast %get3A_1181 : vector<16xi32> to vector<32xbf16>
          %mul3A_1183 = arith.mulf %bitcast3A_1182, %pack3A_1073 : vector<32xbf16>
          %add3A_1184 = arith.constant 3 : i32
          %add3A_1185 = arith.addi %mul3A_1050, %add3A_1184 : i32
          %get3A_1186 = arith.index_cast %add3A_1185 : i32 to index
          %get3A_1187 = arith.constant 32 : index
          %get3A_1188 = tpu.vector_load %arg12[%get3A_1186, %get3A_1187] {strides = array<i32>} : memref<64x128xi32, #tpu.memory_space<vmem>>, vector<16xi32>,
          %bitcast3A_1189 = vector.bitcast %get3A_1188 : vector<16xi32> to vector<32xbf16>
          %mul3A_1190 = arith.mulf %bitcast3A_1189, %pack3A_1074 : vector<32xbf16>
          %add3A_1191 = arith.addf %mul3A_1169, %mul3A_1176 : vector<32xbf16>
          %add3A_1192 = arith.addf %mul3A_1183, %mul3A_1190 : vector<32xbf16>
          %add3A_1193 = arith.addf %add3A_1191, %add3A_1192 : vector<32xbf16>
          %unpack3A_1194 = tpu.unpack_subelements %add3A_1193, 0 {pack_format = #tpu.pack_format<interleaved>} : vector<32xbf16> -> vector<16xf32>
          %unpack3A_1195 = tpu.unpack_subelements %add3A_1193, 1 {pack_format = #tpu.pack_format<interleaved>} : vector<32xbf16> -> vector<16xf32>
          %mul3A_1196 = arith.constant 256 : i32
          %mul3A_1197 = arith.muli %scan3A_1048, %mul3A_1196 : i32
          %add3A_1198 = arith.constant 32 : i32
          %add3A_1199 = arith.addi %mul3A_1197, %add3A_1198 : i32
          %swap3A_1200 = arith.index_cast %add3A_1199 : i32 to index
          %swap3A_1201 = tpu.vector_load %arg14[%swap3A_1200] {strides = array<i32>} : memref<4096xf32, #tpu.memory_space<vmem>>, vector<16xf32>,
          tpu.vector_store %arg14[%swap3A_1200], %unpack3A_1194 {strides = array<i32>} : memref<4096xf32, #tpu.memory_space<vmem>>, vector<16xf32>,
          %mul3A_1202 = arith.constant 256 : i32
          %mul3A_1203 = arith.muli %scan3A_1048, %mul3A_1202 : i32
          %add3A_1204 = arith.constant 128 : i32
          %add3A_1205 = arith.addi %mul3A_1203, %add3A_1204 : i32
          %add3A_1206 = arith.constant 32 : i32
          %add3A_1207 = arith.addi %add3A_1205, %add3A_1206 : i32
          %swap3A_1208 = arith.index_cast %add3A_1207 : i32 to index
          %swap3A_1209 = tpu.vector_load %arg14[%swap3A_1208] {strides = array<i32>} : memref<4096xf32, #tpu.memory_space<vmem>>, vector<16xf32>,
          tpu.vector_store %arg14[%swap3A_1208], %unpack3A_1195 {strides = array<i32>} : memref<4096xf32, #tpu.memory_space<vmem>>, vector<16xf32>,
          %get3A_1210 = arith.index_cast %mul3A_1050 : i32 to index
          %get3A_1211 = arith.constant 48 : index
          %get3A_1212 = tpu.vector_load %arg12[%get3A_1210, %get3A_1211] {strides = array<i32>} : memref<64x128xi32, #tpu.memory_space<vmem>>, vector<16xi32>,
          %bitcast3A_1213 = vector.bitcast %get3A_1212 : vector<16xi32> to vector<32xbf16>
          %mul3A_1214 = arith.mulf %bitcast3A_1213, %pack3A_1071 : vector<32xbf16>
          %add3A_1215 = arith.constant 1 : i32
          %add3A_1216 = arith.addi %mul3A_1050, %add3A_1215 : i32
          %get3A_1217 = arith.index_cast %add3A_1216 : i32 to index
          %get3A_1218 = arith.constant 48 : index
          %get3A_1219 = tpu.vector_load %arg12[%get3A_1217, %get3A_1218] {strides = array<i32>} : memref<64x128xi32, #tpu.memory_space<vmem>>, vector<16xi32>,
          %bitcast3A_1220 = vector.bitcast %get3A_1219 : vector<16xi32> to vector<32xbf16>
          %mul3A_1221 = arith.mulf %bitcast3A_1220, %pack3A_1072 : vector<32xbf16>
          %add3A_1222 = arith.constant 2 : i32
          %add3A_1223 = arith.addi %mul3A_1050, %add3A_1222 : i32
          %get3A_1224 = arith.index_cast %add3A_1223 : i32 to index
          %get3A_1225 = arith.constant 48 : index
          %get3A_1226 = tpu.vector_load %arg12[%get3A_1224, %get3A_1225] {strides = array<i32>} : memref<64x128xi32, #tpu.memory_space<vmem>>, vector<16xi32>,
          %bitcast3A_1227 = vector.bitcast %get3A_1226 : vector<16xi32> to vector<32xbf16>
          %mul3A_1228 = arith.mulf %bitcast3A_1227, %pack3A_1073 : vector<32xbf16>
          %add3A_1229 = arith.constant 3 : i32
          %add3A_1230 = arith.addi %mul3A_1050, %add3A_1229 : i32
          %get3A_1231 = arith.index_cast %add3A_1230 : i32 to index
          %get3A_1232 = arith.constant 48 : index
          %get3A_1233 = tpu.vector_load %arg12[%get3A_1231, %get3A_1232] {strides = array<i32>} : memref<64x128xi32, #tpu.memory_space<vmem>>, vector<16xi32>,
          %bitcast3A_1234 = vector.bitcast %get3A_1233 : vector<16xi32> to vector<32xbf16>
          %mul3A_1235 = arith.mulf %bitcast3A_1234, %pack3A_1074 : vector<32xbf16>
          %add3A_1236 = arith.addf %mul3A_1214, %mul3A_1221 : vector<32xbf16>
          %add3A_1237 = arith.addf %mul3A_1228, %mul3A_1235 : vector<32xbf16>
          %add3A_1238 = arith.addf %add3A_1236, %add3A_1237 : vector<32xbf16>
          %unpack3A_1239 = tpu.unpack_subelements %add3A_1238, 0 {pack_format = #tpu.pack_format<interleaved>} : vector<32xbf16> -> vector<16xf32>
          %unpack3A_1240 = tpu.unpack_subelements %add3A_1238, 1 {pack_format = #tpu.pack_format<interleaved>} : vector<32xbf16> -> vector<16xf32>
          %mul3A_1241 = arith.constant 256 : i32
          %mul3A_1242 = arith.muli %scan3A_1048, %mul3A_1241 : i32
          %add3A_1243 = arith.constant 48 : i32
          %add3A_1244 = arith.addi %mul3A_1242, %add3A_1243 : i32
          %swap3A_1245 = arith.index_cast %add3A_1244 : i32 to index
          %swap3A_1246 = tpu.vector_load %arg14[%swap3A_1245] {strides = array<i32>} : memref<4096xf32, #tpu.memory_space<vmem>>, vector<16xf32>,
          tpu.vector_store %arg14[%swap3A_1245], %unpack3A_1239 {strides = array<i32>} : memref<4096xf32, #tpu.memory_space<vmem>>, vector<16xf32>,
          %mul3A_1247 = arith.constant 256 : i32
          %mul3A_1248 = arith.muli %scan3A_1048, %mul3A_1247 : i32
          %add3A_1249 = arith.constant 128 : i32
          %add3A_1250 = arith.addi %mul3A_1248, %add3A_1249 : i32
          %add3A_1251 = arith.constant 48 : i32
          %add3A_1252 = arith.addi %add3A_1250, %add3A_1251 : i32
          %swap3A_1253 = arith.index_cast %add3A_1252 : i32 to index
          %swap3A_1254 = tpu.vector_load %arg14[%swap3A_1253] {strides = array<i32>} : memref<4096xf32, #tpu.memory_space<vmem>>, vector<16xf32>,
          tpu.vector_store %arg14[%swap3A_1253], %unpack3A_1240 {strides = array<i32>} : memref<4096xf32, #tpu.memory_space<vmem>>, vector<16xf32>,
          %get3A_1255 = arith.index_cast %mul3A_1050 : i32 to index
          %get3A_1256 = arith.constant 64 : index
          %get3A_1257 = tpu.vector_load %arg12[%get3A_1255, %get3A_1256] {strides = array<i32>} : memref<64x128xi32, #tpu.memory_space<vmem>>, vector<16xi32>,
          %bitcast3A_1258 = vector.bitcast %get3A_1257 : vector<16xi32> to vector<32xbf16>
          %mul3A_1259 = arith.mulf %bitcast3A_1258, %pack3A_1071 : vector<32xbf16>
          %add3A_1260 = arith.constant 1 : i32
          %add3A_1261 = arith.addi %mul3A_1050, %add3A_1260 : i32
          %get3A_1262 = arith.index_cast %add3A_1261 : i32 to index
          %get3A_1263 = arith.constant 64 : index
          %get3A_1264 = tpu.vector_load %arg12[%get3A_1262, %get3A_1263] {strides = array<i32>} : memref<64x128xi32, #tpu.memory_space<vmem>>, vector<16xi32>,
          %bitcast3A_1265 = vector.bitcast %get3A_1264 : vector<16xi32> to vector<32xbf16>
          %mul3A_1266 = arith.mulf %bitcast3A_1265, %pack3A_1072 : vector<32xbf16>
          %add3A_1267 = arith.constant 2 : i32
          %add3A_1268 = arith.addi %mul3A_1050, %add3A_1267 : i32
          %get3A_1269 = arith.index_cast %add3A_1268 : i32 to index
          %get3A_1270 = arith.constant 64 : index
          %get3A_1271 = tpu.vector_load %arg12[%get3A_1269, %get3A_1270] {strides = array<i32>} : memref<64x128xi32, #tpu.memory_space<vmem>>, vector<16xi32>,
          %bitcast3A_1272 = vector.bitcast %get3A_1271 : vector<16xi32> to vector<32xbf16>
          %mul3A_1273 = arith.mulf %bitcast3A_1272, %pack3A_1073 : vector<32xbf16>
          %add3A_1274 = arith.constant 3 : i32
          %add3A_1275 = arith.addi %mul3A_1050, %add3A_1274 : i32
          %get3A_1276 = arith.index_cast %add3A_1275 : i32 to index
          %get3A_1277 = arith.constant 64 : index
          %get3A_1278 = tpu.vector_load %arg12[%get3A_1276, %get3A_1277] {strides = array<i32>} : memref<64x128xi32, #tpu.memory_space<vmem>>, vector<16xi32>,
          %bitcast3A_1279 = vector.bitcast %get3A_1278 : vector<16xi32> to vector<32xbf16>
          %mul3A_1280 = arith.mulf %bitcast3A_1279, %pack3A_1074 : vector<32xbf16>
          %add3A_1281 = arith.addf %mul3A_1259, %mul3A_1266 : vector<32xbf16>
          %add3A_1282 = arith.addf %mul3A_1273, %mul3A_1280 : vector<32xbf16>
          %add3A_1283 = arith.addf %add3A_1281, %add3A_1282 : vector<32xbf16>
          %unpack3A_1284 = tpu.unpack_subelements %add3A_1283, 0 {pack_format = #tpu.pack_format<interleaved>} : vector<32xbf16> -> vector<16xf32>
          %unpack3A_1285 = tpu.unpack_subelements %add3A_1283, 1 {pack_format = #tpu.pack_format<interleaved>} : vector<32xbf16> -> vector<16xf32>
          %mul3A_1286 = arith.constant 256 : i32
          %mul3A_1287 = arith.muli %scan3A_1048, %mul3A_1286 : i32
          %add3A_1288 = arith.constant 64 : i32
          %add3A_1289 = arith.addi %mul3A_1287, %add3A_1288 : i32
          %swap3A_1290 = arith.index_cast %add3A_1289 : i32 to index
          %swap3A_1291 = tpu.vector_load %arg14[%swap3A_1290] {strides = array<i32>} : memref<4096xf32, #tpu.memory_space<vmem>>, vector<16xf32>,
          tpu.vector_store %arg14[%swap3A_1290], %unpack3A_1284 {strides = array<i32>} : memref<4096xf32, #tpu.memory_space<vmem>>, vector<16xf32>,
          %mul3A_1292 = arith.constant 256 : i32
          %mul3A_1293 = arith.muli %scan3A_1048, %mul3A_1292 : i32
          %add3A_1294 = arith.constant 128 : i32
          %add3A_1295 = arith.addi %mul3A_1293, %add3A_1294 : i32
          %add3A_1296 = arith.constant 64 : i32
          %add3A_1297 = arith.addi %add3A_1295, %add3A_1296 : i32
          %swap3A_1298 = arith.index_cast %add3A_1297 : i32 to index
          %swap3A_1299 = tpu.vector_load %arg14[%swap3A_1298] {strides = array<i32>} : memref<4096xf32, #tpu.memory_space<vmem>>, vector<16xf32>,
          tpu.vector_store %arg14[%swap3A_1298], %unpack3A_1285 {strides = array<i32>} : memref<4096xf32, #tpu.memory_space<vmem>>, vector<16xf32>,
          %get3A_1300 = arith.index_cast %mul3A_1050 : i32 to index
          %get3A_1301 = arith.constant 80 : index
          %get3A_1302 = tpu.vector_load %arg12[%get3A_1300, %get3A_1301] {strides = array<i32>} : memref<64x128xi32, #tpu.memory_space<vmem>>, vector<16xi32>,
          %bitcast3A_1303 = vector.bitcast %get3A_1302 : vector<16xi32> to vector<32xbf16>
          %mul3A_1304 = arith.mulf %bitcast3A_1303, %pack3A_1071 : vector<32xbf16>
          %add3A_1305 = arith.constant 1 : i32
          %add3A_1306 = arith.addi %mul3A_1050, %add3A_1305 : i32
          %get3A_1307 = arith.index_cast %add3A_1306 : i32 to index
          %get3A_1308 = arith.constant 80 : index
          %get3A_1309 = tpu.vector_load %arg12[%get3A_1307, %get3A_1308] {strides = array<i32>} : memref<64x128xi32, #tpu.memory_space<vmem>>, vector<16xi32>,
          %bitcast3A_1310 = vector.bitcast %get3A_1309 : vector<16xi32> to vector<32xbf16>
          %mul3A_1311 = arith.mulf %bitcast3A_1310, %pack3A_1072 : vector<32xbf16>
          %add3A_1312 = arith.constant 2 : i32
          %add3A_1313 = arith.addi %mul3A_1050, %add3A_1312 : i32
          %get3A_1314 = arith.index_cast %add3A_1313 : i32 to index
          %get3A_1315 = arith.constant 80 : index
          %get3A_1316 = tpu.vector_load %arg12[%get3A_1314, %get3A_1315] {strides = array<i32>} : memref<64x128xi32, #tpu.memory_space<vmem>>, vector<16xi32>,
          %bitcast3A_1317 = vector.bitcast %get3A_1316 : vector<16xi32> to vector<32xbf16>
          %mul3A_1318 = arith.mulf %bitcast3A_1317, %pack3A_1073 : vector<32xbf16>
          %add3A_1319 = arith.constant 3 : i32
          %add3A_1320 = arith.addi %mul3A_1050, %add3A_1319 : i32
          %get3A_1321 = arith.index_cast %add3A_1320 : i32 to index
          %get3A_1322 = arith.constant 80 : index
          %get3A_1323 = tpu.vector_load %arg12[%get3A_1321, %get3A_1322] {strides = array<i32>} : memref<64x128xi32, #tpu.memory_space<vmem>>, vector<16xi32>,
          %bitcast3A_1324 = vector.bitcast %get3A_1323 : vector<16xi32> to vector<32xbf16>
          %mul3A_1325 = arith.mulf %bitcast3A_1324, %pack3A_1074 : vector<32xbf16>
          %add3A_1326 = arith.addf %mul3A_1304, %mul3A_1311 : vector<32xbf16>
          %add3A_1327 = arith.addf %mul3A_1318, %mul3A_1325 : vector<32xbf16>
          %add3A_1328 = arith.addf %add3A_1326, %add3A_1327 : vector<32xbf16>
          %unpack3A_1329 = tpu.unpack_subelements %add3A_1328, 0 {pack_format = #tpu.pack_format<interleaved>} : vector<32xbf16> -> vector<16xf32>
          %unpack3A_1330 = tpu.unpack_subelements %add3A_1328, 1 {pack_format = #tpu.pack_format<interleaved>} : vector<32xbf16> -> vector<16xf32>
          %mul3A_1331 = arith.constant 256 : i32
          %mul3A_1332 = arith.muli %scan3A_1048, %mul3A_1331 : i32
          %add3A_1333 = arith.constant 80 : i32
          %add3A_1334 = arith.addi %mul3A_1332, %add3A_1333 : i32
          %swap3A_1335 = arith.index_cast %add3A_1334 : i32 to index
          %swap3A_1336 = tpu.vector_load %arg14[%swap3A_1335] {strides = array<i32>} : memref<4096xf32, #tpu.memory_space<vmem>>, vector<16xf32>,
          tpu.vector_store %arg14[%swap3A_1335], %unpack3A_1329 {strides = array<i32>} : memref<4096xf32, #tpu.memory_space<vmem>>, vector<16xf32>,
          %mul3A_1337 = arith.constant 256 : i32
          %mul3A_1338 = arith.muli %scan3A_1048, %mul3A_1337 : i32
          %add3A_1339 = arith.constant 128 : i32
          %add3A_1340 = arith.addi %mul3A_1338, %add3A_1339 : i32
          %add3A_1341 = arith.constant 80 : i32
          %add3A_1342 = arith.addi %add3A_1340, %add3A_1341 : i32
          %swap3A_1343 = arith.index_cast %add3A_1342 : i32 to index
          %swap3A_1344 = tpu.vector_load %arg14[%swap3A_1343] {strides = array<i32>} : memref<4096xf32, #tpu.memory_space<vmem>>, vector<16xf32>,
          tpu.vector_store %arg14[%swap3A_1343], %unpack3A_1330 {strides = array<i32>} : memref<4096xf32, #tpu.memory_space<vmem>>, vector<16xf32>,
          %get3A_1345 = arith.index_cast %mul3A_1050 : i32 to index
          %get3A_1346 = arith.constant 96 : index
          %get3A_1347 = tpu.vector_load %arg12[%get3A_1345, %get3A_1346] {strides = array<i32>} : memref<64x128xi32, #tpu.memory_space<vmem>>, vector<16xi32>,
          %bitcast3A_1348 = vector.bitcast %get3A_1347 : vector<16xi32> to vector<32xbf16>
          %mul3A_1349 = arith.mulf %bitcast3A_1348, %pack3A_1071 : vector<32xbf16>
          %add3A_1350 = arith.constant 1 : i32
          %add3A_1351 = arith.addi %mul3A_1050, %add3A_1350 : i32
          %get3A_1352 = arith.index_cast %add3A_1351 : i32 to index
          %get3A_1353 = arith.constant 96 : index
          %get3A_1354 = tpu.vector_load %arg12[%get3A_1352, %get3A_1353] {strides = array<i32>} : memref<64x128xi32, #tpu.memory_space<vmem>>, vector<16xi32>,
          %bitcast3A_1355 = vector.bitcast %get3A_1354 : vector<16xi32> to vector<32xbf16>
          %mul3A_1356 = arith.mulf %bitcast3A_1355, %pack3A_1072 : vector<32xbf16>
          %add3A_1357 = arith.constant 2 : i32
          %add3A_1358 = arith.addi %mul3A_1050, %add3A_1357 : i32
          %get3A_1359 = arith.index_cast %add3A_1358 : i32 to index
          %get3A_1360 = arith.constant 96 : index
          %get3A_1361 = tpu.vector_load %arg12[%get3A_1359, %get3A_1360] {strides = array<i32>} : memref<64x128xi32, #tpu.memory_space<vmem>>, vector<16xi32>,
          %bitcast3A_1362 = vector.bitcast %get3A_1361 : vector<16xi32> to vector<32xbf16>
          %mul3A_1363 = arith.mulf %bitcast3A_1362, %pack3A_1073 : vector<32xbf16>
          %add3A_1364 = arith.constant 3 : i32
          %add3A_1365 = arith.addi %mul3A_1050, %add3A_1364 : i32
          %get3A_1366 = arith.index_cast %add3A_1365 : i32 to index
          %get3A_1367 = arith.constant 96 : index
          %get3A_1368 = tpu.vector_load %arg12[%get3A_1366, %get3A_1367] {strides = array<i32>} : memref<64x128xi32, #tpu.memory_space<vmem>>, vector<16xi32>,
          %bitcast3A_1369 = vector.bitcast %get3A_1368 : vector<16xi32> to vector<32xbf16>
          %mul3A_1370 = arith.mulf %bitcast3A_1369, %pack3A_1074 : vector<32xbf16>
          %add3A_1371 = arith.addf %mul3A_1349, %mul3A_1356 : vector<32xbf16>
          %add3A_1372 = arith.addf %mul3A_1363, %mul3A_1370 : vector<32xbf16>
          %add3A_1373 = arith.addf %add3A_1371, %add3A_1372 : vector<32xbf16>
          %unpack3A_1374 = tpu.unpack_subelements %add3A_1373, 0 {pack_format = #tpu.pack_format<interleaved>} : vector<32xbf16> -> vector<16xf32>
          %unpack3A_1375 = tpu.unpack_subelements %add3A_1373, 1 {pack_format = #tpu.pack_format<interleaved>} : vector<32xbf16> -> vector<16xf32>
          %mul3A_1376 = arith.constant 256 : i32
          %mul3A_1377 = arith.muli %scan3A_1048, %mul3A_1376 : i32
          %add3A_1378 = arith.constant 96 : i32
          %add3A_1379 = arith.addi %mul3A_1377, %add3A_1378 : i32
          %swap3A_1380 = arith.index_cast %add3A_1379 : i32 to index
          %swap3A_1381 = tpu.vector_load %arg14[%swap3A_1380] {strides = array<i32>} : memref<4096xf32, #tpu.memory_space<vmem>>, vector<16xf32>,
          tpu.vector_store %arg14[%swap3A_1380], %unpack3A_1374 {strides = array<i32>} : memref<4096xf32, #tpu.memory_space<vmem>>, vector<16xf32>,
          %mul3A_1382 = arith.constant 256 : i32
          %mul3A_1383 = arith.muli %scan3A_1048, %mul3A_1382 : i32
          %add3A_1384 = arith.constant 128 : i32
          %add3A_1385 = arith.addi %mul3A_1383, %add3A_1384 : i32
          %add3A_1386 = arith.constant 96 : i32
          %add3A_1387 = arith.addi %add3A_1385, %add3A_1386 : i32
          %swap3A_1388 = arith.index_cast %add3A_1387 : i32 to index
          %swap3A_1389 = tpu.vector_load %arg14[%swap3A_1388] {strides = array<i32>} : memref<4096xf32, #tpu.memory_space<vmem>>, vector<16xf32>,
          tpu.vector_store %arg14[%swap3A_1388], %unpack3A_1375 {strides = array<i32>} : memref<4096xf32, #tpu.memory_space<vmem>>, vector<16xf32>,
          %get3A_1390 = arith.index_cast %mul3A_1050 : i32 to index
          %get3A_1391 = arith.constant 112 : index
          %get3A_1392 = tpu.vector_load %arg12[%get3A_1390, %get3A_1391] {strides = array<i32>} : memref<64x128xi32, #tpu.memory_space<vmem>>, vector<16xi32>,
          %bitcast3A_1393 = vector.bitcast %get3A_1392 : vector<16xi32> to vector<32xbf16>
          %mul3A_1394 = arith.mulf %bitcast3A_1393, %pack3A_1071 : vector<32xbf16>
          %add3A_1395 = arith.constant 1 : i32
          %add3A_1396 = arith.addi %mul3A_1050, %add3A_1395 : i32
          %get3A_1397 = arith.index_cast %add3A_1396 : i32 to index
          %get3A_1398 = arith.constant 112 : index
          %get3A_1399 = tpu.vector_load %arg12[%get3A_1397, %get3A_1398] {strides = array<i32>} : memref<64x128xi32, #tpu.memory_space<vmem>>, vector<16xi32>,
          %bitcast3A_1400 = vector.bitcast %get3A_1399 : vector<16xi32> to vector<32xbf16>
          %mul3A_1401 = arith.mulf %bitcast3A_1400, %pack3A_1072 : vector<32xbf16>
          %add3A_1402 = arith.constant 2 : i32
          %add3A_1403 = arith.addi %mul3A_1050, %add3A_1402 : i32
          %get3A_1404 = arith.index_cast %add3A_1403 : i32 to index
          %get3A_1405 = arith.constant 112 : index
          %get3A_1406 = tpu.vector_load %arg12[%get3A_1404, %get3A_1405] {strides = array<i32>} : memref<64x128xi32, #tpu.memory_space<vmem>>, vector<16xi32>,
          %bitcast3A_1407 = vector.bitcast %get3A_1406 : vector<16xi32> to vector<32xbf16>
          %mul3A_1408 = arith.mulf %bitcast3A_1407, %pack3A_1073 : vector<32xbf16>
          %add3A_1409 = arith.constant 3 : i32
          %add3A_1410 = arith.addi %mul3A_1050, %add3A_1409 : i32
          %get3A_1411 = arith.index_cast %add3A_1410 : i32 to index
          %get3A_1412 = arith.constant 112 : index
          %get3A_1413 = tpu.vector_load %arg12[%get3A_1411, %get3A_1412] {strides = array<i32>} : memref<64x128xi32, #tpu.memory_space<vmem>>, vector<16xi32>,
          %bitcast3A_1414 = vector.bitcast %get3A_1413 : vector<16xi32> to vector<32xbf16>
          %mul3A_1415 = arith.mulf %bitcast3A_1414, %pack3A_1074 : vector<32xbf16>
          %add3A_1416 = arith.addf %mul3A_1394, %mul3A_1401 : vector<32xbf16>
          %add3A_1417 = arith.addf %mul3A_1408, %mul3A_1415 : vector<32xbf16>
          %add3A_1418 = arith.addf %add3A_1416, %add3A_1417 : vector<32xbf16>
          %unpack3A_1419 = tpu.unpack_subelements %add3A_1418, 0 {pack_format = #tpu.pack_format<interleaved>} : vector<32xbf16> -> vector<16xf32>
          %unpack3A_1420 = tpu.unpack_subelements %add3A_1418, 1 {pack_format = #tpu.pack_format<interleaved>} : vector<32xbf16> -> vector<16xf32>
          %mul3A_1421 = arith.constant 256 : i32
          %mul3A_1422 = arith.muli %scan3A_1048, %mul3A_1421 : i32
          %add3A_1423 = arith.constant 112 : i32
          %add3A_1424 = arith.addi %mul3A_1422, %add3A_1423 : i32
          %swap3A_1425 = arith.index_cast %add3A_1424 : i32 to index
          %swap3A_1426 = tpu.vector_load %arg14[%swap3A_1425] {strides = array<i32>} : memref<4096xf32, #tpu.memory_space<vmem>>, vector<16xf32>,
          tpu.vector_store %arg14[%swap3A_1425], %unpack3A_1419 {strides = array<i32>} : memref<4096xf32, #tpu.memory_space<vmem>>, vector<16xf32>,
          %mul3A_1427 = arith.constant 256 : i32
          %mul3A_1428 = arith.muli %scan3A_1048, %mul3A_1427 : i32
          %add3A_1429 = arith.constant 128 : i32
          %add3A_1430 = arith.addi %mul3A_1428, %add3A_1429 : i32
          %add3A_1431 = arith.constant 112 : i32
          %add3A_1432 = arith.addi %add3A_1430, %add3A_1431 : i32
          %swap3A_1433 = arith.index_cast %add3A_1432 : i32 to index
          %swap3A_1434 = tpu.vector_load %arg14[%swap3A_1433] {strides = array<i32>} : memref<4096xf32, #tpu.memory_space<vmem>>, vector<16xf32>,
          tpu.vector_store %arg14[%swap3A_1433], %unpack3A_1420 {strides = array<i32>} : memref<4096xf32, #tpu.memory_space<vmem>>, vector<16xf32>,
          %scan3A_1435 = arith.constant 3 : i32
          %scan3A_1436 = arith.addi %scan3A_278, %scan3A_1435 : i32
          %mul3A_1437 = arith.constant 4 : i32
          %mul3A_1438 = arith.muli %scan3A_1436, %mul3A_1437 : i32
          %broadcast_in_dim3A_1439 = arith.constant 0 : i32
          %broadcast_in_dim3A_1440 = vector.broadcast %broadcast_in_dim3A_1439 : i32 to vector<16xi32>
          %add3A_1441 = vector.broadcast %mul3A_1438 : i32 to vector<16xi32>
          %add3A_1442 = arith.addi %broadcast_in_dim3A_1440, %add3A_1441 : vector<16xi32>
          %gather3A_1443 = tpu.vector_load_idx %arg10[%add3A_1442] : memref<64xf32, #tpu.memory_space<vmem>>[vector<16xi32>], vector<16xf32>,
          %broadcast_in_dim3A_1444 = arith.constant 1 : i32
          %broadcast_in_dim3A_1445 = vector.broadcast %broadcast_in_dim3A_1444 : i32 to vector<16xi32>
          %add3A_1446 = vector.broadcast %mul3A_1438 : i32 to vector<16xi32>
          %add3A_1447 = arith.addi %broadcast_in_dim3A_1445, %add3A_1446 : vector<16xi32>
          %gather3A_1448 = tpu.vector_load_idx %arg10[%add3A_1447] : memref<64xf32, #tpu.memory_space<vmem>>[vector<16xi32>], vector<16xf32>,
          %broadcast_in_dim3A_1449 = arith.constant 2 : i32
          %broadcast_in_dim3A_1450 = vector.broadcast %broadcast_in_dim3A_1449 : i32 to vector<16xi32>
          %add3A_1451 = vector.broadcast %mul3A_1438 : i32 to vector<16xi32>
          %add3A_1452 = arith.addi %broadcast_in_dim3A_1450, %add3A_1451 : vector<16xi32>
          %gather3A_1453 = tpu.vector_load_idx %arg10[%add3A_1452] : memref<64xf32, #tpu.memory_space<vmem>>[vector<16xi32>], vector<16xf32>,
          %broadcast_in_dim3A_1454 = arith.constant 3 : i32
          %broadcast_in_dim3A_1455 = vector.broadcast %broadcast_in_dim3A_1454 : i32 to vector<16xi32>
          %add3A_1456 = vector.broadcast %mul3A_1438 : i32 to vector<16xi32>
          %add3A_1457 = arith.addi %broadcast_in_dim3A_1455, %add3A_1456 : vector<16xi32>
          %gather3A_1458 = tpu.vector_load_idx %arg10[%add3A_1457] : memref<64xf32, #tpu.memory_space<vmem>>[vector<16xi32>], vector<16xf32>,
          %pack3A_1459 = tpu.pack_subelements %gather3A_1443, %gather3A_1443 {pack_format = #tpu.pack_format<interleaved>, positions = array<i32: 0, 1>} : vector<16xf32>, vector<16xf32> -> vector<32xbf16>
          %pack3A_1460 = tpu.pack_subelements %gather3A_1448, %gather3A_1448 {pack_format = #tpu.pack_format<interleaved>, positions = array<i32: 0, 1>} : vector<16xf32>, vector<16xf32> -> vector<32xbf16>
          %pack3A_1461 = tpu.pack_subelements %gather3A_1453, %gather3A_1453 {pack_format = #tpu.pack_format<interleaved>, positions = array<i32: 0, 1>} : vector<16xf32>, vector<16xf32> -> vector<32xbf16>
          %pack3A_1462 = tpu.pack_subelements %gather3A_1458, %gather3A_1458 {pack_format = #tpu.pack_format<interleaved>, positions = array<i32: 0, 1>} : vector<16xf32>, vector<16xf32> -> vector<32xbf16>
          %get3A_1463 = arith.index_cast %mul3A_1438 : i32 to index
          %get3A_1464 = arith.constant 0 : index
          %get3A_1465 = tpu.vector_load %arg12[%get3A_1463, %get3A_1464] {strides = array<i32>} : memref<64x128xi32, #tpu.memory_space<vmem>>, vector<16xi32>,
          %bitcast3A_1466 = vector.bitcast %get3A_1465 : vector<16xi32> to vector<32xbf16>
          %mul3A_1467 = arith.mulf %bitcast3A_1466, %pack3A_1459 : vector<32xbf16>
          %add3A_1468 = arith.constant 1 : i32
          %add3A_1469 = arith.addi %mul3A_1438, %add3A_1468 : i32
          %get3A_1470 = arith.index_cast %add3A_1469 : i32 to index
          %get3A_1471 = arith.constant 0 : index
          %get3A_1472 = tpu.vector_load %arg12[%get3A_1470, %get3A_1471] {strides = array<i32>} : memref<64x128xi32, #tpu.memory_space<vmem>>, vector<16xi32>,
          %bitcast3A_1473 = vector.bitcast %get3A_1472 : vector<16xi32> to vector<32xbf16>
          %mul3A_1474 = arith.mulf %bitcast3A_1473, %pack3A_1460 : vector<32xbf16>
          %add3A_1475 = arith.constant 2 : i32
          %add3A_1476 = arith.addi %mul3A_1438, %add3A_1475 : i32
          %get3A_1477 = arith.index_cast %add3A_1476 : i32 to index
          %get3A_1478 = arith.constant 0 : index
          %get3A_1479 = tpu.vector_load %arg12[%get3A_1477, %get3A_1478] {strides = array<i32>} : memref<64x128xi32, #tpu.memory_space<vmem>>, vector<16xi32>,
          %bitcast3A_1480 = vector.bitcast %get3A_1479 : vector<16xi32> to vector<32xbf16>
          %mul3A_1481 = arith.mulf %bitcast3A_1480, %pack3A_1461 : vector<32xbf16>
          %add3A_1482 = arith.constant 3 : i32
          %add3A_1483 = arith.addi %mul3A_1438, %add3A_1482 : i32
          %get3A_1484 = arith.index_cast %add3A_1483 : i32 to index
          %get3A_1485 = arith.constant 0 : index
          %get3A_1486 = tpu.vector_load %arg12[%get3A_1484, %get3A_1485] {strides = array<i32>} : memref<64x128xi32, #tpu.memory_space<vmem>>, vector<16xi32>,
          %bitcast3A_1487 = vector.bitcast %get3A_1486 : vector<16xi32> to vector<32xbf16>
          %mul3A_1488 = arith.mulf %bitcast3A_1487, %pack3A_1462 : vector<32xbf16>
          %add3A_1489 = arith.addf %mul3A_1467, %mul3A_1474 : vector<32xbf16>
          %add3A_1490 = arith.addf %mul3A_1481, %mul3A_1488 : vector<32xbf16>
          %add3A_1491 = arith.addf %add3A_1489, %add3A_1490 : vector<32xbf16>
          %unpack3A_1492 = tpu.unpack_subelements %add3A_1491, 0 {pack_format = #tpu.pack_format<interleaved>} : vector<32xbf16> -> vector<16xf32>
          %unpack3A_1493 = tpu.unpack_subelements %add3A_1491, 1 {pack_format = #tpu.pack_format<interleaved>} : vector<32xbf16> -> vector<16xf32>
          %mul3A_1494 = arith.constant 256 : i32
          %mul3A_1495 = arith.muli %scan3A_1436, %mul3A_1494 : i32
          %add3A_1496 = arith.constant 0 : i32
          %add3A_1497 = arith.addi %mul3A_1495, %add3A_1496 : i32
          %swap3A_1498 = arith.index_cast %add3A_1497 : i32 to index
          %swap3A_1499 = tpu.vector_load %arg14[%swap3A_1498] {strides = array<i32>} : memref<4096xf32, #tpu.memory_space<vmem>>, vector<16xf32>,
          tpu.vector_store %arg14[%swap3A_1498], %unpack3A_1492 {strides = array<i32>} : memref<4096xf32, #tpu.memory_space<vmem>>, vector<16xf32>,
          %mul3A_1500 = arith.constant 256 : i32
          %mul3A_1501 = arith.muli %scan3A_1436, %mul3A_1500 : i32
          %add3A_1502 = arith.constant 128 : i32
          %add3A_1503 = arith.addi %mul3A_1501, %add3A_1502 : i32
          %add3A_1504 = arith.constant 0 : i32
          %add3A_1505 = arith.addi %add3A_1503, %add3A_1504 : i32
          %swap3A_1506 = arith.index_cast %add3A_1505 : i32 to index
          %swap3A_1507 = tpu.vector_load %arg14[%swap3A_1506] {strides = array<i32>} : memref<4096xf32, #tpu.memory_space<vmem>>, vector<16xf32>,
          tpu.vector_store %arg14[%swap3A_1506], %unpack3A_1493 {strides = array<i32>} : memref<4096xf32, #tpu.memory_space<vmem>>, vector<16xf32>,
          %get3A_1508 = arith.index_cast %mul3A_1438 : i32 to index
          %get3A_1509 = arith.constant 16 : index
          %get3A_1510 = tpu.vector_load %arg12[%get3A_1508, %get3A_1509] {strides = array<i32>} : memref<64x128xi32, #tpu.memory_space<vmem>>, vector<16xi32>,
          %bitcast3A_1511 = vector.bitcast %get3A_1510 : vector<16xi32> to vector<32xbf16>
          %mul3A_1512 = arith.mulf %bitcast3A_1511, %pack3A_1459 : vector<32xbf16>
          %add3A_1513 = arith.constant 1 : i32
          %add3A_1514 = arith.addi %mul3A_1438, %add3A_1513 : i32
          %get3A_1515 = arith.index_cast %add3A_1514 : i32 to index
          %get3A_1516 = arith.constant 16 : index
          %get3A_1517 = tpu.vector_load %arg12[%get3A_1515, %get3A_1516] {strides = array<i32>} : memref<64x128xi32, #tpu.memory_space<vmem>>, vector<16xi32>,
          %bitcast3A_1518 = vector.bitcast %get3A_1517 : vector<16xi32> to vector<32xbf16>
          %mul3A_1519 = arith.mulf %bitcast3A_1518, %pack3A_1460 : vector<32xbf16>
          %add3A_1520 = arith.constant 2 : i32
          %add3A_1521 = arith.addi %mul3A_1438, %add3A_1520 : i32
          %get3A_1522 = arith.index_cast %add3A_1521 : i32 to index
          %get3A_1523 = arith.constant 16 : index
          %get3A_1524 = tpu.vector_load %arg12[%get3A_1522, %get3A_1523] {strides = array<i32>} : memref<64x128xi32, #tpu.memory_space<vmem>>, vector<16xi32>,
          %bitcast3A_1525 = vector.bitcast %get3A_1524 : vector<16xi32> to vector<32xbf16>
          %mul3A_1526 = arith.mulf %bitcast3A_1525, %pack3A_1461 : vector<32xbf16>
          %add3A_1527 = arith.constant 3 : i32
          %add3A_1528 = arith.addi %mul3A_1438, %add3A_1527 : i32
          %get3A_1529 = arith.index_cast %add3A_1528 : i32 to index
          %get3A_1530 = arith.constant 16 : index
          %get3A_1531 = tpu.vector_load %arg12[%get3A_1529, %get3A_1530] {strides = array<i32>} : memref<64x128xi32, #tpu.memory_space<vmem>>, vector<16xi32>,
          %bitcast3A_1532 = vector.bitcast %get3A_1531 : vector<16xi32> to vector<32xbf16>
          %mul3A_1533 = arith.mulf %bitcast3A_1532, %pack3A_1462 : vector<32xbf16>
          %add3A_1534 = arith.addf %mul3A_1512, %mul3A_1519 : vector<32xbf16>
          %add3A_1535 = arith.addf %mul3A_1526, %mul3A_1533 : vector<32xbf16>
          %add3A_1536 = arith.addf %add3A_1534, %add3A_1535 : vector<32xbf16>
          %unpack3A_1537 = tpu.unpack_subelements %add3A_1536, 0 {pack_format = #tpu.pack_format<interleaved>} : vector<32xbf16> -> vector<16xf32>
          %unpack3A_1538 = tpu.unpack_subelements %add3A_1536, 1 {pack_format = #tpu.pack_format<interleaved>} : vector<32xbf16> -> vector<16xf32>
          %mul3A_1539 = arith.constant 256 : i32
          %mul3A_1540 = arith.muli %scan3A_1436, %mul3A_1539 : i32
          %add3A_1541 = arith.constant 16 : i32
          %add3A_1542 = arith.addi %mul3A_1540, %add3A_1541 : i32
          %swap3A_1543 = arith.index_cast %add3A_1542 : i32 to index
          %swap3A_1544 = tpu.vector_load %arg14[%swap3A_1543] {strides = array<i32>} : memref<4096xf32, #tpu.memory_space<vmem>>, vector<16xf32>,
          tpu.vector_store %arg14[%swap3A_1543], %unpack3A_1537 {strides = array<i32>} : memref<4096xf32, #tpu.memory_space<vmem>>, vector<16xf32>,
          %mul3A_1545 = arith.constant 256 : i32
          %mul3A_1546 = arith.muli %scan3A_1436, %mul3A_1545 : i32
          %add3A_1547 = arith.constant 128 : i32
          %add3A_1548 = arith.addi %mul3A_1546, %add3A_1547 : i32
          %add3A_1549 = arith.constant 16 : i32
          %add3A_1550 = arith.addi %add3A_1548, %add3A_1549 : i32
          %swap3A_1551 = arith.index_cast %add3A_1550 : i32 to index
          %swap3A_1552 = tpu.vector_load %arg14[%swap3A_1551] {strides = array<i32>} : memref<4096xf32, #tpu.memory_space<vmem>>, vector<16xf32>,
          tpu.vector_store %arg14[%swap3A_1551], %unpack3A_1538 {strides = array<i32>} : memref<4096xf32, #tpu.memory_space<vmem>>, vector<16xf32>,
          %get3A_1553 = arith.index_cast %mul3A_1438 : i32 to index
          %get3A_1554 = arith.constant 32 : index
          %get3A_1555 = tpu.vector_load %arg12[%get3A_1553, %get3A_1554] {strides = array<i32>} : memref<64x128xi32, #tpu.memory_space<vmem>>, vector<16xi32>,
          %bitcast3A_1556 = vector.bitcast %get3A_1555 : vector<16xi32> to vector<32xbf16>
          %mul3A_1557 = arith.mulf %bitcast3A_1556, %pack3A_1459 : vector<32xbf16>
          %add3A_1558 = arith.constant 1 : i32
          %add3A_1559 = arith.addi %mul3A_1438, %add3A_1558 : i32
          %get3A_1560 = arith.index_cast %add3A_1559 : i32 to index
          %get3A_1561 = arith.constant 32 : index
          %get3A_1562 = tpu.vector_load %arg12[%get3A_1560, %get3A_1561] {strides = array<i32>} : memref<64x128xi32, #tpu.memory_space<vmem>>, vector<16xi32>,
          %bitcast3A_1563 = vector.bitcast %get3A_1562 : vector<16xi32> to vector<32xbf16>
          %mul3A_1564 = arith.mulf %bitcast3A_1563, %pack3A_1460 : vector<32xbf16>
          %add3A_1565 = arith.constant 2 : i32
          %add3A_1566 = arith.addi %mul3A_1438, %add3A_1565 : i32
          %get3A_1567 = arith.index_cast %add3A_1566 : i32 to index
          %get3A_1568 = arith.constant 32 : index
          %get3A_1569 = tpu.vector_load %arg12[%get3A_1567, %get3A_1568] {strides = array<i32>} : memref<64x128xi32, #tpu.memory_space<vmem>>, vector<16xi32>,
          %bitcast3A_1570 = vector.bitcast %get3A_1569 : vector<16xi32> to vector<32xbf16>
          %mul3A_1571 = arith.mulf %bitcast3A_1570, %pack3A_1461 : vector<32xbf16>
          %add3A_1572 = arith.constant 3 : i32
          %add3A_1573 = arith.addi %mul3A_1438, %add3A_1572 : i32
          %get3A_1574 = arith.index_cast %add3A_1573 : i32 to index
          %get3A_1575 = arith.constant 32 : index
          %get3A_1576 = tpu.vector_load %arg12[%get3A_1574, %get3A_1575] {strides = array<i32>} : memref<64x128xi32, #tpu.memory_space<vmem>>, vector<16xi32>,
          %bitcast3A_1577 = vector.bitcast %get3A_1576 : vector<16xi32> to vector<32xbf16>
          %mul3A_1578 = arith.mulf %bitcast3A_1577, %pack3A_1462 : vector<32xbf16>
          %add3A_1579 = arith.addf %mul3A_1557, %mul3A_1564 : vector<32xbf16>
          %add3A_1580 = arith.addf %mul3A_1571, %mul3A_1578 : vector<32xbf16>
          %add3A_1581 = arith.addf %add3A_1579, %add3A_1580 : vector<32xbf16>
          %unpack3A_1582 = tpu.unpack_subelements %add3A_1581, 0 {pack_format = #tpu.pack_format<interleaved>} : vector<32xbf16> -> vector<16xf32>
          %unpack3A_1583 = tpu.unpack_subelements %add3A_1581, 1 {pack_format = #tpu.pack_format<interleaved>} : vector<32xbf16> -> vector<16xf32>
          %mul3A_1584 = arith.constant 256 : i32
          %mul3A_1585 = arith.muli %scan3A_1436, %mul3A_1584 : i32
          %add3A_1586 = arith.constant 32 : i32
          %add3A_1587 = arith.addi %mul3A_1585, %add3A_1586 : i32
          %swap3A_1588 = arith.index_cast %add3A_1587 : i32 to index
          %swap3A_1589 = tpu.vector_load %arg14[%swap3A_1588] {strides = array<i32>} : memref<4096xf32, #tpu.memory_space<vmem>>, vector<16xf32>,
          tpu.vector_store %arg14[%swap3A_1588], %unpack3A_1582 {strides = array<i32>} : memref<4096xf32, #tpu.memory_space<vmem>>, vector<16xf32>,
          %mul3A_1590 = arith.constant 256 : i32
          %mul3A_1591 = arith.muli %scan3A_1436, %mul3A_1590 : i32
          %add3A_1592 = arith.constant 128 : i32
          %add3A_1593 = arith.addi %mul3A_1591, %add3A_1592 : i32
          %add3A_1594 = arith.constant 32 : i32
          %add3A_1595 = arith.addi %add3A_1593, %add3A_1594 : i32
          %swap3A_1596 = arith.index_cast %add3A_1595 : i32 to index
          %swap3A_1597 = tpu.vector_load %arg14[%swap3A_1596] {strides = array<i32>} : memref<4096xf32, #tpu.memory_space<vmem>>, vector<16xf32>,
          tpu.vector_store %arg14[%swap3A_1596], %unpack3A_1583 {strides = array<i32>} : memref<4096xf32, #tpu.memory_space<vmem>>, vector<16xf32>,
          %get3A_1598 = arith.index_cast %mul3A_1438 : i32 to index
          %get3A_1599 = arith.constant 48 : index
          %get3A_1600 = tpu.vector_load %arg12[%get3A_1598, %get3A_1599] {strides = array<i32>} : memref<64x128xi32, #tpu.memory_space<vmem>>, vector<16xi32>,
          %bitcast3A_1601 = vector.bitcast %get3A_1600 : vector<16xi32> to vector<32xbf16>
          %mul3A_1602 = arith.mulf %bitcast3A_1601, %pack3A_1459 : vector<32xbf16>
          %add3A_1603 = arith.constant 1 : i32
          %add3A_1604 = arith.addi %mul3A_1438, %add3A_1603 : i32
          %get3A_1605 = arith.index_cast %add3A_1604 : i32 to index
          %get3A_1606 = arith.constant 48 : index
          %get3A_1607 = tpu.vector_load %arg12[%get3A_1605, %get3A_1606] {strides = array<i32>} : memref<64x128xi32, #tpu.memory_space<vmem>>, vector<16xi32>,
          %bitcast3A_1608 = vector.bitcast %get3A_1607 : vector<16xi32> to vector<32xbf16>
          %mul3A_1609 = arith.mulf %bitcast3A_1608, %pack3A_1460 : vector<32xbf16>
          %add3A_1610 = arith.constant 2 : i32
          %add3A_1611 = arith.addi %mul3A_1438, %add3A_1610 : i32
          %get3A_1612 = arith.index_cast %add3A_1611 : i32 to index
          %get3A_1613 = arith.constant 48 : index
          %get3A_1614 = tpu.vector_load %arg12[%get3A_1612, %get3A_1613] {strides = array<i32>} : memref<64x128xi32, #tpu.memory_space<vmem>>, vector<16xi32>,
          %bitcast3A_1615 = vector.bitcast %get3A_1614 : vector<16xi32> to vector<32xbf16>
          %mul3A_1616 = arith.mulf %bitcast3A_1615, %pack3A_1461 : vector<32xbf16>
          %add3A_1617 = arith.constant 3 : i32
          %add3A_1618 = arith.addi %mul3A_1438, %add3A_1617 : i32
          %get3A_1619 = arith.index_cast %add3A_1618 : i32 to index
          %get3A_1620 = arith.constant 48 : index
          %get3A_1621 = tpu.vector_load %arg12[%get3A_1619, %get3A_1620] {strides = array<i32>} : memref<64x128xi32, #tpu.memory_space<vmem>>, vector<16xi32>,
          %bitcast3A_1622 = vector.bitcast %get3A_1621 : vector<16xi32> to vector<32xbf16>
          %mul3A_1623 = arith.mulf %bitcast3A_1622, %pack3A_1462 : vector<32xbf16>
          %add3A_1624 = arith.addf %mul3A_1602, %mul3A_1609 : vector<32xbf16>
          %add3A_1625 = arith.addf %mul3A_1616, %mul3A_1623 : vector<32xbf16>
          %add3A_1626 = arith.addf %add3A_1624, %add3A_1625 : vector<32xbf16>
          %unpack3A_1627 = tpu.unpack_subelements %add3A_1626, 0 {pack_format = #tpu.pack_format<interleaved>} : vector<32xbf16> -> vector<16xf32>
          %unpack3A_1628 = tpu.unpack_subelements %add3A_1626, 1 {pack_format = #tpu.pack_format<interleaved>} : vector<32xbf16> -> vector<16xf32>
          %mul3A_1629 = arith.constant 256 : i32
          %mul3A_1630 = arith.muli %scan3A_1436, %mul3A_1629 : i32
          %add3A_1631 = arith.constant 48 : i32
          %add3A_1632 = arith.addi %mul3A_1630, %add3A_1631 : i32
          %swap3A_1633 = arith.index_cast %add3A_1632 : i32 to index
          %swap3A_1634 = tpu.vector_load %arg14[%swap3A_1633] {strides = array<i32>} : memref<4096xf32, #tpu.memory_space<vmem>>, vector<16xf32>,
          tpu.vector_store %arg14[%swap3A_1633], %unpack3A_1627 {strides = array<i32>} : memref<4096xf32, #tpu.memory_space<vmem>>, vector<16xf32>,
          %mul3A_1635 = arith.constant 256 : i32
          %mul3A_1636 = arith.muli %scan3A_1436, %mul3A_1635 : i32
          %add3A_1637 = arith.constant 128 : i32
          %add3A_1638 = arith.addi %mul3A_1636, %add3A_1637 : i32
          %add3A_1639 = arith.constant 48 : i32
          %add3A_1640 = arith.addi %add3A_1638, %add3A_1639 : i32
          %swap3A_1641 = arith.index_cast %add3A_1640 : i32 to index
          %swap3A_1642 = tpu.vector_load %arg14[%swap3A_1641] {strides = array<i32>} : memref<4096xf32, #tpu.memory_space<vmem>>, vector<16xf32>,
          tpu.vector_store %arg14[%swap3A_1641], %unpack3A_1628 {strides = array<i32>} : memref<4096xf32, #tpu.memory_space<vmem>>, vector<16xf32>,
          %get3A_1643 = arith.index_cast %mul3A_1438 : i32 to index
          %get3A_1644 = arith.constant 64 : index
          %get3A_1645 = tpu.vector_load %arg12[%get3A_1643, %get3A_1644] {strides = array<i32>} : memref<64x128xi32, #tpu.memory_space<vmem>>, vector<16xi32>,
          %bitcast3A_1646 = vector.bitcast %get3A_1645 : vector<16xi32> to vector<32xbf16>
          %mul3A_1647 = arith.mulf %bitcast3A_1646, %pack3A_1459 : vector<32xbf16>
          %add3A_1648 = arith.constant 1 : i32
          %add3A_1649 = arith.addi %mul3A_1438, %add3A_1648 : i32
          %get3A_1650 = arith.index_cast %add3A_1649 : i32 to index
          %get3A_1651 = arith.constant 64 : index
          %get3A_1652 = tpu.vector_load %arg12[%get3A_1650, %get3A_1651] {strides = array<i32>} : memref<64x128xi32, #tpu.memory_space<vmem>>, vector<16xi32>,
          %bitcast3A_1653 = vector.bitcast %get3A_1652 : vector<16xi32> to vector<32xbf16>
          %mul3A_1654 = arith.mulf %bitcast3A_1653, %pack3A_1460 : vector<32xbf16>
          %add3A_1655 = arith.constant 2 : i32
          %add3A_1656 = arith.addi %mul3A_1438, %add3A_1655 : i32
          %get3A_1657 = arith.index_cast %add3A_1656 : i32 to index
          %get3A_1658 = arith.constant 64 : index
          %get3A_1659 = tpu.vector_load %arg12[%get3A_1657, %get3A_1658] {strides = array<i32>} : memref<64x128xi32, #tpu.memory_space<vmem>>, vector<16xi32>,
          %bitcast3A_1660 = vector.bitcast %get3A_1659 : vector<16xi32> to vector<32xbf16>
          %mul3A_1661 = arith.mulf %bitcast3A_1660, %pack3A_1461 : vector<32xbf16>
          %add3A_1662 = arith.constant 3 : i32
          %add3A_1663 = arith.addi %mul3A_1438, %add3A_1662 : i32
          %get3A_1664 = arith.index_cast %add3A_1663 : i32 to index
          %get3A_1665 = arith.constant 64 : index
          %get3A_1666 = tpu.vector_load %arg12[%get3A_1664, %get3A_1665] {strides = array<i32>} : memref<64x128xi32, #tpu.memory_space<vmem>>, vector<16xi32>,
          %bitcast3A_1667 = vector.bitcast %get3A_1666 : vector<16xi32> to vector<32xbf16>
          %mul3A_1668 = arith.mulf %bitcast3A_1667, %pack3A_1462 : vector<32xbf16>
          %add3A_1669 = arith.addf %mul3A_1647, %mul3A_1654 : vector<32xbf16>
          %add3A_1670 = arith.addf %mul3A_1661, %mul3A_1668 : vector<32xbf16>
          %add3A_1671 = arith.addf %add3A_1669, %add3A_1670 : vector<32xbf16>
          %unpack3A_1672 = tpu.unpack_subelements %add3A_1671, 0 {pack_format = #tpu.pack_format<interleaved>} : vector<32xbf16> -> vector<16xf32>
          %unpack3A_1673 = tpu.unpack_subelements %add3A_1671, 1 {pack_format = #tpu.pack_format<interleaved>} : vector<32xbf16> -> vector<16xf32>
          %mul3A_1674 = arith.constant 256 : i32
          %mul3A_1675 = arith.muli %scan3A_1436, %mul3A_1674 : i32
          %add3A_1676 = arith.constant 64 : i32
          %add3A_1677 = arith.addi %mul3A_1675, %add3A_1676 : i32
          %swap3A_1678 = arith.index_cast %add3A_1677 : i32 to index
          %swap3A_1679 = tpu.vector_load %arg14[%swap3A_1678] {strides = array<i32>} : memref<4096xf32, #tpu.memory_space<vmem>>, vector<16xf32>,
          tpu.vector_store %arg14[%swap3A_1678], %unpack3A_1672 {strides = array<i32>} : memref<4096xf32, #tpu.memory_space<vmem>>, vector<16xf32>,
          %mul3A_1680 = arith.constant 256 : i32
          %mul3A_1681 = arith.muli %scan3A_1436, %mul3A_1680 : i32
          %add3A_1682 = arith.constant 128 : i32
          %add3A_1683 = arith.addi %mul3A_1681, %add3A_1682 : i32
          %add3A_1684 = arith.constant 64 : i32
          %add3A_1685 = arith.addi %add3A_1683, %add3A_1684 : i32
          %swap3A_1686 = arith.index_cast %add3A_1685 : i32 to index
          %swap3A_1687 = tpu.vector_load %arg14[%swap3A_1686] {strides = array<i32>} : memref<4096xf32, #tpu.memory_space<vmem>>, vector<16xf32>,
          tpu.vector_store %arg14[%swap3A_1686], %unpack3A_1673 {strides = array<i32>} : memref<4096xf32, #tpu.memory_space<vmem>>, vector<16xf32>,
          %get3A_1688 = arith.index_cast %mul3A_1438 : i32 to index
          %get3A_1689 = arith.constant 80 : index
          %get3A_1690 = tpu.vector_load %arg12[%get3A_1688, %get3A_1689] {strides = array<i32>} : memref<64x128xi32, #tpu.memory_space<vmem>>, vector<16xi32>,
          %bitcast3A_1691 = vector.bitcast %get3A_1690 : vector<16xi32> to vector<32xbf16>
          %mul3A_1692 = arith.mulf %bitcast3A_1691, %pack3A_1459 : vector<32xbf16>
          %add3A_1693 = arith.constant 1 : i32
          %add3A_1694 = arith.addi %mul3A_1438, %add3A_1693 : i32
          %get3A_1695 = arith.index_cast %add3A_1694 : i32 to index
          %get3A_1696 = arith.constant 80 : index
          %get3A_1697 = tpu.vector_load %arg12[%get3A_1695, %get3A_1696] {strides = array<i32>} : memref<64x128xi32, #tpu.memory_space<vmem>>, vector<16xi32>,
          %bitcast3A_1698 = vector.bitcast %get3A_1697 : vector<16xi32> to vector<32xbf16>
          %mul3A_1699 = arith.mulf %bitcast3A_1698, %pack3A_1460 : vector<32xbf16>
          %add3A_1700 = arith.constant 2 : i32
          %add3A_1701 = arith.addi %mul3A_1438, %add3A_1700 : i32
          %get3A_1702 = arith.index_cast %add3A_1701 : i32 to index
          %get3A_1703 = arith.constant 80 : index
          %get3A_1704 = tpu.vector_load %arg12[%get3A_1702, %get3A_1703] {strides = array<i32>} : memref<64x128xi32, #tpu.memory_space<vmem>>, vector<16xi32>,
          %bitcast3A_1705 = vector.bitcast %get3A_1704 : vector<16xi32> to vector<32xbf16>
          %mul3A_1706 = arith.mulf %bitcast3A_1705, %pack3A_1461 : vector<32xbf16>
          %add3A_1707 = arith.constant 3 : i32
          %add3A_1708 = arith.addi %mul3A_1438, %add3A_1707 : i32
          %get3A_1709 = arith.index_cast %add3A_1708 : i32 to index
          %get3A_1710 = arith.constant 80 : index
          %get3A_1711 = tpu.vector_load %arg12[%get3A_1709, %get3A_1710] {strides = array<i32>} : memref<64x128xi32, #tpu.memory_space<vmem>>, vector<16xi32>,
          %bitcast3A_1712 = vector.bitcast %get3A_1711 : vector<16xi32> to vector<32xbf16>
          %mul3A_1713 = arith.mulf %bitcast3A_1712, %pack3A_1462 : vector<32xbf16>
          %add3A_1714 = arith.addf %mul3A_1692, %mul3A_1699 : vector<32xbf16>
          %add3A_1715 = arith.addf %mul3A_1706, %mul3A_1713 : vector<32xbf16>
          %add3A_1716 = arith.addf %add3A_1714, %add3A_1715 : vector<32xbf16>
          %unpack3A_1717 = tpu.unpack_subelements %add3A_1716, 0 {pack_format = #tpu.pack_format<interleaved>} : vector<32xbf16> -> vector<16xf32>
          %unpack3A_1718 = tpu.unpack_subelements %add3A_1716, 1 {pack_format = #tpu.pack_format<interleaved>} : vector<32xbf16> -> vector<16xf32>
          %mul3A_1719 = arith.constant 256 : i32
          %mul3A_1720 = arith.muli %scan3A_1436, %mul3A_1719 : i32
          %add3A_1721 = arith.constant 80 : i32
          %add3A_1722 = arith.addi %mul3A_1720, %add3A_1721 : i32
          %swap3A_1723 = arith.index_cast %add3A_1722 : i32 to index
          %swap3A_1724 = tpu.vector_load %arg14[%swap3A_1723] {strides = array<i32>} : memref<4096xf32, #tpu.memory_space<vmem>>, vector<16xf32>,
          tpu.vector_store %arg14[%swap3A_1723], %unpack3A_1717 {strides = array<i32>} : memref<4096xf32, #tpu.memory_space<vmem>>, vector<16xf32>,
          %mul3A_1725 = arith.constant 256 : i32
          %mul3A_1726 = arith.muli %scan3A_1436, %mul3A_1725 : i32
          %add3A_1727 = arith.constant 128 : i32
          %add3A_1728 = arith.addi %mul3A_1726, %add3A_1727 : i32
          %add3A_1729 = arith.constant 80 : i32
          %add3A_1730 = arith.addi %add3A_1728, %add3A_1729 : i32
          %swap3A_1731 = arith.index_cast %add3A_1730 : i32 to index
          %swap3A_1732 = tpu.vector_load %arg14[%swap3A_1731] {strides = array<i32>} : memref<4096xf32, #tpu.memory_space<vmem>>, vector<16xf32>,
          tpu.vector_store %arg14[%swap3A_1731], %unpack3A_1718 {strides = array<i32>} : memref<4096xf32, #tpu.memory_space<vmem>>, vector<16xf32>,
          %get3A_1733 = arith.index_cast %mul3A_1438 : i32 to index
          %get3A_1734 = arith.constant 96 : index
          %get3A_1735 = tpu.vector_load %arg12[%get3A_1733, %get3A_1734] {strides = array<i32>} : memref<64x128xi32, #tpu.memory_space<vmem>>, vector<16xi32>,
          %bitcast3A_1736 = vector.bitcast %get3A_1735 : vector<16xi32> to vector<32xbf16>
          %mul3A_1737 = arith.mulf %bitcast3A_1736, %pack3A_1459 : vector<32xbf16>
          %add3A_1738 = arith.constant 1 : i32
          %add3A_1739 = arith.addi %mul3A_1438, %add3A_1738 : i32
          %get3A_1740 = arith.index_cast %add3A_1739 : i32 to index
          %get3A_1741 = arith.constant 96 : index
          %get3A_1742 = tpu.vector_load %arg12[%get3A_1740, %get3A_1741] {strides = array<i32>} : memref<64x128xi32, #tpu.memory_space<vmem>>, vector<16xi32>,
          %bitcast3A_1743 = vector.bitcast %get3A_1742 : vector<16xi32> to vector<32xbf16>
          %mul3A_1744 = arith.mulf %bitcast3A_1743, %pack3A_1460 : vector<32xbf16>
          %add3A_1745 = arith.constant 2 : i32
          %add3A_1746 = arith.addi %mul3A_1438, %add3A_1745 : i32
          %get3A_1747 = arith.index_cast %add3A_1746 : i32 to index
          %get3A_1748 = arith.constant 96 : index
          %get3A_1749 = tpu.vector_load %arg12[%get3A_1747, %get3A_1748] {strides = array<i32>} : memref<64x128xi32, #tpu.memory_space<vmem>>, vector<16xi32>,
          %bitcast3A_1750 = vector.bitcast %get3A_1749 : vector<16xi32> to vector<32xbf16>
          %mul3A_1751 = arith.mulf %bitcast3A_1750, %pack3A_1461 : vector<32xbf16>
          %add3A_1752 = arith.constant 3 : i32
          %add3A_1753 = arith.addi %mul3A_1438, %add3A_1752 : i32
          %get3A_1754 = arith.index_cast %add3A_1753 : i32 to index
          %get3A_1755 = arith.constant 96 : index
          %get3A_1756 = tpu.vector_load %arg12[%get3A_1754, %get3A_1755] {strides = array<i32>} : memref<64x128xi32, #tpu.memory_space<vmem>>, vector<16xi32>,
          %bitcast3A_1757 = vector.bitcast %get3A_1756 : vector<16xi32> to vector<32xbf16>
          %mul3A_1758 = arith.mulf %bitcast3A_1757, %pack3A_1462 : vector<32xbf16>
          %add3A_1759 = arith.addf %mul3A_1737, %mul3A_1744 : vector<32xbf16>
          %add3A_1760 = arith.addf %mul3A_1751, %mul3A_1758 : vector<32xbf16>
          %add3A_1761 = arith.addf %add3A_1759, %add3A_1760 : vector<32xbf16>
          %unpack3A_1762 = tpu.unpack_subelements %add3A_1761, 0 {pack_format = #tpu.pack_format<interleaved>} : vector<32xbf16> -> vector<16xf32>
          %unpack3A_1763 = tpu.unpack_subelements %add3A_1761, 1 {pack_format = #tpu.pack_format<interleaved>} : vector<32xbf16> -> vector<16xf32>
          %mul3A_1764 = arith.constant 256 : i32
          %mul3A_1765 = arith.muli %scan3A_1436, %mul3A_1764 : i32
          %add3A_1766 = arith.constant 96 : i32
          %add3A_1767 = arith.addi %mul3A_1765, %add3A_1766 : i32
          %swap3A_1768 = arith.index_cast %add3A_1767 : i32 to index
          %swap3A_1769 = tpu.vector_load %arg14[%swap3A_1768] {strides = array<i32>} : memref<4096xf32, #tpu.memory_space<vmem>>, vector<16xf32>,
          tpu.vector_store %arg14[%swap3A_1768], %unpack3A_1762 {strides = array<i32>} : memref<4096xf32, #tpu.memory_space<vmem>>, vector<16xf32>,
          %mul3A_1770 = arith.constant 256 : i32
          %mul3A_1771 = arith.muli %scan3A_1436, %mul3A_1770 : i32
          %add3A_1772 = arith.constant 128 : i32
          %add3A_1773 = arith.addi %mul3A_1771, %add3A_1772 : i32
          %add3A_1774 = arith.constant 96 : i32
          %add3A_1775 = arith.addi %add3A_1773, %add3A_1774 : i32
          %swap3A_1776 = arith.index_cast %add3A_1775 : i32 to index
          %swap3A_1777 = tpu.vector_load %arg14[%swap3A_1776] {strides = array<i32>} : memref<4096xf32, #tpu.memory_space<vmem>>, vector<16xf32>,
          tpu.vector_store %arg14[%swap3A_1776], %unpack3A_1763 {strides = array<i32>} : memref<4096xf32, #tpu.memory_space<vmem>>, vector<16xf32>,
          %get3A_1778 = arith.index_cast %mul3A_1438 : i32 to index
          %get3A_1779 = arith.constant 112 : index
          %get3A_1780 = tpu.vector_load %arg12[%get3A_1778, %get3A_1779] {strides = array<i32>} : memref<64x128xi32, #tpu.memory_space<vmem>>, vector<16xi32>,
          %bitcast3A_1781 = vector.bitcast %get3A_1780 : vector<16xi32> to vector<32xbf16>
          %mul3A_1782 = arith.mulf %bitcast3A_1781, %pack3A_1459 : vector<32xbf16>
          %add3A_1783 = arith.constant 1 : i32
          %add3A_1784 = arith.addi %mul3A_1438, %add3A_1783 : i32
          %get3A_1785 = arith.index_cast %add3A_1784 : i32 to index
          %get3A_1786 = arith.constant 112 : index
          %get3A_1787 = tpu.vector_load %arg12[%get3A_1785, %get3A_1786] {strides = array<i32>} : memref<64x128xi32, #tpu.memory_space<vmem>>, vector<16xi32>,
          %bitcast3A_1788 = vector.bitcast %get3A_1787 : vector<16xi32> to vector<32xbf16>
          %mul3A_1789 = arith.mulf %bitcast3A_1788, %pack3A_1460 : vector<32xbf16>
          %add3A_1790 = arith.constant 2 : i32
          %add3A_1791 = arith.addi %mul3A_1438, %add3A_1790 : i32
          %get3A_1792 = arith.index_cast %add3A_1791 : i32 to index
          %get3A_1793 = arith.constant 112 : index
          %get3A_1794 = tpu.vector_load %arg12[%get3A_1792, %get3A_1793] {strides = array<i32>} : memref<64x128xi32, #tpu.memory_space<vmem>>, vector<16xi32>,
          %bitcast3A_1795 = vector.bitcast %get3A_1794 : vector<16xi32> to vector<32xbf16>
          %mul3A_1796 = arith.mulf %bitcast3A_1795, %pack3A_1461 : vector<32xbf16>
          %add3A_1797 = arith.constant 3 : i32
          %add3A_1798 = arith.addi %mul3A_1438, %add3A_1797 : i32
          %get3A_1799 = arith.index_cast %add3A_1798 : i32 to index
          %get3A_1800 = arith.constant 112 : index
          %get3A_1801 = tpu.vector_load %arg12[%get3A_1799, %get3A_1800] {strides = array<i32>} : memref<64x128xi32, #tpu.memory_space<vmem>>, vector<16xi32>,
          %bitcast3A_1802 = vector.bitcast %get3A_1801 : vector<16xi32> to vector<32xbf16>
          %mul3A_1803 = arith.mulf %bitcast3A_1802, %pack3A_1462 : vector<32xbf16>
          %add3A_1804 = arith.addf %mul3A_1782, %mul3A_1789 : vector<32xbf16>
          %add3A_1805 = arith.addf %mul3A_1796, %mul3A_1803 : vector<32xbf16>
          %add3A_1806 = arith.addf %add3A_1804, %add3A_1805 : vector<32xbf16>
          %unpack3A_1807 = tpu.unpack_subelements %add3A_1806, 0 {pack_format = #tpu.pack_format<interleaved>} : vector<32xbf16> -> vector<16xf32>
          %unpack3A_1808 = tpu.unpack_subelements %add3A_1806, 1 {pack_format = #tpu.pack_format<interleaved>} : vector<32xbf16> -> vector<16xf32>
          %mul3A_1809 = arith.constant 256 : i32
          %mul3A_1810 = arith.muli %scan3A_1436, %mul3A_1809 : i32
          %add3A_1811 = arith.constant 112 : i32
          %add3A_1812 = arith.addi %mul3A_1810, %add3A_1811 : i32
          %swap3A_1813 = arith.index_cast %add3A_1812 : i32 to index
          %swap3A_1814 = tpu.vector_load %arg14[%swap3A_1813] {strides = array<i32>} : memref<4096xf32, #tpu.memory_space<vmem>>, vector<16xf32>,
          tpu.vector_store %arg14[%swap3A_1813], %unpack3A_1807 {strides = array<i32>} : memref<4096xf32, #tpu.memory_space<vmem>>, vector<16xf32>,
          %mul3A_1815 = arith.constant 256 : i32
          %mul3A_1816 = arith.muli %scan3A_1436, %mul3A_1815 : i32
          %add3A_1817 = arith.constant 128 : i32
          %add3A_1818 = arith.addi %mul3A_1816, %add3A_1817 : i32
          %add3A_1819 = arith.constant 112 : i32
          %add3A_1820 = arith.addi %add3A_1818, %add3A_1819 : i32
          %swap3A_1821 = arith.index_cast %add3A_1820 : i32 to index
          %swap3A_1822 = tpu.vector_load %arg14[%swap3A_1821] {strides = array<i32>} : memref<4096xf32, #tpu.memory_space<vmem>>, vector<16xf32>,
          tpu.vector_store %arg14[%swap3A_1821], %unpack3A_1808 {strides = array<i32>} : memref<4096xf32, #tpu.memory_space<vmem>>, vector<16xf32>,
        }
        %scan3A_270 = arith.constant 16 : i32
        %add3A_271 = arith.addi %mul3A_2, %add3A_240 : i32
        %mul3A_272 = arith.constant 16 : i32
        %mul3A_273 = arith.muli %add3A_271, %mul3A_272 : i32
        %mul3A_274 = arith.constant 256 : i32
        %mul3A_275 = arith.muli %mul3A_273, %mul3A_274 : i32
        %dma_start3A_276 = tpu.memref_slice %arg5[%mul3A_275] : memref<25088000xf32, #tpu.memory_space<hbm>> -> memref<4096xf32, #tpu.memory_space<hbm>>
        %dma_start3A_277 = tpu.memref_slice %arg5[%mul3A_275] : memref<25088000xf32, #tpu.memory_space<hbm>> -> memref<4096xf32, #tpu.memory_space<hbm>>
        tpu.enqueue_dma source(%arg14 : memref<4096xf32, #tpu.memory_space<vmem>>) target(%dma_start3A_277 : memref<4096xf32, #tpu.memory_space<hbm>>) target_semaphore(%arg18 : memref<!tpu.dma_semaphore, #tpu.memory_space<semaphore_mem>>)
      } else {
      }
      %mul3A_244 = arith.constant 2 : i32
      %mul3A_245 = arith.muli %scan3A_236, %mul3A_244 : i32
      %add3A_246 = arith.constant 1 : i32
      %add3A_247 = arith.addi %mul3A_245, %add3A_246 : i32
      %lt3A_248 = arith.cmpi slt, %add3A_247, %min3A_4 : i32
      %convert_element_type3A_249 = arith.extui %lt3A_248 : i1 to i32
      %cond3A_250 = arith.constant 0 : i32
      %cond3A_251 = arith.cmpi ne, %convert_element_type3A_249, %cond3A_250 : i32
      scf.if %cond3A_251 {
        %add3A_252 = arith.constant 1 : i32
        %add3A_253 = arith.addi %add3A_247, %add3A_252 : i32
        %lt3A_254 = arith.cmpi slt, %add3A_253, %min3A_4 : i32
        %convert_element_type3A_255 = arith.extui %lt3A_254 : i1 to i32
        %cond3A_256 = arith.constant 0 : i32
        %cond3A_257 = arith.cmpi ne, %convert_element_type3A_255, %cond3A_256 : i32
        scf.if %cond3A_257 {
          %add3A_278 = arith.constant 1 : i32
          %add3A_279 = arith.addi %add3A_247, %add3A_278 : i32
          %add3A_280 = arith.addi %mul3A_2, %add3A_279 : i32
          %mul3A_281 = arith.constant 16 : i32
          %mul3A_282 = arith.muli %add3A_280, %mul3A_281 : i32
          %add3A_283 = vector.broadcast %mul3A_282 : i32 to vector<16xi32>
          %add3A_284 = arith.addi %add3A_283, %iota3A : vector<16xi32>
          %jit3A_285 = arith.constant 49 : i32
          %div3A_286 = vector.broadcast %jit3A_285 : i32 to vector<16xi32>
          %div3A_287 = arith.divsi %add3A_284, %div3A_286 : vector<16xi32>
          %sign3A_288 = arith.constant 0 : i32
          %sign3A_289 = vector.broadcast %sign3A_288 : i32 to vector<16xi32>
          %sign3A_290 = arith.cmpi sgt, %add3A_284, %sign3A_289 : vector<16xi32>
          %sign3A_291 = arith.extui %sign3A_290 : vector<16xi1> to vector<16xi32>
          %sign3A_292 = arith.constant 0 : i32
          %sign3A_293 = vector.broadcast %sign3A_292 : i32 to vector<16xi32>
          %sign3A_294 = arith.cmpi slt, %add3A_284, %sign3A_293 : vector<16xi32>
          %sign3A_295 = arith.extui %sign3A_294 : vector<16xi1> to vector<16xi32>
          %sign3A_296 = arith.subi %sign3A_291, %sign3A_295 : vector<16xi32>
          %sign3A_297 = arith.constant 0 : i32
          %sign3A_298 = arith.cmpi sgt, %jit3A_285, %sign3A_297 : i32
          %sign3A_299 = arith.extui %sign3A_298 : i1 to i32
          %sign3A_300 = arith.constant 0 : i32
          %sign3A_301 = arith.cmpi slt, %jit3A_285, %sign3A_300 : i32
          %sign3A_302 = arith.extui %sign3A_301 : i1 to i32
          %sign3A_303 = arith.subi %sign3A_299, %sign3A_302 : i32
          %ne3A_304 = vector.broadcast %sign3A_303 : i32 to vector<16xi32>
          %ne3A_305 = arith.cmpi ne, %sign3A_296, %ne3A_304 : vector<16xi32>
          %rem3A_306 = vector.broadcast %jit3A_285 : i32 to vector<16xi32>
          %rem3A_307 = arith.remsi %add3A_284, %rem3A_306 : vector<16xi32>
          %ne3A_308 = arith.constant 0 : i32
          %ne3A_309 = vector.broadcast %ne3A_308 : i32 to vector<16xi32>
          %ne3A_310 = arith.cmpi ne, %rem3A_307, %ne3A_309 : vector<16xi32>
          %and3A_311 = arith.andi %ne3A_305, %ne3A_310 : vector<16xi1>
          %sub3A_312 = arith.constant 1 : i32
          %sub3A_313 = vector.broadcast %sub3A_312 : i32 to vector<16xi32>
          %sub3A_314 = arith.subi %div3A_287, %sub3A_313 : vector<16xi32>
          %select_n3A_315 = arith.select %and3A_311, %sub3A_314, %div3A_287 : vector<16xi1>, vector<16xi32>
          %mul3A_316 = arith.constant 49 : i32
          %mul3A_317 = vector.broadcast %mul3A_316 : i32 to vector<16xi32>
          %mul3A_318 = arith.muli %select_n3A_315, %mul3A_317 : vector<16xi32>
          %sub3A_319 = arith.subi %add3A_284, %mul3A_318 : vector<16xi32>
          %gather3A_320 = tpu.vector_load_idx %arg7[%sub3A_319] : memref<64xi32, #tpu.memory_space<vmem>>[vector<16xi32>], vector<16xi32>,
          %mul3A_321 = arith.constant 7 : i32
          %mul3A_322 = vector.broadcast %mul3A_321 : i32 to vector<16xi32>
          %mul3A_323 = arith.muli %gather3A_320, %mul3A_322 : vector<16xi32>
          %sub3A_324 = arith.subi %sub3A_319, %mul3A_323 : vector<16xi32>
          %mul3A_325 = arith.constant 4 : i32
          %mul3A_326 = vector.broadcast %mul3A_325 : i32 to vector<16xi32>
          %mul3A_327 = arith.muli %select_n3A_315, %mul3A_326 : vector<16xi32>
          %gather3A_328 = tpu.vector_load_idx %arg6[%mul3A_327] : memref<8000xi32, #tpu.memory_space<vmem>>[vector<16xi32>], vector<16xi32>,
          %add3A_329 = arith.constant 1 : i32
          %add3A_330 = vector.broadcast %add3A_329 : i32 to vector<16xi32>
          %add3A_331 = arith.addi %mul3A_327, %add3A_330 : vector<16xi32>
          %gather3A_332 = tpu.vector_load_idx %arg6[%add3A_331] : memref<8000xi32, #tpu.memory_space<vmem>>[vector<16xi32>], vector<16xi32>,
          %add3A_333 = arith.constant 2 : i32
          %add3A_334 = vector.broadcast %add3A_333 : i32 to vector<16xi32>
          %add3A_335 = arith.addi %mul3A_327, %add3A_334 : vector<16xi32>
          %gather3A_336 = tpu.vector_load_idx %arg6[%add3A_335] : memref<8000xi32, #tpu.memory_space<vmem>>[vector<16xi32>], vector<16xi32>,
          %add3A_337 = arith.constant 3 : i32
          %add3A_338 = vector.broadcast %add3A_337 : i32 to vector<16xi32>
          %add3A_339 = arith.addi %mul3A_327, %add3A_338 : vector<16xi32>
          %gather3A_340 = tpu.vector_load_idx %arg6[%add3A_339] : memref<8000xi32, #tpu.memory_space<vmem>>[vector<16xi32>], vector<16xi32>,
          %sub3A_341 = arith.subi %gather3A_340, %gather3A_332 : vector<16xi32>
          %max3A_342 = arith.constant 1 : i32
          %max3A_343 = vector.broadcast %max3A_342 : i32 to vector<16xi32>
          %max3A_344 = arith.maxsi %sub3A_341, %max3A_343 : vector<16xi32>
          %sub3A_345 = arith.subi %gather3A_336, %gather3A_328 : vector<16xi32>
          %max3A_346 = arith.constant 1 : i32
          %max3A_347 = vector.broadcast %max3A_346 : i32 to vector<16xi32>
          %max3A_348 = arith.maxsi %sub3A_345, %max3A_347 : vector<16xi32>
          %convert_element_type3A_349 = arith.sitofp %max3A_344 : vector<16xi32> to vector<16xf32>
          %div3A_350 = arith.constant 7.000000e+00 : f32
          %div3A_351 = vector.broadcast %div3A_350 : f32 to vector<16xf32>
          %div3A_352 = arith.divf %convert_element_type3A_349, %div3A_351 : vector<16xf32>
          %convert_element_type3A_353 = arith.sitofp %max3A_348 : vector<16xi32> to vector<16xf32>
          %div3A_354 = arith.constant 7.000000e+00 : f32
          %div3A_355 = vector.broadcast %div3A_354 : f32 to vector<16xf32>
          %div3A_356 = arith.divf %convert_element_type3A_353, %div3A_355 : vector<16xf32>
          %convert_element_type3A_357 = arith.sitofp %gather3A_320 : vector<16xi32> to vector<16xf32>
          %mul3A_358 = arith.mulf %convert_element_type3A_357, %div3A_352 : vector<16xf32>
          %convert_element_type3A_359 = arith.sitofp %sub3A_324 : vector<16xi32> to vector<16xf32>
          %mul3A_360 = arith.mulf %convert_element_type3A_359, %div3A_356 : vector<16xf32>
          %convert_element_type3A_361 = arith.fptosi %mul3A_358 : vector<16xf32> to vector<16xi32>
          %convert_element_type3A_362 = arith.fptosi %mul3A_360 : vector<16xf32> to vector<16xi32>
          %convert_element_type3A_363 = arith.sitofp %convert_element_type3A_361 : vector<16xi32> to vector<16xf32>
          %sub3A_364 = arith.subf %mul3A_358, %convert_element_type3A_363 : vector<16xf32>
          %convert_element_type3A_365 = arith.sitofp %convert_element_type3A_362 : vector<16xi32> to vector<16xf32>
          %sub3A_366 = arith.subf %mul3A_360, %convert_element_type3A_365 : vector<16xf32>
          %add3A_367 = arith.constant 1 : i32
          %add3A_368 = vector.broadcast %add3A_367 : i32 to vector<16xi32>
          %add3A_369 = arith.addi %convert_element_type3A_361, %add3A_368 : vector<16xi32>
          %sub3A_370 = arith.constant 1 : i32
          %sub3A_371 = vector.broadcast %sub3A_370 : i32 to vector<16xi32>
          %sub3A_372 = arith.subi %max3A_344, %sub3A_371 : vector<16xi32>
          %min3A_373 = arith.minsi %add3A_369, %sub3A_372 : vector<16xi32>
          %add3A_374 = arith.constant 1 : i32
          %add3A_375 = vector.broadcast %add3A_374 : i32 to vector<16xi32>
          %add3A_376 = arith.addi %convert_element_type3A_362, %add3A_375 : vector<16xi32>
          %sub3A_377 = arith.constant 1 : i32
          %sub3A_378 = vector.broadcast %sub3A_377 : i32 to vector<16xi32>
          %sub3A_379 = arith.subi %max3A_348, %sub3A_378 : vector<16xi32>
          %min3A_380 = arith.minsi %add3A_376, %sub3A_379 : vector<16xi32>
          %add3A_381 = arith.addi %gather3A_332, %convert_element_type3A_361 : vector<16xi32>
          %jit3A_382 = arith.constant 0 : i32
          %jit3A_383 = arith.constant 63 : i32
          %max3A_384 = vector.broadcast %jit3A_382 : i32 to vector<16xi32>
          %max3A_385 = arith.maxsi %max3A_384, %add3A_381 : vector<16xi32>
          %min3A_386 = vector.broadcast %jit3A_383 : i32 to vector<16xi32>
          %min3A_387 = arith.minsi %min3A_386, %max3A_385 : vector<16xi32>
          %add3A_388 = arith.addi %gather3A_332, %min3A_373 : vector<16xi32>
          %jit3A_389 = arith.constant 0 : i32
          %jit3A_390 = arith.constant 63 : i32
          %max3A_391 = vector.broadcast %jit3A_389 : i32 to vector<16xi32>
          %max3A_392 = arith.maxsi %max3A_391, %add3A_388 : vector<16xi32>
          %min3A_393 = vector.broadcast %jit3A_390 : i32 to vector<16xi32>
          %min3A_394 = arith.minsi %min3A_393, %max3A_392 : vector<16xi32>
          %add3A_395 = arith.addi %gather3A_328, %convert_element_type3A_362 : vector<16xi32>
          %jit3A_396 = arith.constant 0 : i32
          %jit3A_397 = arith.constant 63 : i32
          %max3A_398 = vector.broadcast %jit3A_396 : i32 to vector<16xi32>
          %max3A_399 = arith.maxsi %max3A_398, %add3A_395 : vector<16xi32>
          %min3A_400 = vector.broadcast %jit3A_397 : i32 to vector<16xi32>
          %min3A_401 = arith.minsi %min3A_400, %max3A_399 : vector<16xi32>
          %add3A_402 = arith.addi %gather3A_328, %min3A_380 : vector<16xi32>
          %jit3A_403 = arith.constant 0 : i32
          %jit3A_404 = arith.constant 63 : i32
          %max3A_405 = vector.broadcast %jit3A_403 : i32 to vector<16xi32>
          %max3A_406 = arith.maxsi %max3A_405, %add3A_402 : vector<16xi32>
          %min3A_407 = vector.broadcast %jit3A_404 : i32 to vector<16xi32>
          %min3A_408 = arith.minsi %min3A_407, %max3A_406 : vector<16xi32>
          %mul3A_409 = arith.constant 64 : i32
          %mul3A_410 = vector.broadcast %mul3A_409 : i32 to vector<16xi32>
          %mul3A_411 = arith.muli %min3A_387, %mul3A_410 : vector<16xi32>
          %add3A_412 = arith.addi %mul3A_411, %min3A_401 : vector<16xi32>
          tpu.vector_store_idx %arg8[%mul3A_7], %add3A_412 : memref<64xi32, #tpu.memory_space<vmem>>[vector<16xi32>], vector<16xi32>,
          %add3A_413 = arith.constant 1 : i32
          %add3A_414 = vector.broadcast %add3A_413 : i32 to vector<16xi32>
          %add3A_415 = arith.addi %mul3A_7, %add3A_414 : vector<16xi32>
          %mul3A_416 = arith.constant 64 : i32
          %mul3A_417 = vector.broadcast %mul3A_416 : i32 to vector<16xi32>
          %mul3A_418 = arith.muli %min3A_387, %mul3A_417 : vector<16xi32>
          %add3A_419 = arith.addi %mul3A_418, %min3A_408 : vector<16xi32>
          tpu.vector_store_idx %arg8[%add3A_415], %add3A_419 : memref<64xi32, #tpu.memory_space<vmem>>[vector<16xi32>], vector<16xi32>,
          %add3A_420 = arith.constant 2 : i32
          %add3A_421 = vector.broadcast %add3A_420 : i32 to vector<16xi32>
          %add3A_422 = arith.addi %mul3A_7, %add3A_421 : vector<16xi32>
          %mul3A_423 = arith.constant 64 : i32
          %mul3A_424 = vector.broadcast %mul3A_423 : i32 to vector<16xi32>
          %mul3A_425 = arith.muli %min3A_394, %mul3A_424 : vector<16xi32>
          %add3A_426 = arith.addi %mul3A_425, %min3A_401 : vector<16xi32>
          tpu.vector_store_idx %arg8[%add3A_422], %add3A_426 : memref<64xi32, #tpu.memory_space<vmem>>[vector<16xi32>], vector<16xi32>,
          %add3A_427 = arith.constant 3 : i32
          %add3A_428 = vector.broadcast %add3A_427 : i32 to vector<16xi32>
          %add3A_429 = arith.addi %mul3A_7, %add3A_428 : vector<16xi32>
          %mul3A_430 = arith.constant 64 : i32
          %mul3A_431 = vector.broadcast %mul3A_430 : i32 to vector<16xi32>
          %mul3A_432 = arith.muli %min3A_394, %mul3A_431 : vector<16xi32>
          %add3A_433 = arith.addi %mul3A_432, %min3A_408 : vector<16xi32>
          tpu.vector_store_idx %arg8[%add3A_429], %add3A_433 : memref<64xi32, #tpu.memory_space<vmem>>[vector<16xi32>], vector<16xi32>,
          %sub3A_434 = arith.constant 1.000000e+00 : f32
          %sub3A_435 = vector.broadcast %sub3A_434 : f32 to vector<16xf32>
          %sub3A_436 = arith.subf %sub3A_435, %sub3A_364 : vector<16xf32>
          %sub3A_437 = arith.constant 1.000000e+00 : f32
          %sub3A_438 = vector.broadcast %sub3A_437 : f32 to vector<16xf32>
          %sub3A_439 = arith.subf %sub3A_438, %sub3A_366 : vector<16xf32>
          %mul3A_440 = arith.mulf %sub3A_436, %sub3A_439 : vector<16xf32>
          tpu.vector_store_idx %arg10[%mul3A_7], %mul3A_440 : memref<64xf32, #tpu.memory_space<vmem>>[vector<16xi32>], vector<16xf32>,
          %add3A_441 = arith.constant 1 : i32
          %add3A_442 = vector.broadcast %add3A_441 : i32 to vector<16xi32>
          %add3A_443 = arith.addi %mul3A_7, %add3A_442 : vector<16xi32>
          %mul3A_444 = arith.mulf %sub3A_436, %sub3A_366 : vector<16xf32>
          tpu.vector_store_idx %arg10[%add3A_443], %mul3A_444 : memref<64xf32, #tpu.memory_space<vmem>>[vector<16xi32>], vector<16xf32>,
          %add3A_445 = arith.constant 2 : i32
          %add3A_446 = vector.broadcast %add3A_445 : i32 to vector<16xi32>
          %add3A_447 = arith.addi %mul3A_7, %add3A_446 : vector<16xi32>
          %mul3A_448 = arith.mulf %sub3A_364, %sub3A_439 : vector<16xf32>
          tpu.vector_store_idx %arg10[%add3A_447], %mul3A_448 : memref<64xf32, #tpu.memory_space<vmem>>[vector<16xi32>], vector<16xf32>,
          %add3A_449 = arith.constant 3 : i32
          %add3A_450 = vector.broadcast %add3A_449 : i32 to vector<16xi32>
          %add3A_451 = arith.addi %mul3A_7, %add3A_450 : vector<16xi32>
          %mul3A_452 = arith.mulf %sub3A_364, %sub3A_366 : vector<16xf32>
          tpu.vector_store_idx %arg10[%add3A_451], %mul3A_452 : memref<64xf32, #tpu.memory_space<vmem>>[vector<16xi32>], vector<16xf32>,
          %dma_start3A_453 = arith.constant 0 : i32
          %dma_start3A_454 = arith.constant 0 : i32
          %dma_start3A_455 = tpu.memref_slice %arg2[%dma_start3A_453, %dma_start3A_454] : memref<4096x128xi32, #tpu.memory_space<hbm>> -> memref<4096x128xi32, #tpu.memory_space<hbm>>
          tpu.enqueue_indirect_dma source(%dma_start3A_455 : memref<4096x128xi32, #tpu.memory_space<hbm>>) target(%arg12 : memref<64x128xi32, #tpu.memory_space<vmem>>) offsets(%arg8 : memref<64xi32, #tpu.memory_space<vmem>>) semaphore(%arg16 : memref<!tpu.dma_semaphore, #tpu.memory_space<semaphore_mem>>)
        } else {
        }
        %dma_wait3A_258 = arith.constant 0 : i32
        %dma_wait3A_259 = arith.constant 0 : i32
        %dma_wait3A_260 = tpu.memref_slice %arg2[%dma_wait3A_258, %dma_wait3A_259] : memref<4096x128xi32, #tpu.memory_space<hbm>> -> memref<4096x128xi32, #tpu.memory_space<hbm>>
        tpu.wait_indirect_dma semaphore(%arg17 : memref<!tpu.dma_semaphore, #tpu.memory_space<semaphore_mem>>) src(%dma_wait3A_260 : memref<4096x128xi32, #tpu.memory_space<hbm>>) dst(%arg13 : memref<64x128xi32, #tpu.memory_space<vmem>>)
        %ge3A = arith.constant 2 : i32
        %ge3A_261 = arith.cmpi sge, %add3A_247, %ge3A : i32
        %convert_element_type3A_262 = arith.extui %ge3A_261 : i1 to i32
        %cond3A_263 = arith.constant 0 : i32
        %cond3A_264 = arith.cmpi ne, %convert_element_type3A_262, %cond3A_263 : i32
        scf.if %cond3A_264 {
          %add3A_278 = arith.addi %mul3A_2, %add3A_247 : i32
          %sub3A_279 = arith.constant 2 : i32
          %sub3A_280 = arith.subi %add3A_278, %sub3A_279 : i32
          %mul3A_281 = arith.constant 16 : i32
          %mul3A_282 = arith.muli %sub3A_280, %mul3A_281 : i32
          %mul3A_283 = arith.constant 256 : i32
          %mul3A_284 = arith.muli %mul3A_282, %mul3A_283 : i32
          %dma_wait3A_285 = tpu.memref_slice %arg5[%mul3A_284] : memref<25088000xf32, #tpu.memory_space<hbm>> -> memref<4096xf32, #tpu.memory_space<hbm>>
          %dma_wait3A_286 = tpu.memref_slice %arg5[%mul3A_284] : memref<25088000xf32, #tpu.memory_space<hbm>> -> memref<4096xf32, #tpu.memory_space<hbm>>
          tpu.wait_dma2 semaphore(%arg19 : memref<!tpu.dma_semaphore, #tpu.memory_space<semaphore_mem>>) src(%arg15 : memref<4096xf32, #tpu.memory_space<vmem>>) dst(%dma_wait3A_286 : memref<4096xf32, #tpu.memory_space<hbm>>)
        } else {
        }
        %scan3A_265 = arith.constant 0 : i32
        %scan3A_266 = arith.constant 0 : i32
        %scan3A_267 = arith.constant 16 : i32
        %scan3A_268 = arith.addi %scan3A_266, %scan3A_267 : i32
        %scan3A_269 = arith.constant 4 : i32
        scf.for %scan3A_278 = %scan3A_266 to %scan3A_268 step %scan3A_269  : i32 {
          %mul3A_279 = arith.constant 4 : i32
          %mul3A_280 = arith.muli %scan3A_278, %mul3A_279 : i32
          %broadcast_in_dim3A = arith.constant 0 : i32
          %broadcast_in_dim3A_281 = vector.broadcast %broadcast_in_dim3A : i32 to vector<16xi32>
          %add3A_282 = vector.broadcast %mul3A_280 : i32 to vector<16xi32>
          %add3A_283 = arith.addi %broadcast_in_dim3A_281, %add3A_282 : vector<16xi32>
          %gather3A_284 = tpu.vector_load_idx %arg11[%add3A_283] : memref<64xf32, #tpu.memory_space<vmem>>[vector<16xi32>], vector<16xf32>,
          %broadcast_in_dim3A_285 = arith.constant 1 : i32
          %broadcast_in_dim3A_286 = vector.broadcast %broadcast_in_dim3A_285 : i32 to vector<16xi32>
          %add3A_287 = vector.broadcast %mul3A_280 : i32 to vector<16xi32>
          %add3A_288 = arith.addi %broadcast_in_dim3A_286, %add3A_287 : vector<16xi32>
          %gather3A_289 = tpu.vector_load_idx %arg11[%add3A_288] : memref<64xf32, #tpu.memory_space<vmem>>[vector<16xi32>], vector<16xf32>,
          %broadcast_in_dim3A_290 = arith.constant 2 : i32
          %broadcast_in_dim3A_291 = vector.broadcast %broadcast_in_dim3A_290 : i32 to vector<16xi32>
          %add3A_292 = vector.broadcast %mul3A_280 : i32 to vector<16xi32>
          %add3A_293 = arith.addi %broadcast_in_dim3A_291, %add3A_292 : vector<16xi32>
          %gather3A_294 = tpu.vector_load_idx %arg11[%add3A_293] : memref<64xf32, #tpu.memory_space<vmem>>[vector<16xi32>], vector<16xf32>,
          %broadcast_in_dim3A_295 = arith.constant 3 : i32
          %broadcast_in_dim3A_296 = vector.broadcast %broadcast_in_dim3A_295 : i32 to vector<16xi32>
          %add3A_297 = vector.broadcast %mul3A_280 : i32 to vector<16xi32>
          %add3A_298 = arith.addi %broadcast_in_dim3A_296, %add3A_297 : vector<16xi32>
          %gather3A_299 = tpu.vector_load_idx %arg11[%add3A_298] : memref<64xf32, #tpu.memory_space<vmem>>[vector<16xi32>], vector<16xf32>,
          %pack3A = tpu.pack_subelements %gather3A_284, %gather3A_284 {pack_format = #tpu.pack_format<interleaved>, positions = array<i32: 0, 1>} : vector<16xf32>, vector<16xf32> -> vector<32xbf16>
          %pack3A_300 = tpu.pack_subelements %gather3A_289, %gather3A_289 {pack_format = #tpu.pack_format<interleaved>, positions = array<i32: 0, 1>} : vector<16xf32>, vector<16xf32> -> vector<32xbf16>
          %pack3A_301 = tpu.pack_subelements %gather3A_294, %gather3A_294 {pack_format = #tpu.pack_format<interleaved>, positions = array<i32: 0, 1>} : vector<16xf32>, vector<16xf32> -> vector<32xbf16>
          %pack3A_302 = tpu.pack_subelements %gather3A_299, %gather3A_299 {pack_format = #tpu.pack_format<interleaved>, positions = array<i32: 0, 1>} : vector<16xf32>, vector<16xf32> -> vector<32xbf16>
          %get3A = arith.index_cast %mul3A_280 : i32 to index
          %get3A_303 = arith.constant 0 : index
          %get3A_304 = tpu.vector_load %arg13[%get3A, %get3A_303] {strides = array<i32>} : memref<64x128xi32, #tpu.memory_space<vmem>>, vector<16xi32>,
          %bitcast3A = vector.bitcast %get3A_304 : vector<16xi32> to vector<32xbf16>
          %mul3A_305 = arith.mulf %bitcast3A, %pack3A : vector<32xbf16>
          %add3A_306 = arith.constant 1 : i32
          %add3A_307 = arith.addi %mul3A_280, %add3A_306 : i32
          %get3A_308 = arith.index_cast %add3A_307 : i32 to index
          %get3A_309 = arith.constant 0 : index
          %get3A_310 = tpu.vector_load %arg13[%get3A_308, %get3A_309] {strides = array<i32>} : memref<64x128xi32, #tpu.memory_space<vmem>>, vector<16xi32>,
          %bitcast3A_311 = vector.bitcast %get3A_310 : vector<16xi32> to vector<32xbf16>
          %mul3A_312 = arith.mulf %bitcast3A_311, %pack3A_300 : vector<32xbf16>
          %add3A_313 = arith.constant 2 : i32
          %add3A_314 = arith.addi %mul3A_280, %add3A_313 : i32
          %get3A_315 = arith.index_cast %add3A_314 : i32 to index
          %get3A_316 = arith.constant 0 : index
          %get3A_317 = tpu.vector_load %arg13[%get3A_315, %get3A_316] {strides = array<i32>} : memref<64x128xi32, #tpu.memory_space<vmem>>, vector<16xi32>,
          %bitcast3A_318 = vector.bitcast %get3A_317 : vector<16xi32> to vector<32xbf16>
          %mul3A_319 = arith.mulf %bitcast3A_318, %pack3A_301 : vector<32xbf16>
          %add3A_320 = arith.constant 3 : i32
          %add3A_321 = arith.addi %mul3A_280, %add3A_320 : i32
          %get3A_322 = arith.index_cast %add3A_321 : i32 to index
          %get3A_323 = arith.constant 0 : index
          %get3A_324 = tpu.vector_load %arg13[%get3A_322, %get3A_323] {strides = array<i32>} : memref<64x128xi32, #tpu.memory_space<vmem>>, vector<16xi32>,
          %bitcast3A_325 = vector.bitcast %get3A_324 : vector<16xi32> to vector<32xbf16>
          %mul3A_326 = arith.mulf %bitcast3A_325, %pack3A_302 : vector<32xbf16>
          %add3A_327 = arith.addf %mul3A_305, %mul3A_312 : vector<32xbf16>
          %add3A_328 = arith.addf %mul3A_319, %mul3A_326 : vector<32xbf16>
          %add3A_329 = arith.addf %add3A_327, %add3A_328 : vector<32xbf16>
          %unpack3A = tpu.unpack_subelements %add3A_329, 0 {pack_format = #tpu.pack_format<interleaved>} : vector<32xbf16> -> vector<16xf32>
          %unpack3A_330 = tpu.unpack_subelements %add3A_329, 1 {pack_format = #tpu.pack_format<interleaved>} : vector<32xbf16> -> vector<16xf32>
          %mul3A_331 = arith.constant 256 : i32
          %mul3A_332 = arith.muli %scan3A_278, %mul3A_331 : i32
          %add3A_333 = arith.constant 0 : i32
          %add3A_334 = arith.addi %mul3A_332, %add3A_333 : i32
          %swap3A = arith.index_cast %add3A_334 : i32 to index
          %swap3A_335 = tpu.vector_load %arg15[%swap3A] {strides = array<i32>} : memref<4096xf32, #tpu.memory_space<vmem>>, vector<16xf32>,
          tpu.vector_store %arg15[%swap3A], %unpack3A {strides = array<i32>} : memref<4096xf32, #tpu.memory_space<vmem>>, vector<16xf32>,
          %mul3A_336 = arith.constant 256 : i32
          %mul3A_337 = arith.muli %scan3A_278, %mul3A_336 : i32
          %add3A_338 = arith.constant 128 : i32
          %add3A_339 = arith.addi %mul3A_337, %add3A_338 : i32
          %add3A_340 = arith.constant 0 : i32
          %add3A_341 = arith.addi %add3A_339, %add3A_340 : i32
          %swap3A_342 = arith.index_cast %add3A_341 : i32 to index
          %swap3A_343 = tpu.vector_load %arg15[%swap3A_342] {strides = array<i32>} : memref<4096xf32, #tpu.memory_space<vmem>>, vector<16xf32>,
          tpu.vector_store %arg15[%swap3A_342], %unpack3A_330 {strides = array<i32>} : memref<4096xf32, #tpu.memory_space<vmem>>, vector<16xf32>,
          %get3A_344 = arith.index_cast %mul3A_280 : i32 to index
          %get3A_345 = arith.constant 16 : index
          %get3A_346 = tpu.vector_load %arg13[%get3A_344, %get3A_345] {strides = array<i32>} : memref<64x128xi32, #tpu.memory_space<vmem>>, vector<16xi32>,
          %bitcast3A_347 = vector.bitcast %get3A_346 : vector<16xi32> to vector<32xbf16>
          %mul3A_348 = arith.mulf %bitcast3A_347, %pack3A : vector<32xbf16>
          %add3A_349 = arith.constant 1 : i32
          %add3A_350 = arith.addi %mul3A_280, %add3A_349 : i32
          %get3A_351 = arith.index_cast %add3A_350 : i32 to index
          %get3A_352 = arith.constant 16 : index
          %get3A_353 = tpu.vector_load %arg13[%get3A_351, %get3A_352] {strides = array<i32>} : memref<64x128xi32, #tpu.memory_space<vmem>>, vector<16xi32>,
          %bitcast3A_354 = vector.bitcast %get3A_353 : vector<16xi32> to vector<32xbf16>
          %mul3A_355 = arith.mulf %bitcast3A_354, %pack3A_300 : vector<32xbf16>
          %add3A_356 = arith.constant 2 : i32
          %add3A_357 = arith.addi %mul3A_280, %add3A_356 : i32
          %get3A_358 = arith.index_cast %add3A_357 : i32 to index
          %get3A_359 = arith.constant 16 : index
          %get3A_360 = tpu.vector_load %arg13[%get3A_358, %get3A_359] {strides = array<i32>} : memref<64x128xi32, #tpu.memory_space<vmem>>, vector<16xi32>,
          %bitcast3A_361 = vector.bitcast %get3A_360 : vector<16xi32> to vector<32xbf16>
          %mul3A_362 = arith.mulf %bitcast3A_361, %pack3A_301 : vector<32xbf16>
          %add3A_363 = arith.constant 3 : i32
          %add3A_364 = arith.addi %mul3A_280, %add3A_363 : i32
          %get3A_365 = arith.index_cast %add3A_364 : i32 to index
          %get3A_366 = arith.constant 16 : index
          %get3A_367 = tpu.vector_load %arg13[%get3A_365, %get3A_366] {strides = array<i32>} : memref<64x128xi32, #tpu.memory_space<vmem>>, vector<16xi32>,
          %bitcast3A_368 = vector.bitcast %get3A_367 : vector<16xi32> to vector<32xbf16>
          %mul3A_369 = arith.mulf %bitcast3A_368, %pack3A_302 : vector<32xbf16>
          %add3A_370 = arith.addf %mul3A_348, %mul3A_355 : vector<32xbf16>
          %add3A_371 = arith.addf %mul3A_362, %mul3A_369 : vector<32xbf16>
          %add3A_372 = arith.addf %add3A_370, %add3A_371 : vector<32xbf16>
          %unpack3A_373 = tpu.unpack_subelements %add3A_372, 0 {pack_format = #tpu.pack_format<interleaved>} : vector<32xbf16> -> vector<16xf32>
          %unpack3A_374 = tpu.unpack_subelements %add3A_372, 1 {pack_format = #tpu.pack_format<interleaved>} : vector<32xbf16> -> vector<16xf32>
          %mul3A_375 = arith.constant 256 : i32
          %mul3A_376 = arith.muli %scan3A_278, %mul3A_375 : i32
          %add3A_377 = arith.constant 16 : i32
          %add3A_378 = arith.addi %mul3A_376, %add3A_377 : i32
          %swap3A_379 = arith.index_cast %add3A_378 : i32 to index
          %swap3A_380 = tpu.vector_load %arg15[%swap3A_379] {strides = array<i32>} : memref<4096xf32, #tpu.memory_space<vmem>>, vector<16xf32>,
          tpu.vector_store %arg15[%swap3A_379], %unpack3A_373 {strides = array<i32>} : memref<4096xf32, #tpu.memory_space<vmem>>, vector<16xf32>,
          %mul3A_381 = arith.constant 256 : i32
          %mul3A_382 = arith.muli %scan3A_278, %mul3A_381 : i32
          %add3A_383 = arith.constant 128 : i32
          %add3A_384 = arith.addi %mul3A_382, %add3A_383 : i32
          %add3A_385 = arith.constant 16 : i32
          %add3A_386 = arith.addi %add3A_384, %add3A_385 : i32
          %swap3A_387 = arith.index_cast %add3A_386 : i32 to index
          %swap3A_388 = tpu.vector_load %arg15[%swap3A_387] {strides = array<i32>} : memref<4096xf32, #tpu.memory_space<vmem>>, vector<16xf32>,
          tpu.vector_store %arg15[%swap3A_387], %unpack3A_374 {strides = array<i32>} : memref<4096xf32, #tpu.memory_space<vmem>>, vector<16xf32>,
          %get3A_389 = arith.index_cast %mul3A_280 : i32 to index
          %get3A_390 = arith.constant 32 : index
          %get3A_391 = tpu.vector_load %arg13[%get3A_389, %get3A_390] {strides = array<i32>} : memref<64x128xi32, #tpu.memory_space<vmem>>, vector<16xi32>,
          %bitcast3A_392 = vector.bitcast %get3A_391 : vector<16xi32> to vector<32xbf16>
          %mul3A_393 = arith.mulf %bitcast3A_392, %pack3A : vector<32xbf16>
          %add3A_394 = arith.constant 1 : i32
          %add3A_395 = arith.addi %mul3A_280, %add3A_394 : i32
          %get3A_396 = arith.index_cast %add3A_395 : i32 to index
          %get3A_397 = arith.constant 32 : index
          %get3A_398 = tpu.vector_load %arg13[%get3A_396, %get3A_397] {strides = array<i32>} : memref<64x128xi32, #tpu.memory_space<vmem>>, vector<16xi32>,
          %bitcast3A_399 = vector.bitcast %get3A_398 : vector<16xi32> to vector<32xbf16>
          %mul3A_400 = arith.mulf %bitcast3A_399, %pack3A_300 : vector<32xbf16>
          %add3A_401 = arith.constant 2 : i32
          %add3A_402 = arith.addi %mul3A_280, %add3A_401 : i32
          %get3A_403 = arith.index_cast %add3A_402 : i32 to index
          %get3A_404 = arith.constant 32 : index
          %get3A_405 = tpu.vector_load %arg13[%get3A_403, %get3A_404] {strides = array<i32>} : memref<64x128xi32, #tpu.memory_space<vmem>>, vector<16xi32>,
          %bitcast3A_406 = vector.bitcast %get3A_405 : vector<16xi32> to vector<32xbf16>
          %mul3A_407 = arith.mulf %bitcast3A_406, %pack3A_301 : vector<32xbf16>
          %add3A_408 = arith.constant 3 : i32
          %add3A_409 = arith.addi %mul3A_280, %add3A_408 : i32
          %get3A_410 = arith.index_cast %add3A_409 : i32 to index
          %get3A_411 = arith.constant 32 : index
          %get3A_412 = tpu.vector_load %arg13[%get3A_410, %get3A_411] {strides = array<i32>} : memref<64x128xi32, #tpu.memory_space<vmem>>, vector<16xi32>,
          %bitcast3A_413 = vector.bitcast %get3A_412 : vector<16xi32> to vector<32xbf16>
          %mul3A_414 = arith.mulf %bitcast3A_413, %pack3A_302 : vector<32xbf16>
          %add3A_415 = arith.addf %mul3A_393, %mul3A_400 : vector<32xbf16>
          %add3A_416 = arith.addf %mul3A_407, %mul3A_414 : vector<32xbf16>
          %add3A_417 = arith.addf %add3A_415, %add3A_416 : vector<32xbf16>
          %unpack3A_418 = tpu.unpack_subelements %add3A_417, 0 {pack_format = #tpu.pack_format<interleaved>} : vector<32xbf16> -> vector<16xf32>
          %unpack3A_419 = tpu.unpack_subelements %add3A_417, 1 {pack_format = #tpu.pack_format<interleaved>} : vector<32xbf16> -> vector<16xf32>
          %mul3A_420 = arith.constant 256 : i32
          %mul3A_421 = arith.muli %scan3A_278, %mul3A_420 : i32
          %add3A_422 = arith.constant 32 : i32
          %add3A_423 = arith.addi %mul3A_421, %add3A_422 : i32
          %swap3A_424 = arith.index_cast %add3A_423 : i32 to index
          %swap3A_425 = tpu.vector_load %arg15[%swap3A_424] {strides = array<i32>} : memref<4096xf32, #tpu.memory_space<vmem>>, vector<16xf32>,
          tpu.vector_store %arg15[%swap3A_424], %unpack3A_418 {strides = array<i32>} : memref<4096xf32, #tpu.memory_space<vmem>>, vector<16xf32>,
          %mul3A_426 = arith.constant 256 : i32
          %mul3A_427 = arith.muli %scan3A_278, %mul3A_426 : i32
          %add3A_428 = arith.constant 128 : i32
          %add3A_429 = arith.addi %mul3A_427, %add3A_428 : i32
          %add3A_430 = arith.constant 32 : i32
          %add3A_431 = arith.addi %add3A_429, %add3A_430 : i32
          %swap3A_432 = arith.index_cast %add3A_431 : i32 to index
          %swap3A_433 = tpu.vector_load %arg15[%swap3A_432] {strides = array<i32>} : memref<4096xf32, #tpu.memory_space<vmem>>, vector<16xf32>,
          tpu.vector_store %arg15[%swap3A_432], %unpack3A_419 {strides = array<i32>} : memref<4096xf32, #tpu.memory_space<vmem>>, vector<16xf32>,
          %get3A_434 = arith.index_cast %mul3A_280 : i32 to index
          %get3A_435 = arith.constant 48 : index
          %get3A_436 = tpu.vector_load %arg13[%get3A_434, %get3A_435] {strides = array<i32>} : memref<64x128xi32, #tpu.memory_space<vmem>>, vector<16xi32>,
          %bitcast3A_437 = vector.bitcast %get3A_436 : vector<16xi32> to vector<32xbf16>
          %mul3A_438 = arith.mulf %bitcast3A_437, %pack3A : vector<32xbf16>
          %add3A_439 = arith.constant 1 : i32
          %add3A_440 = arith.addi %mul3A_280, %add3A_439 : i32
          %get3A_441 = arith.index_cast %add3A_440 : i32 to index
          %get3A_442 = arith.constant 48 : index
          %get3A_443 = tpu.vector_load %arg13[%get3A_441, %get3A_442] {strides = array<i32>} : memref<64x128xi32, #tpu.memory_space<vmem>>, vector<16xi32>,
          %bitcast3A_444 = vector.bitcast %get3A_443 : vector<16xi32> to vector<32xbf16>
          %mul3A_445 = arith.mulf %bitcast3A_444, %pack3A_300 : vector<32xbf16>
          %add3A_446 = arith.constant 2 : i32
          %add3A_447 = arith.addi %mul3A_280, %add3A_446 : i32
          %get3A_448 = arith.index_cast %add3A_447 : i32 to index
          %get3A_449 = arith.constant 48 : index
          %get3A_450 = tpu.vector_load %arg13[%get3A_448, %get3A_449] {strides = array<i32>} : memref<64x128xi32, #tpu.memory_space<vmem>>, vector<16xi32>,
          %bitcast3A_451 = vector.bitcast %get3A_450 : vector<16xi32> to vector<32xbf16>
          %mul3A_452 = arith.mulf %bitcast3A_451, %pack3A_301 : vector<32xbf16>
          %add3A_453 = arith.constant 3 : i32
          %add3A_454 = arith.addi %mul3A_280, %add3A_453 : i32
          %get3A_455 = arith.index_cast %add3A_454 : i32 to index
          %get3A_456 = arith.constant 48 : index
          %get3A_457 = tpu.vector_load %arg13[%get3A_455, %get3A_456] {strides = array<i32>} : memref<64x128xi32, #tpu.memory_space<vmem>>, vector<16xi32>,
          %bitcast3A_458 = vector.bitcast %get3A_457 : vector<16xi32> to vector<32xbf16>
          %mul3A_459 = arith.mulf %bitcast3A_458, %pack3A_302 : vector<32xbf16>
          %add3A_460 = arith.addf %mul3A_438, %mul3A_445 : vector<32xbf16>
          %add3A_461 = arith.addf %mul3A_452, %mul3A_459 : vector<32xbf16>
          %add3A_462 = arith.addf %add3A_460, %add3A_461 : vector<32xbf16>
          %unpack3A_463 = tpu.unpack_subelements %add3A_462, 0 {pack_format = #tpu.pack_format<interleaved>} : vector<32xbf16> -> vector<16xf32>
          %unpack3A_464 = tpu.unpack_subelements %add3A_462, 1 {pack_format = #tpu.pack_format<interleaved>} : vector<32xbf16> -> vector<16xf32>
          %mul3A_465 = arith.constant 256 : i32
          %mul3A_466 = arith.muli %scan3A_278, %mul3A_465 : i32
          %add3A_467 = arith.constant 48 : i32
          %add3A_468 = arith.addi %mul3A_466, %add3A_467 : i32
          %swap3A_469 = arith.index_cast %add3A_468 : i32 to index
          %swap3A_470 = tpu.vector_load %arg15[%swap3A_469] {strides = array<i32>} : memref<4096xf32, #tpu.memory_space<vmem>>, vector<16xf32>,
          tpu.vector_store %arg15[%swap3A_469], %unpack3A_463 {strides = array<i32>} : memref<4096xf32, #tpu.memory_space<vmem>>, vector<16xf32>,
          %mul3A_471 = arith.constant 256 : i32
          %mul3A_472 = arith.muli %scan3A_278, %mul3A_471 : i32
          %add3A_473 = arith.constant 128 : i32
          %add3A_474 = arith.addi %mul3A_472, %add3A_473 : i32
          %add3A_475 = arith.constant 48 : i32
          %add3A_476 = arith.addi %add3A_474, %add3A_475 : i32
          %swap3A_477 = arith.index_cast %add3A_476 : i32 to index
          %swap3A_478 = tpu.vector_load %arg15[%swap3A_477] {strides = array<i32>} : memref<4096xf32, #tpu.memory_space<vmem>>, vector<16xf32>,
          tpu.vector_store %arg15[%swap3A_477], %unpack3A_464 {strides = array<i32>} : memref<4096xf32, #tpu.memory_space<vmem>>, vector<16xf32>,
          %get3A_479 = arith.index_cast %mul3A_280 : i32 to index
          %get3A_480 = arith.constant 64 : index
          %get3A_481 = tpu.vector_load %arg13[%get3A_479, %get3A_480] {strides = array<i32>} : memref<64x128xi32, #tpu.memory_space<vmem>>, vector<16xi32>,
          %bitcast3A_482 = vector.bitcast %get3A_481 : vector<16xi32> to vector<32xbf16>
          %mul3A_483 = arith.mulf %bitcast3A_482, %pack3A : vector<32xbf16>
          %add3A_484 = arith.constant 1 : i32
          %add3A_485 = arith.addi %mul3A_280, %add3A_484 : i32
          %get3A_486 = arith.index_cast %add3A_485 : i32 to index
          %get3A_487 = arith.constant 64 : index
          %get3A_488 = tpu.vector_load %arg13[%get3A_486, %get3A_487] {strides = array<i32>} : memref<64x128xi32, #tpu.memory_space<vmem>>, vector<16xi32>,
          %bitcast3A_489 = vector.bitcast %get3A_488 : vector<16xi32> to vector<32xbf16>
          %mul3A_490 = arith.mulf %bitcast3A_489, %pack3A_300 : vector<32xbf16>
          %add3A_491 = arith.constant 2 : i32
          %add3A_492 = arith.addi %mul3A_280, %add3A_491 : i32
          %get3A_493 = arith.index_cast %add3A_492 : i32 to index
          %get3A_494 = arith.constant 64 : index
          %get3A_495 = tpu.vector_load %arg13[%get3A_493, %get3A_494] {strides = array<i32>} : memref<64x128xi32, #tpu.memory_space<vmem>>, vector<16xi32>,
          %bitcast3A_496 = vector.bitcast %get3A_495 : vector<16xi32> to vector<32xbf16>
          %mul3A_497 = arith.mulf %bitcast3A_496, %pack3A_301 : vector<32xbf16>
          %add3A_498 = arith.constant 3 : i32
          %add3A_499 = arith.addi %mul3A_280, %add3A_498 : i32
          %get3A_500 = arith.index_cast %add3A_499 : i32 to index
          %get3A_501 = arith.constant 64 : index
          %get3A_502 = tpu.vector_load %arg13[%get3A_500, %get3A_501] {strides = array<i32>} : memref<64x128xi32, #tpu.memory_space<vmem>>, vector<16xi32>,
          %bitcast3A_503 = vector.bitcast %get3A_502 : vector<16xi32> to vector<32xbf16>
          %mul3A_504 = arith.mulf %bitcast3A_503, %pack3A_302 : vector<32xbf16>
          %add3A_505 = arith.addf %mul3A_483, %mul3A_490 : vector<32xbf16>
          %add3A_506 = arith.addf %mul3A_497, %mul3A_504 : vector<32xbf16>
          %add3A_507 = arith.addf %add3A_505, %add3A_506 : vector<32xbf16>
          %unpack3A_508 = tpu.unpack_subelements %add3A_507, 0 {pack_format = #tpu.pack_format<interleaved>} : vector<32xbf16> -> vector<16xf32>
          %unpack3A_509 = tpu.unpack_subelements %add3A_507, 1 {pack_format = #tpu.pack_format<interleaved>} : vector<32xbf16> -> vector<16xf32>
          %mul3A_510 = arith.constant 256 : i32
          %mul3A_511 = arith.muli %scan3A_278, %mul3A_510 : i32
          %add3A_512 = arith.constant 64 : i32
          %add3A_513 = arith.addi %mul3A_511, %add3A_512 : i32
          %swap3A_514 = arith.index_cast %add3A_513 : i32 to index
          %swap3A_515 = tpu.vector_load %arg15[%swap3A_514] {strides = array<i32>} : memref<4096xf32, #tpu.memory_space<vmem>>, vector<16xf32>,
          tpu.vector_store %arg15[%swap3A_514], %unpack3A_508 {strides = array<i32>} : memref<4096xf32, #tpu.memory_space<vmem>>, vector<16xf32>,
          %mul3A_516 = arith.constant 256 : i32
          %mul3A_517 = arith.muli %scan3A_278, %mul3A_516 : i32
          %add3A_518 = arith.constant 128 : i32
          %add3A_519 = arith.addi %mul3A_517, %add3A_518 : i32
          %add3A_520 = arith.constant 64 : i32
          %add3A_521 = arith.addi %add3A_519, %add3A_520 : i32
          %swap3A_522 = arith.index_cast %add3A_521 : i32 to index
          %swap3A_523 = tpu.vector_load %arg15[%swap3A_522] {strides = array<i32>} : memref<4096xf32, #tpu.memory_space<vmem>>, vector<16xf32>,
          tpu.vector_store %arg15[%swap3A_522], %unpack3A_509 {strides = array<i32>} : memref<4096xf32, #tpu.memory_space<vmem>>, vector<16xf32>,
          %get3A_524 = arith.index_cast %mul3A_280 : i32 to index
          %get3A_525 = arith.constant 80 : index
          %get3A_526 = tpu.vector_load %arg13[%get3A_524, %get3A_525] {strides = array<i32>} : memref<64x128xi32, #tpu.memory_space<vmem>>, vector<16xi32>,
          %bitcast3A_527 = vector.bitcast %get3A_526 : vector<16xi32> to vector<32xbf16>
          %mul3A_528 = arith.mulf %bitcast3A_527, %pack3A : vector<32xbf16>
          %add3A_529 = arith.constant 1 : i32
          %add3A_530 = arith.addi %mul3A_280, %add3A_529 : i32
          %get3A_531 = arith.index_cast %add3A_530 : i32 to index
          %get3A_532 = arith.constant 80 : index
          %get3A_533 = tpu.vector_load %arg13[%get3A_531, %get3A_532] {strides = array<i32>} : memref<64x128xi32, #tpu.memory_space<vmem>>, vector<16xi32>,
          %bitcast3A_534 = vector.bitcast %get3A_533 : vector<16xi32> to vector<32xbf16>
          %mul3A_535 = arith.mulf %bitcast3A_534, %pack3A_300 : vector<32xbf16>
          %add3A_536 = arith.constant 2 : i32
          %add3A_537 = arith.addi %mul3A_280, %add3A_536 : i32
          %get3A_538 = arith.index_cast %add3A_537 : i32 to index
          %get3A_539 = arith.constant 80 : index
          %get3A_540 = tpu.vector_load %arg13[%get3A_538, %get3A_539] {strides = array<i32>} : memref<64x128xi32, #tpu.memory_space<vmem>>, vector<16xi32>,
          %bitcast3A_541 = vector.bitcast %get3A_540 : vector<16xi32> to vector<32xbf16>
          %mul3A_542 = arith.mulf %bitcast3A_541, %pack3A_301 : vector<32xbf16>
          %add3A_543 = arith.constant 3 : i32
          %add3A_544 = arith.addi %mul3A_280, %add3A_543 : i32
          %get3A_545 = arith.index_cast %add3A_544 : i32 to index
          %get3A_546 = arith.constant 80 : index
          %get3A_547 = tpu.vector_load %arg13[%get3A_545, %get3A_546] {strides = array<i32>} : memref<64x128xi32, #tpu.memory_space<vmem>>, vector<16xi32>,
          %bitcast3A_548 = vector.bitcast %get3A_547 : vector<16xi32> to vector<32xbf16>
          %mul3A_549 = arith.mulf %bitcast3A_548, %pack3A_302 : vector<32xbf16>
          %add3A_550 = arith.addf %mul3A_528, %mul3A_535 : vector<32xbf16>
          %add3A_551 = arith.addf %mul3A_542, %mul3A_549 : vector<32xbf16>
          %add3A_552 = arith.addf %add3A_550, %add3A_551 : vector<32xbf16>
          %unpack3A_553 = tpu.unpack_subelements %add3A_552, 0 {pack_format = #tpu.pack_format<interleaved>} : vector<32xbf16> -> vector<16xf32>
          %unpack3A_554 = tpu.unpack_subelements %add3A_552, 1 {pack_format = #tpu.pack_format<interleaved>} : vector<32xbf16> -> vector<16xf32>
          %mul3A_555 = arith.constant 256 : i32
          %mul3A_556 = arith.muli %scan3A_278, %mul3A_555 : i32
          %add3A_557 = arith.constant 80 : i32
          %add3A_558 = arith.addi %mul3A_556, %add3A_557 : i32
          %swap3A_559 = arith.index_cast %add3A_558 : i32 to index
          %swap3A_560 = tpu.vector_load %arg15[%swap3A_559] {strides = array<i32>} : memref<4096xf32, #tpu.memory_space<vmem>>, vector<16xf32>,
          tpu.vector_store %arg15[%swap3A_559], %unpack3A_553 {strides = array<i32>} : memref<4096xf32, #tpu.memory_space<vmem>>, vector<16xf32>,
          %mul3A_561 = arith.constant 256 : i32
          %mul3A_562 = arith.muli %scan3A_278, %mul3A_561 : i32
          %add3A_563 = arith.constant 128 : i32
          %add3A_564 = arith.addi %mul3A_562, %add3A_563 : i32
          %add3A_565 = arith.constant 80 : i32
          %add3A_566 = arith.addi %add3A_564, %add3A_565 : i32
          %swap3A_567 = arith.index_cast %add3A_566 : i32 to index
          %swap3A_568 = tpu.vector_load %arg15[%swap3A_567] {strides = array<i32>} : memref<4096xf32, #tpu.memory_space<vmem>>, vector<16xf32>,
          tpu.vector_store %arg15[%swap3A_567], %unpack3A_554 {strides = array<i32>} : memref<4096xf32, #tpu.memory_space<vmem>>, vector<16xf32>,
          %get3A_569 = arith.index_cast %mul3A_280 : i32 to index
          %get3A_570 = arith.constant 96 : index
          %get3A_571 = tpu.vector_load %arg13[%get3A_569, %get3A_570] {strides = array<i32>} : memref<64x128xi32, #tpu.memory_space<vmem>>, vector<16xi32>,
          %bitcast3A_572 = vector.bitcast %get3A_571 : vector<16xi32> to vector<32xbf16>
          %mul3A_573 = arith.mulf %bitcast3A_572, %pack3A : vector<32xbf16>
          %add3A_574 = arith.constant 1 : i32
          %add3A_575 = arith.addi %mul3A_280, %add3A_574 : i32
          %get3A_576 = arith.index_cast %add3A_575 : i32 to index
          %get3A_577 = arith.constant 96 : index
          %get3A_578 = tpu.vector_load %arg13[%get3A_576, %get3A_577] {strides = array<i32>} : memref<64x128xi32, #tpu.memory_space<vmem>>, vector<16xi32>,
          %bitcast3A_579 = vector.bitcast %get3A_578 : vector<16xi32> to vector<32xbf16>
          %mul3A_580 = arith.mulf %bitcast3A_579, %pack3A_300 : vector<32xbf16>
          %add3A_581 = arith.constant 2 : i32
          %add3A_582 = arith.addi %mul3A_280, %add3A_581 : i32
          %get3A_583 = arith.index_cast %add3A_582 : i32 to index
          %get3A_584 = arith.constant 96 : index
          %get3A_585 = tpu.vector_load %arg13[%get3A_583, %get3A_584] {strides = array<i32>} : memref<64x128xi32, #tpu.memory_space<vmem>>, vector<16xi32>,
          %bitcast3A_586 = vector.bitcast %get3A_585 : vector<16xi32> to vector<32xbf16>
          %mul3A_587 = arith.mulf %bitcast3A_586, %pack3A_301 : vector<32xbf16>
          %add3A_588 = arith.constant 3 : i32
          %add3A_589 = arith.addi %mul3A_280, %add3A_588 : i32
          %get3A_590 = arith.index_cast %add3A_589 : i32 to index
          %get3A_591 = arith.constant 96 : index
          %get3A_592 = tpu.vector_load %arg13[%get3A_590, %get3A_591] {strides = array<i32>} : memref<64x128xi32, #tpu.memory_space<vmem>>, vector<16xi32>,
          %bitcast3A_593 = vector.bitcast %get3A_592 : vector<16xi32> to vector<32xbf16>
          %mul3A_594 = arith.mulf %bitcast3A_593, %pack3A_302 : vector<32xbf16>
          %add3A_595 = arith.addf %mul3A_573, %mul3A_580 : vector<32xbf16>
          %add3A_596 = arith.addf %mul3A_587, %mul3A_594 : vector<32xbf16>
          %add3A_597 = arith.addf %add3A_595, %add3A_596 : vector<32xbf16>
          %unpack3A_598 = tpu.unpack_subelements %add3A_597, 0 {pack_format = #tpu.pack_format<interleaved>} : vector<32xbf16> -> vector<16xf32>
          %unpack3A_599 = tpu.unpack_subelements %add3A_597, 1 {pack_format = #tpu.pack_format<interleaved>} : vector<32xbf16> -> vector<16xf32>
          %mul3A_600 = arith.constant 256 : i32
          %mul3A_601 = arith.muli %scan3A_278, %mul3A_600 : i32
          %add3A_602 = arith.constant 96 : i32
          %add3A_603 = arith.addi %mul3A_601, %add3A_602 : i32
          %swap3A_604 = arith.index_cast %add3A_603 : i32 to index
          %swap3A_605 = tpu.vector_load %arg15[%swap3A_604] {strides = array<i32>} : memref<4096xf32, #tpu.memory_space<vmem>>, vector<16xf32>,
          tpu.vector_store %arg15[%swap3A_604], %unpack3A_598 {strides = array<i32>} : memref<4096xf32, #tpu.memory_space<vmem>>, vector<16xf32>,
          %mul3A_606 = arith.constant 256 : i32
          %mul3A_607 = arith.muli %scan3A_278, %mul3A_606 : i32
          %add3A_608 = arith.constant 128 : i32
          %add3A_609 = arith.addi %mul3A_607, %add3A_608 : i32
          %add3A_610 = arith.constant 96 : i32
          %add3A_611 = arith.addi %add3A_609, %add3A_610 : i32
          %swap3A_612 = arith.index_cast %add3A_611 : i32 to index
          %swap3A_613 = tpu.vector_load %arg15[%swap3A_612] {strides = array<i32>} : memref<4096xf32, #tpu.memory_space<vmem>>, vector<16xf32>,
          tpu.vector_store %arg15[%swap3A_612], %unpack3A_599 {strides = array<i32>} : memref<4096xf32, #tpu.memory_space<vmem>>, vector<16xf32>,
          %get3A_614 = arith.index_cast %mul3A_280 : i32 to index
          %get3A_615 = arith.constant 112 : index
          %get3A_616 = tpu.vector_load %arg13[%get3A_614, %get3A_615] {strides = array<i32>} : memref<64x128xi32, #tpu.memory_space<vmem>>, vector<16xi32>,
          %bitcast3A_617 = vector.bitcast %get3A_616 : vector<16xi32> to vector<32xbf16>
          %mul3A_618 = arith.mulf %bitcast3A_617, %pack3A : vector<32xbf16>
          %add3A_619 = arith.constant 1 : i32
          %add3A_620 = arith.addi %mul3A_280, %add3A_619 : i32
          %get3A_621 = arith.index_cast %add3A_620 : i32 to index
          %get3A_622 = arith.constant 112 : index
          %get3A_623 = tpu.vector_load %arg13[%get3A_621, %get3A_622] {strides = array<i32>} : memref<64x128xi32, #tpu.memory_space<vmem>>, vector<16xi32>,
          %bitcast3A_624 = vector.bitcast %get3A_623 : vector<16xi32> to vector<32xbf16>
          %mul3A_625 = arith.mulf %bitcast3A_624, %pack3A_300 : vector<32xbf16>
          %add3A_626 = arith.constant 2 : i32
          %add3A_627 = arith.addi %mul3A_280, %add3A_626 : i32
          %get3A_628 = arith.index_cast %add3A_627 : i32 to index
          %get3A_629 = arith.constant 112 : index
          %get3A_630 = tpu.vector_load %arg13[%get3A_628, %get3A_629] {strides = array<i32>} : memref<64x128xi32, #tpu.memory_space<vmem>>, vector<16xi32>,
          %bitcast3A_631 = vector.bitcast %get3A_630 : vector<16xi32> to vector<32xbf16>
          %mul3A_632 = arith.mulf %bitcast3A_631, %pack3A_301 : vector<32xbf16>
          %add3A_633 = arith.constant 3 : i32
          %add3A_634 = arith.addi %mul3A_280, %add3A_633 : i32
          %get3A_635 = arith.index_cast %add3A_634 : i32 to index
          %get3A_636 = arith.constant 112 : index
          %get3A_637 = tpu.vector_load %arg13[%get3A_635, %get3A_636] {strides = array<i32>} : memref<64x128xi32, #tpu.memory_space<vmem>>, vector<16xi32>,
          %bitcast3A_638 = vector.bitcast %get3A_637 : vector<16xi32> to vector<32xbf16>
          %mul3A_639 = arith.mulf %bitcast3A_638, %pack3A_302 : vector<32xbf16>
          %add3A_640 = arith.addf %mul3A_618, %mul3A_625 : vector<32xbf16>
          %add3A_641 = arith.addf %mul3A_632, %mul3A_639 : vector<32xbf16>
          %add3A_642 = arith.addf %add3A_640, %add3A_641 : vector<32xbf16>
          %unpack3A_643 = tpu.unpack_subelements %add3A_642, 0 {pack_format = #tpu.pack_format<interleaved>} : vector<32xbf16> -> vector<16xf32>
          %unpack3A_644 = tpu.unpack_subelements %add3A_642, 1 {pack_format = #tpu.pack_format<interleaved>} : vector<32xbf16> -> vector<16xf32>
          %mul3A_645 = arith.constant 256 : i32
          %mul3A_646 = arith.muli %scan3A_278, %mul3A_645 : i32
          %add3A_647 = arith.constant 112 : i32
          %add3A_648 = arith.addi %mul3A_646, %add3A_647 : i32
          %swap3A_649 = arith.index_cast %add3A_648 : i32 to index
          %swap3A_650 = tpu.vector_load %arg15[%swap3A_649] {strides = array<i32>} : memref<4096xf32, #tpu.memory_space<vmem>>, vector<16xf32>,
          tpu.vector_store %arg15[%swap3A_649], %unpack3A_643 {strides = array<i32>} : memref<4096xf32, #tpu.memory_space<vmem>>, vector<16xf32>,
          %mul3A_651 = arith.constant 256 : i32
          %mul3A_652 = arith.muli %scan3A_278, %mul3A_651 : i32
          %add3A_653 = arith.constant 128 : i32
          %add3A_654 = arith.addi %mul3A_652, %add3A_653 : i32
          %add3A_655 = arith.constant 112 : i32
          %add3A_656 = arith.addi %add3A_654, %add3A_655 : i32
          %swap3A_657 = arith.index_cast %add3A_656 : i32 to index
          %swap3A_658 = tpu.vector_load %arg15[%swap3A_657] {strides = array<i32>} : memref<4096xf32, #tpu.memory_space<vmem>>, vector<16xf32>,
          tpu.vector_store %arg15[%swap3A_657], %unpack3A_644 {strides = array<i32>} : memref<4096xf32, #tpu.memory_space<vmem>>, vector<16xf32>,
          %scan3A_659 = arith.constant 1 : i32
          %scan3A_660 = arith.addi %scan3A_278, %scan3A_659 : i32
          %mul3A_661 = arith.constant 4 : i32
          %mul3A_662 = arith.muli %scan3A_660, %mul3A_661 : i32
          %broadcast_in_dim3A_663 = arith.constant 0 : i32
          %broadcast_in_dim3A_664 = vector.broadcast %broadcast_in_dim3A_663 : i32 to vector<16xi32>
          %add3A_665 = vector.broadcast %mul3A_662 : i32 to vector<16xi32>
          %add3A_666 = arith.addi %broadcast_in_dim3A_664, %add3A_665 : vector<16xi32>
          %gather3A_667 = tpu.vector_load_idx %arg11[%add3A_666] : memref<64xf32, #tpu.memory_space<vmem>>[vector<16xi32>], vector<16xf32>,
          %broadcast_in_dim3A_668 = arith.constant 1 : i32
          %broadcast_in_dim3A_669 = vector.broadcast %broadcast_in_dim3A_668 : i32 to vector<16xi32>
          %add3A_670 = vector.broadcast %mul3A_662 : i32 to vector<16xi32>
          %add3A_671 = arith.addi %broadcast_in_dim3A_669, %add3A_670 : vector<16xi32>
          %gather3A_672 = tpu.vector_load_idx %arg11[%add3A_671] : memref<64xf32, #tpu.memory_space<vmem>>[vector<16xi32>], vector<16xf32>,
          %broadcast_in_dim3A_673 = arith.constant 2 : i32
          %broadcast_in_dim3A_674 = vector.broadcast %broadcast_in_dim3A_673 : i32 to vector<16xi32>
          %add3A_675 = vector.broadcast %mul3A_662 : i32 to vector<16xi32>
          %add3A_676 = arith.addi %broadcast_in_dim3A_674, %add3A_675 : vector<16xi32>
          %gather3A_677 = tpu.vector_load_idx %arg11[%add3A_676] : memref<64xf32, #tpu.memory_space<vmem>>[vector<16xi32>], vector<16xf32>,
          %broadcast_in_dim3A_678 = arith.constant 3 : i32
          %broadcast_in_dim3A_679 = vector.broadcast %broadcast_in_dim3A_678 : i32 to vector<16xi32>
          %add3A_680 = vector.broadcast %mul3A_662 : i32 to vector<16xi32>
          %add3A_681 = arith.addi %broadcast_in_dim3A_679, %add3A_680 : vector<16xi32>
          %gather3A_682 = tpu.vector_load_idx %arg11[%add3A_681] : memref<64xf32, #tpu.memory_space<vmem>>[vector<16xi32>], vector<16xf32>,
          %pack3A_683 = tpu.pack_subelements %gather3A_667, %gather3A_667 {pack_format = #tpu.pack_format<interleaved>, positions = array<i32: 0, 1>} : vector<16xf32>, vector<16xf32> -> vector<32xbf16>
          %pack3A_684 = tpu.pack_subelements %gather3A_672, %gather3A_672 {pack_format = #tpu.pack_format<interleaved>, positions = array<i32: 0, 1>} : vector<16xf32>, vector<16xf32> -> vector<32xbf16>
          %pack3A_685 = tpu.pack_subelements %gather3A_677, %gather3A_677 {pack_format = #tpu.pack_format<interleaved>, positions = array<i32: 0, 1>} : vector<16xf32>, vector<16xf32> -> vector<32xbf16>
          %pack3A_686 = tpu.pack_subelements %gather3A_682, %gather3A_682 {pack_format = #tpu.pack_format<interleaved>, positions = array<i32: 0, 1>} : vector<16xf32>, vector<16xf32> -> vector<32xbf16>
          %get3A_687 = arith.index_cast %mul3A_662 : i32 to index
          %get3A_688 = arith.constant 0 : index
          %get3A_689 = tpu.vector_load %arg13[%get3A_687, %get3A_688] {strides = array<i32>} : memref<64x128xi32, #tpu.memory_space<vmem>>, vector<16xi32>,
          %bitcast3A_690 = vector.bitcast %get3A_689 : vector<16xi32> to vector<32xbf16>
          %mul3A_691 = arith.mulf %bitcast3A_690, %pack3A_683 : vector<32xbf16>
          %add3A_692 = arith.constant 1 : i32
          %add3A_693 = arith.addi %mul3A_662, %add3A_692 : i32
          %get3A_694 = arith.index_cast %add3A_693 : i32 to index
          %get3A_695 = arith.constant 0 : index
          %get3A_696 = tpu.vector_load %arg13[%get3A_694, %get3A_695] {strides = array<i32>} : memref<64x128xi32, #tpu.memory_space<vmem>>, vector<16xi32>,
          %bitcast3A_697 = vector.bitcast %get3A_696 : vector<16xi32> to vector<32xbf16>
          %mul3A_698 = arith.mulf %bitcast3A_697, %pack3A_684 : vector<32xbf16>
          %add3A_699 = arith.constant 2 : i32
          %add3A_700 = arith.addi %mul3A_662, %add3A_699 : i32
          %get3A_701 = arith.index_cast %add3A_700 : i32 to index
          %get3A_702 = arith.constant 0 : index
          %get3A_703 = tpu.vector_load %arg13[%get3A_701, %get3A_702] {strides = array<i32>} : memref<64x128xi32, #tpu.memory_space<vmem>>, vector<16xi32>,
          %bitcast3A_704 = vector.bitcast %get3A_703 : vector<16xi32> to vector<32xbf16>
          %mul3A_705 = arith.mulf %bitcast3A_704, %pack3A_685 : vector<32xbf16>
          %add3A_706 = arith.constant 3 : i32
          %add3A_707 = arith.addi %mul3A_662, %add3A_706 : i32
          %get3A_708 = arith.index_cast %add3A_707 : i32 to index
          %get3A_709 = arith.constant 0 : index
          %get3A_710 = tpu.vector_load %arg13[%get3A_708, %get3A_709] {strides = array<i32>} : memref<64x128xi32, #tpu.memory_space<vmem>>, vector<16xi32>,
          %bitcast3A_711 = vector.bitcast %get3A_710 : vector<16xi32> to vector<32xbf16>
          %mul3A_712 = arith.mulf %bitcast3A_711, %pack3A_686 : vector<32xbf16>
          %add3A_713 = arith.addf %mul3A_691, %mul3A_698 : vector<32xbf16>
          %add3A_714 = arith.addf %mul3A_705, %mul3A_712 : vector<32xbf16>
          %add3A_715 = arith.addf %add3A_713, %add3A_714 : vector<32xbf16>
          %unpack3A_716 = tpu.unpack_subelements %add3A_715, 0 {pack_format = #tpu.pack_format<interleaved>} : vector<32xbf16> -> vector<16xf32>
          %unpack3A_717 = tpu.unpack_subelements %add3A_715, 1 {pack_format = #tpu.pack_format<interleaved>} : vector<32xbf16> -> vector<16xf32>
          %mul3A_718 = arith.constant 256 : i32
          %mul3A_719 = arith.muli %scan3A_660, %mul3A_718 : i32
          %add3A_720 = arith.constant 0 : i32
          %add3A_721 = arith.addi %mul3A_719, %add3A_720 : i32
          %swap3A_722 = arith.index_cast %add3A_721 : i32 to index
          %swap3A_723 = tpu.vector_load %arg15[%swap3A_722] {strides = array<i32>} : memref<4096xf32, #tpu.memory_space<vmem>>, vector<16xf32>,
          tpu.vector_store %arg15[%swap3A_722], %unpack3A_716 {strides = array<i32>} : memref<4096xf32, #tpu.memory_space<vmem>>, vector<16xf32>,
          %mul3A_724 = arith.constant 256 : i32
          %mul3A_725 = arith.muli %scan3A_660, %mul3A_724 : i32
          %add3A_726 = arith.constant 128 : i32
          %add3A_727 = arith.addi %mul3A_725, %add3A_726 : i32
          %add3A_728 = arith.constant 0 : i32
          %add3A_729 = arith.addi %add3A_727, %add3A_728 : i32
          %swap3A_730 = arith.index_cast %add3A_729 : i32 to index
          %swap3A_731 = tpu.vector_load %arg15[%swap3A_730] {strides = array<i32>} : memref<4096xf32, #tpu.memory_space<vmem>>, vector<16xf32>,
          tpu.vector_store %arg15[%swap3A_730], %unpack3A_717 {strides = array<i32>} : memref<4096xf32, #tpu.memory_space<vmem>>, vector<16xf32>,
          %get3A_732 = arith.index_cast %mul3A_662 : i32 to index
          %get3A_733 = arith.constant 16 : index
          %get3A_734 = tpu.vector_load %arg13[%get3A_732, %get3A_733] {strides = array<i32>} : memref<64x128xi32, #tpu.memory_space<vmem>>, vector<16xi32>,
          %bitcast3A_735 = vector.bitcast %get3A_734 : vector<16xi32> to vector<32xbf16>
          %mul3A_736 = arith.mulf %bitcast3A_735, %pack3A_683 : vector<32xbf16>
          %add3A_737 = arith.constant 1 : i32
          %add3A_738 = arith.addi %mul3A_662, %add3A_737 : i32
          %get3A_739 = arith.index_cast %add3A_738 : i32 to index
          %get3A_740 = arith.constant 16 : index
          %get3A_741 = tpu.vector_load %arg13[%get3A_739, %get3A_740] {strides = array<i32>} : memref<64x128xi32, #tpu.memory_space<vmem>>, vector<16xi32>,
          %bitcast3A_742 = vector.bitcast %get3A_741 : vector<16xi32> to vector<32xbf16>
          %mul3A_743 = arith.mulf %bitcast3A_742, %pack3A_684 : vector<32xbf16>
          %add3A_744 = arith.constant 2 : i32
          %add3A_745 = arith.addi %mul3A_662, %add3A_744 : i32
          %get3A_746 = arith.index_cast %add3A_745 : i32 to index
          %get3A_747 = arith.constant 16 : index
          %get3A_748 = tpu.vector_load %arg13[%get3A_746, %get3A_747] {strides = array<i32>} : memref<64x128xi32, #tpu.memory_space<vmem>>, vector<16xi32>,
          %bitcast3A_749 = vector.bitcast %get3A_748 : vector<16xi32> to vector<32xbf16>
          %mul3A_750 = arith.mulf %bitcast3A_749, %pack3A_685 : vector<32xbf16>
          %add3A_751 = arith.constant 3 : i32
          %add3A_752 = arith.addi %mul3A_662, %add3A_751 : i32
          %get3A_753 = arith.index_cast %add3A_752 : i32 to index
          %get3A_754 = arith.constant 16 : index
          %get3A_755 = tpu.vector_load %arg13[%get3A_753, %get3A_754] {strides = array<i32>} : memref<64x128xi32, #tpu.memory_space<vmem>>, vector<16xi32>,
          %bitcast3A_756 = vector.bitcast %get3A_755 : vector<16xi32> to vector<32xbf16>
          %mul3A_757 = arith.mulf %bitcast3A_756, %pack3A_686 : vector<32xbf16>
          %add3A_758 = arith.addf %mul3A_736, %mul3A_743 : vector<32xbf16>
          %add3A_759 = arith.addf %mul3A_750, %mul3A_757 : vector<32xbf16>
          %add3A_760 = arith.addf %add3A_758, %add3A_759 : vector<32xbf16>
          %unpack3A_761 = tpu.unpack_subelements %add3A_760, 0 {pack_format = #tpu.pack_format<interleaved>} : vector<32xbf16> -> vector<16xf32>
          %unpack3A_762 = tpu.unpack_subelements %add3A_760, 1 {pack_format = #tpu.pack_format<interleaved>} : vector<32xbf16> -> vector<16xf32>
          %mul3A_763 = arith.constant 256 : i32
          %mul3A_764 = arith.muli %scan3A_660, %mul3A_763 : i32
          %add3A_765 = arith.constant 16 : i32
          %add3A_766 = arith.addi %mul3A_764, %add3A_765 : i32
          %swap3A_767 = arith.index_cast %add3A_766 : i32 to index
          %swap3A_768 = tpu.vector_load %arg15[%swap3A_767] {strides = array<i32>} : memref<4096xf32, #tpu.memory_space<vmem>>, vector<16xf32>,
          tpu.vector_store %arg15[%swap3A_767], %unpack3A_761 {strides = array<i32>} : memref<4096xf32, #tpu.memory_space<vmem>>, vector<16xf32>,
          %mul3A_769 = arith.constant 256 : i32
          %mul3A_770 = arith.muli %scan3A_660, %mul3A_769 : i32
          %add3A_771 = arith.constant 128 : i32
          %add3A_772 = arith.addi %mul3A_770, %add3A_771 : i32
          %add3A_773 = arith.constant 16 : i32
          %add3A_774 = arith.addi %add3A_772, %add3A_773 : i32
          %swap3A_775 = arith.index_cast %add3A_774 : i32 to index
          %swap3A_776 = tpu.vector_load %arg15[%swap3A_775] {strides = array<i32>} : memref<4096xf32, #tpu.memory_space<vmem>>, vector<16xf32>,
          tpu.vector_store %arg15[%swap3A_775], %unpack3A_762 {strides = array<i32>} : memref<4096xf32, #tpu.memory_space<vmem>>, vector<16xf32>,
          %get3A_777 = arith.index_cast %mul3A_662 : i32 to index
          %get3A_778 = arith.constant 32 : index
          %get3A_779 = tpu.vector_load %arg13[%get3A_777, %get3A_778] {strides = array<i32>} : memref<64x128xi32, #tpu.memory_space<vmem>>, vector<16xi32>,
          %bitcast3A_780 = vector.bitcast %get3A_779 : vector<16xi32> to vector<32xbf16>
          %mul3A_781 = arith.mulf %bitcast3A_780, %pack3A_683 : vector<32xbf16>
          %add3A_782 = arith.constant 1 : i32
          %add3A_783 = arith.addi %mul3A_662, %add3A_782 : i32
          %get3A_784 = arith.index_cast %add3A_783 : i32 to index
          %get3A_785 = arith.constant 32 : index
          %get3A_786 = tpu.vector_load %arg13[%get3A_784, %get3A_785] {strides = array<i32>} : memref<64x128xi32, #tpu.memory_space<vmem>>, vector<16xi32>,
          %bitcast3A_787 = vector.bitcast %get3A_786 : vector<16xi32> to vector<32xbf16>
          %mul3A_788 = arith.mulf %bitcast3A_787, %pack3A_684 : vector<32xbf16>
          %add3A_789 = arith.constant 2 : i32
          %add3A_790 = arith.addi %mul3A_662, %add3A_789 : i32
          %get3A_791 = arith.index_cast %add3A_790 : i32 to index
          %get3A_792 = arith.constant 32 : index
          %get3A_793 = tpu.vector_load %arg13[%get3A_791, %get3A_792] {strides = array<i32>} : memref<64x128xi32, #tpu.memory_space<vmem>>, vector<16xi32>,
          %bitcast3A_794 = vector.bitcast %get3A_793 : vector<16xi32> to vector<32xbf16>
          %mul3A_795 = arith.mulf %bitcast3A_794, %pack3A_685 : vector<32xbf16>
          %add3A_796 = arith.constant 3 : i32
          %add3A_797 = arith.addi %mul3A_662, %add3A_796 : i32
          %get3A_798 = arith.index_cast %add3A_797 : i32 to index
          %get3A_799 = arith.constant 32 : index
          %get3A_800 = tpu.vector_load %arg13[%get3A_798, %get3A_799] {strides = array<i32>} : memref<64x128xi32, #tpu.memory_space<vmem>>, vector<16xi32>,
          %bitcast3A_801 = vector.bitcast %get3A_800 : vector<16xi32> to vector<32xbf16>
          %mul3A_802 = arith.mulf %bitcast3A_801, %pack3A_686 : vector<32xbf16>
          %add3A_803 = arith.addf %mul3A_781, %mul3A_788 : vector<32xbf16>
          %add3A_804 = arith.addf %mul3A_795, %mul3A_802 : vector<32xbf16>
          %add3A_805 = arith.addf %add3A_803, %add3A_804 : vector<32xbf16>
          %unpack3A_806 = tpu.unpack_subelements %add3A_805, 0 {pack_format = #tpu.pack_format<interleaved>} : vector<32xbf16> -> vector<16xf32>
          %unpack3A_807 = tpu.unpack_subelements %add3A_805, 1 {pack_format = #tpu.pack_format<interleaved>} : vector<32xbf16> -> vector<16xf32>
          %mul3A_808 = arith.constant 256 : i32
          %mul3A_809 = arith.muli %scan3A_660, %mul3A_808 : i32
          %add3A_810 = arith.constant 32 : i32
          %add3A_811 = arith.addi %mul3A_809, %add3A_810 : i32
          %swap3A_812 = arith.index_cast %add3A_811 : i32 to index
          %swap3A_813 = tpu.vector_load %arg15[%swap3A_812] {strides = array<i32>} : memref<4096xf32, #tpu.memory_space<vmem>>, vector<16xf32>,
          tpu.vector_store %arg15[%swap3A_812], %unpack3A_806 {strides = array<i32>} : memref<4096xf32, #tpu.memory_space<vmem>>, vector<16xf32>,
          %mul3A_814 = arith.constant 256 : i32
          %mul3A_815 = arith.muli %scan3A_660, %mul3A_814 : i32
          %add3A_816 = arith.constant 128 : i32
          %add3A_817 = arith.addi %mul3A_815, %add3A_816 : i32
          %add3A_818 = arith.constant 32 : i32
          %add3A_819 = arith.addi %add3A_817, %add3A_818 : i32
          %swap3A_820 = arith.index_cast %add3A_819 : i32 to index
          %swap3A_821 = tpu.vector_load %arg15[%swap3A_820] {strides = array<i32>} : memref<4096xf32, #tpu.memory_space<vmem>>, vector<16xf32>,
          tpu.vector_store %arg15[%swap3A_820], %unpack3A_807 {strides = array<i32>} : memref<4096xf32, #tpu.memory_space<vmem>>, vector<16xf32>,
          %get3A_822 = arith.index_cast %mul3A_662 : i32 to index
          %get3A_823 = arith.constant 48 : index
          %get3A_824 = tpu.vector_load %arg13[%get3A_822, %get3A_823] {strides = array<i32>} : memref<64x128xi32, #tpu.memory_space<vmem>>, vector<16xi32>,
          %bitcast3A_825 = vector.bitcast %get3A_824 : vector<16xi32> to vector<32xbf16>
          %mul3A_826 = arith.mulf %bitcast3A_825, %pack3A_683 : vector<32xbf16>
          %add3A_827 = arith.constant 1 : i32
          %add3A_828 = arith.addi %mul3A_662, %add3A_827 : i32
          %get3A_829 = arith.index_cast %add3A_828 : i32 to index
          %get3A_830 = arith.constant 48 : index
          %get3A_831 = tpu.vector_load %arg13[%get3A_829, %get3A_830] {strides = array<i32>} : memref<64x128xi32, #tpu.memory_space<vmem>>, vector<16xi32>,
          %bitcast3A_832 = vector.bitcast %get3A_831 : vector<16xi32> to vector<32xbf16>
          %mul3A_833 = arith.mulf %bitcast3A_832, %pack3A_684 : vector<32xbf16>
          %add3A_834 = arith.constant 2 : i32
          %add3A_835 = arith.addi %mul3A_662, %add3A_834 : i32
          %get3A_836 = arith.index_cast %add3A_835 : i32 to index
          %get3A_837 = arith.constant 48 : index
          %get3A_838 = tpu.vector_load %arg13[%get3A_836, %get3A_837] {strides = array<i32>} : memref<64x128xi32, #tpu.memory_space<vmem>>, vector<16xi32>,
          %bitcast3A_839 = vector.bitcast %get3A_838 : vector<16xi32> to vector<32xbf16>
          %mul3A_840 = arith.mulf %bitcast3A_839, %pack3A_685 : vector<32xbf16>
          %add3A_841 = arith.constant 3 : i32
          %add3A_842 = arith.addi %mul3A_662, %add3A_841 : i32
          %get3A_843 = arith.index_cast %add3A_842 : i32 to index
          %get3A_844 = arith.constant 48 : index
          %get3A_845 = tpu.vector_load %arg13[%get3A_843, %get3A_844] {strides = array<i32>} : memref<64x128xi32, #tpu.memory_space<vmem>>, vector<16xi32>,
          %bitcast3A_846 = vector.bitcast %get3A_845 : vector<16xi32> to vector<32xbf16>
          %mul3A_847 = arith.mulf %bitcast3A_846, %pack3A_686 : vector<32xbf16>
          %add3A_848 = arith.addf %mul3A_826, %mul3A_833 : vector<32xbf16>
          %add3A_849 = arith.addf %mul3A_840, %mul3A_847 : vector<32xbf16>
          %add3A_850 = arith.addf %add3A_848, %add3A_849 : vector<32xbf16>
          %unpack3A_851 = tpu.unpack_subelements %add3A_850, 0 {pack_format = #tpu.pack_format<interleaved>} : vector<32xbf16> -> vector<16xf32>
          %unpack3A_852 = tpu.unpack_subelements %add3A_850, 1 {pack_format = #tpu.pack_format<interleaved>} : vector<32xbf16> -> vector<16xf32>
          %mul3A_853 = arith.constant 256 : i32
          %mul3A_854 = arith.muli %scan3A_660, %mul3A_853 : i32
          %add3A_855 = arith.constant 48 : i32
          %add3A_856 = arith.addi %mul3A_854, %add3A_855 : i32
          %swap3A_857 = arith.index_cast %add3A_856 : i32 to index
          %swap3A_858 = tpu.vector_load %arg15[%swap3A_857] {strides = array<i32>} : memref<4096xf32, #tpu.memory_space<vmem>>, vector<16xf32>,
          tpu.vector_store %arg15[%swap3A_857], %unpack3A_851 {strides = array<i32>} : memref<4096xf32, #tpu.memory_space<vmem>>, vector<16xf32>,
          %mul3A_859 = arith.constant 256 : i32
          %mul3A_860 = arith.muli %scan3A_660, %mul3A_859 : i32
          %add3A_861 = arith.constant 128 : i32
          %add3A_862 = arith.addi %mul3A_860, %add3A_861 : i32
          %add3A_863 = arith.constant 48 : i32
          %add3A_864 = arith.addi %add3A_862, %add3A_863 : i32
          %swap3A_865 = arith.index_cast %add3A_864 : i32 to index
          %swap3A_866 = tpu.vector_load %arg15[%swap3A_865] {strides = array<i32>} : memref<4096xf32, #tpu.memory_space<vmem>>, vector<16xf32>,
          tpu.vector_store %arg15[%swap3A_865], %unpack3A_852 {strides = array<i32>} : memref<4096xf32, #tpu.memory_space<vmem>>, vector<16xf32>,
          %get3A_867 = arith.index_cast %mul3A_662 : i32 to index
          %get3A_868 = arith.constant 64 : index
          %get3A_869 = tpu.vector_load %arg13[%get3A_867, %get3A_868] {strides = array<i32>} : memref<64x128xi32, #tpu.memory_space<vmem>>, vector<16xi32>,
          %bitcast3A_870 = vector.bitcast %get3A_869 : vector<16xi32> to vector<32xbf16>
          %mul3A_871 = arith.mulf %bitcast3A_870, %pack3A_683 : vector<32xbf16>
          %add3A_872 = arith.constant 1 : i32
          %add3A_873 = arith.addi %mul3A_662, %add3A_872 : i32
          %get3A_874 = arith.index_cast %add3A_873 : i32 to index
          %get3A_875 = arith.constant 64 : index
          %get3A_876 = tpu.vector_load %arg13[%get3A_874, %get3A_875] {strides = array<i32>} : memref<64x128xi32, #tpu.memory_space<vmem>>, vector<16xi32>,
          %bitcast3A_877 = vector.bitcast %get3A_876 : vector<16xi32> to vector<32xbf16>
          %mul3A_878 = arith.mulf %bitcast3A_877, %pack3A_684 : vector<32xbf16>
          %add3A_879 = arith.constant 2 : i32
          %add3A_880 = arith.addi %mul3A_662, %add3A_879 : i32
          %get3A_881 = arith.index_cast %add3A_880 : i32 to index
          %get3A_882 = arith.constant 64 : index
          %get3A_883 = tpu.vector_load %arg13[%get3A_881, %get3A_882] {strides = array<i32>} : memref<64x128xi32, #tpu.memory_space<vmem>>, vector<16xi32>,
          %bitcast3A_884 = vector.bitcast %get3A_883 : vector<16xi32> to vector<32xbf16>
          %mul3A_885 = arith.mulf %bitcast3A_884, %pack3A_685 : vector<32xbf16>
          %add3A_886 = arith.constant 3 : i32
          %add3A_887 = arith.addi %mul3A_662, %add3A_886 : i32
          %get3A_888 = arith.index_cast %add3A_887 : i32 to index
          %get3A_889 = arith.constant 64 : index
          %get3A_890 = tpu.vector_load %arg13[%get3A_888, %get3A_889] {strides = array<i32>} : memref<64x128xi32, #tpu.memory_space<vmem>>, vector<16xi32>,
          %bitcast3A_891 = vector.bitcast %get3A_890 : vector<16xi32> to vector<32xbf16>
          %mul3A_892 = arith.mulf %bitcast3A_891, %pack3A_686 : vector<32xbf16>
          %add3A_893 = arith.addf %mul3A_871, %mul3A_878 : vector<32xbf16>
          %add3A_894 = arith.addf %mul3A_885, %mul3A_892 : vector<32xbf16>
          %add3A_895 = arith.addf %add3A_893, %add3A_894 : vector<32xbf16>
          %unpack3A_896 = tpu.unpack_subelements %add3A_895, 0 {pack_format = #tpu.pack_format<interleaved>} : vector<32xbf16> -> vector<16xf32>
          %unpack3A_897 = tpu.unpack_subelements %add3A_895, 1 {pack_format = #tpu.pack_format<interleaved>} : vector<32xbf16> -> vector<16xf32>
          %mul3A_898 = arith.constant 256 : i32
          %mul3A_899 = arith.muli %scan3A_660, %mul3A_898 : i32
          %add3A_900 = arith.constant 64 : i32
          %add3A_901 = arith.addi %mul3A_899, %add3A_900 : i32
          %swap3A_902 = arith.index_cast %add3A_901 : i32 to index
          %swap3A_903 = tpu.vector_load %arg15[%swap3A_902] {strides = array<i32>} : memref<4096xf32, #tpu.memory_space<vmem>>, vector<16xf32>,
          tpu.vector_store %arg15[%swap3A_902], %unpack3A_896 {strides = array<i32>} : memref<4096xf32, #tpu.memory_space<vmem>>, vector<16xf32>,
          %mul3A_904 = arith.constant 256 : i32
          %mul3A_905 = arith.muli %scan3A_660, %mul3A_904 : i32
          %add3A_906 = arith.constant 128 : i32
          %add3A_907 = arith.addi %mul3A_905, %add3A_906 : i32
          %add3A_908 = arith.constant 64 : i32
          %add3A_909 = arith.addi %add3A_907, %add3A_908 : i32
          %swap3A_910 = arith.index_cast %add3A_909 : i32 to index
          %swap3A_911 = tpu.vector_load %arg15[%swap3A_910] {strides = array<i32>} : memref<4096xf32, #tpu.memory_space<vmem>>, vector<16xf32>,
          tpu.vector_store %arg15[%swap3A_910], %unpack3A_897 {strides = array<i32>} : memref<4096xf32, #tpu.memory_space<vmem>>, vector<16xf32>,
          %get3A_912 = arith.index_cast %mul3A_662 : i32 to index
          %get3A_913 = arith.constant 80 : index
          %get3A_914 = tpu.vector_load %arg13[%get3A_912, %get3A_913] {strides = array<i32>} : memref<64x128xi32, #tpu.memory_space<vmem>>, vector<16xi32>,
          %bitcast3A_915 = vector.bitcast %get3A_914 : vector<16xi32> to vector<32xbf16>
          %mul3A_916 = arith.mulf %bitcast3A_915, %pack3A_683 : vector<32xbf16>
          %add3A_917 = arith.constant 1 : i32
          %add3A_918 = arith.addi %mul3A_662, %add3A_917 : i32
          %get3A_919 = arith.index_cast %add3A_918 : i32 to index
          %get3A_920 = arith.constant 80 : index
          %get3A_921 = tpu.vector_load %arg13[%get3A_919, %get3A_920] {strides = array<i32>} : memref<64x128xi32, #tpu.memory_space<vmem>>, vector<16xi32>,
          %bitcast3A_922 = vector.bitcast %get3A_921 : vector<16xi32> to vector<32xbf16>
          %mul3A_923 = arith.mulf %bitcast3A_922, %pack3A_684 : vector<32xbf16>
          %add3A_924 = arith.constant 2 : i32
          %add3A_925 = arith.addi %mul3A_662, %add3A_924 : i32
          %get3A_926 = arith.index_cast %add3A_925 : i32 to index
          %get3A_927 = arith.constant 80 : index
          %get3A_928 = tpu.vector_load %arg13[%get3A_926, %get3A_927] {strides = array<i32>} : memref<64x128xi32, #tpu.memory_space<vmem>>, vector<16xi32>,
          %bitcast3A_929 = vector.bitcast %get3A_928 : vector<16xi32> to vector<32xbf16>
          %mul3A_930 = arith.mulf %bitcast3A_929, %pack3A_685 : vector<32xbf16>
          %add3A_931 = arith.constant 3 : i32
          %add3A_932 = arith.addi %mul3A_662, %add3A_931 : i32
          %get3A_933 = arith.index_cast %add3A_932 : i32 to index
          %get3A_934 = arith.constant 80 : index
          %get3A_935 = tpu.vector_load %arg13[%get3A_933, %get3A_934] {strides = array<i32>} : memref<64x128xi32, #tpu.memory_space<vmem>>, vector<16xi32>,
          %bitcast3A_936 = vector.bitcast %get3A_935 : vector<16xi32> to vector<32xbf16>
          %mul3A_937 = arith.mulf %bitcast3A_936, %pack3A_686 : vector<32xbf16>
          %add3A_938 = arith.addf %mul3A_916, %mul3A_923 : vector<32xbf16>
          %add3A_939 = arith.addf %mul3A_930, %mul3A_937 : vector<32xbf16>
          %add3A_940 = arith.addf %add3A_938, %add3A_939 : vector<32xbf16>
          %unpack3A_941 = tpu.unpack_subelements %add3A_940, 0 {pack_format = #tpu.pack_format<interleaved>} : vector<32xbf16> -> vector<16xf32>
          %unpack3A_942 = tpu.unpack_subelements %add3A_940, 1 {pack_format = #tpu.pack_format<interleaved>} : vector<32xbf16> -> vector<16xf32>
          %mul3A_943 = arith.constant 256 : i32
          %mul3A_944 = arith.muli %scan3A_660, %mul3A_943 : i32
          %add3A_945 = arith.constant 80 : i32
          %add3A_946 = arith.addi %mul3A_944, %add3A_945 : i32
          %swap3A_947 = arith.index_cast %add3A_946 : i32 to index
          %swap3A_948 = tpu.vector_load %arg15[%swap3A_947] {strides = array<i32>} : memref<4096xf32, #tpu.memory_space<vmem>>, vector<16xf32>,
          tpu.vector_store %arg15[%swap3A_947], %unpack3A_941 {strides = array<i32>} : memref<4096xf32, #tpu.memory_space<vmem>>, vector<16xf32>,
          %mul3A_949 = arith.constant 256 : i32
          %mul3A_950 = arith.muli %scan3A_660, %mul3A_949 : i32
          %add3A_951 = arith.constant 128 : i32
          %add3A_952 = arith.addi %mul3A_950, %add3A_951 : i32
          %add3A_953 = arith.constant 80 : i32
          %add3A_954 = arith.addi %add3A_952, %add3A_953 : i32
          %swap3A_955 = arith.index_cast %add3A_954 : i32 to index
          %swap3A_956 = tpu.vector_load %arg15[%swap3A_955] {strides = array<i32>} : memref<4096xf32, #tpu.memory_space<vmem>>, vector<16xf32>,
          tpu.vector_store %arg15[%swap3A_955], %unpack3A_942 {strides = array<i32>} : memref<4096xf32, #tpu.memory_space<vmem>>, vector<16xf32>,
          %get3A_957 = arith.index_cast %mul3A_662 : i32 to index
          %get3A_958 = arith.constant 96 : index
          %get3A_959 = tpu.vector_load %arg13[%get3A_957, %get3A_958] {strides = array<i32>} : memref<64x128xi32, #tpu.memory_space<vmem>>, vector<16xi32>,
          %bitcast3A_960 = vector.bitcast %get3A_959 : vector<16xi32> to vector<32xbf16>
          %mul3A_961 = arith.mulf %bitcast3A_960, %pack3A_683 : vector<32xbf16>
          %add3A_962 = arith.constant 1 : i32
          %add3A_963 = arith.addi %mul3A_662, %add3A_962 : i32
          %get3A_964 = arith.index_cast %add3A_963 : i32 to index
          %get3A_965 = arith.constant 96 : index
          %get3A_966 = tpu.vector_load %arg13[%get3A_964, %get3A_965] {strides = array<i32>} : memref<64x128xi32, #tpu.memory_space<vmem>>, vector<16xi32>,
          %bitcast3A_967 = vector.bitcast %get3A_966 : vector<16xi32> to vector<32xbf16>
          %mul3A_968 = arith.mulf %bitcast3A_967, %pack3A_684 : vector<32xbf16>
          %add3A_969 = arith.constant 2 : i32
          %add3A_970 = arith.addi %mul3A_662, %add3A_969 : i32
          %get3A_971 = arith.index_cast %add3A_970 : i32 to index
          %get3A_972 = arith.constant 96 : index
          %get3A_973 = tpu.vector_load %arg13[%get3A_971, %get3A_972] {strides = array<i32>} : memref<64x128xi32, #tpu.memory_space<vmem>>, vector<16xi32>,
          %bitcast3A_974 = vector.bitcast %get3A_973 : vector<16xi32> to vector<32xbf16>
          %mul3A_975 = arith.mulf %bitcast3A_974, %pack3A_685 : vector<32xbf16>
          %add3A_976 = arith.constant 3 : i32
          %add3A_977 = arith.addi %mul3A_662, %add3A_976 : i32
          %get3A_978 = arith.index_cast %add3A_977 : i32 to index
          %get3A_979 = arith.constant 96 : index
          %get3A_980 = tpu.vector_load %arg13[%get3A_978, %get3A_979] {strides = array<i32>} : memref<64x128xi32, #tpu.memory_space<vmem>>, vector<16xi32>,
          %bitcast3A_981 = vector.bitcast %get3A_980 : vector<16xi32> to vector<32xbf16>
          %mul3A_982 = arith.mulf %bitcast3A_981, %pack3A_686 : vector<32xbf16>
          %add3A_983 = arith.addf %mul3A_961, %mul3A_968 : vector<32xbf16>
          %add3A_984 = arith.addf %mul3A_975, %mul3A_982 : vector<32xbf16>
          %add3A_985 = arith.addf %add3A_983, %add3A_984 : vector<32xbf16>
          %unpack3A_986 = tpu.unpack_subelements %add3A_985, 0 {pack_format = #tpu.pack_format<interleaved>} : vector<32xbf16> -> vector<16xf32>
          %unpack3A_987 = tpu.unpack_subelements %add3A_985, 1 {pack_format = #tpu.pack_format<interleaved>} : vector<32xbf16> -> vector<16xf32>
          %mul3A_988 = arith.constant 256 : i32
          %mul3A_989 = arith.muli %scan3A_660, %mul3A_988 : i32
          %add3A_990 = arith.constant 96 : i32
          %add3A_991 = arith.addi %mul3A_989, %add3A_990 : i32
          %swap3A_992 = arith.index_cast %add3A_991 : i32 to index
          %swap3A_993 = tpu.vector_load %arg15[%swap3A_992] {strides = array<i32>} : memref<4096xf32, #tpu.memory_space<vmem>>, vector<16xf32>,
          tpu.vector_store %arg15[%swap3A_992], %unpack3A_986 {strides = array<i32>} : memref<4096xf32, #tpu.memory_space<vmem>>, vector<16xf32>,
          %mul3A_994 = arith.constant 256 : i32
          %mul3A_995 = arith.muli %scan3A_660, %mul3A_994 : i32
          %add3A_996 = arith.constant 128 : i32
          %add3A_997 = arith.addi %mul3A_995, %add3A_996 : i32
          %add3A_998 = arith.constant 96 : i32
          %add3A_999 = arith.addi %add3A_997, %add3A_998 : i32
          %swap3A_1000 = arith.index_cast %add3A_999 : i32 to index
          %swap3A_1001 = tpu.vector_load %arg15[%swap3A_1000] {strides = array<i32>} : memref<4096xf32, #tpu.memory_space<vmem>>, vector<16xf32>,
          tpu.vector_store %arg15[%swap3A_1000], %unpack3A_987 {strides = array<i32>} : memref<4096xf32, #tpu.memory_space<vmem>>, vector<16xf32>,
          %get3A_1002 = arith.index_cast %mul3A_662 : i32 to index
          %get3A_1003 = arith.constant 112 : index
          %get3A_1004 = tpu.vector_load %arg13[%get3A_1002, %get3A_1003] {strides = array<i32>} : memref<64x128xi32, #tpu.memory_space<vmem>>, vector<16xi32>,
          %bitcast3A_1005 = vector.bitcast %get3A_1004 : vector<16xi32> to vector<32xbf16>
          %mul3A_1006 = arith.mulf %bitcast3A_1005, %pack3A_683 : vector<32xbf16>
          %add3A_1007 = arith.constant 1 : i32
          %add3A_1008 = arith.addi %mul3A_662, %add3A_1007 : i32
          %get3A_1009 = arith.index_cast %add3A_1008 : i32 to index
          %get3A_1010 = arith.constant 112 : index
          %get3A_1011 = tpu.vector_load %arg13[%get3A_1009, %get3A_1010] {strides = array<i32>} : memref<64x128xi32, #tpu.memory_space<vmem>>, vector<16xi32>,
          %bitcast3A_1012 = vector.bitcast %get3A_1011 : vector<16xi32> to vector<32xbf16>
          %mul3A_1013 = arith.mulf %bitcast3A_1012, %pack3A_684 : vector<32xbf16>
          %add3A_1014 = arith.constant 2 : i32
          %add3A_1015 = arith.addi %mul3A_662, %add3A_1014 : i32
          %get3A_1016 = arith.index_cast %add3A_1015 : i32 to index
          %get3A_1017 = arith.constant 112 : index
          %get3A_1018 = tpu.vector_load %arg13[%get3A_1016, %get3A_1017] {strides = array<i32>} : memref<64x128xi32, #tpu.memory_space<vmem>>, vector<16xi32>,
          %bitcast3A_1019 = vector.bitcast %get3A_1018 : vector<16xi32> to vector<32xbf16>
          %mul3A_1020 = arith.mulf %bitcast3A_1019, %pack3A_685 : vector<32xbf16>
          %add3A_1021 = arith.constant 3 : i32
          %add3A_1022 = arith.addi %mul3A_662, %add3A_1021 : i32
          %get3A_1023 = arith.index_cast %add3A_1022 : i32 to index
          %get3A_1024 = arith.constant 112 : index
          %get3A_1025 = tpu.vector_load %arg13[%get3A_1023, %get3A_1024] {strides = array<i32>} : memref<64x128xi32, #tpu.memory_space<vmem>>, vector<16xi32>,
          %bitcast3A_1026 = vector.bitcast %get3A_1025 : vector<16xi32> to vector<32xbf16>
          %mul3A_1027 = arith.mulf %bitcast3A_1026, %pack3A_686 : vector<32xbf16>
          %add3A_1028 = arith.addf %mul3A_1006, %mul3A_1013 : vector<32xbf16>
          %add3A_1029 = arith.addf %mul3A_1020, %mul3A_1027 : vector<32xbf16>
          %add3A_1030 = arith.addf %add3A_1028, %add3A_1029 : vector<32xbf16>
          %unpack3A_1031 = tpu.unpack_subelements %add3A_1030, 0 {pack_format = #tpu.pack_format<interleaved>} : vector<32xbf16> -> vector<16xf32>
          %unpack3A_1032 = tpu.unpack_subelements %add3A_1030, 1 {pack_format = #tpu.pack_format<interleaved>} : vector<32xbf16> -> vector<16xf32>
          %mul3A_1033 = arith.constant 256 : i32
          %mul3A_1034 = arith.muli %scan3A_660, %mul3A_1033 : i32
          %add3A_1035 = arith.constant 112 : i32
          %add3A_1036 = arith.addi %mul3A_1034, %add3A_1035 : i32
          %swap3A_1037 = arith.index_cast %add3A_1036 : i32 to index
          %swap3A_1038 = tpu.vector_load %arg15[%swap3A_1037] {strides = array<i32>} : memref<4096xf32, #tpu.memory_space<vmem>>, vector<16xf32>,
          tpu.vector_store %arg15[%swap3A_1037], %unpack3A_1031 {strides = array<i32>} : memref<4096xf32, #tpu.memory_space<vmem>>, vector<16xf32>,
          %mul3A_1039 = arith.constant 256 : i32
          %mul3A_1040 = arith.muli %scan3A_660, %mul3A_1039 : i32
          %add3A_1041 = arith.constant 128 : i32
          %add3A_1042 = arith.addi %mul3A_1040, %add3A_1041 : i32
          %add3A_1043 = arith.constant 112 : i32
          %add3A_1044 = arith.addi %add3A_1042, %add3A_1043 : i32
          %swap3A_1045 = arith.index_cast %add3A_1044 : i32 to index
          %swap3A_1046 = tpu.vector_load %arg15[%swap3A_1045] {strides = array<i32>} : memref<4096xf32, #tpu.memory_space<vmem>>, vector<16xf32>,
          tpu.vector_store %arg15[%swap3A_1045], %unpack3A_1032 {strides = array<i32>} : memref<4096xf32, #tpu.memory_space<vmem>>, vector<16xf32>,
          %scan3A_1047 = arith.constant 2 : i32
          %scan3A_1048 = arith.addi %scan3A_278, %scan3A_1047 : i32
          %mul3A_1049 = arith.constant 4 : i32
          %mul3A_1050 = arith.muli %scan3A_1048, %mul3A_1049 : i32
          %broadcast_in_dim3A_1051 = arith.constant 0 : i32
          %broadcast_in_dim3A_1052 = vector.broadcast %broadcast_in_dim3A_1051 : i32 to vector<16xi32>
          %add3A_1053 = vector.broadcast %mul3A_1050 : i32 to vector<16xi32>
          %add3A_1054 = arith.addi %broadcast_in_dim3A_1052, %add3A_1053 : vector<16xi32>
          %gather3A_1055 = tpu.vector_load_idx %arg11[%add3A_1054] : memref<64xf32, #tpu.memory_space<vmem>>[vector<16xi32>], vector<16xf32>,
          %broadcast_in_dim3A_1056 = arith.constant 1 : i32
          %broadcast_in_dim3A_1057 = vector.broadcast %broadcast_in_dim3A_1056 : i32 to vector<16xi32>
          %add3A_1058 = vector.broadcast %mul3A_1050 : i32 to vector<16xi32>
          %add3A_1059 = arith.addi %broadcast_in_dim3A_1057, %add3A_1058 : vector<16xi32>
          %gather3A_1060 = tpu.vector_load_idx %arg11[%add3A_1059] : memref<64xf32, #tpu.memory_space<vmem>>[vector<16xi32>], vector<16xf32>,
          %broadcast_in_dim3A_1061 = arith.constant 2 : i32
          %broadcast_in_dim3A_1062 = vector.broadcast %broadcast_in_dim3A_1061 : i32 to vector<16xi32>
          %add3A_1063 = vector.broadcast %mul3A_1050 : i32 to vector<16xi32>
          %add3A_1064 = arith.addi %broadcast_in_dim3A_1062, %add3A_1063 : vector<16xi32>
          %gather3A_1065 = tpu.vector_load_idx %arg11[%add3A_1064] : memref<64xf32, #tpu.memory_space<vmem>>[vector<16xi32>], vector<16xf32>,
          %broadcast_in_dim3A_1066 = arith.constant 3 : i32
          %broadcast_in_dim3A_1067 = vector.broadcast %broadcast_in_dim3A_1066 : i32 to vector<16xi32>
          %add3A_1068 = vector.broadcast %mul3A_1050 : i32 to vector<16xi32>
          %add3A_1069 = arith.addi %broadcast_in_dim3A_1067, %add3A_1068 : vector<16xi32>
          %gather3A_1070 = tpu.vector_load_idx %arg11[%add3A_1069] : memref<64xf32, #tpu.memory_space<vmem>>[vector<16xi32>], vector<16xf32>,
          %pack3A_1071 = tpu.pack_subelements %gather3A_1055, %gather3A_1055 {pack_format = #tpu.pack_format<interleaved>, positions = array<i32: 0, 1>} : vector<16xf32>, vector<16xf32> -> vector<32xbf16>
          %pack3A_1072 = tpu.pack_subelements %gather3A_1060, %gather3A_1060 {pack_format = #tpu.pack_format<interleaved>, positions = array<i32: 0, 1>} : vector<16xf32>, vector<16xf32> -> vector<32xbf16>
          %pack3A_1073 = tpu.pack_subelements %gather3A_1065, %gather3A_1065 {pack_format = #tpu.pack_format<interleaved>, positions = array<i32: 0, 1>} : vector<16xf32>, vector<16xf32> -> vector<32xbf16>
          %pack3A_1074 = tpu.pack_subelements %gather3A_1070, %gather3A_1070 {pack_format = #tpu.pack_format<interleaved>, positions = array<i32: 0, 1>} : vector<16xf32>, vector<16xf32> -> vector<32xbf16>
          %get3A_1075 = arith.index_cast %mul3A_1050 : i32 to index
          %get3A_1076 = arith.constant 0 : index
          %get3A_1077 = tpu.vector_load %arg13[%get3A_1075, %get3A_1076] {strides = array<i32>} : memref<64x128xi32, #tpu.memory_space<vmem>>, vector<16xi32>,
          %bitcast3A_1078 = vector.bitcast %get3A_1077 : vector<16xi32> to vector<32xbf16>
          %mul3A_1079 = arith.mulf %bitcast3A_1078, %pack3A_1071 : vector<32xbf16>
          %add3A_1080 = arith.constant 1 : i32
          %add3A_1081 = arith.addi %mul3A_1050, %add3A_1080 : i32
          %get3A_1082 = arith.index_cast %add3A_1081 : i32 to index
          %get3A_1083 = arith.constant 0 : index
          %get3A_1084 = tpu.vector_load %arg13[%get3A_1082, %get3A_1083] {strides = array<i32>} : memref<64x128xi32, #tpu.memory_space<vmem>>, vector<16xi32>,
          %bitcast3A_1085 = vector.bitcast %get3A_1084 : vector<16xi32> to vector<32xbf16>
          %mul3A_1086 = arith.mulf %bitcast3A_1085, %pack3A_1072 : vector<32xbf16>
          %add3A_1087 = arith.constant 2 : i32
          %add3A_1088 = arith.addi %mul3A_1050, %add3A_1087 : i32
          %get3A_1089 = arith.index_cast %add3A_1088 : i32 to index
          %get3A_1090 = arith.constant 0 : index
          %get3A_1091 = tpu.vector_load %arg13[%get3A_1089, %get3A_1090] {strides = array<i32>} : memref<64x128xi32, #tpu.memory_space<vmem>>, vector<16xi32>,
          %bitcast3A_1092 = vector.bitcast %get3A_1091 : vector<16xi32> to vector<32xbf16>
          %mul3A_1093 = arith.mulf %bitcast3A_1092, %pack3A_1073 : vector<32xbf16>
          %add3A_1094 = arith.constant 3 : i32
          %add3A_1095 = arith.addi %mul3A_1050, %add3A_1094 : i32
          %get3A_1096 = arith.index_cast %add3A_1095 : i32 to index
          %get3A_1097 = arith.constant 0 : index
          %get3A_1098 = tpu.vector_load %arg13[%get3A_1096, %get3A_1097] {strides = array<i32>} : memref<64x128xi32, #tpu.memory_space<vmem>>, vector<16xi32>,
          %bitcast3A_1099 = vector.bitcast %get3A_1098 : vector<16xi32> to vector<32xbf16>
          %mul3A_1100 = arith.mulf %bitcast3A_1099, %pack3A_1074 : vector<32xbf16>
          %add3A_1101 = arith.addf %mul3A_1079, %mul3A_1086 : vector<32xbf16>
          %add3A_1102 = arith.addf %mul3A_1093, %mul3A_1100 : vector<32xbf16>
          %add3A_1103 = arith.addf %add3A_1101, %add3A_1102 : vector<32xbf16>
          %unpack3A_1104 = tpu.unpack_subelements %add3A_1103, 0 {pack_format = #tpu.pack_format<interleaved>} : vector<32xbf16> -> vector<16xf32>
          %unpack3A_1105 = tpu.unpack_subelements %add3A_1103, 1 {pack_format = #tpu.pack_format<interleaved>} : vector<32xbf16> -> vector<16xf32>
          %mul3A_1106 = arith.constant 256 : i32
          %mul3A_1107 = arith.muli %scan3A_1048, %mul3A_1106 : i32
          %add3A_1108 = arith.constant 0 : i32
          %add3A_1109 = arith.addi %mul3A_1107, %add3A_1108 : i32
          %swap3A_1110 = arith.index_cast %add3A_1109 : i32 to index
          %swap3A_1111 = tpu.vector_load %arg15[%swap3A_1110] {strides = array<i32>} : memref<4096xf32, #tpu.memory_space<vmem>>, vector<16xf32>,
          tpu.vector_store %arg15[%swap3A_1110], %unpack3A_1104 {strides = array<i32>} : memref<4096xf32, #tpu.memory_space<vmem>>, vector<16xf32>,
          %mul3A_1112 = arith.constant 256 : i32
          %mul3A_1113 = arith.muli %scan3A_1048, %mul3A_1112 : i32
          %add3A_1114 = arith.constant 128 : i32
          %add3A_1115 = arith.addi %mul3A_1113, %add3A_1114 : i32
          %add3A_1116 = arith.constant 0 : i32
          %add3A_1117 = arith.addi %add3A_1115, %add3A_1116 : i32
          %swap3A_1118 = arith.index_cast %add3A_1117 : i32 to index
          %swap3A_1119 = tpu.vector_load %arg15[%swap3A_1118] {strides = array<i32>} : memref<4096xf32, #tpu.memory_space<vmem>>, vector<16xf32>,
          tpu.vector_store %arg15[%swap3A_1118], %unpack3A_1105 {strides = array<i32>} : memref<4096xf32, #tpu.memory_space<vmem>>, vector<16xf32>,
          %get3A_1120 = arith.index_cast %mul3A_1050 : i32 to index
          %get3A_1121 = arith.constant 16 : index
          %get3A_1122 = tpu.vector_load %arg13[%get3A_1120, %get3A_1121] {strides = array<i32>} : memref<64x128xi32, #tpu.memory_space<vmem>>, vector<16xi32>,
          %bitcast3A_1123 = vector.bitcast %get3A_1122 : vector<16xi32> to vector<32xbf16>
          %mul3A_1124 = arith.mulf %bitcast3A_1123, %pack3A_1071 : vector<32xbf16>
          %add3A_1125 = arith.constant 1 : i32
          %add3A_1126 = arith.addi %mul3A_1050, %add3A_1125 : i32
          %get3A_1127 = arith.index_cast %add3A_1126 : i32 to index
          %get3A_1128 = arith.constant 16 : index
          %get3A_1129 = tpu.vector_load %arg13[%get3A_1127, %get3A_1128] {strides = array<i32>} : memref<64x128xi32, #tpu.memory_space<vmem>>, vector<16xi32>,
          %bitcast3A_1130 = vector.bitcast %get3A_1129 : vector<16xi32> to vector<32xbf16>
          %mul3A_1131 = arith.mulf %bitcast3A_1130, %pack3A_1072 : vector<32xbf16>
          %add3A_1132 = arith.constant 2 : i32
          %add3A_1133 = arith.addi %mul3A_1050, %add3A_1132 : i32
          %get3A_1134 = arith.index_cast %add3A_1133 : i32 to index
          %get3A_1135 = arith.constant 16 : index
          %get3A_1136 = tpu.vector_load %arg13[%get3A_1134, %get3A_1135] {strides = array<i32>} : memref<64x128xi32, #tpu.memory_space<vmem>>, vector<16xi32>,
          %bitcast3A_1137 = vector.bitcast %get3A_1136 : vector<16xi32> to vector<32xbf16>
          %mul3A_1138 = arith.mulf %bitcast3A_1137, %pack3A_1073 : vector<32xbf16>
          %add3A_1139 = arith.constant 3 : i32
          %add3A_1140 = arith.addi %mul3A_1050, %add3A_1139 : i32
          %get3A_1141 = arith.index_cast %add3A_1140 : i32 to index
          %get3A_1142 = arith.constant 16 : index
          %get3A_1143 = tpu.vector_load %arg13[%get3A_1141, %get3A_1142] {strides = array<i32>} : memref<64x128xi32, #tpu.memory_space<vmem>>, vector<16xi32>,
          %bitcast3A_1144 = vector.bitcast %get3A_1143 : vector<16xi32> to vector<32xbf16>
          %mul3A_1145 = arith.mulf %bitcast3A_1144, %pack3A_1074 : vector<32xbf16>
          %add3A_1146 = arith.addf %mul3A_1124, %mul3A_1131 : vector<32xbf16>
          %add3A_1147 = arith.addf %mul3A_1138, %mul3A_1145 : vector<32xbf16>
          %add3A_1148 = arith.addf %add3A_1146, %add3A_1147 : vector<32xbf16>
          %unpack3A_1149 = tpu.unpack_subelements %add3A_1148, 0 {pack_format = #tpu.pack_format<interleaved>} : vector<32xbf16> -> vector<16xf32>
          %unpack3A_1150 = tpu.unpack_subelements %add3A_1148, 1 {pack_format = #tpu.pack_format<interleaved>} : vector<32xbf16> -> vector<16xf32>
          %mul3A_1151 = arith.constant 256 : i32
          %mul3A_1152 = arith.muli %scan3A_1048, %mul3A_1151 : i32
          %add3A_1153 = arith.constant 16 : i32
          %add3A_1154 = arith.addi %mul3A_1152, %add3A_1153 : i32
          %swap3A_1155 = arith.index_cast %add3A_1154 : i32 to index
          %swap3A_1156 = tpu.vector_load %arg15[%swap3A_1155] {strides = array<i32>} : memref<4096xf32, #tpu.memory_space<vmem>>, vector<16xf32>,
          tpu.vector_store %arg15[%swap3A_1155], %unpack3A_1149 {strides = array<i32>} : memref<4096xf32, #tpu.memory_space<vmem>>, vector<16xf32>,
          %mul3A_1157 = arith.constant 256 : i32
          %mul3A_1158 = arith.muli %scan3A_1048, %mul3A_1157 : i32
          %add3A_1159 = arith.constant 128 : i32
          %add3A_1160 = arith.addi %mul3A_1158, %add3A_1159 : i32
          %add3A_1161 = arith.constant 16 : i32
          %add3A_1162 = arith.addi %add3A_1160, %add3A_1161 : i32
          %swap3A_1163 = arith.index_cast %add3A_1162 : i32 to index
          %swap3A_1164 = tpu.vector_load %arg15[%swap3A_1163] {strides = array<i32>} : memref<4096xf32, #tpu.memory_space<vmem>>, vector<16xf32>,
          tpu.vector_store %arg15[%swap3A_1163], %unpack3A_1150 {strides = array<i32>} : memref<4096xf32, #tpu.memory_space<vmem>>, vector<16xf32>,
          %get3A_1165 = arith.index_cast %mul3A_1050 : i32 to index
          %get3A_1166 = arith.constant 32 : index
          %get3A_1167 = tpu.vector_load %arg13[%get3A_1165, %get3A_1166] {strides = array<i32>} : memref<64x128xi32, #tpu.memory_space<vmem>>, vector<16xi32>,
          %bitcast3A_1168 = vector.bitcast %get3A_1167 : vector<16xi32> to vector<32xbf16>
          %mul3A_1169 = arith.mulf %bitcast3A_1168, %pack3A_1071 : vector<32xbf16>
          %add3A_1170 = arith.constant 1 : i32
          %add3A_1171 = arith.addi %mul3A_1050, %add3A_1170 : i32
          %get3A_1172 = arith.index_cast %add3A_1171 : i32 to index
          %get3A_1173 = arith.constant 32 : index
          %get3A_1174 = tpu.vector_load %arg13[%get3A_1172, %get3A_1173] {strides = array<i32>} : memref<64x128xi32, #tpu.memory_space<vmem>>, vector<16xi32>,
          %bitcast3A_1175 = vector.bitcast %get3A_1174 : vector<16xi32> to vector<32xbf16>
          %mul3A_1176 = arith.mulf %bitcast3A_1175, %pack3A_1072 : vector<32xbf16>
          %add3A_1177 = arith.constant 2 : i32
          %add3A_1178 = arith.addi %mul3A_1050, %add3A_1177 : i32
          %get3A_1179 = arith.index_cast %add3A_1178 : i32 to index
          %get3A_1180 = arith.constant 32 : index
          %get3A_1181 = tpu.vector_load %arg13[%get3A_1179, %get3A_1180] {strides = array<i32>} : memref<64x128xi32, #tpu.memory_space<vmem>>, vector<16xi32>,
          %bitcast3A_1182 = vector.bitcast %get3A_1181 : vector<16xi32> to vector<32xbf16>
          %mul3A_1183 = arith.mulf %bitcast3A_1182, %pack3A_1073 : vector<32xbf16>
          %add3A_1184 = arith.constant 3 : i32
          %add3A_1185 = arith.addi %mul3A_1050, %add3A_1184 : i32
          %get3A_1186 = arith.index_cast %add3A_1185 : i32 to index
          %get3A_1187 = arith.constant 32 : index
          %get3A_1188 = tpu.vector_load %arg13[%get3A_1186, %get3A_1187] {strides = array<i32>} : memref<64x128xi32, #tpu.memory_space<vmem>>, vector<16xi32>,
          %bitcast3A_1189 = vector.bitcast %get3A_1188 : vector<16xi32> to vector<32xbf16>
          %mul3A_1190 = arith.mulf %bitcast3A_1189, %pack3A_1074 : vector<32xbf16>
          %add3A_1191 = arith.addf %mul3A_1169, %mul3A_1176 : vector<32xbf16>
          %add3A_1192 = arith.addf %mul3A_1183, %mul3A_1190 : vector<32xbf16>
          %add3A_1193 = arith.addf %add3A_1191, %add3A_1192 : vector<32xbf16>
          %unpack3A_1194 = tpu.unpack_subelements %add3A_1193, 0 {pack_format = #tpu.pack_format<interleaved>} : vector<32xbf16> -> vector<16xf32>
          %unpack3A_1195 = tpu.unpack_subelements %add3A_1193, 1 {pack_format = #tpu.pack_format<interleaved>} : vector<32xbf16> -> vector<16xf32>
          %mul3A_1196 = arith.constant 256 : i32
          %mul3A_1197 = arith.muli %scan3A_1048, %mul3A_1196 : i32
          %add3A_1198 = arith.constant 32 : i32
          %add3A_1199 = arith.addi %mul3A_1197, %add3A_1198 : i32
          %swap3A_1200 = arith.index_cast %add3A_1199 : i32 to index
          %swap3A_1201 = tpu.vector_load %arg15[%swap3A_1200] {strides = array<i32>} : memref<4096xf32, #tpu.memory_space<vmem>>, vector<16xf32>,
          tpu.vector_store %arg15[%swap3A_1200], %unpack3A_1194 {strides = array<i32>} : memref<4096xf32, #tpu.memory_space<vmem>>, vector<16xf32>,
          %mul3A_1202 = arith.constant 256 : i32
          %mul3A_1203 = arith.muli %scan3A_1048, %mul3A_1202 : i32
          %add3A_1204 = arith.constant 128 : i32
          %add3A_1205 = arith.addi %mul3A_1203, %add3A_1204 : i32
          %add3A_1206 = arith.constant 32 : i32
          %add3A_1207 = arith.addi %add3A_1205, %add3A_1206 : i32
          %swap3A_1208 = arith.index_cast %add3A_1207 : i32 to index
          %swap3A_1209 = tpu.vector_load %arg15[%swap3A_1208] {strides = array<i32>} : memref<4096xf32, #tpu.memory_space<vmem>>, vector<16xf32>,
          tpu.vector_store %arg15[%swap3A_1208], %unpack3A_1195 {strides = array<i32>} : memref<4096xf32, #tpu.memory_space<vmem>>, vector<16xf32>,
          %get3A_1210 = arith.index_cast %mul3A_1050 : i32 to index
          %get3A_1211 = arith.constant 48 : index
          %get3A_1212 = tpu.vector_load %arg13[%get3A_1210, %get3A_1211] {strides = array<i32>} : memref<64x128xi32, #tpu.memory_space<vmem>>, vector<16xi32>,
          %bitcast3A_1213 = vector.bitcast %get3A_1212 : vector<16xi32> to vector<32xbf16>
          %mul3A_1214 = arith.mulf %bitcast3A_1213, %pack3A_1071 : vector<32xbf16>
          %add3A_1215 = arith.constant 1 : i32
          %add3A_1216 = arith.addi %mul3A_1050, %add3A_1215 : i32
          %get3A_1217 = arith.index_cast %add3A_1216 : i32 to index
          %get3A_1218 = arith.constant 48 : index
          %get3A_1219 = tpu.vector_load %arg13[%get3A_1217, %get3A_1218] {strides = array<i32>} : memref<64x128xi32, #tpu.memory_space<vmem>>, vector<16xi32>,
          %bitcast3A_1220 = vector.bitcast %get3A_1219 : vector<16xi32> to vector<32xbf16>
          %mul3A_1221 = arith.mulf %bitcast3A_1220, %pack3A_1072 : vector<32xbf16>
          %add3A_1222 = arith.constant 2 : i32
          %add3A_1223 = arith.addi %mul3A_1050, %add3A_1222 : i32
          %get3A_1224 = arith.index_cast %add3A_1223 : i32 to index
          %get3A_1225 = arith.constant 48 : index
          %get3A_1226 = tpu.vector_load %arg13[%get3A_1224, %get3A_1225] {strides = array<i32>} : memref<64x128xi32, #tpu.memory_space<vmem>>, vector<16xi32>,
          %bitcast3A_1227 = vector.bitcast %get3A_1226 : vector<16xi32> to vector<32xbf16>
          %mul3A_1228 = arith.mulf %bitcast3A_1227, %pack3A_1073 : vector<32xbf16>
          %add3A_1229 = arith.constant 3 : i32
          %add3A_1230 = arith.addi %mul3A_1050, %add3A_1229 : i32
          %get3A_1231 = arith.index_cast %add3A_1230 : i32 to index
          %get3A_1232 = arith.constant 48 : index
          %get3A_1233 = tpu.vector_load %arg13[%get3A_1231, %get3A_1232] {strides = array<i32>} : memref<64x128xi32, #tpu.memory_space<vmem>>, vector<16xi32>,
          %bitcast3A_1234 = vector.bitcast %get3A_1233 : vector<16xi32> to vector<32xbf16>
          %mul3A_1235 = arith.mulf %bitcast3A_1234, %pack3A_1074 : vector<32xbf16>
          %add3A_1236 = arith.addf %mul3A_1214, %mul3A_1221 : vector<32xbf16>
          %add3A_1237 = arith.addf %mul3A_1228, %mul3A_1235 : vector<32xbf16>
          %add3A_1238 = arith.addf %add3A_1236, %add3A_1237 : vector<32xbf16>
          %unpack3A_1239 = tpu.unpack_subelements %add3A_1238, 0 {pack_format = #tpu.pack_format<interleaved>} : vector<32xbf16> -> vector<16xf32>
          %unpack3A_1240 = tpu.unpack_subelements %add3A_1238, 1 {pack_format = #tpu.pack_format<interleaved>} : vector<32xbf16> -> vector<16xf32>
          %mul3A_1241 = arith.constant 256 : i32
          %mul3A_1242 = arith.muli %scan3A_1048, %mul3A_1241 : i32
          %add3A_1243 = arith.constant 48 : i32
          %add3A_1244 = arith.addi %mul3A_1242, %add3A_1243 : i32
          %swap3A_1245 = arith.index_cast %add3A_1244 : i32 to index
          %swap3A_1246 = tpu.vector_load %arg15[%swap3A_1245] {strides = array<i32>} : memref<4096xf32, #tpu.memory_space<vmem>>, vector<16xf32>,
          tpu.vector_store %arg15[%swap3A_1245], %unpack3A_1239 {strides = array<i32>} : memref<4096xf32, #tpu.memory_space<vmem>>, vector<16xf32>,
          %mul3A_1247 = arith.constant 256 : i32
          %mul3A_1248 = arith.muli %scan3A_1048, %mul3A_1247 : i32
          %add3A_1249 = arith.constant 128 : i32
          %add3A_1250 = arith.addi %mul3A_1248, %add3A_1249 : i32
          %add3A_1251 = arith.constant 48 : i32
          %add3A_1252 = arith.addi %add3A_1250, %add3A_1251 : i32
          %swap3A_1253 = arith.index_cast %add3A_1252 : i32 to index
          %swap3A_1254 = tpu.vector_load %arg15[%swap3A_1253] {strides = array<i32>} : memref<4096xf32, #tpu.memory_space<vmem>>, vector<16xf32>,
          tpu.vector_store %arg15[%swap3A_1253], %unpack3A_1240 {strides = array<i32>} : memref<4096xf32, #tpu.memory_space<vmem>>, vector<16xf32>,
          %get3A_1255 = arith.index_cast %mul3A_1050 : i32 to index
          %get3A_1256 = arith.constant 64 : index
          %get3A_1257 = tpu.vector_load %arg13[%get3A_1255, %get3A_1256] {strides = array<i32>} : memref<64x128xi32, #tpu.memory_space<vmem>>, vector<16xi32>,
          %bitcast3A_1258 = vector.bitcast %get3A_1257 : vector<16xi32> to vector<32xbf16>
          %mul3A_1259 = arith.mulf %bitcast3A_1258, %pack3A_1071 : vector<32xbf16>
          %add3A_1260 = arith.constant 1 : i32
          %add3A_1261 = arith.addi %mul3A_1050, %add3A_1260 : i32
          %get3A_1262 = arith.index_cast %add3A_1261 : i32 to index
          %get3A_1263 = arith.constant 64 : index
          %get3A_1264 = tpu.vector_load %arg13[%get3A_1262, %get3A_1263] {strides = array<i32>} : memref<64x128xi32, #tpu.memory_space<vmem>>, vector<16xi32>,
          %bitcast3A_1265 = vector.bitcast %get3A_1264 : vector<16xi32> to vector<32xbf16>
          %mul3A_1266 = arith.mulf %bitcast3A_1265, %pack3A_1072 : vector<32xbf16>
          %add3A_1267 = arith.constant 2 : i32
          %add3A_1268 = arith.addi %mul3A_1050, %add3A_1267 : i32
          %get3A_1269 = arith.index_cast %add3A_1268 : i32 to index
          %get3A_1270 = arith.constant 64 : index
          %get3A_1271 = tpu.vector_load %arg13[%get3A_1269, %get3A_1270] {strides = array<i32>} : memref<64x128xi32, #tpu.memory_space<vmem>>, vector<16xi32>,
          %bitcast3A_1272 = vector.bitcast %get3A_1271 : vector<16xi32> to vector<32xbf16>
          %mul3A_1273 = arith.mulf %bitcast3A_1272, %pack3A_1073 : vector<32xbf16>
          %add3A_1274 = arith.constant 3 : i32
          %add3A_1275 = arith.addi %mul3A_1050, %add3A_1274 : i32
          %get3A_1276 = arith.index_cast %add3A_1275 : i32 to index
          %get3A_1277 = arith.constant 64 : index
          %get3A_1278 = tpu.vector_load %arg13[%get3A_1276, %get3A_1277] {strides = array<i32>} : memref<64x128xi32, #tpu.memory_space<vmem>>, vector<16xi32>,
          %bitcast3A_1279 = vector.bitcast %get3A_1278 : vector<16xi32> to vector<32xbf16>
          %mul3A_1280 = arith.mulf %bitcast3A_1279, %pack3A_1074 : vector<32xbf16>
          %add3A_1281 = arith.addf %mul3A_1259, %mul3A_1266 : vector<32xbf16>
          %add3A_1282 = arith.addf %mul3A_1273, %mul3A_1280 : vector<32xbf16>
          %add3A_1283 = arith.addf %add3A_1281, %add3A_1282 : vector<32xbf16>
          %unpack3A_1284 = tpu.unpack_subelements %add3A_1283, 0 {pack_format = #tpu.pack_format<interleaved>} : vector<32xbf16> -> vector<16xf32>
          %unpack3A_1285 = tpu.unpack_subelements %add3A_1283, 1 {pack_format = #tpu.pack_format<interleaved>} : vector<32xbf16> -> vector<16xf32>
          %mul3A_1286 = arith.constant 256 : i32
          %mul3A_1287 = arith.muli %scan3A_1048, %mul3A_1286 : i32
          %add3A_1288 = arith.constant 64 : i32
          %add3A_1289 = arith.addi %mul3A_1287, %add3A_1288 : i32
          %swap3A_1290 = arith.index_cast %add3A_1289 : i32 to index
          %swap3A_1291 = tpu.vector_load %arg15[%swap3A_1290] {strides = array<i32>} : memref<4096xf32, #tpu.memory_space<vmem>>, vector<16xf32>,
          tpu.vector_store %arg15[%swap3A_1290], %unpack3A_1284 {strides = array<i32>} : memref<4096xf32, #tpu.memory_space<vmem>>, vector<16xf32>,
          %mul3A_1292 = arith.constant 256 : i32
          %mul3A_1293 = arith.muli %scan3A_1048, %mul3A_1292 : i32
          %add3A_1294 = arith.constant 128 : i32
          %add3A_1295 = arith.addi %mul3A_1293, %add3A_1294 : i32
          %add3A_1296 = arith.constant 64 : i32
          %add3A_1297 = arith.addi %add3A_1295, %add3A_1296 : i32
          %swap3A_1298 = arith.index_cast %add3A_1297 : i32 to index
          %swap3A_1299 = tpu.vector_load %arg15[%swap3A_1298] {strides = array<i32>} : memref<4096xf32, #tpu.memory_space<vmem>>, vector<16xf32>,
          tpu.vector_store %arg15[%swap3A_1298], %unpack3A_1285 {strides = array<i32>} : memref<4096xf32, #tpu.memory_space<vmem>>, vector<16xf32>,
          %get3A_1300 = arith.index_cast %mul3A_1050 : i32 to index
          %get3A_1301 = arith.constant 80 : index
          %get3A_1302 = tpu.vector_load %arg13[%get3A_1300, %get3A_1301] {strides = array<i32>} : memref<64x128xi32, #tpu.memory_space<vmem>>, vector<16xi32>,
          %bitcast3A_1303 = vector.bitcast %get3A_1302 : vector<16xi32> to vector<32xbf16>
          %mul3A_1304 = arith.mulf %bitcast3A_1303, %pack3A_1071 : vector<32xbf16>
          %add3A_1305 = arith.constant 1 : i32
          %add3A_1306 = arith.addi %mul3A_1050, %add3A_1305 : i32
          %get3A_1307 = arith.index_cast %add3A_1306 : i32 to index
          %get3A_1308 = arith.constant 80 : index
          %get3A_1309 = tpu.vector_load %arg13[%get3A_1307, %get3A_1308] {strides = array<i32>} : memref<64x128xi32, #tpu.memory_space<vmem>>, vector<16xi32>,
          %bitcast3A_1310 = vector.bitcast %get3A_1309 : vector<16xi32> to vector<32xbf16>
          %mul3A_1311 = arith.mulf %bitcast3A_1310, %pack3A_1072 : vector<32xbf16>
          %add3A_1312 = arith.constant 2 : i32
          %add3A_1313 = arith.addi %mul3A_1050, %add3A_1312 : i32
          %get3A_1314 = arith.index_cast %add3A_1313 : i32 to index
          %get3A_1315 = arith.constant 80 : index
          %get3A_1316 = tpu.vector_load %arg13[%get3A_1314, %get3A_1315] {strides = array<i32>} : memref<64x128xi32, #tpu.memory_space<vmem>>, vector<16xi32>,
          %bitcast3A_1317 = vector.bitcast %get3A_1316 : vector<16xi32> to vector<32xbf16>
          %mul3A_1318 = arith.mulf %bitcast3A_1317, %pack3A_1073 : vector<32xbf16>
          %add3A_1319 = arith.constant 3 : i32
          %add3A_1320 = arith.addi %mul3A_1050, %add3A_1319 : i32
          %get3A_1321 = arith.index_cast %add3A_1320 : i32 to index
          %get3A_1322 = arith.constant 80 : index
          %get3A_1323 = tpu.vector_load %arg13[%get3A_1321, %get3A_1322] {strides = array<i32>} : memref<64x128xi32, #tpu.memory_space<vmem>>, vector<16xi32>,
          %bitcast3A_1324 = vector.bitcast %get3A_1323 : vector<16xi32> to vector<32xbf16>
          %mul3A_1325 = arith.mulf %bitcast3A_1324, %pack3A_1074 : vector<32xbf16>
          %add3A_1326 = arith.addf %mul3A_1304, %mul3A_1311 : vector<32xbf16>
          %add3A_1327 = arith.addf %mul3A_1318, %mul3A_1325 : vector<32xbf16>
          %add3A_1328 = arith.addf %add3A_1326, %add3A_1327 : vector<32xbf16>
          %unpack3A_1329 = tpu.unpack_subelements %add3A_1328, 0 {pack_format = #tpu.pack_format<interleaved>} : vector<32xbf16> -> vector<16xf32>
          %unpack3A_1330 = tpu.unpack_subelements %add3A_1328, 1 {pack_format = #tpu.pack_format<interleaved>} : vector<32xbf16> -> vector<16xf32>
          %mul3A_1331 = arith.constant 256 : i32
          %mul3A_1332 = arith.muli %scan3A_1048, %mul3A_1331 : i32
          %add3A_1333 = arith.constant 80 : i32
          %add3A_1334 = arith.addi %mul3A_1332, %add3A_1333 : i32
          %swap3A_1335 = arith.index_cast %add3A_1334 : i32 to index
          %swap3A_1336 = tpu.vector_load %arg15[%swap3A_1335] {strides = array<i32>} : memref<4096xf32, #tpu.memory_space<vmem>>, vector<16xf32>,
          tpu.vector_store %arg15[%swap3A_1335], %unpack3A_1329 {strides = array<i32>} : memref<4096xf32, #tpu.memory_space<vmem>>, vector<16xf32>,
          %mul3A_1337 = arith.constant 256 : i32
          %mul3A_1338 = arith.muli %scan3A_1048, %mul3A_1337 : i32
          %add3A_1339 = arith.constant 128 : i32
          %add3A_1340 = arith.addi %mul3A_1338, %add3A_1339 : i32
          %add3A_1341 = arith.constant 80 : i32
          %add3A_1342 = arith.addi %add3A_1340, %add3A_1341 : i32
          %swap3A_1343 = arith.index_cast %add3A_1342 : i32 to index
          %swap3A_1344 = tpu.vector_load %arg15[%swap3A_1343] {strides = array<i32>} : memref<4096xf32, #tpu.memory_space<vmem>>, vector<16xf32>,
          tpu.vector_store %arg15[%swap3A_1343], %unpack3A_1330 {strides = array<i32>} : memref<4096xf32, #tpu.memory_space<vmem>>, vector<16xf32>,
          %get3A_1345 = arith.index_cast %mul3A_1050 : i32 to index
          %get3A_1346 = arith.constant 96 : index
          %get3A_1347 = tpu.vector_load %arg13[%get3A_1345, %get3A_1346] {strides = array<i32>} : memref<64x128xi32, #tpu.memory_space<vmem>>, vector<16xi32>,
          %bitcast3A_1348 = vector.bitcast %get3A_1347 : vector<16xi32> to vector<32xbf16>
          %mul3A_1349 = arith.mulf %bitcast3A_1348, %pack3A_1071 : vector<32xbf16>
          %add3A_1350 = arith.constant 1 : i32
          %add3A_1351 = arith.addi %mul3A_1050, %add3A_1350 : i32
          %get3A_1352 = arith.index_cast %add3A_1351 : i32 to index
          %get3A_1353 = arith.constant 96 : index
          %get3A_1354 = tpu.vector_load %arg13[%get3A_1352, %get3A_1353] {strides = array<i32>} : memref<64x128xi32, #tpu.memory_space<vmem>>, vector<16xi32>,
          %bitcast3A_1355 = vector.bitcast %get3A_1354 : vector<16xi32> to vector<32xbf16>
          %mul3A_1356 = arith.mulf %bitcast3A_1355, %pack3A_1072 : vector<32xbf16>
          %add3A_1357 = arith.constant 2 : i32
          %add3A_1358 = arith.addi %mul3A_1050, %add3A_1357 : i32
          %get3A_1359 = arith.index_cast %add3A_1358 : i32 to index
          %get3A_1360 = arith.constant 96 : index
          %get3A_1361 = tpu.vector_load %arg13[%get3A_1359, %get3A_1360] {strides = array<i32>} : memref<64x128xi32, #tpu.memory_space<vmem>>, vector<16xi32>,
          %bitcast3A_1362 = vector.bitcast %get3A_1361 : vector<16xi32> to vector<32xbf16>
          %mul3A_1363 = arith.mulf %bitcast3A_1362, %pack3A_1073 : vector<32xbf16>
          %add3A_1364 = arith.constant 3 : i32
          %add3A_1365 = arith.addi %mul3A_1050, %add3A_1364 : i32
          %get3A_1366 = arith.index_cast %add3A_1365 : i32 to index
          %get3A_1367 = arith.constant 96 : index
          %get3A_1368 = tpu.vector_load %arg13[%get3A_1366, %get3A_1367] {strides = array<i32>} : memref<64x128xi32, #tpu.memory_space<vmem>>, vector<16xi32>,
          %bitcast3A_1369 = vector.bitcast %get3A_1368 : vector<16xi32> to vector<32xbf16>
          %mul3A_1370 = arith.mulf %bitcast3A_1369, %pack3A_1074 : vector<32xbf16>
          %add3A_1371 = arith.addf %mul3A_1349, %mul3A_1356 : vector<32xbf16>
          %add3A_1372 = arith.addf %mul3A_1363, %mul3A_1370 : vector<32xbf16>
          %add3A_1373 = arith.addf %add3A_1371, %add3A_1372 : vector<32xbf16>
          %unpack3A_1374 = tpu.unpack_subelements %add3A_1373, 0 {pack_format = #tpu.pack_format<interleaved>} : vector<32xbf16> -> vector<16xf32>
          %unpack3A_1375 = tpu.unpack_subelements %add3A_1373, 1 {pack_format = #tpu.pack_format<interleaved>} : vector<32xbf16> -> vector<16xf32>
          %mul3A_1376 = arith.constant 256 : i32
          %mul3A_1377 = arith.muli %scan3A_1048, %mul3A_1376 : i32
          %add3A_1378 = arith.constant 96 : i32
          %add3A_1379 = arith.addi %mul3A_1377, %add3A_1378 : i32
          %swap3A_1380 = arith.index_cast %add3A_1379 : i32 to index
          %swap3A_1381 = tpu.vector_load %arg15[%swap3A_1380] {strides = array<i32>} : memref<4096xf32, #tpu.memory_space<vmem>>, vector<16xf32>,
          tpu.vector_store %arg15[%swap3A_1380], %unpack3A_1374 {strides = array<i32>} : memref<4096xf32, #tpu.memory_space<vmem>>, vector<16xf32>,
          %mul3A_1382 = arith.constant 256 : i32
          %mul3A_1383 = arith.muli %scan3A_1048, %mul3A_1382 : i32
          %add3A_1384 = arith.constant 128 : i32
          %add3A_1385 = arith.addi %mul3A_1383, %add3A_1384 : i32
          %add3A_1386 = arith.constant 96 : i32
          %add3A_1387 = arith.addi %add3A_1385, %add3A_1386 : i32
          %swap3A_1388 = arith.index_cast %add3A_1387 : i32 to index
          %swap3A_1389 = tpu.vector_load %arg15[%swap3A_1388] {strides = array<i32>} : memref<4096xf32, #tpu.memory_space<vmem>>, vector<16xf32>,
          tpu.vector_store %arg15[%swap3A_1388], %unpack3A_1375 {strides = array<i32>} : memref<4096xf32, #tpu.memory_space<vmem>>, vector<16xf32>,
          %get3A_1390 = arith.index_cast %mul3A_1050 : i32 to index
          %get3A_1391 = arith.constant 112 : index
          %get3A_1392 = tpu.vector_load %arg13[%get3A_1390, %get3A_1391] {strides = array<i32>} : memref<64x128xi32, #tpu.memory_space<vmem>>, vector<16xi32>,
          %bitcast3A_1393 = vector.bitcast %get3A_1392 : vector<16xi32> to vector<32xbf16>
          %mul3A_1394 = arith.mulf %bitcast3A_1393, %pack3A_1071 : vector<32xbf16>
          %add3A_1395 = arith.constant 1 : i32
          %add3A_1396 = arith.addi %mul3A_1050, %add3A_1395 : i32
          %get3A_1397 = arith.index_cast %add3A_1396 : i32 to index
          %get3A_1398 = arith.constant 112 : index
          %get3A_1399 = tpu.vector_load %arg13[%get3A_1397, %get3A_1398] {strides = array<i32>} : memref<64x128xi32, #tpu.memory_space<vmem>>, vector<16xi32>,
          %bitcast3A_1400 = vector.bitcast %get3A_1399 : vector<16xi32> to vector<32xbf16>
          %mul3A_1401 = arith.mulf %bitcast3A_1400, %pack3A_1072 : vector<32xbf16>
          %add3A_1402 = arith.constant 2 : i32
          %add3A_1403 = arith.addi %mul3A_1050, %add3A_1402 : i32
          %get3A_1404 = arith.index_cast %add3A_1403 : i32 to index
          %get3A_1405 = arith.constant 112 : index
          %get3A_1406 = tpu.vector_load %arg13[%get3A_1404, %get3A_1405] {strides = array<i32>} : memref<64x128xi32, #tpu.memory_space<vmem>>, vector<16xi32>,
          %bitcast3A_1407 = vector.bitcast %get3A_1406 : vector<16xi32> to vector<32xbf16>
          %mul3A_1408 = arith.mulf %bitcast3A_1407, %pack3A_1073 : vector<32xbf16>
          %add3A_1409 = arith.constant 3 : i32
          %add3A_1410 = arith.addi %mul3A_1050, %add3A_1409 : i32
          %get3A_1411 = arith.index_cast %add3A_1410 : i32 to index
          %get3A_1412 = arith.constant 112 : index
          %get3A_1413 = tpu.vector_load %arg13[%get3A_1411, %get3A_1412] {strides = array<i32>} : memref<64x128xi32, #tpu.memory_space<vmem>>, vector<16xi32>,
          %bitcast3A_1414 = vector.bitcast %get3A_1413 : vector<16xi32> to vector<32xbf16>
          %mul3A_1415 = arith.mulf %bitcast3A_1414, %pack3A_1074 : vector<32xbf16>
          %add3A_1416 = arith.addf %mul3A_1394, %mul3A_1401 : vector<32xbf16>
          %add3A_1417 = arith.addf %mul3A_1408, %mul3A_1415 : vector<32xbf16>
          %add3A_1418 = arith.addf %add3A_1416, %add3A_1417 : vector<32xbf16>
          %unpack3A_1419 = tpu.unpack_subelements %add3A_1418, 0 {pack_format = #tpu.pack_format<interleaved>} : vector<32xbf16> -> vector<16xf32>
          %unpack3A_1420 = tpu.unpack_subelements %add3A_1418, 1 {pack_format = #tpu.pack_format<interleaved>} : vector<32xbf16> -> vector<16xf32>
          %mul3A_1421 = arith.constant 256 : i32
          %mul3A_1422 = arith.muli %scan3A_1048, %mul3A_1421 : i32
          %add3A_1423 = arith.constant 112 : i32
          %add3A_1424 = arith.addi %mul3A_1422, %add3A_1423 : i32
          %swap3A_1425 = arith.index_cast %add3A_1424 : i32 to index
          %swap3A_1426 = tpu.vector_load %arg15[%swap3A_1425] {strides = array<i32>} : memref<4096xf32, #tpu.memory_space<vmem>>, vector<16xf32>,
          tpu.vector_store %arg15[%swap3A_1425], %unpack3A_1419 {strides = array<i32>} : memref<4096xf32, #tpu.memory_space<vmem>>, vector<16xf32>,
          %mul3A_1427 = arith.constant 256 : i32
          %mul3A_1428 = arith.muli %scan3A_1048, %mul3A_1427 : i32
          %add3A_1429 = arith.constant 128 : i32
          %add3A_1430 = arith.addi %mul3A_1428, %add3A_1429 : i32
          %add3A_1431 = arith.constant 112 : i32
          %add3A_1432 = arith.addi %add3A_1430, %add3A_1431 : i32
          %swap3A_1433 = arith.index_cast %add3A_1432 : i32 to index
          %swap3A_1434 = tpu.vector_load %arg15[%swap3A_1433] {strides = array<i32>} : memref<4096xf32, #tpu.memory_space<vmem>>, vector<16xf32>,
          tpu.vector_store %arg15[%swap3A_1433], %unpack3A_1420 {strides = array<i32>} : memref<4096xf32, #tpu.memory_space<vmem>>, vector<16xf32>,
          %scan3A_1435 = arith.constant 3 : i32
          %scan3A_1436 = arith.addi %scan3A_278, %scan3A_1435 : i32
          %mul3A_1437 = arith.constant 4 : i32
          %mul3A_1438 = arith.muli %scan3A_1436, %mul3A_1437 : i32
          %broadcast_in_dim3A_1439 = arith.constant 0 : i32
          %broadcast_in_dim3A_1440 = vector.broadcast %broadcast_in_dim3A_1439 : i32 to vector<16xi32>
          %add3A_1441 = vector.broadcast %mul3A_1438 : i32 to vector<16xi32>
          %add3A_1442 = arith.addi %broadcast_in_dim3A_1440, %add3A_1441 : vector<16xi32>
          %gather3A_1443 = tpu.vector_load_idx %arg11[%add3A_1442] : memref<64xf32, #tpu.memory_space<vmem>>[vector<16xi32>], vector<16xf32>,
          %broadcast_in_dim3A_1444 = arith.constant 1 : i32
          %broadcast_in_dim3A_1445 = vector.broadcast %broadcast_in_dim3A_1444 : i32 to vector<16xi32>
          %add3A_1446 = vector.broadcast %mul3A_1438 : i32 to vector<16xi32>
          %add3A_1447 = arith.addi %broadcast_in_dim3A_1445, %add3A_1446 : vector<16xi32>
          %gather3A_1448 = tpu.vector_load_idx %arg11[%add3A_1447] : memref<64xf32, #tpu.memory_space<vmem>>[vector<16xi32>], vector<16xf32>,
          %broadcast_in_dim3A_1449 = arith.constant 2 : i32
          %broadcast_in_dim3A_1450 = vector.broadcast %broadcast_in_dim3A_1449 : i32 to vector<16xi32>
          %add3A_1451 = vector.broadcast %mul3A_1438 : i32 to vector<16xi32>
          %add3A_1452 = arith.addi %broadcast_in_dim3A_1450, %add3A_1451 : vector<16xi32>
          %gather3A_1453 = tpu.vector_load_idx %arg11[%add3A_1452] : memref<64xf32, #tpu.memory_space<vmem>>[vector<16xi32>], vector<16xf32>,
          %broadcast_in_dim3A_1454 = arith.constant 3 : i32
          %broadcast_in_dim3A_1455 = vector.broadcast %broadcast_in_dim3A_1454 : i32 to vector<16xi32>
          %add3A_1456 = vector.broadcast %mul3A_1438 : i32 to vector<16xi32>
          %add3A_1457 = arith.addi %broadcast_in_dim3A_1455, %add3A_1456 : vector<16xi32>
          %gather3A_1458 = tpu.vector_load_idx %arg11[%add3A_1457] : memref<64xf32, #tpu.memory_space<vmem>>[vector<16xi32>], vector<16xf32>,
          %pack3A_1459 = tpu.pack_subelements %gather3A_1443, %gather3A_1443 {pack_format = #tpu.pack_format<interleaved>, positions = array<i32: 0, 1>} : vector<16xf32>, vector<16xf32> -> vector<32xbf16>
          %pack3A_1460 = tpu.pack_subelements %gather3A_1448, %gather3A_1448 {pack_format = #tpu.pack_format<interleaved>, positions = array<i32: 0, 1>} : vector<16xf32>, vector<16xf32> -> vector<32xbf16>
          %pack3A_1461 = tpu.pack_subelements %gather3A_1453, %gather3A_1453 {pack_format = #tpu.pack_format<interleaved>, positions = array<i32: 0, 1>} : vector<16xf32>, vector<16xf32> -> vector<32xbf16>
          %pack3A_1462 = tpu.pack_subelements %gather3A_1458, %gather3A_1458 {pack_format = #tpu.pack_format<interleaved>, positions = array<i32: 0, 1>} : vector<16xf32>, vector<16xf32> -> vector<32xbf16>
          %get3A_1463 = arith.index_cast %mul3A_1438 : i32 to index
          %get3A_1464 = arith.constant 0 : index
          %get3A_1465 = tpu.vector_load %arg13[%get3A_1463, %get3A_1464] {strides = array<i32>} : memref<64x128xi32, #tpu.memory_space<vmem>>, vector<16xi32>,
          %bitcast3A_1466 = vector.bitcast %get3A_1465 : vector<16xi32> to vector<32xbf16>
          %mul3A_1467 = arith.mulf %bitcast3A_1466, %pack3A_1459 : vector<32xbf16>
          %add3A_1468 = arith.constant 1 : i32
          %add3A_1469 = arith.addi %mul3A_1438, %add3A_1468 : i32
          %get3A_1470 = arith.index_cast %add3A_1469 : i32 to index
          %get3A_1471 = arith.constant 0 : index
          %get3A_1472 = tpu.vector_load %arg13[%get3A_1470, %get3A_1471] {strides = array<i32>} : memref<64x128xi32, #tpu.memory_space<vmem>>, vector<16xi32>,
          %bitcast3A_1473 = vector.bitcast %get3A_1472 : vector<16xi32> to vector<32xbf16>
          %mul3A_1474 = arith.mulf %bitcast3A_1473, %pack3A_1460 : vector<32xbf16>
          %add3A_1475 = arith.constant 2 : i32
          %add3A_1476 = arith.addi %mul3A_1438, %add3A_1475 : i32
          %get3A_1477 = arith.index_cast %add3A_1476 : i32 to index
          %get3A_1478 = arith.constant 0 : index
          %get3A_1479 = tpu.vector_load %arg13[%get3A_1477, %get3A_1478] {strides = array<i32>} : memref<64x128xi32, #tpu.memory_space<vmem>>, vector<16xi32>,
          %bitcast3A_1480 = vector.bitcast %get3A_1479 : vector<16xi32> to vector<32xbf16>
          %mul3A_1481 = arith.mulf %bitcast3A_1480, %pack3A_1461 : vector<32xbf16>
          %add3A_1482 = arith.constant 3 : i32
          %add3A_1483 = arith.addi %mul3A_1438, %add3A_1482 : i32
          %get3A_1484 = arith.index_cast %add3A_1483 : i32 to index
          %get3A_1485 = arith.constant 0 : index
          %get3A_1486 = tpu.vector_load %arg13[%get3A_1484, %get3A_1485] {strides = array<i32>} : memref<64x128xi32, #tpu.memory_space<vmem>>, vector<16xi32>,
          %bitcast3A_1487 = vector.bitcast %get3A_1486 : vector<16xi32> to vector<32xbf16>
          %mul3A_1488 = arith.mulf %bitcast3A_1487, %pack3A_1462 : vector<32xbf16>
          %add3A_1489 = arith.addf %mul3A_1467, %mul3A_1474 : vector<32xbf16>
          %add3A_1490 = arith.addf %mul3A_1481, %mul3A_1488 : vector<32xbf16>
          %add3A_1491 = arith.addf %add3A_1489, %add3A_1490 : vector<32xbf16>
          %unpack3A_1492 = tpu.unpack_subelements %add3A_1491, 0 {pack_format = #tpu.pack_format<interleaved>} : vector<32xbf16> -> vector<16xf32>
          %unpack3A_1493 = tpu.unpack_subelements %add3A_1491, 1 {pack_format = #tpu.pack_format<interleaved>} : vector<32xbf16> -> vector<16xf32>
          %mul3A_1494 = arith.constant 256 : i32
          %mul3A_1495 = arith.muli %scan3A_1436, %mul3A_1494 : i32
          %add3A_1496 = arith.constant 0 : i32
          %add3A_1497 = arith.addi %mul3A_1495, %add3A_1496 : i32
          %swap3A_1498 = arith.index_cast %add3A_1497 : i32 to index
          %swap3A_1499 = tpu.vector_load %arg15[%swap3A_1498] {strides = array<i32>} : memref<4096xf32, #tpu.memory_space<vmem>>, vector<16xf32>,
          tpu.vector_store %arg15[%swap3A_1498], %unpack3A_1492 {strides = array<i32>} : memref<4096xf32, #tpu.memory_space<vmem>>, vector<16xf32>,
          %mul3A_1500 = arith.constant 256 : i32
          %mul3A_1501 = arith.muli %scan3A_1436, %mul3A_1500 : i32
          %add3A_1502 = arith.constant 128 : i32
          %add3A_1503 = arith.addi %mul3A_1501, %add3A_1502 : i32
          %add3A_1504 = arith.constant 0 : i32
          %add3A_1505 = arith.addi %add3A_1503, %add3A_1504 : i32
          %swap3A_1506 = arith.index_cast %add3A_1505 : i32 to index
          %swap3A_1507 = tpu.vector_load %arg15[%swap3A_1506] {strides = array<i32>} : memref<4096xf32, #tpu.memory_space<vmem>>, vector<16xf32>,
          tpu.vector_store %arg15[%swap3A_1506], %unpack3A_1493 {strides = array<i32>} : memref<4096xf32, #tpu.memory_space<vmem>>, vector<16xf32>,
          %get3A_1508 = arith.index_cast %mul3A_1438 : i32 to index
          %get3A_1509 = arith.constant 16 : index
          %get3A_1510 = tpu.vector_load %arg13[%get3A_1508, %get3A_1509] {strides = array<i32>} : memref<64x128xi32, #tpu.memory_space<vmem>>, vector<16xi32>,
          %bitcast3A_1511 = vector.bitcast %get3A_1510 : vector<16xi32> to vector<32xbf16>
          %mul3A_1512 = arith.mulf %bitcast3A_1511, %pack3A_1459 : vector<32xbf16>
          %add3A_1513 = arith.constant 1 : i32
          %add3A_1514 = arith.addi %mul3A_1438, %add3A_1513 : i32
          %get3A_1515 = arith.index_cast %add3A_1514 : i32 to index
          %get3A_1516 = arith.constant 16 : index
          %get3A_1517 = tpu.vector_load %arg13[%get3A_1515, %get3A_1516] {strides = array<i32>} : memref<64x128xi32, #tpu.memory_space<vmem>>, vector<16xi32>,
          %bitcast3A_1518 = vector.bitcast %get3A_1517 : vector<16xi32> to vector<32xbf16>
          %mul3A_1519 = arith.mulf %bitcast3A_1518, %pack3A_1460 : vector<32xbf16>
          %add3A_1520 = arith.constant 2 : i32
          %add3A_1521 = arith.addi %mul3A_1438, %add3A_1520 : i32
          %get3A_1522 = arith.index_cast %add3A_1521 : i32 to index
          %get3A_1523 = arith.constant 16 : index
          %get3A_1524 = tpu.vector_load %arg13[%get3A_1522, %get3A_1523] {strides = array<i32>} : memref<64x128xi32, #tpu.memory_space<vmem>>, vector<16xi32>,
          %bitcast3A_1525 = vector.bitcast %get3A_1524 : vector<16xi32> to vector<32xbf16>
          %mul3A_1526 = arith.mulf %bitcast3A_1525, %pack3A_1461 : vector<32xbf16>
          %add3A_1527 = arith.constant 3 : i32
          %add3A_1528 = arith.addi %mul3A_1438, %add3A_1527 : i32
          %get3A_1529 = arith.index_cast %add3A_1528 : i32 to index
          %get3A_1530 = arith.constant 16 : index
          %get3A_1531 = tpu.vector_load %arg13[%get3A_1529, %get3A_1530] {strides = array<i32>} : memref<64x128xi32, #tpu.memory_space<vmem>>, vector<16xi32>,
          %bitcast3A_1532 = vector.bitcast %get3A_1531 : vector<16xi32> to vector<32xbf16>
          %mul3A_1533 = arith.mulf %bitcast3A_1532, %pack3A_1462 : vector<32xbf16>
          %add3A_1534 = arith.addf %mul3A_1512, %mul3A_1519 : vector<32xbf16>
          %add3A_1535 = arith.addf %mul3A_1526, %mul3A_1533 : vector<32xbf16>
          %add3A_1536 = arith.addf %add3A_1534, %add3A_1535 : vector<32xbf16>
          %unpack3A_1537 = tpu.unpack_subelements %add3A_1536, 0 {pack_format = #tpu.pack_format<interleaved>} : vector<32xbf16> -> vector<16xf32>
          %unpack3A_1538 = tpu.unpack_subelements %add3A_1536, 1 {pack_format = #tpu.pack_format<interleaved>} : vector<32xbf16> -> vector<16xf32>
          %mul3A_1539 = arith.constant 256 : i32
          %mul3A_1540 = arith.muli %scan3A_1436, %mul3A_1539 : i32
          %add3A_1541 = arith.constant 16 : i32
          %add3A_1542 = arith.addi %mul3A_1540, %add3A_1541 : i32
          %swap3A_1543 = arith.index_cast %add3A_1542 : i32 to index
          %swap3A_1544 = tpu.vector_load %arg15[%swap3A_1543] {strides = array<i32>} : memref<4096xf32, #tpu.memory_space<vmem>>, vector<16xf32>,
          tpu.vector_store %arg15[%swap3A_1543], %unpack3A_1537 {strides = array<i32>} : memref<4096xf32, #tpu.memory_space<vmem>>, vector<16xf32>,
          %mul3A_1545 = arith.constant 256 : i32
          %mul3A_1546 = arith.muli %scan3A_1436, %mul3A_1545 : i32
          %add3A_1547 = arith.constant 128 : i32
          %add3A_1548 = arith.addi %mul3A_1546, %add3A_1547 : i32
          %add3A_1549 = arith.constant 16 : i32
          %add3A_1550 = arith.addi %add3A_1548, %add3A_1549 : i32
          %swap3A_1551 = arith.index_cast %add3A_1550 : i32 to index
          %swap3A_1552 = tpu.vector_load %arg15[%swap3A_1551] {strides = array<i32>} : memref<4096xf32, #tpu.memory_space<vmem>>, vector<16xf32>,
          tpu.vector_store %arg15[%swap3A_1551], %unpack3A_1538 {strides = array<i32>} : memref<4096xf32, #tpu.memory_space<vmem>>, vector<16xf32>,
          %get3A_1553 = arith.index_cast %mul3A_1438 : i32 to index
          %get3A_1554 = arith.constant 32 : index
          %get3A_1555 = tpu.vector_load %arg13[%get3A_1553, %get3A_1554] {strides = array<i32>} : memref<64x128xi32, #tpu.memory_space<vmem>>, vector<16xi32>,
          %bitcast3A_1556 = vector.bitcast %get3A_1555 : vector<16xi32> to vector<32xbf16>
          %mul3A_1557 = arith.mulf %bitcast3A_1556, %pack3A_1459 : vector<32xbf16>
          %add3A_1558 = arith.constant 1 : i32
          %add3A_1559 = arith.addi %mul3A_1438, %add3A_1558 : i32
          %get3A_1560 = arith.index_cast %add3A_1559 : i32 to index
          %get3A_1561 = arith.constant 32 : index
          %get3A_1562 = tpu.vector_load %arg13[%get3A_1560, %get3A_1561] {strides = array<i32>} : memref<64x128xi32, #tpu.memory_space<vmem>>, vector<16xi32>,
          %bitcast3A_1563 = vector.bitcast %get3A_1562 : vector<16xi32> to vector<32xbf16>
          %mul3A_1564 = arith.mulf %bitcast3A_1563, %pack3A_1460 : vector<32xbf16>
          %add3A_1565 = arith.constant 2 : i32
          %add3A_1566 = arith.addi %mul3A_1438, %add3A_1565 : i32
          %get3A_1567 = arith.index_cast %add3A_1566 : i32 to index
          %get3A_1568 = arith.constant 32 : index
          %get3A_1569 = tpu.vector_load %arg13[%get3A_1567, %get3A_1568] {strides = array<i32>} : memref<64x128xi32, #tpu.memory_space<vmem>>, vector<16xi32>,
          %bitcast3A_1570 = vector.bitcast %get3A_1569 : vector<16xi32> to vector<32xbf16>
          %mul3A_1571 = arith.mulf %bitcast3A_1570, %pack3A_1461 : vector<32xbf16>
          %add3A_1572 = arith.constant 3 : i32
          %add3A_1573 = arith.addi %mul3A_1438, %add3A_1572 : i32
          %get3A_1574 = arith.index_cast %add3A_1573 : i32 to index
          %get3A_1575 = arith.constant 32 : index
          %get3A_1576 = tpu.vector_load %arg13[%get3A_1574, %get3A_1575] {strides = array<i32>} : memref<64x128xi32, #tpu.memory_space<vmem>>, vector<16xi32>,
          %bitcast3A_1577 = vector.bitcast %get3A_1576 : vector<16xi32> to vector<32xbf16>
          %mul3A_1578 = arith.mulf %bitcast3A_1577, %pack3A_1462 : vector<32xbf16>
          %add3A_1579 = arith.addf %mul3A_1557, %mul3A_1564 : vector<32xbf16>
          %add3A_1580 = arith.addf %mul3A_1571, %mul3A_1578 : vector<32xbf16>
          %add3A_1581 = arith.addf %add3A_1579, %add3A_1580 : vector<32xbf16>
          %unpack3A_1582 = tpu.unpack_subelements %add3A_1581, 0 {pack_format = #tpu.pack_format<interleaved>} : vector<32xbf16> -> vector<16xf32>
          %unpack3A_1583 = tpu.unpack_subelements %add3A_1581, 1 {pack_format = #tpu.pack_format<interleaved>} : vector<32xbf16> -> vector<16xf32>
          %mul3A_1584 = arith.constant 256 : i32
          %mul3A_1585 = arith.muli %scan3A_1436, %mul3A_1584 : i32
          %add3A_1586 = arith.constant 32 : i32
          %add3A_1587 = arith.addi %mul3A_1585, %add3A_1586 : i32
          %swap3A_1588 = arith.index_cast %add3A_1587 : i32 to index
          %swap3A_1589 = tpu.vector_load %arg15[%swap3A_1588] {strides = array<i32>} : memref<4096xf32, #tpu.memory_space<vmem>>, vector<16xf32>,
          tpu.vector_store %arg15[%swap3A_1588], %unpack3A_1582 {strides = array<i32>} : memref<4096xf32, #tpu.memory_space<vmem>>, vector<16xf32>,
          %mul3A_1590 = arith.constant 256 : i32
          %mul3A_1591 = arith.muli %scan3A_1436, %mul3A_1590 : i32
          %add3A_1592 = arith.constant 128 : i32
          %add3A_1593 = arith.addi %mul3A_1591, %add3A_1592 : i32
          %add3A_1594 = arith.constant 32 : i32
          %add3A_1595 = arith.addi %add3A_1593, %add3A_1594 : i32
          %swap3A_1596 = arith.index_cast %add3A_1595 : i32 to index
          %swap3A_1597 = tpu.vector_load %arg15[%swap3A_1596] {strides = array<i32>} : memref<4096xf32, #tpu.memory_space<vmem>>, vector<16xf32>,
          tpu.vector_store %arg15[%swap3A_1596], %unpack3A_1583 {strides = array<i32>} : memref<4096xf32, #tpu.memory_space<vmem>>, vector<16xf32>,
          %get3A_1598 = arith.index_cast %mul3A_1438 : i32 to index
          %get3A_1599 = arith.constant 48 : index
          %get3A_1600 = tpu.vector_load %arg13[%get3A_1598, %get3A_1599] {strides = array<i32>} : memref<64x128xi32, #tpu.memory_space<vmem>>, vector<16xi32>,
          %bitcast3A_1601 = vector.bitcast %get3A_1600 : vector<16xi32> to vector<32xbf16>
          %mul3A_1602 = arith.mulf %bitcast3A_1601, %pack3A_1459 : vector<32xbf16>
          %add3A_1603 = arith.constant 1 : i32
          %add3A_1604 = arith.addi %mul3A_1438, %add3A_1603 : i32
          %get3A_1605 = arith.index_cast %add3A_1604 : i32 to index
          %get3A_1606 = arith.constant 48 : index
          %get3A_1607 = tpu.vector_load %arg13[%get3A_1605, %get3A_1606] {strides = array<i32>} : memref<64x128xi32, #tpu.memory_space<vmem>>, vector<16xi32>,
          %bitcast3A_1608 = vector.bitcast %get3A_1607 : vector<16xi32> to vector<32xbf16>
          %mul3A_1609 = arith.mulf %bitcast3A_1608, %pack3A_1460 : vector<32xbf16>
          %add3A_1610 = arith.constant 2 : i32
          %add3A_1611 = arith.addi %mul3A_1438, %add3A_1610 : i32
          %get3A_1612 = arith.index_cast %add3A_1611 : i32 to index
          %get3A_1613 = arith.constant 48 : index
          %get3A_1614 = tpu.vector_load %arg13[%get3A_1612, %get3A_1613] {strides = array<i32>} : memref<64x128xi32, #tpu.memory_space<vmem>>, vector<16xi32>,
          %bitcast3A_1615 = vector.bitcast %get3A_1614 : vector<16xi32> to vector<32xbf16>
          %mul3A_1616 = arith.mulf %bitcast3A_1615, %pack3A_1461 : vector<32xbf16>
          %add3A_1617 = arith.constant 3 : i32
          %add3A_1618 = arith.addi %mul3A_1438, %add3A_1617 : i32
          %get3A_1619 = arith.index_cast %add3A_1618 : i32 to index
          %get3A_1620 = arith.constant 48 : index
          %get3A_1621 = tpu.vector_load %arg13[%get3A_1619, %get3A_1620] {strides = array<i32>} : memref<64x128xi32, #tpu.memory_space<vmem>>, vector<16xi32>,
          %bitcast3A_1622 = vector.bitcast %get3A_1621 : vector<16xi32> to vector<32xbf16>
          %mul3A_1623 = arith.mulf %bitcast3A_1622, %pack3A_1462 : vector<32xbf16>
          %add3A_1624 = arith.addf %mul3A_1602, %mul3A_1609 : vector<32xbf16>
          %add3A_1625 = arith.addf %mul3A_1616, %mul3A_1623 : vector<32xbf16>
          %add3A_1626 = arith.addf %add3A_1624, %add3A_1625 : vector<32xbf16>
          %unpack3A_1627 = tpu.unpack_subelements %add3A_1626, 0 {pack_format = #tpu.pack_format<interleaved>} : vector<32xbf16> -> vector<16xf32>
          %unpack3A_1628 = tpu.unpack_subelements %add3A_1626, 1 {pack_format = #tpu.pack_format<interleaved>} : vector<32xbf16> -> vector<16xf32>
          %mul3A_1629 = arith.constant 256 : i32
          %mul3A_1630 = arith.muli %scan3A_1436, %mul3A_1629 : i32
          %add3A_1631 = arith.constant 48 : i32
          %add3A_1632 = arith.addi %mul3A_1630, %add3A_1631 : i32
          %swap3A_1633 = arith.index_cast %add3A_1632 : i32 to index
          %swap3A_1634 = tpu.vector_load %arg15[%swap3A_1633] {strides = array<i32>} : memref<4096xf32, #tpu.memory_space<vmem>>, vector<16xf32>,
          tpu.vector_store %arg15[%swap3A_1633], %unpack3A_1627 {strides = array<i32>} : memref<4096xf32, #tpu.memory_space<vmem>>, vector<16xf32>,
          %mul3A_1635 = arith.constant 256 : i32
          %mul3A_1636 = arith.muli %scan3A_1436, %mul3A_1635 : i32
          %add3A_1637 = arith.constant 128 : i32
          %add3A_1638 = arith.addi %mul3A_1636, %add3A_1637 : i32
          %add3A_1639 = arith.constant 48 : i32
          %add3A_1640 = arith.addi %add3A_1638, %add3A_1639 : i32
          %swap3A_1641 = arith.index_cast %add3A_1640 : i32 to index
          %swap3A_1642 = tpu.vector_load %arg15[%swap3A_1641] {strides = array<i32>} : memref<4096xf32, #tpu.memory_space<vmem>>, vector<16xf32>,
          tpu.vector_store %arg15[%swap3A_1641], %unpack3A_1628 {strides = array<i32>} : memref<4096xf32, #tpu.memory_space<vmem>>, vector<16xf32>,
          %get3A_1643 = arith.index_cast %mul3A_1438 : i32 to index
          %get3A_1644 = arith.constant 64 : index
          %get3A_1645 = tpu.vector_load %arg13[%get3A_1643, %get3A_1644] {strides = array<i32>} : memref<64x128xi32, #tpu.memory_space<vmem>>, vector<16xi32>,
          %bitcast3A_1646 = vector.bitcast %get3A_1645 : vector<16xi32> to vector<32xbf16>
          %mul3A_1647 = arith.mulf %bitcast3A_1646, %pack3A_1459 : vector<32xbf16>
          %add3A_1648 = arith.constant 1 : i32
          %add3A_1649 = arith.addi %mul3A_1438, %add3A_1648 : i32
          %get3A_1650 = arith.index_cast %add3A_1649 : i32 to index
          %get3A_1651 = arith.constant 64 : index
          %get3A_1652 = tpu.vector_load %arg13[%get3A_1650, %get3A_1651] {strides = array<i32>} : memref<64x128xi32, #tpu.memory_space<vmem>>, vector<16xi32>,
          %bitcast3A_1653 = vector.bitcast %get3A_1652 : vector<16xi32> to vector<32xbf16>
          %mul3A_1654 = arith.mulf %bitcast3A_1653, %pack3A_1460 : vector<32xbf16>
          %add3A_1655 = arith.constant 2 : i32
          %add3A_1656 = arith.addi %mul3A_1438, %add3A_1655 : i32
          %get3A_1657 = arith.index_cast %add3A_1656 : i32 to index
          %get3A_1658 = arith.constant 64 : index
          %get3A_1659 = tpu.vector_load %arg13[%get3A_1657, %get3A_1658] {strides = array<i32>} : memref<64x128xi32, #tpu.memory_space<vmem>>, vector<16xi32>,
          %bitcast3A_1660 = vector.bitcast %get3A_1659 : vector<16xi32> to vector<32xbf16>
          %mul3A_1661 = arith.mulf %bitcast3A_1660, %pack3A_1461 : vector<32xbf16>
          %add3A_1662 = arith.constant 3 : i32
          %add3A_1663 = arith.addi %mul3A_1438, %add3A_1662 : i32
          %get3A_1664 = arith.index_cast %add3A_1663 : i32 to index
          %get3A_1665 = arith.constant 64 : index
          %get3A_1666 = tpu.vector_load %arg13[%get3A_1664, %get3A_1665] {strides = array<i32>} : memref<64x128xi32, #tpu.memory_space<vmem>>, vector<16xi32>,
          %bitcast3A_1667 = vector.bitcast %get3A_1666 : vector<16xi32> to vector<32xbf16>
          %mul3A_1668 = arith.mulf %bitcast3A_1667, %pack3A_1462 : vector<32xbf16>
          %add3A_1669 = arith.addf %mul3A_1647, %mul3A_1654 : vector<32xbf16>
          %add3A_1670 = arith.addf %mul3A_1661, %mul3A_1668 : vector<32xbf16>
          %add3A_1671 = arith.addf %add3A_1669, %add3A_1670 : vector<32xbf16>
          %unpack3A_1672 = tpu.unpack_subelements %add3A_1671, 0 {pack_format = #tpu.pack_format<interleaved>} : vector<32xbf16> -> vector<16xf32>
          %unpack3A_1673 = tpu.unpack_subelements %add3A_1671, 1 {pack_format = #tpu.pack_format<interleaved>} : vector<32xbf16> -> vector<16xf32>
          %mul3A_1674 = arith.constant 256 : i32
          %mul3A_1675 = arith.muli %scan3A_1436, %mul3A_1674 : i32
          %add3A_1676 = arith.constant 64 : i32
          %add3A_1677 = arith.addi %mul3A_1675, %add3A_1676 : i32
          %swap3A_1678 = arith.index_cast %add3A_1677 : i32 to index
          %swap3A_1679 = tpu.vector_load %arg15[%swap3A_1678] {strides = array<i32>} : memref<4096xf32, #tpu.memory_space<vmem>>, vector<16xf32>,
          tpu.vector_store %arg15[%swap3A_1678], %unpack3A_1672 {strides = array<i32>} : memref<4096xf32, #tpu.memory_space<vmem>>, vector<16xf32>,
          %mul3A_1680 = arith.constant 256 : i32
          %mul3A_1681 = arith.muli %scan3A_1436, %mul3A_1680 : i32
          %add3A_1682 = arith.constant 128 : i32
          %add3A_1683 = arith.addi %mul3A_1681, %add3A_1682 : i32
          %add3A_1684 = arith.constant 64 : i32
          %add3A_1685 = arith.addi %add3A_1683, %add3A_1684 : i32
          %swap3A_1686 = arith.index_cast %add3A_1685 : i32 to index
          %swap3A_1687 = tpu.vector_load %arg15[%swap3A_1686] {strides = array<i32>} : memref<4096xf32, #tpu.memory_space<vmem>>, vector<16xf32>,
          tpu.vector_store %arg15[%swap3A_1686], %unpack3A_1673 {strides = array<i32>} : memref<4096xf32, #tpu.memory_space<vmem>>, vector<16xf32>,
          %get3A_1688 = arith.index_cast %mul3A_1438 : i32 to index
          %get3A_1689 = arith.constant 80 : index
          %get3A_1690 = tpu.vector_load %arg13[%get3A_1688, %get3A_1689] {strides = array<i32>} : memref<64x128xi32, #tpu.memory_space<vmem>>, vector<16xi32>,
          %bitcast3A_1691 = vector.bitcast %get3A_1690 : vector<16xi32> to vector<32xbf16>
          %mul3A_1692 = arith.mulf %bitcast3A_1691, %pack3A_1459 : vector<32xbf16>
          %add3A_1693 = arith.constant 1 : i32
          %add3A_1694 = arith.addi %mul3A_1438, %add3A_1693 : i32
          %get3A_1695 = arith.index_cast %add3A_1694 : i32 to index
          %get3A_1696 = arith.constant 80 : index
          %get3A_1697 = tpu.vector_load %arg13[%get3A_1695, %get3A_1696] {strides = array<i32>} : memref<64x128xi32, #tpu.memory_space<vmem>>, vector<16xi32>,
          %bitcast3A_1698 = vector.bitcast %get3A_1697 : vector<16xi32> to vector<32xbf16>
          %mul3A_1699 = arith.mulf %bitcast3A_1698, %pack3A_1460 : vector<32xbf16>
          %add3A_1700 = arith.constant 2 : i32
          %add3A_1701 = arith.addi %mul3A_1438, %add3A_1700 : i32
          %get3A_1702 = arith.index_cast %add3A_1701 : i32 to index
          %get3A_1703 = arith.constant 80 : index
          %get3A_1704 = tpu.vector_load %arg13[%get3A_1702, %get3A_1703] {strides = array<i32>} : memref<64x128xi32, #tpu.memory_space<vmem>>, vector<16xi32>,
          %bitcast3A_1705 = vector.bitcast %get3A_1704 : vector<16xi32> to vector<32xbf16>
          %mul3A_1706 = arith.mulf %bitcast3A_1705, %pack3A_1461 : vector<32xbf16>
          %add3A_1707 = arith.constant 3 : i32
          %add3A_1708 = arith.addi %mul3A_1438, %add3A_1707 : i32
          %get3A_1709 = arith.index_cast %add3A_1708 : i32 to index
          %get3A_1710 = arith.constant 80 : index
          %get3A_1711 = tpu.vector_load %arg13[%get3A_1709, %get3A_1710] {strides = array<i32>} : memref<64x128xi32, #tpu.memory_space<vmem>>, vector<16xi32>,
          %bitcast3A_1712 = vector.bitcast %get3A_1711 : vector<16xi32> to vector<32xbf16>
          %mul3A_1713 = arith.mulf %bitcast3A_1712, %pack3A_1462 : vector<32xbf16>
          %add3A_1714 = arith.addf %mul3A_1692, %mul3A_1699 : vector<32xbf16>
          %add3A_1715 = arith.addf %mul3A_1706, %mul3A_1713 : vector<32xbf16>
          %add3A_1716 = arith.addf %add3A_1714, %add3A_1715 : vector<32xbf16>
          %unpack3A_1717 = tpu.unpack_subelements %add3A_1716, 0 {pack_format = #tpu.pack_format<interleaved>} : vector<32xbf16> -> vector<16xf32>
          %unpack3A_1718 = tpu.unpack_subelements %add3A_1716, 1 {pack_format = #tpu.pack_format<interleaved>} : vector<32xbf16> -> vector<16xf32>
          %mul3A_1719 = arith.constant 256 : i32
          %mul3A_1720 = arith.muli %scan3A_1436, %mul3A_1719 : i32
          %add3A_1721 = arith.constant 80 : i32
          %add3A_1722 = arith.addi %mul3A_1720, %add3A_1721 : i32
          %swap3A_1723 = arith.index_cast %add3A_1722 : i32 to index
          %swap3A_1724 = tpu.vector_load %arg15[%swap3A_1723] {strides = array<i32>} : memref<4096xf32, #tpu.memory_space<vmem>>, vector<16xf32>,
          tpu.vector_store %arg15[%swap3A_1723], %unpack3A_1717 {strides = array<i32>} : memref<4096xf32, #tpu.memory_space<vmem>>, vector<16xf32>,
          %mul3A_1725 = arith.constant 256 : i32
          %mul3A_1726 = arith.muli %scan3A_1436, %mul3A_1725 : i32
          %add3A_1727 = arith.constant 128 : i32
          %add3A_1728 = arith.addi %mul3A_1726, %add3A_1727 : i32
          %add3A_1729 = arith.constant 80 : i32
          %add3A_1730 = arith.addi %add3A_1728, %add3A_1729 : i32
          %swap3A_1731 = arith.index_cast %add3A_1730 : i32 to index
          %swap3A_1732 = tpu.vector_load %arg15[%swap3A_1731] {strides = array<i32>} : memref<4096xf32, #tpu.memory_space<vmem>>, vector<16xf32>,
          tpu.vector_store %arg15[%swap3A_1731], %unpack3A_1718 {strides = array<i32>} : memref<4096xf32, #tpu.memory_space<vmem>>, vector<16xf32>,
          %get3A_1733 = arith.index_cast %mul3A_1438 : i32 to index
          %get3A_1734 = arith.constant 96 : index
          %get3A_1735 = tpu.vector_load %arg13[%get3A_1733, %get3A_1734] {strides = array<i32>} : memref<64x128xi32, #tpu.memory_space<vmem>>, vector<16xi32>,
          %bitcast3A_1736 = vector.bitcast %get3A_1735 : vector<16xi32> to vector<32xbf16>
          %mul3A_1737 = arith.mulf %bitcast3A_1736, %pack3A_1459 : vector<32xbf16>
          %add3A_1738 = arith.constant 1 : i32
          %add3A_1739 = arith.addi %mul3A_1438, %add3A_1738 : i32
          %get3A_1740 = arith.index_cast %add3A_1739 : i32 to index
          %get3A_1741 = arith.constant 96 : index
          %get3A_1742 = tpu.vector_load %arg13[%get3A_1740, %get3A_1741] {strides = array<i32>} : memref<64x128xi32, #tpu.memory_space<vmem>>, vector<16xi32>,
          %bitcast3A_1743 = vector.bitcast %get3A_1742 : vector<16xi32> to vector<32xbf16>
          %mul3A_1744 = arith.mulf %bitcast3A_1743, %pack3A_1460 : vector<32xbf16>
          %add3A_1745 = arith.constant 2 : i32
          %add3A_1746 = arith.addi %mul3A_1438, %add3A_1745 : i32
          %get3A_1747 = arith.index_cast %add3A_1746 : i32 to index
          %get3A_1748 = arith.constant 96 : index
          %get3A_1749 = tpu.vector_load %arg13[%get3A_1747, %get3A_1748] {strides = array<i32>} : memref<64x128xi32, #tpu.memory_space<vmem>>, vector<16xi32>,
          %bitcast3A_1750 = vector.bitcast %get3A_1749 : vector<16xi32> to vector<32xbf16>
          %mul3A_1751 = arith.mulf %bitcast3A_1750, %pack3A_1461 : vector<32xbf16>
          %add3A_1752 = arith.constant 3 : i32
          %add3A_1753 = arith.addi %mul3A_1438, %add3A_1752 : i32
          %get3A_1754 = arith.index_cast %add3A_1753 : i32 to index
          %get3A_1755 = arith.constant 96 : index
          %get3A_1756 = tpu.vector_load %arg13[%get3A_1754, %get3A_1755] {strides = array<i32>} : memref<64x128xi32, #tpu.memory_space<vmem>>, vector<16xi32>,
          %bitcast3A_1757 = vector.bitcast %get3A_1756 : vector<16xi32> to vector<32xbf16>
          %mul3A_1758 = arith.mulf %bitcast3A_1757, %pack3A_1462 : vector<32xbf16>
          %add3A_1759 = arith.addf %mul3A_1737, %mul3A_1744 : vector<32xbf16>
          %add3A_1760 = arith.addf %mul3A_1751, %mul3A_1758 : vector<32xbf16>
          %add3A_1761 = arith.addf %add3A_1759, %add3A_1760 : vector<32xbf16>
          %unpack3A_1762 = tpu.unpack_subelements %add3A_1761, 0 {pack_format = #tpu.pack_format<interleaved>} : vector<32xbf16> -> vector<16xf32>
          %unpack3A_1763 = tpu.unpack_subelements %add3A_1761, 1 {pack_format = #tpu.pack_format<interleaved>} : vector<32xbf16> -> vector<16xf32>
          %mul3A_1764 = arith.constant 256 : i32
          %mul3A_1765 = arith.muli %scan3A_1436, %mul3A_1764 : i32
          %add3A_1766 = arith.constant 96 : i32
          %add3A_1767 = arith.addi %mul3A_1765, %add3A_1766 : i32
          %swap3A_1768 = arith.index_cast %add3A_1767 : i32 to index
          %swap3A_1769 = tpu.vector_load %arg15[%swap3A_1768] {strides = array<i32>} : memref<4096xf32, #tpu.memory_space<vmem>>, vector<16xf32>,
          tpu.vector_store %arg15[%swap3A_1768], %unpack3A_1762 {strides = array<i32>} : memref<4096xf32, #tpu.memory_space<vmem>>, vector<16xf32>,
          %mul3A_1770 = arith.constant 256 : i32
          %mul3A_1771 = arith.muli %scan3A_1436, %mul3A_1770 : i32
          %add3A_1772 = arith.constant 128 : i32
          %add3A_1773 = arith.addi %mul3A_1771, %add3A_1772 : i32
          %add3A_1774 = arith.constant 96 : i32
          %add3A_1775 = arith.addi %add3A_1773, %add3A_1774 : i32
          %swap3A_1776 = arith.index_cast %add3A_1775 : i32 to index
          %swap3A_1777 = tpu.vector_load %arg15[%swap3A_1776] {strides = array<i32>} : memref<4096xf32, #tpu.memory_space<vmem>>, vector<16xf32>,
          tpu.vector_store %arg15[%swap3A_1776], %unpack3A_1763 {strides = array<i32>} : memref<4096xf32, #tpu.memory_space<vmem>>, vector<16xf32>,
          %get3A_1778 = arith.index_cast %mul3A_1438 : i32 to index
          %get3A_1779 = arith.constant 112 : index
          %get3A_1780 = tpu.vector_load %arg13[%get3A_1778, %get3A_1779] {strides = array<i32>} : memref<64x128xi32, #tpu.memory_space<vmem>>, vector<16xi32>,
          %bitcast3A_1781 = vector.bitcast %get3A_1780 : vector<16xi32> to vector<32xbf16>
          %mul3A_1782 = arith.mulf %bitcast3A_1781, %pack3A_1459 : vector<32xbf16>
          %add3A_1783 = arith.constant 1 : i32
          %add3A_1784 = arith.addi %mul3A_1438, %add3A_1783 : i32
          %get3A_1785 = arith.index_cast %add3A_1784 : i32 to index
          %get3A_1786 = arith.constant 112 : index
          %get3A_1787 = tpu.vector_load %arg13[%get3A_1785, %get3A_1786] {strides = array<i32>} : memref<64x128xi32, #tpu.memory_space<vmem>>, vector<16xi32>,
          %bitcast3A_1788 = vector.bitcast %get3A_1787 : vector<16xi32> to vector<32xbf16>
          %mul3A_1789 = arith.mulf %bitcast3A_1788, %pack3A_1460 : vector<32xbf16>
          %add3A_1790 = arith.constant 2 : i32
          %add3A_1791 = arith.addi %mul3A_1438, %add3A_1790 : i32
          %get3A_1792 = arith.index_cast %add3A_1791 : i32 to index
          %get3A_1793 = arith.constant 112 : index
          %get3A_1794 = tpu.vector_load %arg13[%get3A_1792, %get3A_1793] {strides = array<i32>} : memref<64x128xi32, #tpu.memory_space<vmem>>, vector<16xi32>,
          %bitcast3A_1795 = vector.bitcast %get3A_1794 : vector<16xi32> to vector<32xbf16>
          %mul3A_1796 = arith.mulf %bitcast3A_1795, %pack3A_1461 : vector<32xbf16>
          %add3A_1797 = arith.constant 3 : i32
          %add3A_1798 = arith.addi %mul3A_1438, %add3A_1797 : i32
          %get3A_1799 = arith.index_cast %add3A_1798 : i32 to index
          %get3A_1800 = arith.constant 112 : index
          %get3A_1801 = tpu.vector_load %arg13[%get3A_1799, %get3A_1800] {strides = array<i32>} : memref<64x128xi32, #tpu.memory_space<vmem>>, vector<16xi32>,
          %bitcast3A_1802 = vector.bitcast %get3A_1801 : vector<16xi32> to vector<32xbf16>
          %mul3A_1803 = arith.mulf %bitcast3A_1802, %pack3A_1462 : vector<32xbf16>
          %add3A_1804 = arith.addf %mul3A_1782, %mul3A_1789 : vector<32xbf16>
          %add3A_1805 = arith.addf %mul3A_1796, %mul3A_1803 : vector<32xbf16>
          %add3A_1806 = arith.addf %add3A_1804, %add3A_1805 : vector<32xbf16>
          %unpack3A_1807 = tpu.unpack_subelements %add3A_1806, 0 {pack_format = #tpu.pack_format<interleaved>} : vector<32xbf16> -> vector<16xf32>
          %unpack3A_1808 = tpu.unpack_subelements %add3A_1806, 1 {pack_format = #tpu.pack_format<interleaved>} : vector<32xbf16> -> vector<16xf32>
          %mul3A_1809 = arith.constant 256 : i32
          %mul3A_1810 = arith.muli %scan3A_1436, %mul3A_1809 : i32
          %add3A_1811 = arith.constant 112 : i32
          %add3A_1812 = arith.addi %mul3A_1810, %add3A_1811 : i32
          %swap3A_1813 = arith.index_cast %add3A_1812 : i32 to index
          %swap3A_1814 = tpu.vector_load %arg15[%swap3A_1813] {strides = array<i32>} : memref<4096xf32, #tpu.memory_space<vmem>>, vector<16xf32>,
          tpu.vector_store %arg15[%swap3A_1813], %unpack3A_1807 {strides = array<i32>} : memref<4096xf32, #tpu.memory_space<vmem>>, vector<16xf32>,
          %mul3A_1815 = arith.constant 256 : i32
          %mul3A_1816 = arith.muli %scan3A_1436, %mul3A_1815 : i32
          %add3A_1817 = arith.constant 128 : i32
          %add3A_1818 = arith.addi %mul3A_1816, %add3A_1817 : i32
          %add3A_1819 = arith.constant 112 : i32
          %add3A_1820 = arith.addi %add3A_1818, %add3A_1819 : i32
          %swap3A_1821 = arith.index_cast %add3A_1820 : i32 to index
          %swap3A_1822 = tpu.vector_load %arg15[%swap3A_1821] {strides = array<i32>} : memref<4096xf32, #tpu.memory_space<vmem>>, vector<16xf32>,
          tpu.vector_store %arg15[%swap3A_1821], %unpack3A_1808 {strides = array<i32>} : memref<4096xf32, #tpu.memory_space<vmem>>, vector<16xf32>,
        }
        %scan3A_270 = arith.constant 16 : i32
        %add3A_271 = arith.addi %mul3A_2, %add3A_247 : i32
        %mul3A_272 = arith.constant 16 : i32
        %mul3A_273 = arith.muli %add3A_271, %mul3A_272 : i32
        %mul3A_274 = arith.constant 256 : i32
        %mul3A_275 = arith.muli %mul3A_273, %mul3A_274 : i32
        %dma_start3A_276 = tpu.memref_slice %arg5[%mul3A_275] : memref<25088000xf32, #tpu.memory_space<hbm>> -> memref<4096xf32, #tpu.memory_space<hbm>>
        %dma_start3A_277 = tpu.memref_slice %arg5[%mul3A_275] : memref<25088000xf32, #tpu.memory_space<hbm>> -> memref<4096xf32, #tpu.memory_space<hbm>>
        tpu.enqueue_dma source(%arg15 : memref<4096xf32, #tpu.memory_space<vmem>>) target(%dma_start3A_277 : memref<4096xf32, #tpu.memory_space<hbm>>) target_semaphore(%arg19 : memref<!tpu.dma_semaphore, #tpu.memory_space<semaphore_mem>>)
      } else {
      }
    }
    %scan3A_178 = arith.constant 96 : i32
    %sub3A_179 = arith.constant 1 : i32
    %sub3A_180 = arith.subi %min3A_4, %sub3A_179 : i32
    %sub3A_181 = arith.constant 1 : i32
    %sub3A_182 = arith.subi %min3A_4, %sub3A_181 : i32
    %add3A_183 = arith.constant 0 : i32
    %add3A_184 = arith.addi %sub3A_182, %add3A_183 : i32
    %jit3A_185 = arith.constant 2 : i32
    %eq3A = arith.constant 0 : i32
    %eq3A_186 = arith.cmpi eq, %jit3A_185, %eq3A : i32
    %jit3A_187 = arith.constant 1 : i32
    %select_n3A_188 = arith.select %eq3A_186, %jit3A_187, %jit3A_185 : i32
    %rem3A_189 = arith.remsi %add3A_184, %select_n3A_188 : i32
    %ne3A_190 = arith.constant 0 : i32
    %ne3A_191 = arith.cmpi ne, %rem3A_189, %ne3A_190 : i32
    %lt3A = arith.constant 0 : i32
    %lt3A_192 = arith.cmpi slt, %rem3A_189, %lt3A : i32
    %lt3A_193 = arith.constant 0 : i32
    %lt3A_194 = arith.cmpi slt, %select_n3A_188, %lt3A_193 : i32
    %ne3A_195 = arith.xori %lt3A_192, %lt3A_194 : i1
    %and3A_196 = arith.andi %ne3A_195, %ne3A_191 : i1
    %add3A_197 = arith.addi %rem3A_189, %select_n3A_188 : i32
    %select_n3A_198 = arith.select %and3A_196, %add3A_197, %rem3A_189 : i32
    %sub3A_199 = arith.subi %sub3A_180, %select_n3A_198 : i32
    %add3A_200 = arith.addi %mul3A_2, %sub3A_199 : i32
    %mul3A_201 = arith.constant 16 : i32
    %mul3A_202 = arith.muli %add3A_200, %mul3A_201 : i32
    %mul3A_203 = arith.constant 256 : i32
    %mul3A_204 = arith.muli %mul3A_202, %mul3A_203 : i32
    %dma_wait3A = tpu.memref_slice %arg5[%mul3A_204] : memref<25088000xf32, #tpu.memory_space<hbm>> -> memref<4096xf32, #tpu.memory_space<hbm>>
    %dma_wait3A_205 = tpu.memref_slice %arg5[%mul3A_204] : memref<25088000xf32, #tpu.memory_space<hbm>> -> memref<4096xf32, #tpu.memory_space<hbm>>
    tpu.wait_dma2 semaphore(%arg18 : memref<!tpu.dma_semaphore, #tpu.memory_space<semaphore_mem>>) src(%arg14 : memref<4096xf32, #tpu.memory_space<vmem>>) dst(%dma_wait3A_205 : memref<4096xf32, #tpu.memory_space<hbm>>)
    %sub3A_206 = arith.constant 1 : i32
    %sub3A_207 = arith.subi %min3A_4, %sub3A_206 : i32
    %sub3A_208 = arith.constant 1 : i32
    %sub3A_209 = arith.subi %min3A_4, %sub3A_208 : i32
    %add3A_210 = arith.constant 1 : i32
    %add3A_211 = arith.addi %sub3A_209, %add3A_210 : i32
    %jit3A_212 = arith.constant 2 : i32
    %eq3A_213 = arith.constant 0 : i32
    %eq3A_214 = arith.cmpi eq, %jit3A_212, %eq3A_213 : i32
    %jit3A_215 = arith.constant 1 : i32
    %select_n3A_216 = arith.select %eq3A_214, %jit3A_215, %jit3A_212 : i32
    %rem3A_217 = arith.remsi %add3A_211, %select_n3A_216 : i32
    %ne3A_218 = arith.constant 0 : i32
    %ne3A_219 = arith.cmpi ne, %rem3A_217, %ne3A_218 : i32
    %lt3A_220 = arith.constant 0 : i32
    %lt3A_221 = arith.cmpi slt, %rem3A_217, %lt3A_220 : i32
    %lt3A_222 = arith.constant 0 : i32
    %lt3A_223 = arith.cmpi slt, %select_n3A_216, %lt3A_222 : i32
    %ne3A_224 = arith.xori %lt3A_221, %lt3A_223 : i1
    %and3A_225 = arith.andi %ne3A_224, %ne3A_219 : i1
    %add3A_226 = arith.addi %rem3A_217, %select_n3A_216 : i32
    %select_n3A_227 = arith.select %and3A_225, %add3A_226, %rem3A_217 : i32
    %sub3A_228 = arith.subi %sub3A_207, %select_n3A_227 : i32
    %add3A_229 = arith.addi %mul3A_2, %sub3A_228 : i32
    %mul3A_230 = arith.constant 16 : i32
    %mul3A_231 = arith.muli %add3A_229, %mul3A_230 : i32
    %mul3A_232 = arith.constant 256 : i32
    %mul3A_233 = arith.muli %mul3A_231, %mul3A_232 : i32
    %dma_wait3A_234 = tpu.memref_slice %arg5[%mul3A_233] : memref<25088000xf32, #tpu.memory_space<hbm>> -> memref<4096xf32, #tpu.memory_space<hbm>>
    %dma_wait3A_235 = tpu.memref_slice %arg5[%mul3A_233] : memref<25088000xf32, #tpu.memory_space<hbm>> -> memref<4096xf32, #tpu.memory_space<hbm>>
    tpu.wait_dma2 semaphore(%arg19 : memref<!tpu.dma_semaphore, #tpu.memory_space<semaphore_mem>>) src(%arg15 : memref<4096xf32, #tpu.memory_space<vmem>>) dst(%dma_wait3A_235 : memref<4096xf32, #tpu.memory_space<hbm>>)
    return
  }
}

</mosaic_0001>

<sc_bundles>
// kernel: kernel.3.cloned.1.call-start
scs
__scs_entry_jumppad:
0x0: {  	(pc) =	sbr.rel $0x88, $3  }
0x1: {  	(tag) =	ssettag $0x0;
	lr =	simm.s32 $0x1  }
0x2: {  	[smem:$0x3F9F] =	sst lr;
	_ =	strace $0xD0000000  }
0x3: {  	_ = 	snop  }
0x4: {  	_ = 	snop  }
0x5: {  	_ = 	snop  }
0x6: {  	_ = 	snop  }
0x7: {  	_ = 	snop  }
__scs_overlays_trampoline_lowered:
0x8: {  	[smem:$0x3FAE] =	sst s0  }
0x9: {  	[smem:$0x3FAF] =	sst s1  }
0xa: {  	[smem:$0x3FB0] =	sst s2  }
0xb: {  	[smem:$0x3FB1] =	sst s3  }
0xc: {  	[smem:$0x3FB2] =	sst s4  }
0xd: {  	[smem:$0x3FB3] =	sst s5  }
0xe: {  	[smem:$0x3FB4] =	sst s6  }
0xf: {  	[smem:$0x3FB5] =	sst s7  }
0x10: {  	[smem:$0x3FB6] =	sst s8  }
0x11: {  	[smem:$0x3FB7] =	sst s9;
	s0 =	simm.s32 @!p0 $0x0  }
0x12: {  	s1 =	sld [smem:$0x3F9D];
	s0 =	simm.s32 @p0 $0x1  }
0x13: {  	[smem:$0x3FB8] =	sst s0;
	s0 =	simm.s32 @!p1 $0x0  }
0x14: {  	s2 =	sld [smem:$0x3F9C];
	s0 =	simm.s32 @p1 $0x1  }
0x15: {  	[smem:$0x3FB9] =	sst s0;
	s0 =	simm.s32 @!p2 $0x0  }
0x16: {  	s3 =	sld [smem:$0x3FDB];
	s0 =	simm.s32 @p2 $0x1  }
0x17: {  	s4 =	simm.s32 $0x1BF5;
	[smem:$0x3FBB] =	sst s0  }
0x18: {  	s0 =	sld [smem:$0x3F9E];
	_ =	swait.ge [sflag:s4], $0x0  }
0x19: {  	s7 =	sld [smem:$0x3F9F]  }
0x1a: {  	s8 =	sadd.s32 $0xFFFFE003, lr  }
0x1b: {  	s9 =	sadd.s32 $0xFFFFFEF7, lr;
	s5 =	simm.s32 $0xFFFFFFFF;
	p2 =	slt.u32 s8, $0xFFFFF086  }
0x1c: {  	p1 =	slt.u32 s9, $0xF7A;
	s5 =	simm.s32 @!p2 $0x0  }
0x1d: {  	s5 =	simm.s32 @p1 $0x1;
	p0 =	seq.s32 s7, s2  }
0x1e: {  	s7 =	smul.u32 @!p0 $0xF7A, s2;
	p2 =	seq.s32 @!p0 s5, $0x0  }
0x1f: {  	s9 =	smul.u32 $0xF7A, s1;
	s8 =	simm.s32 @!p0 $0x1BF5;
	p2 =	por !p2, p0  }
0x20: {  	[sflag:s8] =	ssyncset.s32 @!p0 $0xFFFFF086;
	s6 =	sadd.s32 @!p0 s3, s7;
	s7 =	simm.s32 @!p0 $0x108  }
0x21: {  	s3 =	sadd.s32 s3, s9;
	s6 =	sadd.s32 @!p0 $0x88, s6;
	s7 =	simm.s32 @p2 $0x1082  }
0x22: {  	[simem:s7], [sflag:s8] =	dma.local @!p0 [hbm:s6], $0xF7A  }
0x23: {  	s9 =	sor.u32 $0xD0000000, s2;
	s6 =	simm.s32 $0x108;
	_ =	swait.ge @!p0 [sflag:s8], $0x0  }
0x24: {  	s3 =	sadd.s32 $0x88, s3;
	s6 =	simm.s32 @!p1 $0x1082;
	[sflag:s4] =	ssyncset.s32 $0xFFFFF086  }
0x25: {  	[simem:s6], [sflag:s4] =	dma.local [hbm:s3], $0xF7A  }
0x26: {  	[smem:$0x3F9F] =	sst s1;
	(tag) =	ssettag s2;
	_ =	strace s9  }
0x27: {  	s1 =	sld [smem:$0x3FAF]  }
0x28: {  	s2 =	sld [smem:$0x3FB0]  }
0x29: {  	s4 =	sld [smem:$0x3FB2]  }
0x2a: {  	p0 =	seq.s32 s5, $0x0;
	s5 =	sld [smem:$0x3FB3]  }
0x2b: {  	s6 =	sld [smem:$0x3FB4]  }
0x2c: {  	s7 =	sld [smem:$0x3FB5]  }
0x2d: {  	s3 =	simm.s32 $0x108;
	s8 =	sld [smem:$0x3FB6]  }
0x2e: {  	s3 =	simm.s32 @!p0 $0x1082;
	s9 =	sld [smem:$0x3FB7]  }
0x2f: {  	lr =	sadd.s32 s0, s3;
	s0 =	sld [smem:$0x3FAE]  }
0x30: {  	s3 =	sld [smem:$0x3FB1]  }
0x31: {  	[smem:$0x3FBA] =	sst s10  }
0x32: {  	s10 =	sld [smem:$0x3FB8];
	_ =	sdelay $0x3  }
0x33: {  	p0 =	seq.s32 s10, $0x1;
	s10 =	sld [smem:$0x3FBA];
	_ =	sdelay $0x3  }
0x34: {  	[smem:$0x3FBA] =	sst s10  }
0x35: {  	s10 =	sld [smem:$0x3FB9];
	_ =	sdelay $0x3  }
0x36: {  	p1 =	seq.s32 s10, $0x1;
	s10 =	sld [smem:$0x3FBA];
	_ =	sdelay $0x3  }
0x37: {  	[smem:$0x3FBA] =	sst s10  }
0x38: {  	s10 =	sld [smem:$0x3FBB]  }
0x39: {  	_ = 	snop;
	(pc) =	sbr.ind lr, $3  }
0x3a: {  	_ = 	snop  }
0x3b: {  	_ = 	snop  }
0x3c: {  	p2 =	seq.s32 s10, $0x1;
	s10 =	sld [smem:$0x3FBA]  }
0x3d: {  	_ =	shalt  }
0x3e: {  	_ =	shalt  }
0x3f: {  	_ =	shalt  }
0x40: {  	_ =	shalt  }
0x41: {  	_ =	shalt  }
0x42: {  	_ =	shalt  }
0x43: {  	_ =	shalt  }
0x44: {  	_ =	shalt  }
0x45: {  	_ =	shalt  }
0x46: {  	_ =	shalt  }
0x47: {  	_ =	shalt  }
0x48: {  	_ =	shalt  }
0x49: {  	_ =	shalt  }
0x4a: {  	_ =	shalt  }
0x4b: {  	_ =	shalt  }
0x4c: {  	_ =	shalt  }
0x4d: {  	_ =	shalt  }
0x4e: {  	_ =	shalt  }
0x4f: {  	_ =	shalt  }
0x50: {  	_ =	shalt  }
0x51: {  	_ =	shalt  }
0x52: {  	_ =	shalt  }
0x53: {  	_ =	shalt  }
0x54: {  	_ =	shalt  }
0x55: {  	_ =	shalt  }
0x56: {  	_ =	shalt  }
0x57: {  	_ =	shalt  }
0x58: {  	_ =	shalt  }
0x59: {  	_ =	shalt  }
0x5a: {  	_ =	shalt  }
0x5b: {  	_ =	shalt  }
0x5c: {  	_ =	shalt  }
0x5d: {  	_ =	shalt  }
0x5e: {  	_ =	shalt  }
0x5f: {  	_ =	shalt  }
0x60: {  	_ =	shalt  }
0x61: {  	_ =	shalt  }
0x62: {  	_ =	shalt  }
0x63: {  	_ =	shalt  }
0x64: {  	_ =	shalt  }
0x65: {  	_ =	shalt  }
0x66: {  	_ =	shalt  }
0x67: {  	_ =	shalt  }
0x68: {  	_ =	shalt  }
0x69: {  	_ =	shalt  }
0x6a: {  	_ =	shalt  }
0x6b: {  	_ =	shalt  }
0x6c: {  	_ =	shalt  }
0x6d: {  	_ =	shalt  }
0x6e: {  	_ =	shalt  }
0x6f: {  	_ =	shalt  }
0x70: {  	_ =	shalt  }
0x71: {  	_ =	shalt  }
0x72: {  	_ =	shalt  }
0x73: {  	_ =	shalt  }
0x74: {  	_ =	shalt  }
0x75: {  	_ =	shalt  }
0x76: {  	_ =	shalt  }
0x77: {  	_ =	shalt  }
0x78: {  	_ =	shalt  }
0x79: {  	_ =	shalt  }
0x7a: {  	_ =	shalt  }
0x7b: {  	_ =	shalt  }
0x7c: {  	_ =	shalt  }
0x7d: {  	_ =	shalt  }
0x7e: {  	_ =	shalt  }
0x7f: {  	_ =	shalt  }
0x80: {  	_ =	shalt  }
0x81: {  	_ =	shalt  }
0x82: {  	_ =	shalt  }
0x83: {  	_ =	shalt  }
0x84: {  	_ =	shalt  }
0x85: {  	_ =	shalt  }
0x86: {  	_ =	shalt  }
0x87: {  	_ =	shalt  }
.Lfunc_end0:
.L_simem_size_0:
called_computation.1_lowered:
.L_overlay_start_0:
0x88: {  	s2 =	sld [smem:$0x3FD9]  }
0x89: {  	s3 =	sld [smem:$0x3FFE];
	_ =	sdelay $0x1  }
0x8a: {  	s1 =	srdreg.scid  }
0x8b: {  	s0 =	sand.u32 $0x1, s1  }
0x8c: {  	s17 =	sshll.u32 s0, $0xA;
	s2 =	sadd.s32 s3, s2  }
0x8d: {  	s2 =	sadd.s32 s2, s17  }
0x8e: {  	[smem:$0x3FC6] =	sst s2  }
0x8f: {  	_ = 	snop  }
0x90: {  	s2 =	sld [smem:$0x3FD0];
	(tm) =	ssettm $0x1  }
0x91: {  	s18 =	sld [smem:$0x3FFB];
	_ =	sdelay $0x3  }
0x92: {  	_ =	strace s18  }
0x93: {  	s3 =	sld [smem:$0x3FFC];
	_ =	sdelay $0x3  }
0x94: {  	_ =	strace s3  }
0x95: {  	s3 =	sld [smem:$0x3FFD];
	_ =	sdelay $0x3  }
0x96: {  	_ =	strace s3  }
0x97: {  	_ =	strace $0x8FFFFFFF  }
0x98: {  	s19 =	sld [smem:$0x3FDB];
	_ =	sdelay $0x1  }
0x99: {  	s4 =	simm.s32 $_scs_section_size  }
0x9a: {  	s5 =	simm.s32 $_size__tile_overlayer_lowered;
	s6 =	simm.s32 $_tile_overlayer_lowered  }
0x9b: {  	s22 =	simm.s32 $0x1BFF;
	s21 =	sshll.u32 s6, $0x1;
	s3 =	sadd.s32 s4, s19  }
0x9c: {  	s7 =	simm.s32 $0x0;
	s20 =	sshll.u32 s5, $0x1;
	s5 =	sadd.s32 s21, s3  }
0x9d: {  	[timem:s7], [sflag:s22] =	dma.local [hbm:s5], s20  }
0x9e: {  	_ =	swait.ge [sflag:s22], s20  }
0x9f: {  	s4 =	ssub.s32 $0x0, s20;
	[sflag:s22] =	ssyncset.done $0x0  }
0xa0: {  	[sflag:s22] =	ssyncadd.s32 s4;
	_ =	sdelay $0x1  }
0xa1: {  	s23 =	simm.s32 $0x1B8B  }
0xa2: {  	_ =	swait.ge [sflag:s23], $0x1  }
0xa3: {  	[sflag:s23] =	ssyncset.done $0x0  }
0xa4: {  	s25 =	simm.s32 $0x1B8E;
	s24 =	sld [smem:$0x3FFE];
	[sflag:s23] =	ssyncadd.s32 $0xFFFFFFFF  }
0xa5: {  	s26 =	simm.s32 $execute0_lowered;
	[smem:$0x3FD2] =	sst s25  }
0xa6: {  	s5 =	sshll.u32 s26, $0x1;
	_ =	strace $0x80000046;
	[dreg:$0x1] =	wrdreg $0xFFFFFFFF  }
0xa7: {  	s28 =	simm.s32 $_size_execute0_lowered;
	s3 =	sadd.s32 s3, s5;
	[dreg:$0x0] =	wrdreg $0x0  }
0xa8: {  	s5 =	sshll.u32 s28, $0x1;
	[dreg:$0x2] =	wrdreg s3  }
0xa9: {  	[dreg:$0x3] =	wrdreg s5  }
0xaa: {  	[dreg:$0x4] =	wrdreg $0xC0  }
0xab: {  	_ =	task [dreg:s7], $0x5FFFF  }
0xac: {  	[dreg:$0x1] =	wrdreg $0xFFFFFFFF  }
0xad: {  	[dreg:$0x0] =	wrdreg $0x60  }
0xae: {  	[dreg:$0x2] =	wrdreg s24  }
0xaf: {  	[dreg:$0x3] =	wrdreg s2  }
0xb0: {  	[dreg:$0x4] =	wrdreg $0x9  }
0xb1: {  	_ =	task.clear_ibuf [dreg:s7], $0x5FFFF;
	_ =	strace $0x90000046  }
0xb2: {  	s29 =	simm.s32 $0x9;
	_ =	strace $0x80000048  }
0xb3: {  	_ =	swait.ge [sflag:s29], $0x1  }
0xb4: {  	[sflag:s29] =	ssyncadd.s32 $0xFFFFFFFF  }
0xb5: {  	_ =	strace $0x90000048  }
0xb6: {  	_ =	sfence  }
0xb7: {  	s30 =	sld [smem:$0x0];
	_ =	sdelay $0x2  }
0xb8: {  	s31 =	sshll.u32 s1, $0xD;
	s1 =	sshrl.u32 s1, $0x2  }
0xb9: {  	s3 =	sand.u32 $0x4000, s31;
	s1 =	sadd.s32 s1, s30  }
0xba: {  	s0 =	sor.u32 s3, s0;
	s1 =	sshll.u32 s1, $0x11  }
0xbb: {  	s0 =	sor.u32 s1, s0  }
0xbc: {  	s0 =	sadd.s32 $0x8F2B, s0  }
0xbd: {  	[sflag:s0] =	ssyncadd.remote.s32 $0x1  }
0xbe: {  	_ =	sfence.sel $0xFFFF  }
0xbf: {  	[dreg:$0x0] =	wrdreg $0xFFFFFFFF;
	(pc) =	sbr.abs _section_cstart, $3  }
0xc0: {  	[dreg:$0x1] =	wrdreg $0xFFFFFFFF  }
0xc1: {  	_ =	task.clear_ibuf [dreg:s7], $0x2FFFF;
	_ =	strace $0x9FFFFFFF  }
0xc2: {  	(tm) =	ssettm $0x7FFFFFFF  }
0xc3: {  	_ =	shalt  }
tec
execute0_lowered:
.L_overlay_start_1:
0x0: {  	(tag) =	ssettag $0x1  }
0x1: {  	s0 =	srdreg.scid;
	s1 =	stileid.u32  }
0x2: {  	s0 =	sand.u32 $0x1, s0;
	s1 =	sshll.u32 s1, $0x1  }
0x3: {  	s1 =	sor.u32 s0, s1  }
0x4: {  	s2 =	smul.u32 $0xC00, s1;
	_ =	sdelay $0x1  }
0x5: {  	v0 =	vmov s2  }
0x6: {  	v1 =	vbroadcast v0, $0x0  }
0x7: {  	v0 =	vlaneseq.u32  }
0x8: {  	v2 =	vor.u32 v0, v1  }
0x9: {  	v3 =	vmulhi.u32 $0x5397829D, v2  }
0xa: {  	s7 =	rddreg [dreg:$0x0];
	s3 =	simm.s32 $0x0  }
0xb: {  	[smem:$0x7FF] =	sst s3;
	v3 =	vshrl.u32 v3, $0x4  }
0xc: {  	v5 =	vimm.f32 $7.000000000e+00;
	s2 =	rddreg [dreg:$0x1];
	_ =	strace $0x80000047;
	v4 =	vmul.u32 $0xFFFFFFCF, v3  }
0xd: {  	s10 =	simm.s32 $0x5;
	(erf) = vrcp.f32 v5;
	v6 =	vsub.s32 $0x0, v2  }
0xe: {  	s11 =	simm.s32 $0x1F80;
	s12 =	simm.s32 $0x2000;
	s13 =	simm.s32 $0x2100;
	vm0 =	veq.s32 v1, v0;
	vm1 =	vne.s32 v4, v6  }
0xf: {  	s14 =	simm.s32 $0x40;
	s15 =	simm.s32 $0x2200;
	s16 =	simm.s32 $0x2080;
	v1 =	vimm.s32 $0x0;
	vm0 =	vmand vm0, vm1  }
0x10: {  	s17 =	simm.s32 $0x2180;
	s18 =	simm.s32 $0x4200;
	s19 =	simm.s32 $0x1;
	v1 =	vsel vm0, $0xFFFFFFFF, v1  }
0x11: {  	s20 =	simm.s32 $0x6200;
	s21 =	simm.s32 $0x2;
	s22 =	simm.s32 $0x7200;
	v3 =	vadd.s32 v1, v3  }
.Ltmp0:
0x12: {  	s23 =	simm.s32 $0x3;
	s24 =	simm.s32 $0x4;
	v1 =	vmul.u32 $0xFFFFFFCF, v3;
	(pc) =	sbr.rel .LBB2_1-.Ltmp0, $4  }
0x13: {  	s25 =	simm.s32 $0x0;
	s0 =	ssub.s32 $0x2, s0;
	s4 =	smul.u32 $0xC0, s1  }
0x14: {  	s5 =	sadd.s32 $0xA00, s7;
	s29 =	sadd.s32 $0x600, s7;
	s30 =	sshrl.u32 s0, $0x1;
	v1 =	vadd.s32 v2, v1;
	v2 =	vshll.u32 v3, $0x2;
	v3 =	vmul.u32 $0x4, v0  }
0x15: {  	s7 =	sadd.s32 $0x10A00, s7;
	s0 =	ssub.s32 s0, s30;
	s31 =	ssub.s32 $0x17ED, s4;
	v4 =	vor.u32 $0x1, v2;
	v5 =	vor.u32 $0x2, v2;
	v6 =	vor.u32 $0x3, v2  }
0x16: {  	[dreg:$0x3] =	wrdreg s29;
	s9 =	smax.u32 s0, $0x1;
	s8 =	smin.u32 s31, $0xC0;
	v7 =	vpop (erf);
	v8 =	vor.u32 $0x1, v3;
	v9 =	vor.u32 $0x2, v3;
	v10 =	vor.u32 $0x3, v3  }
.LBB2_15:
0x17: {  	s25 =	sadd.s32 $0x1, s25  }
0x18: {  	_ =	swait.ge [sflag:s23], $0x1000;
	p0 =	sne.s32 s25, s9  }
.Ltmp1:
0x19: {  	[sflag:s23] =	ssyncset.done $0x0;
	(pc) =	sbr.rel @!p0 .LBB2_16-.Ltmp1, $4  }
0x1a: {  	[sflag:s23] =	ssyncadd.s32 $0xFFFFF000  }
0x1b: {  	_ =	swait.ge [sflag:s24], $0x1000  }
0x1c: {  	[sflag:s24] =	ssyncset.done $0x0  }
0x1d: {  	[sflag:s24] =	ssyncadd.s32 $0xFFFFF000  }
.LBB2_1:
0x1e: {  	s0 =	rddreg [dreg:$0x3]  }
0x1f: {  	[tilespmem:s3], [sflag:$0x5] =	stream.linear.gather [hbm4b:s0+s3], $0x1F80, $0x38;
	[tilespmem:$0x8200] =	vst v63  }
0x20: {  	_ =	swait.ge [sflag:s10], $0x1F80  }
0x21: {  	[sflag:s10] =	ssyncset.done $0x0  }
0x22: {  	[sflag:s10] =	ssyncadd.s32 $0xFFFFE080  }
0x23: {  	[tilespmem:s11], [sflag:$0x5] =	stream.linear.gather [hbm4b:s7+s3], $0x80, $0x38;
	[tilespmem:$0x8200] =	vst v63  }
0x24: {  	_ =	swait.ge [sflag:s10], $0x80  }
0x25: {  	[sflag:s10] =	ssyncset.done $0x0  }
0x26: {  	[sflag:s10] =	ssyncadd.s32 $0xFFFFFF80  }
0x27: {  	v11 =	vld.idx.msk [tilespmem:v2+s3+$0x0], $0xffff  }
0x28: {  	v12 =	vld.idx.msk [tilespmem:v4+s3+$0x0], $0xffff  }
0x29: {  	v13 =	vld.idx.msk [tilespmem:v6+s3+$0x0], $0xffff  }
0x2a: {  	v14 =	vld.idx.msk [tilespmem:v5+s3+$0x0], $0xffff  }
0x2b: {  	v15 =	vld.idx.msk [tilespmem:v1+s11+$0x0], $0xffff;
	_ =	sdelay $0x3  }
0x2c: {  	v13 =	vsub.s32 v13, v12;
	v14 =	vsub.s32 v14, v11  }
0x2d: {  	v16 =	vmul.u32 $0xFFFFFFF9, v15;
	vm0 =	vgt.s32 v13, $0x1;
	vm9 =	vgt.s32 v14, $0x1  }
0x2e: {  	v13 =	vnsel vm0, $0x1, v13;
	v14 =	vnsel vm9, $0x1, v14  }
0x2f: {  	v16 =	vadd.s32 v1, v16;
	v17 =	vcvt.s32.f32 v13;
	v18 =	vcvt.s32.f32 v14  }
0x30: {  	v15 =	vcvt.s32.f32 v15;
	v16 =	vcvt.s32.f32 v16  }
0x31: {  	v17 =	vmul.f32 v17, v7;
	v18 =	vmul.f32 v18, v7;
	_ =	sdelay $0x1  }
0x32: {  	v15 =	vmul.f32 v15, v17;
	v16 =	vmul.f32 v16, v18;
	_ =	sdelay $0x1  }
0x33: {  	v17 =	vtrunc.f32 v15;
	v18 =	vtrunc.f32 v16  }
0x34: {  	v17 =	vcvt.f32.s32 v17;
	v18 =	vcvt.f32.s32 v18  }
0x35: {  	v13 =	vadd.s32 $0xFFFFFFFF, v13  }
0x36: {  	v14 =	vadd.s32 $0xFFFFFFFF, v14;
	v19 =	vadd.s32 $0x1, v17;
	v20 =	vadd.s32 $0x1, v18  }
0x37: {  	v54 =	vcvt.s32.f32 v17;
	v17 =	vadd.s32 v17, v12;
	v55 =	vcvt.s32.f32 v18  }
0x38: {  	v18 =	vadd.s32 v18, v11;
	vm10 =	vlt.s32 v19, v13;
	vm11 =	vlt.s32 v20, v14  }
0x39: {  	vm12 =	vgt.s32 v17, $0x0;
	vm14 =	vgt.s32 v18, $0x0;
	v13 =	vsel vm10, v19, v13  }
0x3a: {  	v14 =	vsel vm11, v20, v14;
	v17 =	vnsel vm12, $0x0, v17;
	v56 =	vsub.f32 v15, v54  }
0x3b: {  	v57 =	vnsel vm14, $0x0, v18;
	v12 =	vadd.s32 v12, v13;
	v11 =	vadd.s32 v11, v14  }
0x3c: {  	v13 =	vsub.f32 v16, v55;
	v58 =	vmin.u32 v17, $0x3F;
	v15 =	vmin.u32 v57, $0x3F  }
0x3d: {  	vm13 =	vgt.s32 v12, $0x0;
	vm15 =	vgt.s32 v11, $0x0;
	v16 =	vshll.u32 v58, $0x6  }
0x3e: {  	v60 =	vsub.f32 $1.000000000e+00, v56;
	v12 =	vnsel vm13, $0x0, v12;
	v11 =	vnsel vm15, $0x0, v11  }
0x3f: {  	v59 =	vor.u32 v15, v16;
	v11 =	vmin.u32 v11, $0x3F;
	v12 =	vmin.u32 v12, $0x3F  }
0x40: {  	v61 =	vsub.f32 $1.000000000e+00, v13;
	[tilespmem:v3+s12+$0x0] =	vst.idx.msk $0xffff, v59;
	v16 =	vor.u32 v11, v16;
	v12 =	vshll.u32 v12, $0x6  }
0x41: {  	[tilespmem:v8+s12+$0x0] =	vst.idx.msk $0xffff, v16;
	v15 =	vor.u32 v15, v12  }
0x42: {  	v62 =	vmul.f32 v60, v61;
	v11 =	vor.u32 v11, v12;
	[tilespmem:v9+s12+$0x0] =	vst.idx.msk $0xffff, v15  }
0x43: {  	[tilespmem:v10+s12+$0x0] =	vst.idx.msk $0xffff, v11;
	v11 =	vmul.f32 v60, v13  }
.Ltmp2:
0x44: {  	v63 =	vmul.f32 v61, v56;
	[tilespmem:v3+s13+$0x0] =	vst.idx.msk $0xffff, v62;
	(pc) =	sbr.rel .LBB2_2-.Ltmp2, $4  }
0x45: {  	[tilespmem:v8+s13+$0x0] =	vst.idx.msk $0xffff, v11;
	v11 =	vmul.f32 v56, v13  }
0x46: {  	[tilespmem:v9+s13+$0x0] =	vst.idx.msk $0xffff, v63  }
0x47: {  	s26 =	simm.s32 $0x0;
	[tilespmem:v10+s13+$0x0] =	vst.idx.msk $0xffff, v11  }
0x48: {  	[tilespmem:s15], [sflag:$0x1] =	stream.indirect.gather [hbm4b:s5+s14], $0x80, s12, s14, $0xb8;
	[tilespmem:$0x8200] =	vst v63  }
.LBB2_14:
0x49: {  	s26 =	sadd.s32 $0x1, s26  }
0x4a: {  	p0 =	sne.s32 s26, $0x60  }
.Ltmp3:
0x4b: {  	_ = 	snop;
	(pc) =	sbr.rel @!p0 .LBB2_15-.Ltmp3, $1  }
0x4c: {  	_ =	sdelay $0x3  }
.LBB2_2:
0x4d: {  	s29 =	sshll.u32 s26, $0x1  }
0x4e: {  	p1 =	sge.u32 s29, s8  }
.Ltmp4:
0x4f: {  	_ = 	snop;
	(pc) =	sbr.rel @p1 .LBB2_8-.Ltmp4, $3  }
0x50: {  	_ =	sdelay $0x1  }
0x51: {  	s28 =	sshllo.u32 s26, $0x1  }
0x52: {  	p0 =	sge.u32 s28, s8  }
.Ltmp5:
0x53: {  	(pc) =	sbr.rel @p0 .LBB2_5-.Ltmp5, $1  }
0x54: {  	_ =	sdelay $0x3  }
0x55: {  	s0 =	sadd.s32 s4, s28  }
0x56: {  	s0 =	sshll.u32 s0, $0x4  }
0x57: {  	v11 =	vor.u32 s0, v0  }
0x58: {  	v12 =	vmulhi.u32 $0x5397829D, v11;
	_ =	sdelay $0x1  }
0x59: {  	v12 =	vshrl.u32 v12, $0x4  }
0x5a: {  	v13 =	vshll.u32 v12, $0x2  }
0x5b: {  	v14 =	vor.u32 $0x1, v13  }
0x5c: {  	v12 =	vmul.u32 $0xFFFFFFCF, v12;
	v15 =	vor.u32 $0x3, v13  }
0x5d: {  	v16 =	vor.u32 $0x2, v13  }
0x5e: {  	v11 =	vadd.s32 v11, v12  }
0x5f: {  	v44 =	vld.idx.msk [tilespmem:v13+s3+$0x0], $0xffff  }
0x60: {  	v45 =	vld.idx.msk [tilespmem:v14+s3+$0x0], $0xffff  }
0x61: {  	v46 =	vld.idx.msk [tilespmem:v15+s3+$0x0], $0xffff  }
0x62: {  	v47 =	vld.idx.msk [tilespmem:v16+s3+$0x0], $0xffff  }
0x63: {  	v48 =	vld.idx.msk [tilespmem:v11+s11+$0x0], $0xffff;
	_ =	sdelay $0x3  }
0x64: {  	v14 =	vsub.s32 v46, v45;
	v15 =	vsub.s32 v47, v44  }
0x65: {  	vm0 =	vgt.s32 v14, $0x1;
	vm9 =	vgt.s32 v15, $0x1;
	v17 =	vmul.u32 $0xFFFFFFF9, v48  }
0x66: {  	v14 =	vnsel vm0, $0x1, v14;
	v15 =	vnsel vm9, $0x1, v15  }
0x67: {  	v18 =	vcvt.s32.f32 v14;
	v19 =	vcvt.s32.f32 v15;
	v11 =	vadd.s32 v11, v17  }
0x68: {  	v16 =	vcvt.s32.f32 v48;
	v11 =	vcvt.s32.f32 v11  }
0x69: {  	v49 =	vmul.f32 v18, v7;
	v50 =	vmul.f32 v19, v7;
	_ =	sdelay $0x1  }
0x6a: {  	v16 =	vmul.f32 v16, v49;
	v11 =	vmul.f32 v11, v50;
	_ =	sdelay $0x1  }
0x6b: {  	v17 =	vtrunc.f32 v16;
	v18 =	vtrunc.f32 v11  }
0x6c: {  	v17 =	vcvt.f32.s32 v17;
	v18 =	vcvt.f32.s32 v18  }
0x6d: {  	v14 =	vadd.s32 $0xFFFFFFFF, v14  }
0x6e: {  	v15 =	vadd.s32 $0xFFFFFFFF, v15;
	v51 =	vadd.s32 $0x1, v17;
	v20 =	vadd.s32 $0x1, v18  }
0x6f: {  	v52 =	vcvt.s32.f32 v17;
	v17 =	vadd.s32 v17, v45;
	v53 =	vcvt.s32.f32 v18  }
0x70: {  	v18 =	vadd.s32 v18, v44;
	vm10 =	vlt.s32 v51, v14;
	vm11 =	vlt.s32 v20, v15  }
0x71: {  	vm12 =	vgt.s32 v17, $0x0;
	vm14 =	vgt.s32 v18, $0x0;
	v14 =	vsel vm10, v51, v14  }
0x72: {  	v15 =	vsel vm11, v20, v15;
	v17 =	vnsel vm12, $0x0, v17;
	v54 =	vsub.f32 v16, v52  }
0x73: {  	v55 =	vnsel vm14, $0x0, v18;
	v11 =	vsub.f32 v11, v53;
	v13 =	vadd.s32 v45, v14  }
0x74: {  	v12 =	vadd.s32 v44, v15;
	v56 =	vmin.u32 v17, $0x3F;
	v16 =	vmin.u32 v55, $0x3F  }
0x75: {  	vm13 =	vgt.s32 v13, $0x0;
	vm15 =	vgt.s32 v12, $0x0;
	v14 =	vshll.u32 v56, $0x6  }
0x76: {  	v58 =	vsub.f32 $1.000000000e+00, v54;
	v13 =	vnsel vm13, $0x0, v13;
	v12 =	vnsel vm15, $0x0, v12  }
0x77: {  	v57 =	vor.u32 v16, v14;
	v12 =	vmin.u32 v12, $0x3F;
	v13 =	vmin.u32 v13, $0x3F  }
0x78: {  	v59 =	vsub.f32 $1.000000000e+00, v11;
	[tilespmem:v3+s16+$0x0] =	vst.idx.msk $0xffff, v57;
	v14 =	vor.u32 v12, v14;
	v13 =	vshll.u32 v13, $0x6  }
0x79: {  	[tilespmem:v8+s16+$0x0] =	vst.idx.msk $0xffff, v14;
	v60 =	vor.u32 v16, v13  }
0x7a: {  	v61 =	vmul.f32 v58, v59;
	v12 =	vor.u32 v12, v13;
	[tilespmem:v9+s16+$0x0] =	vst.idx.msk $0xffff, v60  }
0x7b: {  	v62 =	vmul.f32 v58, v11;
	[tilespmem:v10+s16+$0x0] =	vst.idx.msk $0xffff, v12  }
0x7c: {  	v63 =	vmul.f32 v59, v54;
	[tilespmem:v3+s17+$0x0] =	vst.idx.msk $0xffff, v61  }
0x7d: {  	v11 =	vmul.f32 v54, v11;
	[tilespmem:v8+s17+$0x0] =	vst.idx.msk $0xffff, v62  }
0x7e: {  	[tilespmem:v9+s17+$0x0] =	vst.idx.msk $0xffff, v63  }
0x7f: {  	[tilespmem:v10+s17+$0x0] =	vst.idx.msk $0xffff, v11  }
0x80: {  	[tilespmem:s18], [sflag:$0x2] =	stream.indirect.gather [hbm4b:s5+s14], $0x80, s16, s14, $0xb8;
	[tilespmem:$0x8200] =	vst v63  }
.LBB2_5:
0x81: {  	_ =	swait.ge [sflag:s19], $0x2000  }
0x82: {  	p1 =	seq.s32 s26, $0x0;
	[sflag:s19] =	ssyncset.done $0x0  }
0x83: {  	s0 =	simm.s32 @!p1 $0x3;
	[sflag:s19] =	ssyncadd.s32 $0xFFFFE000  }
0x84: {  	_ =	swait.ge @!p1 [sflag:s0], $0x1000  }
0x85: {  	s30 =	simm.s32 $0xFFFFFFFC;
	s31 =	simm.s32 $0x0;
	[sflag:s0] =	ssyncset.done @!p1 $0x0  }
0x86: {  	s1 =	simm.s32 $0x2600;
	[sflag:s0] =	ssyncadd.s32 @!p1 $0xFFFFF000;
	s0 =	simm.s32 $0x6400  }
.LBB2_6:
0x87: {  	v11 =	vmov s31  }
0x88: {  	v12 =	vor.u32 $0x1, v11  }
0x89: {  	v15 =	vld [tilespmem:s1+$0xFFFFFC00];
	v13 =	vor.u32 $0x2, v11  }
0x8a: {  	v16 =	vld [tilespmem:s1+$0xFFFFFC80];
	v14 =	vor.u32 $0x3, v11  }
0x8b: {  	v17 =	vld [tilespmem:s1+$0xFFFFFD00]  }
0x8c: {  	v11 =	vld.idx.msk [tilespmem:v11+s13+$0x0], $0xffff  }
0x8d: {  	v12 =	vld.idx.msk [tilespmem:v12+s13+$0x0], $0xffff  }
0x8e: {  	v13 =	vld.idx.msk [tilespmem:v13+s13+$0x0], $0xffff  }
0x8f: {  	v14 =	vld.idx.msk [tilespmem:v14+s13+$0x0], $0xffff  }
0x90: {  	v18 =	vld [tilespmem:s1+$0xFFFFFD80];
	_ =	sdelay $0x2  }
0x91: {  	v11 =	vpack.i.f32.bf16 v11, v11;
	v12 =	vpack.i.f32.bf16 v12, v12;
	v13 =	vpack.i.f32.bf16 v13, v13  }
0x92: {  	v14 =	vpack.i.f32.bf16 v14, v14;
	v15 =	vmul.bf16 v15, v11;
	v16 =	vmul.bf16 v16, v12  }
0x93: {  	v17 =	vmul.bf16 v17, v13;
	v18 =	vmul.bf16 v18, v14;
	_ =	sdelay $0x1  }
0x94: {  	v15 =	vadd.bf16 v16, v15;
	v29 =	vadd.bf16 v18, v17;
	_ =	sdelay $0x1  }
0x95: {  	v15 =	vadd.bf16 v29, v15;
	_ =	sdelay $0x1  }
0x96: {  	v16 =	vunpack.i.l.bf16.f32 v15  }
0x97: {  	v15 =	vunpack.i.u.bf16.f32 v15;
	[tilespmem:s0+$0xFFFFFE00] =	vst v16  }
0x98: {  	[tilespmem:s0+$0xFFFFFE80] =	vst v15  }
0x99: {  	v15 =	vld [tilespmem:s1+$0xFFFFFC10]  }
0x9a: {  	v16 =	vld [tilespmem:s1+$0xFFFFFC90]  }
0x9b: {  	v30 =	vld [tilespmem:s1+$0xFFFFFD10]  }
0x9c: {  	v31 =	vld [tilespmem:s1+$0xFFFFFD90];
	_ =	sdelay $0x3  }
0x9d: {  	v15 =	vmul.bf16 v15, v11;
	v16 =	vmul.bf16 v16, v12  }
0x9e: {  	v17 =	vmul.bf16 v30, v13;
	v18 =	vmul.bf16 v31, v14;
	_ =	sdelay $0x1  }
0x9f: {  	v15 =	vadd.bf16 v16, v15;
	v32 =	vadd.bf16 v18, v17;
	_ =	sdelay $0x1  }
0xa0: {  	v15 =	vadd.bf16 v32, v15;
	_ =	sdelay $0x1  }
0xa1: {  	v16 =	vunpack.i.l.bf16.f32 v15  }
0xa2: {  	v15 =	vunpack.i.u.bf16.f32 v15;
	[tilespmem:s0+$0xFFFFFE10] =	vst v16  }
0xa3: {  	[tilespmem:s0+$0xFFFFFE90] =	vst v15  }
0xa4: {  	v15 =	vld [tilespmem:s1+$0xFFFFFC20]  }
0xa5: {  	v16 =	vld [tilespmem:s1+$0xFFFFFCA0]  }
0xa6: {  	v33 =	vld [tilespmem:s1+$0xFFFFFD20]  }
0xa7: {  	v34 =	vld [tilespmem:s1+$0xFFFFFDA0];
	_ =	sdelay $0x3  }
0xa8: {  	v15 =	vmul.bf16 v15, v11;
	v16 =	vmul.bf16 v16, v12  }
0xa9: {  	v17 =	vmul.bf16 v33, v13;
	v18 =	vmul.bf16 v34, v14;
	_ =	sdelay $0x1  }
0xaa: {  	v15 =	vadd.bf16 v16, v15;
	v35 =	vadd.bf16 v18, v17;
	_ =	sdelay $0x1  }
0xab: {  	v15 =	vadd.bf16 v35, v15;
	_ =	sdelay $0x1  }
0xac: {  	v16 =	vunpack.i.l.bf16.f32 v15  }
0xad: {  	v15 =	vunpack.i.u.bf16.f32 v15;
	[tilespmem:s0+$0xFFFFFE20] =	vst v16  }
0xae: {  	[tilespmem:s0+$0xFFFFFEA0] =	vst v15  }
0xaf: {  	v15 =	vld [tilespmem:s1+$0xFFFFFC30]  }
0xb0: {  	v16 =	vld [tilespmem:s1+$0xFFFFFCB0]  }
0xb1: {  	v36 =	vld [tilespmem:s1+$0xFFFFFD30]  }
0xb2: {  	v37 =	vld [tilespmem:s1+$0xFFFFFDB0];
	_ =	sdelay $0x3  }
0xb3: {  	v15 =	vmul.bf16 v15, v11;
	v16 =	vmul.bf16 v16, v12  }
0xb4: {  	v17 =	vmul.bf16 v36, v13;
	v18 =	vmul.bf16 v37, v14;
	_ =	sdelay $0x1  }
0xb5: {  	v15 =	vadd.bf16 v16, v15;
	v38 =	vadd.bf16 v18, v17;
	_ =	sdelay $0x1  }
0xb6: {  	v15 =	vadd.bf16 v38, v15;
	_ =	sdelay $0x1  }
0xb7: {  	v16 =	vunpack.i.l.bf16.f32 v15  }
0xb8: {  	v15 =	vunpack.i.u.bf16.f32 v15;
	[tilespmem:s0+$0xFFFFFE30] =	vst v16  }
0xb9: {  	[tilespmem:s0+$0xFFFFFEB0] =	vst v15  }
0xba: {  	v15 =	vld [tilespmem:s1+$0xFFFFFC40]  }
0xbb: {  	v16 =	vld [tilespmem:s1+$0xFFFFFCC0]  }
0xbc: {  	v39 =	vld [tilespmem:s1+$0xFFFFFD40]  }
0xbd: {  	v40 =	vld [tilespmem:s1+$0xFFFFFDC0];
	_ =	sdelay $0x3  }
0xbe: {  	v15 =	vmul.bf16 v15, v11;
	v16 =	vmul.bf16 v16, v12  }
0xbf: {  	v17 =	vmul.bf16 v39, v13;
	v18 =	vmul.bf16 v40, v14;
	_ =	sdelay $0x1  }
0xc0: {  	v15 =	vadd.bf16 v16, v15;
	v41 =	vadd.bf16 v18, v17;
	_ =	sdelay $0x1  }
0xc1: {  	v15 =	vadd.bf16 v41, v15;
	_ =	sdelay $0x1  }
0xc2: {  	v16 =	vunpack.i.l.bf16.f32 v15  }
0xc3: {  	v15 =	vunpack.i.u.bf16.f32 v15;
	[tilespmem:s0+$0xFFFFFE40] =	vst v16  }
0xc4: {  	[tilespmem:s0+$0xFFFFFEC0] =	vst v15  }
0xc5: {  	v15 =	vld [tilespmem:s1+$0xFFFFFC50]  }
0xc6: {  	v16 =	vld [tilespmem:s1+$0xFFFFFCD0]  }
0xc7: {  	v42 =	vld [tilespmem:s1+$0xFFFFFD50]  }
0xc8: {  	v43 =	vld [tilespmem:s1+$0xFFFFFDD0];
	_ =	sdelay $0x3  }
0xc9: {  	v15 =	vmul.bf16 v15, v11;
	v16 =	vmul.bf16 v16, v12  }
0xca: {  	v17 =	vmul.bf16 v42, v13;
	v18 =	vmul.bf16 v43, v14;
	_ =	sdelay $0x1  }
0xcb: {  	v15 =	vadd.bf16 v16, v15;
	v44 =	vadd.bf16 v18, v17;
	_ =	sdelay $0x1  }
0xcc: {  	v15 =	vadd.bf16 v44, v15;
	_ =	sdelay $0x1  }
0xcd: {  	v16 =	vunpack.i.l.bf16.f32 v15  }
0xce: {  	v15 =	vunpack.i.u.bf16.f32 v15;
	[tilespmem:s0+$0xFFFFFE50] =	vst v16  }
0xcf: {  	[tilespmem:s0+$0xFFFFFED0] =	vst v15  }
0xd0: {  	v15 =	vld [tilespmem:s1+$0xFFFFFC60]  }
0xd1: {  	v16 =	vld [tilespmem:s1+$0xFFFFFCE0]  }
0xd2: {  	v45 =	vld [tilespmem:s1+$0xFFFFFD60]  }
0xd3: {  	v46 =	vld [tilespmem:s1+$0xFFFFFDE0];
	_ =	sdelay $0x3  }
0xd4: {  	v15 =	vmul.bf16 v15, v11;
	v16 =	vmul.bf16 v16, v12  }
0xd5: {  	v17 =	vmul.bf16 v45, v13;
	v18 =	vmul.bf16 v46, v14;
	_ =	sdelay $0x1  }
0xd6: {  	v15 =	vadd.bf16 v16, v15;
	v47 =	vadd.bf16 v18, v17;
	_ =	sdelay $0x1  }
0xd7: {  	v15 =	vadd.bf16 v47, v15;
	_ =	sdelay $0x1  }
0xd8: {  	v16 =	vunpack.i.l.bf16.f32 v15  }
0xd9: {  	v15 =	vunpack.i.u.bf16.f32 v15;
	[tilespmem:s0+$0xFFFFFE60] =	vst v16  }
0xda: {  	[tilespmem:s0+$0xFFFFFEE0] =	vst v15  }
0xdb: {  	v15 =	vld [tilespmem:s1+$0xFFFFFC70]  }
0xdc: {  	v16 =	vld [tilespmem:s1+$0xFFFFFCF0]  }
0xdd: {  	v48 =	vld [tilespmem:s1+$0xFFFFFD70]  }
0xde: {  	v49 =	vld [tilespmem:s1+$0xFFFFFDF0];
	_ =	sdelay $0x3  }
0xdf: {  	v11 =	vmul.bf16 v15, v11;
	v12 =	vmul.bf16 v16, v12  }
0xe0: {  	v13 =	vmul.bf16 v48, v13;
	v14 =	vmul.bf16 v49, v14;
	_ =	sdelay $0x1  }
0xe1: {  	v11 =	vadd.bf16 v12, v11;
	v50 =	vadd.bf16 v14, v13  }
0xe2: {  	s6 =	sadd.s32 $0x4, s31  }
0xe3: {  	v51 =	vmov s6;
	v11 =	vadd.bf16 v50, v11  }
0xe4: {  	v52 =	vor.u32 $0x1, v51  }
0xe5: {  	v54 =	vor.u32 $0x2, v51;
	v53 =	vunpack.i.l.bf16.f32 v11  }
0xe6: {  	v55 =	vor.u32 $0x3, v51;
	v11 =	vunpack.i.u.bf16.f32 v11;
	[tilespmem:s0+$0xFFFFFE70] =	vst v53  }
0xe7: {  	[tilespmem:s0+$0xFFFFFEF0] =	vst v11  }
0xe8: {  	v11 =	vld.idx.msk [tilespmem:v51+s13+$0x0], $0xffff  }
0xe9: {  	v56 =	vld.idx.msk [tilespmem:v52+s13+$0x0], $0xffff  }
0xea: {  	v57 =	vld.idx.msk [tilespmem:v54+s13+$0x0], $0xffff  }
0xeb: {  	v14 =	vld.idx.msk [tilespmem:v55+s13+$0x0], $0xffff  }
0xec: {  	v58 =	vld [tilespmem:s1+$0xFFFFFE00]  }
0xed: {  	v59 =	vld [tilespmem:s1+$0xFFFFFE80]  }
0xee: {  	v60 =	vld [tilespmem:s1+$0xFFFFFF00]  }
0xef: {  	v61 =	vld [tilespmem:s1+$0xFFFFFF80];
	_ =	sdelay $0x2  }
0xf0: {  	v11 =	vpack.i.f32.bf16 v11, v11;
	v12 =	vpack.i.f32.bf16 v56, v56;
	v13 =	vpack.i.f32.bf16 v57, v57  }
0xf1: {  	v14 =	vpack.i.f32.bf16 v14, v14;
	v15 =	vmul.bf16 v58, v11;
	v16 =	vmul.bf16 v59, v12  }
0xf2: {  	v17 =	vmul.bf16 v60, v13;
	v18 =	vmul.bf16 v61, v14;
	_ =	sdelay $0x1  }
0xf3: {  	v15 =	vadd.bf16 v16, v15;
	v62 =	vadd.bf16 v18, v17;
	_ =	sdelay $0x1  }
0xf4: {  	v15 =	vadd.bf16 v62, v15;
	_ =	sdelay $0x1  }
0xf5: {  	v16 =	vunpack.i.l.bf16.f32 v15  }
0xf6: {  	v15 =	vunpack.i.u.bf16.f32 v15;
	[tilespmem:s0+$0xFFFFFF00] =	vst v16  }
0xf7: {  	[tilespmem:s0+$0xFFFFFF80] =	vst v15  }
0xf8: {  	v15 =	vld [tilespmem:s1+$0xFFFFFE10]  }
0xf9: {  	v16 =	vld [tilespmem:s1+$0xFFFFFE90]  }
0xfa: {  	v63 =	vld [tilespmem:s1+$0xFFFFFF10]  }
0xfb: {  	v21 =	vld [tilespmem:s1+$0xFFFFFF90];
	_ =	sdelay $0x3  }
0xfc: {  	v15 =	vmul.bf16 v15, v11;
	v16 =	vmul.bf16 v16, v12  }
0xfd: {  	v17 =	vmul.bf16 v63, v13;
	v18 =	vmul.bf16 v21, v14;
	_ =	sdelay $0x1  }
0xfe: {  	v15 =	vadd.bf16 v16, v15;
	v22 =	vadd.bf16 v18, v17;
	_ =	sdelay $0x1  }
0xff: {  	v15 =	vadd.bf16 v22, v15;
	_ =	sdelay $0x1  }
0x100: {  	v16 =	vunpack.i.l.bf16.f32 v15  }
0x101: {  	v15 =	vunpack.i.u.bf16.f32 v15;
	[tilespmem:s0+$0xFFFFFF10] =	vst v16  }
0x102: {  	[tilespmem:s0+$0xFFFFFF90] =	vst v15  }
0x103: {  	v15 =	vld [tilespmem:s1+$0xFFFFFE20]  }
0x104: {  	v16 =	vld [tilespmem:s1+$0xFFFFFEA0]  }
0x105: {  	v23 =	vld [tilespmem:s1+$0xFFFFFF20]  }
0x106: {  	v24 =	vld [tilespmem:s1+$0xFFFFFFA0];
	_ =	sdelay $0x3  }
0x107: {  	v15 =	vmul.bf16 v15, v11;
	v16 =	vmul.bf16 v16, v12  }
0x108: {  	v17 =	vmul.bf16 v23, v13;
	v18 =	vmul.bf16 v24, v14;
	_ =	sdelay $0x1  }
0x109: {  	v15 =	vadd.bf16 v16, v15;
	v25 =	vadd.bf16 v18, v17;
	_ =	sdelay $0x1  }
0x10a: {  	v15 =	vadd.bf16 v25, v15;
	_ =	sdelay $0x1  }
0x10b: {  	v16 =	vunpack.i.l.bf16.f32 v15  }
0x10c: {  	v15 =	vunpack.i.u.bf16.f32 v15;
	[tilespmem:s0+$0xFFFFFF20] =	vst v16  }
0x10d: {  	[tilespmem:s0+$0xFFFFFFA0] =	vst v15  }
0x10e: {  	v15 =	vld [tilespmem:s1+$0xFFFFFE30]  }
0x10f: {  	v16 =	vld [tilespmem:s1+$0xFFFFFEB0]  }
0x110: {  	v26 =	vld [tilespmem:s1+$0xFFFFFF30]  }
0x111: {  	v27 =	vld [tilespmem:s1+$0xFFFFFFB0];
	_ =	sdelay $0x3  }
0x112: {  	v15 =	vmul.bf16 v15, v11;
	v16 =	vmul.bf16 v16, v12  }
0x113: {  	v17 =	vmul.bf16 v26, v13;
	v18 =	vmul.bf16 v27, v14;
	_ =	sdelay $0x1  }
0x114: {  	v15 =	vadd.bf16 v16, v15;
	v28 =	vadd.bf16 v18, v17;
	_ =	sdelay $0x1  }
0x115: {  	v15 =	vadd.bf16 v28, v15;
	_ =	sdelay $0x1  }
0x116: {  	v16 =	vunpack.i.l.bf16.f32 v15  }
0x117: {  	v15 =	vunpack.i.u.bf16.f32 v15;
	[tilespmem:s0+$0xFFFFFF30] =	vst v16  }
0x118: {  	[tilespmem:s0+$0xFFFFFFB0] =	vst v15  }
0x119: {  	v15 =	vld [tilespmem:s1+$0xFFFFFE40]  }
0x11a: {  	v16 =	vld [tilespmem:s1+$0xFFFFFEC0]  }
0x11b: {  	v29 =	vld [tilespmem:s1+$0xFFFFFF40]  }
0x11c: {  	v30 =	vld [tilespmem:s1+$0xFFFFFFC0];
	_ =	sdelay $0x3  }
0x11d: {  	v15 =	vmul.bf16 v15, v11;
	v16 =	vmul.bf16 v16, v12  }
0x11e: {  	v17 =	vmul.bf16 v29, v13;
	v18 =	vmul.bf16 v30, v14;
	_ =	sdelay $0x1  }
0x11f: {  	v15 =	vadd.bf16 v16, v15;
	v31 =	vadd.bf16 v18, v17;
	_ =	sdelay $0x1  }
0x120: {  	v15 =	vadd.bf16 v31, v15;
	_ =	sdelay $0x1  }
0x121: {  	v16 =	vunpack.i.l.bf16.f32 v15  }
0x122: {  	v15 =	vunpack.i.u.bf16.f32 v15;
	[tilespmem:s0+$0xFFFFFF40] =	vst v16  }
0x123: {  	[tilespmem:s0+$0xFFFFFFC0] =	vst v15  }
0x124: {  	v15 =	vld [tilespmem:s1+$0xFFFFFE50]  }
0x125: {  	v16 =	vld [tilespmem:s1+$0xFFFFFED0]  }
0x126: {  	v32 =	vld [tilespmem:s1+$0xFFFFFF50]  }
0x127: {  	v33 =	vld [tilespmem:s1+$0xFFFFFFD0];
	_ =	sdelay $0x3  }
0x128: {  	v15 =	vmul.bf16 v15, v11;
	v16 =	vmul.bf16 v16, v12  }
0x129: {  	v17 =	vmul.bf16 v32, v13;
	v18 =	vmul.bf16 v33, v14;
	_ =	sdelay $0x1  }
0x12a: {  	v15 =	vadd.bf16 v16, v15;
	v34 =	vadd.bf16 v18, v17;
	_ =	sdelay $0x1  }
0x12b: {  	v15 =	vadd.bf16 v34, v15;
	_ =	sdelay $0x1  }
0x12c: {  	v16 =	vunpack.i.l.bf16.f32 v15  }
0x12d: {  	v15 =	vunpack.i.u.bf16.f32 v15;
	[tilespmem:s0+$0xFFFFFF50] =	vst v16  }
0x12e: {  	[tilespmem:s0+$0xFFFFFFD0] =	vst v15  }
0x12f: {  	v15 =	vld [tilespmem:s1+$0xFFFFFE60]  }
0x130: {  	v16 =	vld [tilespmem:s1+$0xFFFFFEE0]  }
0x131: {  	v35 =	vld [tilespmem:s1+$0xFFFFFF60]  }
0x132: {  	v36 =	vld [tilespmem:s1+$0xFFFFFFE0];
	_ =	sdelay $0x3  }
0x133: {  	v15 =	vmul.bf16 v15, v11;
	v16 =	vmul.bf16 v16, v12  }
0x134: {  	v17 =	vmul.bf16 v35, v13;
	v18 =	vmul.bf16 v36, v14;
	_ =	sdelay $0x1  }
0x135: {  	v15 =	vadd.bf16 v16, v15;
	v37 =	vadd.bf16 v18, v17;
	_ =	sdelay $0x1  }
0x136: {  	v15 =	vadd.bf16 v37, v15;
	_ =	sdelay $0x1  }
0x137: {  	v16 =	vunpack.i.l.bf16.f32 v15  }
0x138: {  	v15 =	vunpack.i.u.bf16.f32 v15;
	[tilespmem:s0+$0xFFFFFF60] =	vst v16  }
0x139: {  	[tilespmem:s0+$0xFFFFFFE0] =	vst v15  }
0x13a: {  	v15 =	vld [tilespmem:s1+$0xFFFFFE70]  }
0x13b: {  	v16 =	vld [tilespmem:s1+$0xFFFFFEF0]  }
0x13c: {  	v38 =	vld [tilespmem:s1+$0xFFFFFF70]  }
0x13d: {  	v39 =	vld [tilespmem:s1+$0xFFFFFFF0];
	_ =	sdelay $0x3  }
0x13e: {  	v11 =	vmul.bf16 v15, v11;
	v12 =	vmul.bf16 v16, v12  }
0x13f: {  	v13 =	vmul.bf16 v38, v13;
	v14 =	vmul.bf16 v39, v14;
	_ =	sdelay $0x1  }
0x140: {  	v11 =	vadd.bf16 v12, v11;
	v40 =	vadd.bf16 v14, v13  }
0x141: {  	s6 =	sadd.s32 $0x8, s31  }
0x142: {  	v41 =	vmov s6;
	v11 =	vadd.bf16 v40, v11  }
0x143: {  	v42 =	vor.u32 $0x1, v41  }
0x144: {  	v44 =	vor.u32 $0x2, v41;
	v43 =	vunpack.i.l.bf16.f32 v11  }
0x145: {  	v45 =	vor.u32 $0x3, v41;
	v11 =	vunpack.i.u.bf16.f32 v11;
	[tilespmem:s0+$0xFFFFFF70] =	vst v43  }
0x146: {  	[tilespmem:s0+$0xFFFFFFF0] =	vst v11  }
0x147: {  	v11 =	vld.idx.msk [tilespmem:v41+s13+$0x0], $0xffff  }
0x148: {  	v46 =	vld.idx.msk [tilespmem:v42+s13+$0x0], $0xffff  }
0x149: {  	v47 =	vld.idx.msk [tilespmem:v44+s13+$0x0], $0xffff  }
0x14a: {  	v14 =	vld.idx.msk [tilespmem:v45+s13+$0x0], $0xffff  }
0x14b: {  	v48 =	vld [tilespmem:s1+$0x0]  }
0x14c: {  	v49 =	vld [tilespmem:s1+$0x80]  }
0x14d: {  	v50 =	vld [tilespmem:s1+$0x100]  }
0x14e: {  	v51 =	vld [tilespmem:s1+$0x180];
	_ =	sdelay $0x2  }
0x14f: {  	v11 =	vpack.i.f32.bf16 v11, v11;
	v12 =	vpack.i.f32.bf16 v46, v46;
	v13 =	vpack.i.f32.bf16 v47, v47  }
0x150: {  	v14 =	vpack.i.f32.bf16 v14, v14;
	v15 =	vmul.bf16 v48, v11;
	v16 =	vmul.bf16 v49, v12  }
0x151: {  	v17 =	vmul.bf16 v50, v13;
	v18 =	vmul.bf16 v51, v14;
	_ =	sdelay $0x1  }
0x152: {  	v15 =	vadd.bf16 v16, v15;
	v52 =	vadd.bf16 v18, v17;
	_ =	sdelay $0x1  }
0x153: {  	v15 =	vadd.bf16 v52, v15;
	_ =	sdelay $0x1  }
0x154: {  	v16 =	vunpack.i.l.bf16.f32 v15  }
0x155: {  	v15 =	vunpack.i.u.bf16.f32 v15;
	[tilespmem:s0+$0x0] =	vst v16  }
0x156: {  	[tilespmem:s0+$0x80] =	vst v15  }
0x157: {  	v15 =	vld [tilespmem:s1+$0x10]  }
0x158: {  	v16 =	vld [tilespmem:s1+$0x90]  }
0x159: {  	v53 =	vld [tilespmem:s1+$0x110]  }
0x15a: {  	v54 =	vld [tilespmem:s1+$0x190];
	_ =	sdelay $0x3  }
0x15b: {  	v15 =	vmul.bf16 v15, v11;
	v16 =	vmul.bf16 v16, v12  }
0x15c: {  	v17 =	vmul.bf16 v53, v13;
	v18 =	vmul.bf16 v54, v14;
	_ =	sdelay $0x1  }
0x15d: {  	v15 =	vadd.bf16 v16, v15;
	v55 =	vadd.bf16 v18, v17;
	_ =	sdelay $0x1  }
0x15e: {  	v15 =	vadd.bf16 v55, v15;
	_ =	sdelay $0x1  }
0x15f: {  	v16 =	vunpack.i.l.bf16.f32 v15  }
0x160: {  	v15 =	vunpack.i.u.bf16.f32 v15;
	[tilespmem:s0+$0x10] =	vst v16  }
0x161: {  	[tilespmem:s0+$0x90] =	vst v15  }
0x162: {  	v15 =	vld [tilespmem:s1+$0x20]  }
0x163: {  	v16 =	vld [tilespmem:s1+$0xA0]  }
0x164: {  	v56 =	vld [tilespmem:s1+$0x120]  }
0x165: {  	v57 =	vld [tilespmem:s1+$0x1A0];
	_ =	sdelay $0x3  }
0x166: {  	v15 =	vmul.bf16 v15, v11;
	v16 =	vmul.bf16 v16, v12  }
0x167: {  	v17 =	vmul.bf16 v56, v13;
	v18 =	vmul.bf16 v57, v14;
	_ =	sdelay $0x1  }
0x168: {  	v15 =	vadd.bf16 v16, v15;
	v58 =	vadd.bf16 v18, v17;
	_ =	sdelay $0x1  }
0x169: {  	v15 =	vadd.bf16 v58, v15;
	_ =	sdelay $0x1  }
0x16a: {  	v16 =	vunpack.i.l.bf16.f32 v15  }
0x16b: {  	v15 =	vunpack.i.u.bf16.f32 v15;
	[tilespmem:s0+$0x20] =	vst v16  }
0x16c: {  	[tilespmem:s0+$0xA0] =	vst v15  }
0x16d: {  	v15 =	vld [tilespmem:s1+$0x30]  }
0x16e: {  	v16 =	vld [tilespmem:s1+$0xB0]  }
0x16f: {  	v59 =	vld [tilespmem:s1+$0x130]  }
0x170: {  	v60 =	vld [tilespmem:s1+$0x1B0];
	_ =	sdelay $0x3  }
0x171: {  	v15 =	vmul.bf16 v15, v11;
	v16 =	vmul.bf16 v16, v12  }
0x172: {  	v17 =	vmul.bf16 v59, v13;
	v18 =	vmul.bf16 v60, v14;
	_ =	sdelay $0x1  }
0x173: {  	v15 =	vadd.bf16 v16, v15;
	v61 =	vadd.bf16 v18, v17;
	_ =	sdelay $0x1  }
0x174: {  	v15 =	vadd.bf16 v61, v15;
	_ =	sdelay $0x1  }
0x175: {  	v16 =	vunpack.i.l.bf16.f32 v15  }
0x176: {  	v15 =	vunpack.i.u.bf16.f32 v15;
	[tilespmem:s0+$0x30] =	vst v16  }
0x177: {  	[tilespmem:s0+$0xB0] =	vst v15  }
0x178: {  	v15 =	vld [tilespmem:s1+$0x40]  }
0x179: {  	v16 =	vld [tilespmem:s1+$0xC0]  }
0x17a: {  	v62 =	vld [tilespmem:s1+$0x140]  }
0x17b: {  	v63 =	vld [tilespmem:s1+$0x1C0];
	_ =	sdelay $0x3  }
0x17c: {  	v15 =	vmul.bf16 v15, v11;
	v16 =	vmul.bf16 v16, v12  }
0x17d: {  	v17 =	vmul.bf16 v62, v13;
	v18 =	vmul.bf16 v63, v14;
	_ =	sdelay $0x1  }
0x17e: {  	v15 =	vadd.bf16 v16, v15;
	v21 =	vadd.bf16 v18, v17;
	_ =	sdelay $0x1  }
0x17f: {  	v15 =	vadd.bf16 v21, v15;
	_ =	sdelay $0x1  }
0x180: {  	v16 =	vunpack.i.l.bf16.f32 v15  }
0x181: {  	v15 =	vunpack.i.u.bf16.f32 v15;
	[tilespmem:s0+$0x40] =	vst v16  }
0x182: {  	[tilespmem:s0+$0xC0] =	vst v15  }
0x183: {  	v15 =	vld [tilespmem:s1+$0x50]  }
0x184: {  	v16 =	vld [tilespmem:s1+$0xD0]  }
0x185: {  	v22 =	vld [tilespmem:s1+$0x150]  }
0x186: {  	v23 =	vld [tilespmem:s1+$0x1D0];
	_ =	sdelay $0x3  }
0x187: {  	v15 =	vmul.bf16 v15, v11;
	v16 =	vmul.bf16 v16, v12  }
0x188: {  	v17 =	vmul.bf16 v22, v13;
	v18 =	vmul.bf16 v23, v14;
	_ =	sdelay $0x1  }
0x189: {  	v15 =	vadd.bf16 v16, v15;
	v24 =	vadd.bf16 v18, v17;
	_ =	sdelay $0x1  }
0x18a: {  	v15 =	vadd.bf16 v24, v15;
	_ =	sdelay $0x1  }
0x18b: {  	v16 =	vunpack.i.l.bf16.f32 v15  }
0x18c: {  	v15 =	vunpack.i.u.bf16.f32 v15;
	[tilespmem:s0+$0x50] =	vst v16  }
0x18d: {  	[tilespmem:s0+$0xD0] =	vst v15  }
0x18e: {  	v15 =	vld [tilespmem:s1+$0x60]  }
0x18f: {  	v16 =	vld [tilespmem:s1+$0xE0]  }
0x190: {  	v25 =	vld [tilespmem:s1+$0x160]  }
0x191: {  	v26 =	vld [tilespmem:s1+$0x1E0];
	_ =	sdelay $0x3  }
0x192: {  	v15 =	vmul.bf16 v15, v11;
	v16 =	vmul.bf16 v16, v12  }
0x193: {  	v17 =	vmul.bf16 v25, v13;
	v18 =	vmul.bf16 v26, v14;
	_ =	sdelay $0x1  }
0x194: {  	v15 =	vadd.bf16 v16, v15;
	v27 =	vadd.bf16 v18, v17;
	_ =	sdelay $0x1  }
0x195: {  	v15 =	vadd.bf16 v27, v15;
	_ =	sdelay $0x1  }
0x196: {  	v16 =	vunpack.i.l.bf16.f32 v15  }
0x197: {  	v15 =	vunpack.i.u.bf16.f32 v15;
	[tilespmem:s0+$0x60] =	vst v16  }
0x198: {  	[tilespmem:s0+$0xE0] =	vst v15  }
0x199: {  	v15 =	vld [tilespmem:s1+$0x70]  }
0x19a: {  	v16 =	vld [tilespmem:s1+$0xF0]  }
0x19b: {  	v28 =	vld [tilespmem:s1+$0x170]  }
0x19c: {  	v29 =	vld [tilespmem:s1+$0x1F0];
	_ =	sdelay $0x3  }
0x19d: {  	v11 =	vmul.bf16 v15, v11;
	v12 =	vmul.bf16 v16, v12  }
0x19e: {  	v13 =	vmul.bf16 v28, v13;
	v14 =	vmul.bf16 v29, v14;
	_ =	sdelay $0x1  }
0x19f: {  	v11 =	vadd.bf16 v12, v11;
	v30 =	vadd.bf16 v14, v13  }
0x1a0: {  	s6 =	sadd.s32 $0xC, s31  }
0x1a1: {  	v31 =	vmov s6;
	v11 =	vadd.bf16 v30, v11  }
0x1a2: {  	v32 =	vor.u32 $0x1, v31  }
0x1a3: {  	v34 =	vor.u32 $0x2, v31;
	v33 =	vunpack.i.l.bf16.f32 v11  }
0x1a4: {  	v35 =	vor.u32 $0x3, v31;
	v11 =	vunpack.i.u.bf16.f32 v11;
	[tilespmem:s0+$0x70] =	vst v33  }
0x1a5: {  	[tilespmem:s0+$0xF0] =	vst v11  }
0x1a6: {  	v11 =	vld.idx.msk [tilespmem:v31+s13+$0x0], $0xffff  }
0x1a7: {  	v36 =	vld.idx.msk [tilespmem:v32+s13+$0x0], $0xffff  }
0x1a8: {  	v37 =	vld.idx.msk [tilespmem:v34+s13+$0x0], $0xffff  }
0x1a9: {  	v14 =	vld.idx.msk [tilespmem:v35+s13+$0x0], $0xffff  }
0x1aa: {  	v38 =	vld [tilespmem:s1+$0x200]  }
0x1ab: {  	v39 =	vld [tilespmem:s1+$0x280]  }
0x1ac: {  	v40 =	vld [tilespmem:s1+$0x300]  }
0x1ad: {  	v41 =	vld [tilespmem:s1+$0x380];
	_ =	sdelay $0x2  }
0x1ae: {  	v11 =	vpack.i.f32.bf16 v11, v11;
	v12 =	vpack.i.f32.bf16 v36, v36;
	v13 =	vpack.i.f32.bf16 v37, v37  }
0x1af: {  	v14 =	vpack.i.f32.bf16 v14, v14;
	v15 =	vmul.bf16 v38, v11;
	v16 =	vmul.bf16 v39, v12  }
0x1b0: {  	v17 =	vmul.bf16 v40, v13;
	v18 =	vmul.bf16 v41, v14;
	_ =	sdelay $0x1  }
0x1b1: {  	v15 =	vadd.bf16 v16, v15;
	v42 =	vadd.bf16 v18, v17;
	_ =	sdelay $0x1  }
0x1b2: {  	v15 =	vadd.bf16 v42, v15;
	_ =	sdelay $0x1  }
0x1b3: {  	v16 =	vunpack.i.l.bf16.f32 v15  }
0x1b4: {  	v15 =	vunpack.i.u.bf16.f32 v15;
	[tilespmem:s0+$0x100] =	vst v16  }
0x1b5: {  	[tilespmem:s0+$0x180] =	vst v15  }
0x1b6: {  	v15 =	vld [tilespmem:s1+$0x210]  }
0x1b7: {  	v16 =	vld [tilespmem:s1+$0x290]  }
0x1b8: {  	v43 =	vld [tilespmem:s1+$0x310]  }
0x1b9: {  	v44 =	vld [tilespmem:s1+$0x390];
	_ =	sdelay $0x3  }
0x1ba: {  	v15 =	vmul.bf16 v15, v11;
	v16 =	vmul.bf16 v16, v12  }
0x1bb: {  	v17 =	vmul.bf16 v43, v13;
	v18 =	vmul.bf16 v44, v14;
	_ =	sdelay $0x1  }
0x1bc: {  	v15 =	vadd.bf16 v16, v15;
	v45 =	vadd.bf16 v18, v17;
	_ =	sdelay $0x1  }
0x1bd: {  	v15 =	vadd.bf16 v45, v15;
	_ =	sdelay $0x1  }
0x1be: {  	v16 =	vunpack.i.l.bf16.f32 v15  }
0x1bf: {  	v15 =	vunpack.i.u.bf16.f32 v15;
	[tilespmem:s0+$0x110] =	vst v16  }
0x1c0: {  	[tilespmem:s0+$0x190] =	vst v15  }
0x1c1: {  	v15 =	vld [tilespmem:s1+$0x220]  }
0x1c2: {  	v16 =	vld [tilespmem:s1+$0x2A0]  }
0x1c3: {  	v46 =	vld [tilespmem:s1+$0x320]  }
0x1c4: {  	v47 =	vld [tilespmem:s1+$0x3A0];
	_ =	sdelay $0x3  }
0x1c5: {  	v15 =	vmul.bf16 v15, v11;
	v16 =	vmul.bf16 v16, v12  }
0x1c6: {  	v17 =	vmul.bf16 v46, v13;
	v18 =	vmul.bf16 v47, v14;
	_ =	sdelay $0x1  }
0x1c7: {  	v15 =	vadd.bf16 v16, v15;
	v48 =	vadd.bf16 v18, v17;
	_ =	sdelay $0x1  }
0x1c8: {  	v15 =	vadd.bf16 v48, v15;
	_ =	sdelay $0x1  }
0x1c9: {  	v16 =	vunpack.i.l.bf16.f32 v15  }
0x1ca: {  	v15 =	vunpack.i.u.bf16.f32 v15;
	[tilespmem:s0+$0x120] =	vst v16  }
0x1cb: {  	[tilespmem:s0+$0x1A0] =	vst v15  }
0x1cc: {  	v15 =	vld [tilespmem:s1+$0x230]  }
0x1cd: {  	v16 =	vld [tilespmem:s1+$0x2B0]  }
0x1ce: {  	v49 =	vld [tilespmem:s1+$0x330]  }
0x1cf: {  	v50 =	vld [tilespmem:s1+$0x3B0];
	_ =	sdelay $0x3  }
0x1d0: {  	v15 =	vmul.bf16 v15, v11;
	v16 =	vmul.bf16 v16, v12  }
0x1d1: {  	v17 =	vmul.bf16 v49, v13;
	v18 =	vmul.bf16 v50, v14;
	_ =	sdelay $0x1  }
0x1d2: {  	v15 =	vadd.bf16 v16, v15;
	v51 =	vadd.bf16 v18, v17;
	_ =	sdelay $0x1  }
0x1d3: {  	v15 =	vadd.bf16 v51, v15;
	_ =	sdelay $0x1  }
0x1d4: {  	v16 =	vunpack.i.l.bf16.f32 v15  }
0x1d5: {  	v15 =	vunpack.i.u.bf16.f32 v15;
	[tilespmem:s0+$0x130] =	vst v16  }
0x1d6: {  	[tilespmem:s0+$0x1B0] =	vst v15  }
0x1d7: {  	v15 =	vld [tilespmem:s1+$0x240]  }
0x1d8: {  	v16 =	vld [tilespmem:s1+$0x2C0]  }
0x1d9: {  	v52 =	vld [tilespmem:s1+$0x340]  }
0x1da: {  	v53 =	vld [tilespmem:s1+$0x3C0];
	_ =	sdelay $0x3  }
0x1db: {  	v15 =	vmul.bf16 v15, v11;
	v16 =	vmul.bf16 v16, v12  }
0x1dc: {  	v17 =	vmul.bf16 v52, v13;
	v18 =	vmul.bf16 v53, v14;
	_ =	sdelay $0x1  }
0x1dd: {  	v15 =	vadd.bf16 v16, v15;
	v54 =	vadd.bf16 v18, v17;
	_ =	sdelay $0x1  }
0x1de: {  	v15 =	vadd.bf16 v54, v15;
	_ =	sdelay $0x1  }
0x1df: {  	v16 =	vunpack.i.l.bf16.f32 v15  }
0x1e0: {  	v15 =	vunpack.i.u.bf16.f32 v15;
	[tilespmem:s0+$0x140] =	vst v16  }
0x1e1: {  	[tilespmem:s0+$0x1C0] =	vst v15  }
0x1e2: {  	v15 =	vld [tilespmem:s1+$0x250]  }
0x1e3: {  	v16 =	vld [tilespmem:s1+$0x2D0]  }
0x1e4: {  	v55 =	vld [tilespmem:s1+$0x350]  }
0x1e5: {  	v56 =	vld [tilespmem:s1+$0x3D0];
	_ =	sdelay $0x3  }
0x1e6: {  	v15 =	vmul.bf16 v15, v11;
	v16 =	vmul.bf16 v16, v12  }
0x1e7: {  	v17 =	vmul.bf16 v55, v13;
	v18 =	vmul.bf16 v56, v14;
	_ =	sdelay $0x1  }
0x1e8: {  	v15 =	vadd.bf16 v16, v15;
	v57 =	vadd.bf16 v18, v17;
	_ =	sdelay $0x1  }
0x1e9: {  	v15 =	vadd.bf16 v57, v15;
	_ =	sdelay $0x1  }
0x1ea: {  	v16 =	vunpack.i.l.bf16.f32 v15  }
0x1eb: {  	v15 =	vunpack.i.u.bf16.f32 v15;
	[tilespmem:s0+$0x150] =	vst v16  }
0x1ec: {  	[tilespmem:s0+$0x1D0] =	vst v15  }
0x1ed: {  	v15 =	vld [tilespmem:s1+$0x260]  }
0x1ee: {  	v16 =	vld [tilespmem:s1+$0x2E0]  }
0x1ef: {  	v58 =	vld [tilespmem:s1+$0x360]  }
0x1f0: {  	v59 =	vld [tilespmem:s1+$0x3E0];
	_ =	sdelay $0x3  }
0x1f1: {  	v15 =	vmul.bf16 v15, v11;
	v16 =	vmul.bf16 v16, v12  }
0x1f2: {  	v17 =	vmul.bf16 v58, v13;
	v18 =	vmul.bf16 v59, v14;
	_ =	sdelay $0x1  }
0x1f3: {  	v15 =	vadd.bf16 v16, v15;
	v60 =	vadd.bf16 v18, v17;
	_ =	sdelay $0x1  }
0x1f4: {  	v15 =	vadd.bf16 v60, v15;
	_ =	sdelay $0x1  }
0x1f5: {  	v16 =	vunpack.i.l.bf16.f32 v15  }
0x1f6: {  	v15 =	vunpack.i.u.bf16.f32 v15;
	[tilespmem:s0+$0x160] =	vst v16  }
0x1f7: {  	[tilespmem:s0+$0x1E0] =	vst v15  }
0x1f8: {  	v15 =	vld [tilespmem:s1+$0x270]  }
0x1f9: {  	v16 =	vld [tilespmem:s1+$0x2F0]  }
0x1fa: {  	v61 =	vld [tilespmem:s1+$0x370]  }
0x1fb: {  	v62 =	vld [tilespmem:s1+$0x3F0];
	_ =	sdelay $0x3  }
0x1fc: {  	v11 =	vmul.bf16 v15, v11;
	v12 =	vmul.bf16 v16, v12  }
0x1fd: {  	v13 =	vmul.bf16 v61, v13;
	v14 =	vmul.bf16 v62, v14;
	_ =	sdelay $0x1  }
0x1fe: {  	s30 =	sadd.s32 $0x4, s30;
	v11 =	vadd.bf16 v12, v11;
	v63 =	vadd.bf16 v14, v13  }
0x1ff: {  	p1 =	slt.u32 s30, $0xC  }
.Ltmp6:
0x200: {  	v11 =	vadd.bf16 v63, v11;
	(pc) =	sbr.rel @p1 .LBB2_6-.Ltmp6, $4  }
0x201: {  	_ = 	snop  }
0x202: {  	v12 =	vunpack.i.l.bf16.f32 v11  }
0x203: {  	v11 =	vunpack.i.u.bf16.f32 v11;
	[tilespmem:s0+$0x170] =	vst v12  }
0x204: {  	s31 =	sadd.s32 $0x10, s31;
	s1 =	sadd.s32 $0x800, s1;
	[tilespmem:s0+$0x1F0] =	vst v11;
	s0 =	sadd.s32 $0x400, s0  }
0x205: {  	s0 =	sadd.s32 s4, s29  }
0x206: {  	s0 =	sshll.u32 s0, $0x9  }
0x207: {  	s0 =	sadd.s32 s2, s0  }
0x208: {  	[hbm4b:s0+s3] =	stream.linear.scatter [tilespmem:s20], [sflag:$0x3], $0x1000, $0x38;
	[tilespmem:$0x8200] =	vst v63  }
.LBB2_8:
.Ltmp7:
0x209: {  	(pc) =	sbr.rel @p0 .LBB2_14-.Ltmp7, $1  }
0x20a: {  	_ =	sdelay $0x3  }
0x20b: {  	s0 =	sadd.s32 $0x2, s29  }
0x20c: {  	p0 =	sge.u32 s0, s8  }
.Ltmp8:
0x20d: {  	_ = 	snop;
	(pc) =	sbr.rel @p0 .LBB2_11-.Ltmp8, $1  }
0x20e: {  	_ =	sdelay $0x3  }
0x20f: {  	s0 =	sadd.s32 s4, s0  }
0x210: {  	s0 =	sshll.u32 s0, $0x4  }
0x211: {  	v11 =	vor.u32 s0, v0  }
0x212: {  	v12 =	vmulhi.u32 $0x5397829D, v11;
	_ =	sdelay $0x1  }
0x213: {  	v12 =	vshrl.u32 v12, $0x4  }
0x214: {  	v13 =	vshll.u32 v12, $0x2  }
0x215: {  	v14 =	vor.u32 $0x1, v13  }
0x216: {  	v12 =	vmul.u32 $0xFFFFFFCF, v12;
	v15 =	vor.u32 $0x3, v13  }
0x217: {  	v16 =	vor.u32 $0x2, v13  }
0x218: {  	v11 =	vadd.s32 v11, v12  }
0x219: {  	v44 =	vld.idx.msk [tilespmem:v13+s3+$0x0], $0xffff  }
0x21a: {  	v45 =	vld.idx.msk [tilespmem:v14+s3+$0x0], $0xffff  }
0x21b: {  	v46 =	vld.idx.msk [tilespmem:v15+s3+$0x0], $0xffff  }
0x21c: {  	v47 =	vld.idx.msk [tilespmem:v16+s3+$0x0], $0xffff  }
0x21d: {  	v48 =	vld.idx.msk [tilespmem:v11+s11+$0x0], $0xffff;
	_ =	sdelay $0x3  }
0x21e: {  	v14 =	vsub.s32 v46, v45;
	v15 =	vsub.s32 v47, v44  }
0x21f: {  	vm0 =	vgt.s32 v14, $0x1;
	vm9 =	vgt.s32 v15, $0x1;
	v17 =	vmul.u32 $0xFFFFFFF9, v48  }
0x220: {  	v14 =	vnsel vm0, $0x1, v14;
	v15 =	vnsel vm9, $0x1, v15  }
0x221: {  	v18 =	vcvt.s32.f32 v14;
	v19 =	vcvt.s32.f32 v15;
	v11 =	vadd.s32 v11, v17  }
0x222: {  	v16 =	vcvt.s32.f32 v48;
	v11 =	vcvt.s32.f32 v11  }
0x223: {  	v49 =	vmul.f32 v18, v7;
	v50 =	vmul.f32 v19, v7;
	_ =	sdelay $0x1  }
0x224: {  	v16 =	vmul.f32 v16, v49;
	v11 =	vmul.f32 v11, v50;
	_ =	sdelay $0x1  }
0x225: {  	v17 =	vtrunc.f32 v16;
	v18 =	vtrunc.f32 v11  }
0x226: {  	v17 =	vcvt.f32.s32 v17;
	v18 =	vcvt.f32.s32 v18  }
0x227: {  	v14 =	vadd.s32 $0xFFFFFFFF, v14  }
0x228: {  	v15 =	vadd.s32 $0xFFFFFFFF, v15;
	v51 =	vadd.s32 $0x1, v17;
	v20 =	vadd.s32 $0x1, v18  }
0x229: {  	v52 =	vcvt.s32.f32 v17;
	v17 =	vadd.s32 v17, v45;
	v53 =	vcvt.s32.f32 v18  }
0x22a: {  	v18 =	vadd.s32 v18, v44;
	vm10 =	vlt.s32 v51, v14;
	vm11 =	vlt.s32 v20, v15  }
0x22b: {  	vm12 =	vgt.s32 v17, $0x0;
	vm14 =	vgt.s32 v18, $0x0;
	v14 =	vsel vm10, v51, v14  }
0x22c: {  	v15 =	vsel vm11, v20, v15;
	v17 =	vnsel vm12, $0x0, v17;
	v54 =	vsub.f32 v16, v52  }
0x22d: {  	v55 =	vnsel vm14, $0x0, v18;
	v11 =	vsub.f32 v11, v53;
	v13 =	vadd.s32 v45, v14  }
0x22e: {  	v12 =	vadd.s32 v44, v15;
	v56 =	vmin.u32 v17, $0x3F;
	v16 =	vmin.u32 v55, $0x3F  }
0x22f: {  	vm13 =	vgt.s32 v13, $0x0;
	vm15 =	vgt.s32 v12, $0x0;
	v14 =	vshll.u32 v56, $0x6  }
0x230: {  	v58 =	vsub.f32 $1.000000000e+00, v54;
	v13 =	vnsel vm13, $0x0, v13;
	v12 =	vnsel vm15, $0x0, v12  }
0x231: {  	v57 =	vor.u32 v16, v14;
	v12 =	vmin.u32 v12, $0x3F;
	v13 =	vmin.u32 v13, $0x3F  }
0x232: {  	v59 =	vsub.f32 $1.000000000e+00, v11;
	[tilespmem:v3+s12+$0x0] =	vst.idx.msk $0xffff, v57;
	v14 =	vor.u32 v12, v14;
	v13 =	vshll.u32 v13, $0x6  }
0x233: {  	[tilespmem:v8+s12+$0x0] =	vst.idx.msk $0xffff, v14;
	v60 =	vor.u32 v16, v13  }
0x234: {  	v61 =	vmul.f32 v58, v59;
	v12 =	vor.u32 v12, v13;
	[tilespmem:v9+s12+$0x0] =	vst.idx.msk $0xffff, v60  }
0x235: {  	v62 =	vmul.f32 v58, v11;
	[tilespmem:v10+s12+$0x0] =	vst.idx.msk $0xffff, v12  }
0x236: {  	v63 =	vmul.f32 v59, v54;
	[tilespmem:v3+s13+$0x0] =	vst.idx.msk $0xffff, v61  }
0x237: {  	v11 =	vmul.f32 v54, v11;
	[tilespmem:v8+s13+$0x0] =	vst.idx.msk $0xffff, v62  }
0x238: {  	[tilespmem:v9+s13+$0x0] =	vst.idx.msk $0xffff, v63  }
0x239: {  	[tilespmem:v10+s13+$0x0] =	vst.idx.msk $0xffff, v11  }
0x23a: {  	[tilespmem:s15], [sflag:$0x1] =	stream.indirect.gather [hbm4b:s5+s14], $0x80, s12, s14, $0xb8;
	[tilespmem:$0x8200] =	vst v63  }
.LBB2_11:
0x23b: {  	_ =	swait.ge [sflag:s21], $0x2000  }
0x23c: {  	p0 =	seq.s32 s26, $0x0;
	[sflag:s21] =	ssyncset.done $0x0  }
0x23d: {  	s0 =	simm.s32 @!p0 $0x4;
	[sflag:s21] =	ssyncadd.s32 $0xFFFFE000  }
0x23e: {  	_ =	swait.ge @!p0 [sflag:s0], $0x1000  }
0x23f: {  	s29 =	simm.s32 $0xFFFFFFFC;
	s30 =	simm.s32 $0x0;
	[sflag:s0] =	ssyncset.done @!p0 $0x0  }
0x240: {  	s1 =	simm.s32 $0x4600;
	[sflag:s0] =	ssyncadd.s32 @!p0 $0xFFFFF000;
	s0 =	simm.s32 $0x7400  }
.LBB2_12:
0x241: {  	v11 =	vmov s30  }
0x242: {  	v12 =	vor.u32 $0x1, v11  }
0x243: {  	v15 =	vld [tilespmem:s1+$0xFFFFFC00];
	v13 =	vor.u32 $0x2, v11  }
0x244: {  	v16 =	vld [tilespmem:s1+$0xFFFFFC80];
	v14 =	vor.u32 $0x3, v11  }
0x245: {  	v17 =	vld [tilespmem:s1+$0xFFFFFD00]  }
0x246: {  	v11 =	vld.idx.msk [tilespmem:v11+s17+$0x0], $0xffff  }
0x247: {  	v12 =	vld.idx.msk [tilespmem:v12+s17+$0x0], $0xffff  }
0x248: {  	v13 =	vld.idx.msk [tilespmem:v13+s17+$0x0], $0xffff  }
0x249: {  	v14 =	vld.idx.msk [tilespmem:v14+s17+$0x0], $0xffff  }
0x24a: {  	v18 =	vld [tilespmem:s1+$0xFFFFFD80];
	_ =	sdelay $0x2  }
0x24b: {  	v11 =	vpack.i.f32.bf16 v11, v11;
	v12 =	vpack.i.f32.bf16 v12, v12;
	v13 =	vpack.i.f32.bf16 v13, v13  }
0x24c: {  	v14 =	vpack.i.f32.bf16 v14, v14;
	v15 =	vmul.bf16 v15, v11;
	v16 =	vmul.bf16 v16, v12  }
0x24d: {  	v17 =	vmul.bf16 v17, v13;
	v18 =	vmul.bf16 v18, v14;
	_ =	sdelay $0x1  }
0x24e: {  	v15 =	vadd.bf16 v16, v15;
	v29 =	vadd.bf16 v18, v17;
	_ =	sdelay $0x1  }
0x24f: {  	v15 =	vadd.bf16 v29, v15;
	_ =	sdelay $0x1  }
0x250: {  	v16 =	vunpack.i.l.bf16.f32 v15  }
0x251: {  	v15 =	vunpack.i.u.bf16.f32 v15;
	[tilespmem:s0+$0xFFFFFE00] =	vst v16  }
0x252: {  	[tilespmem:s0+$0xFFFFFE80] =	vst v15  }
0x253: {  	v15 =	vld [tilespmem:s1+$0xFFFFFC10]  }
0x254: {  	v16 =	vld [tilespmem:s1+$0xFFFFFC90]  }
0x255: {  	v30 =	vld [tilespmem:s1+$0xFFFFFD10]  }
0x256: {  	v31 =	vld [tilespmem:s1+$0xFFFFFD90];
	_ =	sdelay $0x3  }
0x257: {  	v15 =	vmul.bf16 v15, v11;
	v16 =	vmul.bf16 v16, v12  }
0x258: {  	v17 =	vmul.bf16 v30, v13;
	v18 =	vmul.bf16 v31, v14;
	_ =	sdelay $0x1  }
0x259: {  	v15 =	vadd.bf16 v16, v15;
	v32 =	vadd.bf16 v18, v17;
	_ =	sdelay $0x1  }
0x25a: {  	v15 =	vadd.bf16 v32, v15;
	_ =	sdelay $0x1  }
0x25b: {  	v16 =	vunpack.i.l.bf16.f32 v15  }
0x25c: {  	v15 =	vunpack.i.u.bf16.f32 v15;
	[tilespmem:s0+$0xFFFFFE10] =	vst v16  }
0x25d: {  	[tilespmem:s0+$0xFFFFFE90] =	vst v15  }
0x25e: {  	v15 =	vld [tilespmem:s1+$0xFFFFFC20]  }
0x25f: {  	v16 =	vld [tilespmem:s1+$0xFFFFFCA0]  }
0x260: {  	v33 =	vld [tilespmem:s1+$0xFFFFFD20]  }
0x261: {  	v34 =	vld [tilespmem:s1+$0xFFFFFDA0];
	_ =	sdelay $0x3  }
0x262: {  	v15 =	vmul.bf16 v15, v11;
	v16 =	vmul.bf16 v16, v12  }
0x263: {  	v17 =	vmul.bf16 v33, v13;
	v18 =	vmul.bf16 v34, v14;
	_ =	sdelay $0x1  }
0x264: {  	v15 =	vadd.bf16 v16, v15;
	v35 =	vadd.bf16 v18, v17;
	_ =	sdelay $0x1  }
0x265: {  	v15 =	vadd.bf16 v35, v15;
	_ =	sdelay $0x1  }
0x266: {  	v16 =	vunpack.i.l.bf16.f32 v15  }
0x267: {  	v15 =	vunpack.i.u.bf16.f32 v15;
	[tilespmem:s0+$0xFFFFFE20] =	vst v16  }
0x268: {  	[tilespmem:s0+$0xFFFFFEA0] =	vst v15  }
0x269: {  	v15 =	vld [tilespmem:s1+$0xFFFFFC30]  }
0x26a: {  	v16 =	vld [tilespmem:s1+$0xFFFFFCB0]  }
0x26b: {  	v36 =	vld [tilespmem:s1+$0xFFFFFD30]  }
0x26c: {  	v37 =	vld [tilespmem:s1+$0xFFFFFDB0];
	_ =	sdelay $0x3  }
0x26d: {  	v15 =	vmul.bf16 v15, v11;
	v16 =	vmul.bf16 v16, v12  }
0x26e: {  	v17 =	vmul.bf16 v36, v13;
	v18 =	vmul.bf16 v37, v14;
	_ =	sdelay $0x1  }
0x26f: {  	v15 =	vadd.bf16 v16, v15;
	v38 =	vadd.bf16 v18, v17;
	_ =	sdelay $0x1  }
0x270: {  	v15 =	vadd.bf16 v38, v15;
	_ =	sdelay $0x1  }
0x271: {  	v16 =	vunpack.i.l.bf16.f32 v15  }
0x272: {  	v15 =	vunpack.i.u.bf16.f32 v15;
	[tilespmem:s0+$0xFFFFFE30] =	vst v16  }
0x273: {  	[tilespmem:s0+$0xFFFFFEB0] =	vst v15  }
0x274: {  	v15 =	vld [tilespmem:s1+$0xFFFFFC40]  }
0x275: {  	v16 =	vld [tilespmem:s1+$0xFFFFFCC0]  }
0x276: {  	v39 =	vld [tilespmem:s1+$0xFFFFFD40]  }
0x277: {  	v40 =	vld [tilespmem:s1+$0xFFFFFDC0];
	_ =	sdelay $0x3  }
0x278: {  	v15 =	vmul.bf16 v15, v11;
	v16 =	vmul.bf16 v16, v12  }
0x279: {  	v17 =	vmul.bf16 v39, v13;
	v18 =	vmul.bf16 v40, v14;
	_ =	sdelay $0x1  }
0x27a: {  	v15 =	vadd.bf16 v16, v15;
	v41 =	vadd.bf16 v18, v17;
	_ =	sdelay $0x1  }
0x27b: {  	v15 =	vadd.bf16 v41, v15;
	_ =	sdelay $0x1  }
0x27c: {  	v16 =	vunpack.i.l.bf16.f32 v15  }
0x27d: {  	v15 =	vunpack.i.u.bf16.f32 v15;
	[tilespmem:s0+$0xFFFFFE40] =	vst v16  }
0x27e: {  	[tilespmem:s0+$0xFFFFFEC0] =	vst v15  }
0x27f: {  	v15 =	vld [tilespmem:s1+$0xFFFFFC50]  }
0x280: {  	v16 =	vld [tilespmem:s1+$0xFFFFFCD0]  }
0x281: {  	v42 =	vld [tilespmem:s1+$0xFFFFFD50]  }
0x282: {  	v43 =	vld [tilespmem:s1+$0xFFFFFDD0];
	_ =	sdelay $0x3  }
0x283: {  	v15 =	vmul.bf16 v15, v11;
	v16 =	vmul.bf16 v16, v12  }
0x284: {  	v17 =	vmul.bf16 v42, v13;
	v18 =	vmul.bf16 v43, v14;
	_ =	sdelay $0x1  }
0x285: {  	v15 =	vadd.bf16 v16, v15;
	v44 =	vadd.bf16 v18, v17;
	_ =	sdelay $0x1  }
0x286: {  	v15 =	vadd.bf16 v44, v15;
	_ =	sdelay $0x1  }
0x287: {  	v16 =	vunpack.i.l.bf16.f32 v15  }
0x288: {  	v15 =	vunpack.i.u.bf16.f32 v15;
	[tilespmem:s0+$0xFFFFFE50] =	vst v16  }
0x289: {  	[tilespmem:s0+$0xFFFFFED0] =	vst v15  }
0x28a: {  	v15 =	vld [tilespmem:s1+$0xFFFFFC60]  }
0x28b: {  	v16 =	vld [tilespmem:s1+$0xFFFFFCE0]  }
0x28c: {  	v45 =	vld [tilespmem:s1+$0xFFFFFD60]  }
0x28d: {  	v46 =	vld [tilespmem:s1+$0xFFFFFDE0];
	_ =	sdelay $0x3  }
0x28e: {  	v15 =	vmul.bf16 v15, v11;
	v16 =	vmul.bf16 v16, v12  }
0x28f: {  	v17 =	vmul.bf16 v45, v13;
	v18 =	vmul.bf16 v46, v14;
	_ =	sdelay $0x1  }
0x290: {  	v15 =	vadd.bf16 v16, v15;
	v47 =	vadd.bf16 v18, v17;
	_ =	sdelay $0x1  }
0x291: {  	v15 =	vadd.bf16 v47, v15;
	_ =	sdelay $0x1  }
0x292: {  	v16 =	vunpack.i.l.bf16.f32 v15  }
0x293: {  	v15 =	vunpack.i.u.bf16.f32 v15;
	[tilespmem:s0+$0xFFFFFE60] =	vst v16  }
0x294: {  	[tilespmem:s0+$0xFFFFFEE0] =	vst v15  }
0x295: {  	v15 =	vld [tilespmem:s1+$0xFFFFFC70]  }
0x296: {  	v16 =	vld [tilespmem:s1+$0xFFFFFCF0]  }
0x297: {  	v48 =	vld [tilespmem:s1+$0xFFFFFD70]  }
0x298: {  	v49 =	vld [tilespmem:s1+$0xFFFFFDF0];
	_ =	sdelay $0x3  }
0x299: {  	v11 =	vmul.bf16 v15, v11;
	v12 =	vmul.bf16 v16, v12  }
0x29a: {  	v13 =	vmul.bf16 v48, v13;
	v14 =	vmul.bf16 v49, v14;
	_ =	sdelay $0x1  }
0x29b: {  	v11 =	vadd.bf16 v12, v11;
	v50 =	vadd.bf16 v14, v13  }
0x29c: {  	s6 =	sadd.s32 $0x4, s30  }
0x29d: {  	v51 =	vmov s6;
	v11 =	vadd.bf16 v50, v11  }
0x29e: {  	v52 =	vor.u32 $0x1, v51  }
0x29f: {  	v54 =	vor.u32 $0x2, v51;
	v53 =	vunpack.i.l.bf16.f32 v11  }
0x2a0: {  	v55 =	vor.u32 $0x3, v51;
	v11 =	vunpack.i.u.bf16.f32 v11;
	[tilespmem:s0+$0xFFFFFE70] =	vst v53  }
0x2a1: {  	[tilespmem:s0+$0xFFFFFEF0] =	vst v11  }
0x2a2: {  	v11 =	vld.idx.msk [tilespmem:v51+s17+$0x0], $0xffff  }
0x2a3: {  	v56 =	vld.idx.msk [tilespmem:v52+s17+$0x0], $0xffff  }
0x2a4: {  	v57 =	vld.idx.msk [tilespmem:v54+s17+$0x0], $0xffff  }
0x2a5: {  	v14 =	vld.idx.msk [tilespmem:v55+s17+$0x0], $0xffff  }
0x2a6: {  	v58 =	vld [tilespmem:s1+$0xFFFFFE00]  }
0x2a7: {  	v59 =	vld [tilespmem:s1+$0xFFFFFE80]  }
0x2a8: {  	v60 =	vld [tilespmem:s1+$0xFFFFFF00]  }
0x2a9: {  	v61 =	vld [tilespmem:s1+$0xFFFFFF80];
	_ =	sdelay $0x2  }
0x2aa: {  	v11 =	vpack.i.f32.bf16 v11, v11;
	v12 =	vpack.i.f32.bf16 v56, v56;
	v13 =	vpack.i.f32.bf16 v57, v57  }
0x2ab: {  	v14 =	vpack.i.f32.bf16 v14, v14;
	v15 =	vmul.bf16 v58, v11;
	v16 =	vmul.bf16 v59, v12  }
0x2ac: {  	v17 =	vmul.bf16 v60, v13;
	v18 =	vmul.bf16 v61, v14;
	_ =	sdelay $0x1  }
0x2ad: {  	v15 =	vadd.bf16 v16, v15;
	v62 =	vadd.bf16 v18, v17;
	_ =	sdelay $0x1  }
0x2ae: {  	v15 =	vadd.bf16 v62, v15;
	_ =	sdelay $0x1  }
0x2af: {  	v16 =	vunpack.i.l.bf16.f32 v15  }
0x2b0: {  	v15 =	vunpack.i.u.bf16.f32 v15;
	[tilespmem:s0+$0xFFFFFF00] =	vst v16  }
0x2b1: {  	[tilespmem:s0+$0xFFFFFF80] =	vst v15  }
0x2b2: {  	v15 =	vld [tilespmem:s1+$0xFFFFFE10]  }
0x2b3: {  	v16 =	vld [tilespmem:s1+$0xFFFFFE90]  }
0x2b4: {  	v63 =	vld [tilespmem:s1+$0xFFFFFF10]  }
0x2b5: {  	v21 =	vld [tilespmem:s1+$0xFFFFFF90];
	_ =	sdelay $0x3  }
0x2b6: {  	v15 =	vmul.bf16 v15, v11;
	v16 =	vmul.bf16 v16, v12  }
0x2b7: {  	v17 =	vmul.bf16 v63, v13;
	v18 =	vmul.bf16 v21, v14;
	_ =	sdelay $0x1  }
0x2b8: {  	v15 =	vadd.bf16 v16, v15;
	v22 =	vadd.bf16 v18, v17;
	_ =	sdelay $0x1  }
0x2b9: {  	v15 =	vadd.bf16 v22, v15;
	_ =	sdelay $0x1  }
0x2ba: {  	v16 =	vunpack.i.l.bf16.f32 v15  }
0x2bb: {  	v15 =	vunpack.i.u.bf16.f32 v15;
	[tilespmem:s0+$0xFFFFFF10] =	vst v16  }
0x2bc: {  	[tilespmem:s0+$0xFFFFFF90] =	vst v15  }
0x2bd: {  	v15 =	vld [tilespmem:s1+$0xFFFFFE20]  }
0x2be: {  	v16 =	vld [tilespmem:s1+$0xFFFFFEA0]  }
0x2bf: {  	v23 =	vld [tilespmem:s1+$0xFFFFFF20]  }
0x2c0: {  	v24 =	vld [tilespmem:s1+$0xFFFFFFA0];
	_ =	sdelay $0x3  }
0x2c1: {  	v15 =	vmul.bf16 v15, v11;
	v16 =	vmul.bf16 v16, v12  }
0x2c2: {  	v17 =	vmul.bf16 v23, v13;
	v18 =	vmul.bf16 v24, v14;
	_ =	sdelay $0x1  }
0x2c3: {  	v15 =	vadd.bf16 v16, v15;
	v25 =	vadd.bf16 v18, v17;
	_ =	sdelay $0x1  }
0x2c4: {  	v15 =	vadd.bf16 v25, v15;
	_ =	sdelay $0x1  }
0x2c5: {  	v16 =	vunpack.i.l.bf16.f32 v15  }
0x2c6: {  	v15 =	vunpack.i.u.bf16.f32 v15;
	[tilespmem:s0+$0xFFFFFF20] =	vst v16  }
0x2c7: {  	[tilespmem:s0+$0xFFFFFFA0] =	vst v15  }
0x2c8: {  	v15 =	vld [tilespmem:s1+$0xFFFFFE30]  }
0x2c9: {  	v16 =	vld [tilespmem:s1+$0xFFFFFEB0]  }
0x2ca: {  	v26 =	vld [tilespmem:s1+$0xFFFFFF30]  }
0x2cb: {  	v27 =	vld [tilespmem:s1+$0xFFFFFFB0];
	_ =	sdelay $0x3  }
0x2cc: {  	v15 =	vmul.bf16 v15, v11;
	v16 =	vmul.bf16 v16, v12  }
0x2cd: {  	v17 =	vmul.bf16 v26, v13;
	v18 =	vmul.bf16 v27, v14;
	_ =	sdelay $0x1  }
0x2ce: {  	v15 =	vadd.bf16 v16, v15;
	v28 =	vadd.bf16 v18, v17;
	_ =	sdelay $0x1  }
0x2cf: {  	v15 =	vadd.bf16 v28, v15;
	_ =	sdelay $0x1  }
0x2d0: {  	v16 =	vunpack.i.l.bf16.f32 v15  }
0x2d1: {  	v15 =	vunpack.i.u.bf16.f32 v15;
	[tilespmem:s0+$0xFFFFFF30] =	vst v16  }
0x2d2: {  	[tilespmem:s0+$0xFFFFFFB0] =	vst v15  }
0x2d3: {  	v15 =	vld [tilespmem:s1+$0xFFFFFE40]  }
0x2d4: {  	v16 =	vld [tilespmem:s1+$0xFFFFFEC0]  }
0x2d5: {  	v29 =	vld [tilespmem:s1+$0xFFFFFF40]  }
0x2d6: {  	v30 =	vld [tilespmem:s1+$0xFFFFFFC0];
	_ =	sdelay $0x3  }
0x2d7: {  	v15 =	vmul.bf16 v15, v11;
	v16 =	vmul.bf16 v16, v12  }
0x2d8: {  	v17 =	vmul.bf16 v29, v13;
	v18 =	vmul.bf16 v30, v14;
	_ =	sdelay $0x1  }
0x2d9: {  	v15 =	vadd.bf16 v16, v15;
	v31 =	vadd.bf16 v18, v17;
	_ =	sdelay $0x1  }
0x2da: {  	v15 =	vadd.bf16 v31, v15;
	_ =	sdelay $0x1  }
0x2db: {  	v16 =	vunpack.i.l.bf16.f32 v15  }
0x2dc: {  	v15 =	vunpack.i.u.bf16.f32 v15;
	[tilespmem:s0+$0xFFFFFF40] =	vst v16  }
0x2dd: {  	[tilespmem:s0+$0xFFFFFFC0] =	vst v15  }
0x2de: {  	v15 =	vld [tilespmem:s1+$0xFFFFFE50]  }
0x2df: {  	v16 =	vld [tilespmem:s1+$0xFFFFFED0]  }
0x2e0: {  	v32 =	vld [tilespmem:s1+$0xFFFFFF50]  }
0x2e1: {  	v33 =	vld [tilespmem:s1+$0xFFFFFFD0];
	_ =	sdelay $0x3  }
0x2e2: {  	v15 =	vmul.bf16 v15, v11;
	v16 =	vmul.bf16 v16, v12  }
0x2e3: {  	v17 =	vmul.bf16 v32, v13;
	v18 =	vmul.bf16 v33, v14;
	_ =	sdelay $0x1  }
0x2e4: {  	v15 =	vadd.bf16 v16, v15;
	v34 =	vadd.bf16 v18, v17;
	_ =	sdelay $0x1  }
0x2e5: {  	v15 =	vadd.bf16 v34, v15;
	_ =	sdelay $0x1  }
0x2e6: {  	v16 =	vunpack.i.l.bf16.f32 v15  }
0x2e7: {  	v15 =	vunpack.i.u.bf16.f32 v15;
	[tilespmem:s0+$0xFFFFFF50] =	vst v16  }
0x2e8: {  	[tilespmem:s0+$0xFFFFFFD0] =	vst v15  }
0x2e9: {  	v15 =	vld [tilespmem:s1+$0xFFFFFE60]  }
0x2ea: {  	v16 =	vld [tilespmem:s1+$0xFFFFFEE0]  }
0x2eb: {  	v35 =	vld [tilespmem:s1+$0xFFFFFF60]  }
0x2ec: {  	v36 =	vld [tilespmem:s1+$0xFFFFFFE0];
	_ =	sdelay $0x3  }
0x2ed: {  	v15 =	vmul.bf16 v15, v11;
	v16 =	vmul.bf16 v16, v12  }
0x2ee: {  	v17 =	vmul.bf16 v35, v13;
	v18 =	vmul.bf16 v36, v14;
	_ =	sdelay $0x1  }
0x2ef: {  	v15 =	vadd.bf16 v16, v15;
	v37 =	vadd.bf16 v18, v17;
	_ =	sdelay $0x1  }
0x2f0: {  	v15 =	vadd.bf16 v37, v15;
	_ =	sdelay $0x1  }
0x2f1: {  	v16 =	vunpack.i.l.bf16.f32 v15  }
0x2f2: {  	v15 =	vunpack.i.u.bf16.f32 v15;
	[tilespmem:s0+$0xFFFFFF60] =	vst v16  }
0x2f3: {  	[tilespmem:s0+$0xFFFFFFE0] =	vst v15  }
0x2f4: {  	v15 =	vld [tilespmem:s1+$0xFFFFFE70]  }
0x2f5: {  	v16 =	vld [tilespmem:s1+$0xFFFFFEF0]  }
0x2f6: {  	v38 =	vld [tilespmem:s1+$0xFFFFFF70]  }
0x2f7: {  	v39 =	vld [tilespmem:s1+$0xFFFFFFF0];
	_ =	sdelay $0x3  }
0x2f8: {  	v11 =	vmul.bf16 v15, v11;
	v12 =	vmul.bf16 v16, v12  }
0x2f9: {  	v13 =	vmul.bf16 v38, v13;
	v14 =	vmul.bf16 v39, v14;
	_ =	sdelay $0x1  }
0x2fa: {  	v11 =	vadd.bf16 v12, v11;
	v40 =	vadd.bf16 v14, v13  }
0x2fb: {  	s31 =	sadd.s32 $0x8, s30  }
0x2fc: {  	v41 =	vmov s31;
	v11 =	vadd.bf16 v40, v11  }
0x2fd: {  	v42 =	vor.u32 $0x1, v41  }
0x2fe: {  	v44 =	vor.u32 $0x2, v41;
	v43 =	vunpack.i.l.bf16.f32 v11  }
0x2ff: {  	v45 =	vor.u32 $0x3, v41;
	v11 =	vunpack.i.u.bf16.f32 v11;
	[tilespmem:s0+$0xFFFFFF70] =	vst v43  }
0x300: {  	[tilespmem:s0+$0xFFFFFFF0] =	vst v11  }
0x301: {  	v11 =	vld.idx.msk [tilespmem:v41+s17+$0x0], $0xffff  }
0x302: {  	v46 =	vld.idx.msk [tilespmem:v42+s17+$0x0], $0xffff  }
0x303: {  	v47 =	vld.idx.msk [tilespmem:v44+s17+$0x0], $0xffff  }
0x304: {  	v14 =	vld.idx.msk [tilespmem:v45+s17+$0x0], $0xffff  }
0x305: {  	v48 =	vld [tilespmem:s1+$0x0]  }
0x306: {  	v49 =	vld [tilespmem:s1+$0x80]  }
0x307: {  	v50 =	vld [tilespmem:s1+$0x100]  }
0x308: {  	v51 =	vld [tilespmem:s1+$0x180];
	_ =	sdelay $0x2  }
0x309: {  	v11 =	vpack.i.f32.bf16 v11, v11;
	v12 =	vpack.i.f32.bf16 v46, v46;
	v13 =	vpack.i.f32.bf16 v47, v47  }
0x30a: {  	v14 =	vpack.i.f32.bf16 v14, v14;
	v15 =	vmul.bf16 v48, v11;
	v16 =	vmul.bf16 v49, v12  }
0x30b: {  	v17 =	vmul.bf16 v50, v13;
	v18 =	vmul.bf16 v51, v14;
	_ =	sdelay $0x1  }
0x30c: {  	v15 =	vadd.bf16 v16, v15;
	v52 =	vadd.bf16 v18, v17;
	_ =	sdelay $0x1  }
0x30d: {  	v15 =	vadd.bf16 v52, v15;
	_ =	sdelay $0x1  }
0x30e: {  	v16 =	vunpack.i.l.bf16.f32 v15  }
0x30f: {  	v15 =	vunpack.i.u.bf16.f32 v15;
	[tilespmem:s0+$0x0] =	vst v16  }
0x310: {  	[tilespmem:s0+$0x80] =	vst v15  }
0x311: {  	v15 =	vld [tilespmem:s1+$0x10]  }
0x312: {  	v16 =	vld [tilespmem:s1+$0x90]  }
0x313: {  	v53 =	vld [tilespmem:s1+$0x110]  }
0x314: {  	v54 =	vld [tilespmem:s1+$0x190];
	_ =	sdelay $0x3  }
0x315: {  	v15 =	vmul.bf16 v15, v11;
	v16 =	vmul.bf16 v16, v12  }
0x316: {  	v17 =	vmul.bf16 v53, v13;
	v18 =	vmul.bf16 v54, v14;
	_ =	sdelay $0x1  }
0x317: {  	v15 =	vadd.bf16 v16, v15;
	v55 =	vadd.bf16 v18, v17;
	_ =	sdelay $0x1  }
0x318: {  	v15 =	vadd.bf16 v55, v15;
	_ =	sdelay $0x1  }
0x319: {  	v16 =	vunpack.i.l.bf16.f32 v15  }
0x31a: {  	v15 =	vunpack.i.u.bf16.f32 v15;
	[tilespmem:s0+$0x10] =	vst v16  }
0x31b: {  	[tilespmem:s0+$0x90] =	vst v15  }
0x31c: {  	v15 =	vld [tilespmem:s1+$0x20]  }
0x31d: {  	v16 =	vld [tilespmem:s1+$0xA0]  }
0x31e: {  	v56 =	vld [tilespmem:s1+$0x120]  }
0x31f: {  	v57 =	vld [tilespmem:s1+$0x1A0];
	_ =	sdelay $0x3  }
0x320: {  	v15 =	vmul.bf16 v15, v11;
	v16 =	vmul.bf16 v16, v12  }
0x321: {  	v17 =	vmul.bf16 v56, v13;
	v18 =	vmul.bf16 v57, v14;
	_ =	sdelay $0x1  }
0x322: {  	v15 =	vadd.bf16 v16, v15;
	v58 =	vadd.bf16 v18, v17;
	_ =	sdelay $0x1  }
0x323: {  	v15 =	vadd.bf16 v58, v15;
	_ =	sdelay $0x1  }
0x324: {  	v16 =	vunpack.i.l.bf16.f32 v15  }
0x325: {  	v15 =	vunpack.i.u.bf16.f32 v15;
	[tilespmem:s0+$0x20] =	vst v16  }
0x326: {  	[tilespmem:s0+$0xA0] =	vst v15  }
0x327: {  	v15 =	vld [tilespmem:s1+$0x30]  }
0x328: {  	v16 =	vld [tilespmem:s1+$0xB0]  }
0x329: {  	v59 =	vld [tilespmem:s1+$0x130]  }
0x32a: {  	v60 =	vld [tilespmem:s1+$0x1B0];
	_ =	sdelay $0x3  }
0x32b: {  	v15 =	vmul.bf16 v15, v11;
	v16 =	vmul.bf16 v16, v12  }
0x32c: {  	v17 =	vmul.bf16 v59, v13;
	v18 =	vmul.bf16 v60, v14;
	_ =	sdelay $0x1  }
0x32d: {  	v15 =	vadd.bf16 v16, v15;
	v61 =	vadd.bf16 v18, v17;
	_ =	sdelay $0x1  }
0x32e: {  	v15 =	vadd.bf16 v61, v15;
	_ =	sdelay $0x1  }
0x32f: {  	v16 =	vunpack.i.l.bf16.f32 v15  }
0x330: {  	v15 =	vunpack.i.u.bf16.f32 v15;
	[tilespmem:s0+$0x30] =	vst v16  }
0x331: {  	[tilespmem:s0+$0xB0] =	vst v15  }
0x332: {  	v15 =	vld [tilespmem:s1+$0x40]  }
0x333: {  	v16 =	vld [tilespmem:s1+$0xC0]  }
0x334: {  	v62 =	vld [tilespmem:s1+$0x140]  }
0x335: {  	v63 =	vld [tilespmem:s1+$0x1C0];
	_ =	sdelay $0x3  }
0x336: {  	v15 =	vmul.bf16 v15, v11;
	v16 =	vmul.bf16 v16, v12  }
0x337: {  	v17 =	vmul.bf16 v62, v13;
	v18 =	vmul.bf16 v63, v14;
	_ =	sdelay $0x1  }
0x338: {  	v15 =	vadd.bf16 v16, v15;
	v21 =	vadd.bf16 v18, v17;
	_ =	sdelay $0x1  }
0x339: {  	v15 =	vadd.bf16 v21, v15;
	_ =	sdelay $0x1  }
0x33a: {  	v16 =	vunpack.i.l.bf16.f32 v15  }
0x33b: {  	v15 =	vunpack.i.u.bf16.f32 v15;
	[tilespmem:s0+$0x40] =	vst v16  }
0x33c: {  	[tilespmem:s0+$0xC0] =	vst v15  }
0x33d: {  	v15 =	vld [tilespmem:s1+$0x50]  }
0x33e: {  	v16 =	vld [tilespmem:s1+$0xD0]  }
0x33f: {  	v22 =	vld [tilespmem:s1+$0x150]  }
0x340: {  	v23 =	vld [tilespmem:s1+$0x1D0];
	_ =	sdelay $0x3  }
0x341: {  	v15 =	vmul.bf16 v15, v11;
	v16 =	vmul.bf16 v16, v12  }
0x342: {  	v17 =	vmul.bf16 v22, v13;
	v18 =	vmul.bf16 v23, v14;
	_ =	sdelay $0x1  }
0x343: {  	v15 =	vadd.bf16 v16, v15;
	v24 =	vadd.bf16 v18, v17;
	_ =	sdelay $0x1  }
0x344: {  	v15 =	vadd.bf16 v24, v15;
	_ =	sdelay $0x1  }
0x345: {  	v16 =	vunpack.i.l.bf16.f32 v15  }
0x346: {  	v15 =	vunpack.i.u.bf16.f32 v15;
	[tilespmem:s0+$0x50] =	vst v16  }
0x347: {  	[tilespmem:s0+$0xD0] =	vst v15  }
0x348: {  	v15 =	vld [tilespmem:s1+$0x60]  }
0x349: {  	v16 =	vld [tilespmem:s1+$0xE0]  }
0x34a: {  	v25 =	vld [tilespmem:s1+$0x160]  }
0x34b: {  	v26 =	vld [tilespmem:s1+$0x1E0];
	_ =	sdelay $0x3  }
0x34c: {  	v15 =	vmul.bf16 v15, v11;
	v16 =	vmul.bf16 v16, v12  }
0x34d: {  	v17 =	vmul.bf16 v25, v13;
	v18 =	vmul.bf16 v26, v14;
	_ =	sdelay $0x1  }
0x34e: {  	v15 =	vadd.bf16 v16, v15;
	v27 =	vadd.bf16 v18, v17;
	_ =	sdelay $0x1  }
0x34f: {  	v15 =	vadd.bf16 v27, v15;
	_ =	sdelay $0x1  }
0x350: {  	v16 =	vunpack.i.l.bf16.f32 v15  }
0x351: {  	v15 =	vunpack.i.u.bf16.f32 v15;
	[tilespmem:s0+$0x60] =	vst v16  }
0x352: {  	[tilespmem:s0+$0xE0] =	vst v15  }
0x353: {  	v15 =	vld [tilespmem:s1+$0x70]  }
0x354: {  	v16 =	vld [tilespmem:s1+$0xF0]  }
0x355: {  	v28 =	vld [tilespmem:s1+$0x170]  }
0x356: {  	v29 =	vld [tilespmem:s1+$0x1F0];
	_ =	sdelay $0x3  }
0x357: {  	v11 =	vmul.bf16 v15, v11;
	v12 =	vmul.bf16 v16, v12  }
0x358: {  	v13 =	vmul.bf16 v28, v13;
	v14 =	vmul.bf16 v29, v14;
	_ =	sdelay $0x1  }
0x359: {  	v11 =	vadd.bf16 v12, v11;
	v30 =	vadd.bf16 v14, v13  }
0x35a: {  	s31 =	sadd.s32 $0xC, s30  }
0x35b: {  	v31 =	vmov s31;
	v11 =	vadd.bf16 v30, v11  }
0x35c: {  	v32 =	vor.u32 $0x1, v31  }
0x35d: {  	v34 =	vor.u32 $0x2, v31;
	v33 =	vunpack.i.l.bf16.f32 v11  }
0x35e: {  	v35 =	vor.u32 $0x3, v31;
	v11 =	vunpack.i.u.bf16.f32 v11;
	[tilespmem:s0+$0x70] =	vst v33  }
0x35f: {  	[tilespmem:s0+$0xF0] =	vst v11  }
0x360: {  	v11 =	vld.idx.msk [tilespmem:v31+s17+$0x0], $0xffff  }
0x361: {  	v36 =	vld.idx.msk [tilespmem:v32+s17+$0x0], $0xffff  }
0x362: {  	v37 =	vld.idx.msk [tilespmem:v34+s17+$0x0], $0xffff  }
0x363: {  	v14 =	vld.idx.msk [tilespmem:v35+s17+$0x0], $0xffff  }
0x364: {  	v38 =	vld [tilespmem:s1+$0x200]  }
0x365: {  	v39 =	vld [tilespmem:s1+$0x280]  }
0x366: {  	v40 =	vld [tilespmem:s1+$0x300]  }
0x367: {  	v41 =	vld [tilespmem:s1+$0x380];
	_ =	sdelay $0x2  }
0x368: {  	v11 =	vpack.i.f32.bf16 v11, v11;
	v12 =	vpack.i.f32.bf16 v36, v36;
	v13 =	vpack.i.f32.bf16 v37, v37  }
0x369: {  	v14 =	vpack.i.f32.bf16 v14, v14;
	v15 =	vmul.bf16 v38, v11;
	v16 =	vmul.bf16 v39, v12  }
0x36a: {  	v17 =	vmul.bf16 v40, v13;
	v18 =	vmul.bf16 v41, v14;
	_ =	sdelay $0x1  }
0x36b: {  	v15 =	vadd.bf16 v16, v15;
	v42 =	vadd.bf16 v18, v17;
	_ =	sdelay $0x1  }
0x36c: {  	v15 =	vadd.bf16 v42, v15;
	_ =	sdelay $0x1  }
0x36d: {  	v16 =	vunpack.i.l.bf16.f32 v15  }
0x36e: {  	v15 =	vunpack.i.u.bf16.f32 v15;
	[tilespmem:s0+$0x100] =	vst v16  }
0x36f: {  	[tilespmem:s0+$0x180] =	vst v15  }
0x370: {  	v15 =	vld [tilespmem:s1+$0x210]  }
0x371: {  	v16 =	vld [tilespmem:s1+$0x290]  }
0x372: {  	v43 =	vld [tilespmem:s1+$0x310]  }
0x373: {  	v44 =	vld [tilespmem:s1+$0x390];
	_ =	sdelay $0x3  }
0x374: {  	v15 =	vmul.bf16 v15, v11;
	v16 =	vmul.bf16 v16, v12  }
0x375: {  	v17 =	vmul.bf16 v43, v13;
	v18 =	vmul.bf16 v44, v14;
	_ =	sdelay $0x1  }
0x376: {  	v15 =	vadd.bf16 v16, v15;
	v45 =	vadd.bf16 v18, v17;
	_ =	sdelay $0x1  }
0x377: {  	v15 =	vadd.bf16 v45, v15;
	_ =	sdelay $0x1  }
0x378: {  	v16 =	vunpack.i.l.bf16.f32 v15  }
0x379: {  	v15 =	vunpack.i.u.bf16.f32 v15;
	[tilespmem:s0+$0x110] =	vst v16  }
0x37a: {  	[tilespmem:s0+$0x190] =	vst v15  }
0x37b: {  	v15 =	vld [tilespmem:s1+$0x220]  }
0x37c: {  	v16 =	vld [tilespmem:s1+$0x2A0]  }
0x37d: {  	v46 =	vld [tilespmem:s1+$0x320]  }
0x37e: {  	v47 =	vld [tilespmem:s1+$0x3A0];
	_ =	sdelay $0x3  }
0x37f: {  	v15 =	vmul.bf16 v15, v11;
	v16 =	vmul.bf16 v16, v12  }
0x380: {  	v17 =	vmul.bf16 v46, v13;
	v18 =	vmul.bf16 v47, v14;
	_ =	sdelay $0x1  }
0x381: {  	v15 =	vadd.bf16 v16, v15;
	v48 =	vadd.bf16 v18, v17;
	_ =	sdelay $0x1  }
0x382: {  	v15 =	vadd.bf16 v48, v15;
	_ =	sdelay $0x1  }
0x383: {  	v16 =	vunpack.i.l.bf16.f32 v15  }
0x384: {  	v15 =	vunpack.i.u.bf16.f32 v15;
	[tilespmem:s0+$0x120] =	vst v16  }
0x385: {  	[tilespmem:s0+$0x1A0] =	vst v15  }
0x386: {  	v15 =	vld [tilespmem:s1+$0x230]  }
0x387: {  	v16 =	vld [tilespmem:s1+$0x2B0]  }
0x388: {  	v49 =	vld [tilespmem:s1+$0x330]  }
0x389: {  	v50 =	vld [tilespmem:s1+$0x3B0];
	_ =	sdelay $0x3  }
0x38a: {  	v15 =	vmul.bf16 v15, v11;
	v16 =	vmul.bf16 v16, v12  }
0x38b: {  	v17 =	vmul.bf16 v49, v13;
	v18 =	vmul.bf16 v50, v14;
	_ =	sdelay $0x1  }
0x38c: {  	v15 =	vadd.bf16 v16, v15;
	v51 =	vadd.bf16 v18, v17;
	_ =	sdelay $0x1  }
0x38d: {  	v15 =	vadd.bf16 v51, v15;
	_ =	sdelay $0x1  }
0x38e: {  	v16 =	vunpack.i.l.bf16.f32 v15  }
0x38f: {  	v15 =	vunpack.i.u.bf16.f32 v15;
	[tilespmem:s0+$0x130] =	vst v16  }
0x390: {  	[tilespmem:s0+$0x1B0] =	vst v15  }
0x391: {  	v15 =	vld [tilespmem:s1+$0x240]  }
0x392: {  	v16 =	vld [tilespmem:s1+$0x2C0]  }
0x393: {  	v52 =	vld [tilespmem:s1+$0x340]  }
0x394: {  	v53 =	vld [tilespmem:s1+$0x3C0];
	_ =	sdelay $0x3  }
0x395: {  	v15 =	vmul.bf16 v15, v11;
	v16 =	vmul.bf16 v16, v12  }
0x396: {  	v17 =	vmul.bf16 v52, v13;
	v18 =	vmul.bf16 v53, v14;
	_ =	sdelay $0x1  }
0x397: {  	v15 =	vadd.bf16 v16, v15;
	v54 =	vadd.bf16 v18, v17;
	_ =	sdelay $0x1  }
0x398: {  	v15 =	vadd.bf16 v54, v15;
	_ =	sdelay $0x1  }
0x399: {  	v16 =	vunpack.i.l.bf16.f32 v15  }
0x39a: {  	v15 =	vunpack.i.u.bf16.f32 v15;
	[tilespmem:s0+$0x140] =	vst v16  }
0x39b: {  	[tilespmem:s0+$0x1C0] =	vst v15  }
0x39c: {  	v15 =	vld [tilespmem:s1+$0x250]  }
0x39d: {  	v16 =	vld [tilespmem:s1+$0x2D0]  }
0x39e: {  	v55 =	vld [tilespmem:s1+$0x350]  }
0x39f: {  	v56 =	vld [tilespmem:s1+$0x3D0];
	_ =	sdelay $0x3  }
0x3a0: {  	v15 =	vmul.bf16 v15, v11;
	v16 =	vmul.bf16 v16, v12  }
0x3a1: {  	v17 =	vmul.bf16 v55, v13;
	v18 =	vmul.bf16 v56, v14;
	_ =	sdelay $0x1  }
0x3a2: {  	v15 =	vadd.bf16 v16, v15;
	v57 =	vadd.bf16 v18, v17;
	_ =	sdelay $0x1  }
0x3a3: {  	v15 =	vadd.bf16 v57, v15;
	_ =	sdelay $0x1  }
0x3a4: {  	v16 =	vunpack.i.l.bf16.f32 v15  }
0x3a5: {  	v15 =	vunpack.i.u.bf16.f32 v15;
	[tilespmem:s0+$0x150] =	vst v16  }
0x3a6: {  	[tilespmem:s0+$0x1D0] =	vst v15  }
0x3a7: {  	v15 =	vld [tilespmem:s1+$0x260]  }
0x3a8: {  	v16 =	vld [tilespmem:s1+$0x2E0]  }
0x3a9: {  	v58 =	vld [tilespmem:s1+$0x360]  }
0x3aa: {  	v59 =	vld [tilespmem:s1+$0x3E0];
	_ =	sdelay $0x3  }
0x3ab: {  	v15 =	vmul.bf16 v15, v11;
	v16 =	vmul.bf16 v16, v12  }
0x3ac: {  	v17 =	vmul.bf16 v58, v13;
	v18 =	vmul.bf16 v59, v14;
	_ =	sdelay $0x1  }
0x3ad: {  	v15 =	vadd.bf16 v16, v15;
	v60 =	vadd.bf16 v18, v17;
	_ =	sdelay $0x1  }
0x3ae: {  	v15 =	vadd.bf16 v60, v15;
	_ =	sdelay $0x1  }
0x3af: {  	v16 =	vunpack.i.l.bf16.f32 v15  }
0x3b0: {  	v15 =	vunpack.i.u.bf16.f32 v15;
	[tilespmem:s0+$0x160] =	vst v16  }
0x3b1: {  	[tilespmem:s0+$0x1E0] =	vst v15  }
0x3b2: {  	v15 =	vld [tilespmem:s1+$0x270]  }
0x3b3: {  	v16 =	vld [tilespmem:s1+$0x2F0]  }
0x3b4: {  	v61 =	vld [tilespmem:s1+$0x370]  }
0x3b5: {  	v62 =	vld [tilespmem:s1+$0x3F0];
	_ =	sdelay $0x3  }
0x3b6: {  	v11 =	vmul.bf16 v15, v11;
	v12 =	vmul.bf16 v16, v12  }
0x3b7: {  	v13 =	vmul.bf16 v61, v13;
	v14 =	vmul.bf16 v62, v14;
	_ =	sdelay $0x1  }
0x3b8: {  	s29 =	sadd.s32 $0x4, s29;
	v11 =	vadd.bf16 v12, v11;
	v63 =	vadd.bf16 v14, v13  }
0x3b9: {  	p0 =	slt.u32 s29, $0xC  }
.Ltmp9:
0x3ba: {  	v11 =	vadd.bf16 v63, v11;
	(pc) =	sbr.rel @p0 .LBB2_12-.Ltmp9, $4  }
0x3bb: {  	_ = 	snop  }
0x3bc: {  	v12 =	vunpack.i.l.bf16.f32 v11  }
0x3bd: {  	v11 =	vunpack.i.u.bf16.f32 v11;
	[tilespmem:s0+$0x170] =	vst v12  }
0x3be: {  	s30 =	sadd.s32 $0x10, s30;
	s1 =	sadd.s32 $0x800, s1;
	[tilespmem:s0+$0x1F0] =	vst v11;
	s0 =	sadd.s32 $0x400, s0  }
.Ltmp10:
0x3bf: {  	s0 =	sadd.s32 s4, s28;
	(pc) =	sbr.rel .LBB2_14-.Ltmp10, $4  }
0x3c0: {  	s0 =	sshll.u32 s0, $0x9  }
0x3c1: {  	s0 =	sand.u32 $0x1FFFFE00, s0  }
0x3c2: {  	s0 =	sadd.s32 s2, s0  }
0x3c3: {  	[hbm4b:s0+s3] =	stream.linear.scatter [tilespmem:s22], [sflag:$0x4], $0x1000, $0x38;
	[tilespmem:$0x8200] =	vst v63  }
.LBB2_16:
0x3c4: {  	_ =	sfence.sel $0x180000  }
0x3c5: {  	[bflag:$0x0] =	sbarrier.arrive $0xFFFF  }
0x3c6: {  	_ =	strace $0x90000047  }
0x3c7: {  	s0 =	stileid.u32;
	[bflag:$0x2] =	sbarrier.arrive $0xFFFF  }
0x3c8: {  	p0 =	sne.s32 s0, $0x0;
	s0 =	rddreg [dreg:$0x2]  }
0x3c9: {  	s0 =	sadd.s32 @!p0 $0x100000, s0  }
0x3ca: {  	[sflag:s0] =	ssyncadd.tile.s32 @!p0 $0x1;
	_ =	shalt  }
.Lfunc_end2:
_tile_overlayer_lowered:
.L_overlay_start_2:
0x3cb: {  	(tag) =	ssettag $0x2  }
0x3cc: {  	s0 =	rddreg [dreg:$0x0];
	s2 =	stileid.u32  }
0x3cd: {  	s1 =	rddreg [dreg:$0x1];
	p0 =	sne.s32 s2, $0x0  }
0x3ce: {  	s3 =	rddreg [dreg:$0x2];
	[bflag:$0x3] =	sbarrier.arrive $0xFFFF;
	s2 =	simm.s32 @!p0 $0x1C05  }
0x3cf: {  	[timem:s3], [sflag:s2] =	dma.local @!p0 [hbm:s0], s1  }
0x3d0: {  	s0 =	simm.s32 @!p0 $0x5  }
0x3d1: {  	_ =	swait.ge @!p0 [sflag:s0], s1  }
0x3d2: {  	s1 =	ssub.s32 @!p0 $0x0, s1;
	[sflag:s0] =	ssyncset.done @!p0 $0x0  }
0x3d3: {  	[sflag:s0] =	ssyncadd.s32 @!p0 s1  }
0x3d4: {  	[bflag:$0x3] =	sbarrier.arrive $0xFFFF  }
0x3d5: {  	_ =	shalt  }

// kernel: sparse-core-data-format-call.cloned.1.call-start
scs
called_computation_lowered:
.L_overlay_start_0:
0x0: {  	s2 =	sld [smem:$0x3FD9]  }
0x1: {  	s3 =	sld [smem:$0x3FFE];
	_ =	sdelay $0x1  }
0x2: {  	s1 =	srdreg.scid  }
0x3: {  	s0 =	sand.u32 $0x1, s1  }
0x4: {  	s18 =	sshll.u32 s0, $0xA;
	s2 =	sadd.s32 s3, s2  }
0x5: {  	s2 =	sadd.s32 s2, s18  }
0x6: {  	[smem:$0x3FC6] =	sst s2  }
0x7: {  	_ = 	snop  }
0x8: {  	s2 =	sld [smem:$0x3FD0];
	(tm) =	ssettm $0x1  }
0x9: {  	s19 =	sld [smem:$0x3FFB];
	_ =	sdelay $0x3  }
0xa: {  	_ =	strace s19  }
0xb: {  	s3 =	sld [smem:$0x3FFC];
	_ =	sdelay $0x3  }
0xc: {  	_ =	strace s3  }
0xd: {  	s3 =	sld [smem:$0x3FFD];
	_ =	sdelay $0x3  }
0xe: {  	_ =	strace s3  }
0xf: {  	_ =	strace $0x8FFFFFFF  }
0x10: {  	s20 =	sld [smem:$0x3FDB];
	_ =	sdelay $0x1  }
0x11: {  	s4 =	simm.s32 $_scs_section_size  }
0x12: {  	s5 =	simm.s32 $_size__tile_overlayer_lowered;
	s6 =	simm.s32 $_tile_overlayer_lowered  }
0x13: {  	s23 =	simm.s32 $0x1BFF;
	s22 =	sshll.u32 s6, $0x1;
	s3 =	sadd.s32 s4, s20  }
0x14: {  	s7 =	simm.s32 $0x0;
	s21 =	sshll.u32 s5, $0x1;
	s5 =	sadd.s32 s22, s3  }
0x15: {  	[timem:s7], [sflag:s23] =	dma.local [hbm:s5], s21  }
0x16: {  	_ =	swait.ge [sflag:s23], s21  }
0x17: {  	s4 =	ssub.s32 $0x0, s21;
	[sflag:s23] =	ssyncset.done $0x0  }
0x18: {  	[sflag:s23] =	ssyncadd.s32 s4;
	_ =	sdelay $0x1  }
0x19: {  	s24 =	simm.s32 $0x1B8B  }
0x1a: {  	_ =	swait.ge [sflag:s24], $0x1  }
0x1b: {  	[sflag:s24] =	ssyncset.done $0x0  }
0x1c: {  	s26 =	simm.s32 $0x1B8E;
	s25 =	sld [smem:$0x3FFE];
	[sflag:s24] =	ssyncadd.s32 $0xFFFFFFFF  }
0x1d: {  	s27 =	simm.s32 $execute0_lowered;
	[smem:$0x3FD2] =	sst s26  }
0x1e: {  	s5 =	sshll.u32 s27, $0x1;
	_ =	strace $0x80000049;
	[dreg:$0x1] =	wrdreg $0xFFFFFFFF  }
0x1f: {  	s28 =	simm.s32 $_size_execute0_lowered;
	s3 =	sadd.s32 s3, s5;
	[dreg:$0x0] =	wrdreg $0x0  }
0x20: {  	s5 =	sshll.u32 s28, $0x1;
	[dreg:$0x2] =	wrdreg s3  }
0x21: {  	[dreg:$0x3] =	wrdreg s5  }
0x22: {  	[dreg:$0x4] =	wrdreg $0xC0  }
0x23: {  	_ =	task [dreg:s7], $0x5FFFF  }
0x24: {  	[dreg:$0x1] =	wrdreg $0xFFFFFFFF  }
0x25: {  	[dreg:$0x0] =	wrdreg $0x60  }
0x26: {  	[dreg:$0x2] =	wrdreg s25  }
0x27: {  	[dreg:$0x3] =	wrdreg s2  }
0x28: {  	[dreg:$0x4] =	wrdreg $0x9  }
0x29: {  	_ =	task.clear_ibuf [dreg:s7], $0x5FFFF;
	_ =	strace $0x90000049  }
0x2a: {  	s29 =	simm.s32 $0x9;
	_ =	strace $0x8000004B  }
0x2b: {  	_ =	swait.ge [sflag:s29], $0x1  }
0x2c: {  	[sflag:s29] =	ssyncadd.s32 $0xFFFFFFFF  }
0x2d: {  	_ =	strace $0x9000004B  }
0x2e: {  	_ =	sfence  }
0x2f: {  	s30 =	sld [smem:$0x0];
	_ =	sdelay $0x2  }
0x30: {  	s31 =	sshll.u32 s1, $0xD;
	s1 =	sshrl.u32 s1, $0x2  }
0x31: {  	s3 =	sand.u32 $0x4000, s31;
	s1 =	sadd.s32 s1, s30  }
0x32: {  	s0 =	sor.u32 s3, s0;
	s1 =	sshll.u32 s1, $0x11  }
0x33: {  	s0 =	sor.u32 s1, s0  }
0x34: {  	s0 =	sadd.s32 $0x8F2B, s0  }
0x35: {  	[sflag:s0] =	ssyncadd.remote.s32 $0x1  }
0x36: {  	_ =	sfence.sel $0xFFFF  }
0x37: {  	[dreg:$0x0] =	wrdreg $0xFFFFFFFF;
	(pc) =	sbr.abs _section_cstart, $3  }
0x38: {  	[dreg:$0x1] =	wrdreg $0xFFFFFFFF  }
0x39: {  	_ =	task.clear_ibuf [dreg:s7], $0x2FFFF;
	_ =	strace $0x9FFFFFFF  }
0x3a: {  	(tm) =	ssettm $0x7FFFFFFF  }
0x3b: {  	_ =	shalt  }
tec
execute0_lowered:
.L_overlay_start_1:
0x0: {  	(tag) =	ssettag $0x1  }
0x1: {  	s0 =	srdreg.scid;
	s1 =	rddreg [dreg:$0x0];
	_ =	strace $0x8000004A  }
0x2: {  	s3 =	stileid.u32;
	s4 =	simm.s32 $0x1;
	s30 =	simm.s32 $0x2  }
0x3: {  	s19 =	simm.s32 $0x0;
	s11 =	simm.s32 $0x0;
	s0 =	sshll.u32 s0, $0x7  }
0x4: {  	s21 =	simm.s32 $0x0;
	s20 =	simm.s32 $0x0;
	s7 =	sand.u32 $0x80, s0  }
0x5: {  	s22 =	simm.s32 $0x0;
	s12 =	simm.s32 $0x0;
	s0 =	ssub.s32 $0x100, s7  }
0x6: {  	s13 =	simm.s32 $0x0;
	s14 =	simm.s32 $0x0;
	s2 =	sshrl.u32 s0, $0x7  }
0x7: {  	s15 =	simm.s32 $0x0;
	s0 =	sshrl.u32 s0, $0x8;
	s2 =	sand.u32 $0x1, s2  }
.Ltmp0:
0x8: {  	s16 =	simm.s32 $0x0;
	s0 =	sadd.s32 s0, s2;
	(pc) =	sbr.rel .LBB1_1-.Ltmp0, $4  }
0x9: {  	s6 =	sshll.u32 s3, $0x7;
	s31 =	sadd.s32 s7, s1;
	s5 =	smul.u32 $0x31, s0  }
0xa: {  	s18 =	simm.s32 $0x0;
	[dreg:$0x3] =	wrdreg s6;
	s8 =	sadd.s32 $0x600, s31  }
0xb: {  	[sflag:s4] =	ssyncpa.u1 $0x0;
	[dreg:$0x4] =	wrdreg s8;
	s9 =	sadd.s32 $0x1, s5  }
0xc: {  	[sflag:s30] =	ssyncpa.u1 $0x0;
	s17 =	smov.u32 s6;
	[dreg:$0x5] =	wrdreg s9  }
.LBB1_11:
0xd: {  	s0 =	sshll.u32 s14, $0x8;
	s1 =	sshll.u32 s22, $0x3  }
0xe: {  	s2 =	sshll.u32 s14, $0x7;
	p0 =	sgt.s32 s12, $0x6;
	s26 =	smul.u32 $0x6D600, s13  }
0xf: {  	s27 =	smul.u32 $0xFA00, s12;
	s4 =	sshll.u32 s14, $0x4;
	s0 =	sand.u32 $0xFFFFF800, s0  }
0x10: {  	s7 =	rddreg [dreg:$0x1];
	s22 =	sand.u32 $0x300, s2;
	s0 =	sor.u32 s0, s1  }
0x11: {  	s28 =	sshll.u32 s18, $0xE;
	s30 =	simm.s32 $0x400;
	s0 =	sor.u32 s22, s0  }
0x12: {  	s31 =	simm.s32 $0x800;
	s2 =	smov.u32 s12;
	s0 =	sshrl.u32 s0, $0x8  }
0x13: {  	s8 =	rddreg [dreg:$0x4];
	s2 =	simm.s32 @!p0 $0x6;
	s25 =	smulhi.u32 $0x83126F, s0  }
0x14: {  	s9 =	rddreg [dreg:$0x5];
	s4 =	sand.u32 $0x10, s4;
	s2 =	sadd.s32 s23, s2  }
0x15: {  	s29 =	sand.u32 $0x4000, s28;
	s3 =	sadd.s32 $0xFFFFFFFA, s2;
	s1 =	sshrl.u32 s25, $0x2  }
0x16: {  	s2 =	ssub.s32 $0x7, s2;
	p0 =	sgt.s32 s3, $0x0;
	s1 =	smul.u32 $0x7D0, s1  }
0x17: {  	s3 =	sadd.s32 s7, s26;
	s7 =	smov.u32 s6;
	s2 =	simm.s32 @p0 $0x0  }
0x18: {  	s2 =	smul.u32 s2, s24;
	s0 =	ssub.s32 s0, s1;
	s1 =	sadd.s32 s27, s3  }
0x19: {  	s6 =	rddreg [dreg:$0x3];
	s0 =	sshll.u32 s0, $0x5;
	s1 =	sadd.s32 s4, s1  }
0x1a: {  	s2 =	sand.u32 $0x3FFFFF80, s2;
	s3 =	sor.u32 $0x8000, s29;
	s0 =	sadd.s32 s0, s1  }
0x1b: {  	[hbm4b:s0+s30] =	stream.strided.scatter [tilespmem:s3], [sflag:$0x2], s2, s31, s30, $0x38;
	[tilespmem:$0x10000] =	vst v63  }
.LBB1_12:
0x1c: {  	p0 =	slt.u32 s18, $0x2  }
0x1d: {  	s0 =	smov.u32 s21;
	p1 =	sgt.s32 @!p0 s21, $0x6  }
0x1e: {  	s1 =	sshra.s32 @!p0 s21, $0x1F;
	p3 =	sgt.s32 @!p0 s20, $0x750;
	s2 =	sshra.s32 @!p0 s20, $0x1F  }
0x1f: {  	p1 =	por !p1, p0;
	s1 =	sand.u32 @!p0 s1, s21;
	p3 =	por !p3, p0  }
0x20: {  	s2 =	sand.u32 @!p0 s2, s20;
	s0 =	simm.s32 @p1 $0x6;
	p1 =	sgt.s32 @!p0 s19, $0x6  }
0x21: {  	s20 =	simm.s32 @p3 $0x750;
	s0 =	ssub.s32 @!p0 s0, s1;
	p1 =	por !p1, p0  }
0x22: {  	s2 =	ssub.s32 @!p0 s20, s2;
	s1 =	sadd.s32 @!p0 $0xFFFFFFFA, s0;
	s0 =	ssub.s32 @!p0 $0x7, s0  }
0x23: {  	s2 =	sadd.s32 @!p0 $0xFFFFF8B0, s2;
	p2 =	sgt.s32 @!p0 s1, $0x0;
	s1 =	sshra.s32 @!p0 s19, $0x1F  }
0x24: {  	s1 =	sand.u32 @!p0 s1, s19;
	s19 =	simm.s32 @p1 $0x6;
	p1 =	por !p2, p0  }
0x25: {  	p2 =	sgt.s32 @!p0 s2, $0x7F;
	s2 =	sshll.u32 @!p0 s2, $0x7;
	s1 =	ssub.s32 @!p0 s19, s1  }
0x26: {  	s0 =	simm.s32 @!p1 $0x0;
	s2 =	ssub.s32 @!p0 $0x4000, s2;
	p2 =	por !p2, p0  }
0x27: {  	s3 =	sadd.s32 @!p0 $0xFFFFFFFA, s1;
	s1 =	ssub.s32 @!p0 $0x7, s1;
	s2 =	simm.s32 @!p2 $0x0  }
0x28: {  	p1 =	sgt.s32 @!p0 s3, $0x0;
	s3 =	sadd.s32 $0x1, s15;
	s0 =	smul.u32 @!p0 s0, s2  }
0x29: {  	s2 =	simm.s32 $0x1;
	p1 =	por !p1, p0;
	p2 =	sgt.s32 s3, $0x6  }
0x2a: {  	s1 =	simm.s32 @!p1 $0x0;
	s2 =	simm.s32 @!p2 $0x0  }
0x2b: {  	s4 =	smov.u32 s17;
	s0 =	smul.u32 @!p0 s1, s0;
	s1 =	sadd.s32 s2, s16  }
0x2c: {  	s11 =	sadd.s32 $0x4000, s11;
	s2 =	sadd.s32 $0x800, s17;
	p1 =	sgt.s32 s1, $0x6  }
0x2d: {  	s22 =	smov.u32 s7;
	s21 =	smov.u32 s13;
	s4 =	smov.u32 @p1 s2  }
0x2e: {  	s13 =	smov.u32 s16;
	s1 =	simm.s32 @p1 $0x0;
	p1 =	sgt.s32 s4, $0x7CF  }
0x2f: {  	s20 =	smov.u32 s14;
	s4 =	smov.u32 @p1 s6;
	p1 =	sne.s32 s18, s9  }
.Ltmp1:
0x30: {  	s14 =	smov.u32 s17;
	s19 =	smov.u32 s12;
	(pc) =	sbr.rel @!p1 .LBB1_13-.Ltmp1, $4  }
0x31: {  	s3 =	simm.s32 @p2 $0x0;
	s0 =	sand.u32 @!p0 $0x3FFFFF80, s0;
	s2 =	simm.s32 @!p0 $0x2  }
0x32: {  	s12 =	smov.u32 s15;
	s15 =	smov.u32 s3;
	_ =	swait.ge @!p0 [sflag:s2], s0  }
0x33: {  	s0 =	ssub.s32 @!p0 $0x0, s0;
	s16 =	smov.u32 s1;
	[sflag:s2] =	ssyncset.done @!p0 $0x0  }
0x34: {  	s18 =	sadd.s32 $0x1, s18;
	[sflag:s2] =	ssyncadd.s32 @!p0 s0;
	s17 =	smov.u32 s4  }
.LBB1_1:
0x35: {  	p0 =	sge.u32 s18, s5;
	s0 =	smov.u32 s17;
	s3 =	smov.u32 s16  }
0x36: {  	s31 =	sadd.s32 $0xFFFFFFFF, s18;
	p1 =	sgt.s32 @!p0 s17, $0x750;
	s1 =	sxor.u32 @!p0 $0xFFFFFFFF, s18  }
0x37: {  	s2 =	sshra.s32 @!p0 s17, $0x1F;
	s4 =	sshra.s32 @!p0 s16, $0x1F;
	p1 =	por !p1, p0  }
0x38: {  	s2 =	sand.u32 @!p0 s2, s17;
	s0 =	simm.s32 @p1 $0x750;
	p1 =	sgt.s32 @!p0 s16, $0x6  }
0x39: {  	s4 =	sand.u32 @!p0 s4, s16;
	p1 =	por !p1, p0;
	s0 =	ssub.s32 @!p0 s0, s2  }
0x3a: {  	s3 =	simm.s32 @p1 $0x6;
	p1 =	sgt.s32 @!p0 s15, $0x7;
	s0 =	sadd.s32 @!p0 $0xFFFFF8B0, s0  }
0x3b: {  	s2 =	ssub.s32 @!p0 s3, s4;
	p1 =	por !p1, p0;
	s4 =	smov.u32 s15  }
0x3c: {  	s3 =	sadd.s32 @!p0 $0xFFFFFFFA, s2;
	s4 =	simm.s32 @p1 $0x7;
	p1 =	sgt.s32 @!p0 s0, $0x7F  }
0x3d: {  	s0 =	sshll.u32 @!p0 s0, $0x7;
	p2 =	sgt.s32 @!p0 s3, $0x0;
	s3 =	sshra.s32 @!p0 s15, $0x1F  }
0x3e: {  	s2 =	ssub.s32 @!p0 $0x7, s2;
	s0 =	ssub.s32 @!p0 $0x4000, s0;
	s3 =	sand.u32 @!p0 s3, s15  }
0x3f: {  	p1 =	por !p1, p0;
	p2 =	por !p2, p0;
	s3 =	ssub.s32 @!p0 s4, s3  }
0x40: {  	s0 =	simm.s32 @!p1 $0x0;
	s2 =	simm.s32 @!p2 $0x0;
	s4 =	sadd.s32 @!p0 $0xFFFFFFF9, s3  }
0x41: {  	s1 =	sshll.u32 @!p0 s1, $0xE;
	s0 =	smul.u32 @!p0 s2, s0;
	p2 =	sgt.s32 @!p0 s4, $0x0  }
0x42: {  	s3 =	ssub.s32 @!p0 $0x8, s3;
	s2 =	smul.u32 @!p0 $0x700, s17;
	p1 =	por !p2, p0  }
0x43: {  	s1 =	sand.u32 @!p0 $0x4000, s1;
	s4 =	sshll.u32 @!p0 s15, $0x4;
	s3 =	simm.s32 @!p1 $0x0  }
0x44: {  	s2 =	sadd.s32 @!p0 s2, s8;
	s0 =	smul.u32 @!p0 s3, s0;
	s3 =	sshll.u32 @!p0 s16, $0x8  }
0x45: {  	s4 =	sand.u32 @!p0 $0x70, s4;
	s2 =	sadd.s32 @!p0 s3, s2;
	s3 =	simm.s32 @!p0 $0x80  }
0x46: {  	s0 =	sand.u32 @!p0 $0x3FFFFF80, s0;
	s2 =	sadd.s32 @!p0 s4, s2;
	s4 =	simm.s32 @!p0 $0x3800  }
0x47: {  	[tilespmem:s1], [sflag:$0x1] =	stream.strided.gather @!p0 [hbm4b:s2+s3], s0, s4, s3, $0x38;
	[tilespmem:$0x10000] =	vst v63  }
0x48: {  	p0 =	sge.u32 s31, s5  }
.Ltmp2:
0x49: {  	_ = 	snop;
	(pc) =	sbr.rel @p0 .LBB1_12-.Ltmp2, $1  }
0x4a: {  	_ =	sdelay $0x3  }
0x4b: {  	p0 =	sgt.s32 s14, $0x750  }
0x4c: {  	s0 =	smov.u32 s14;
	s1 =	sshra.s32 s14, $0x1F;
	s2 =	sshra.s32 s13, $0x1F  }
0x4d: {  	s25 =	ssub.s32 $0x0, s12;
	s26 =	sshra.s32 s12, $0x1F;
	p1 =	sgt.s32 s12, $0x7  }
0x4e: {  	s4 =	smov.u32 s12;
	s0 =	simm.s32 @!p0 $0x750;
	s1 =	sand.u32 s1, s14  }
0x4f: {  	p0 =	sgt.s32 s13, $0x6;
	s0 =	ssub.s32 s0, s1;
	s1 =	smov.u32 s13  }
0x50: {  	s2 =	sand.u32 s2, s13;
	s23 =	sand.u32 s25, s26;
	s1 =	simm.s32 @!p0 $0x6  }
0x51: {  	s4 =	simm.s32 @!p1 $0x7;
	s3 =	sadd.s32 $0xFFFFF8B0, s0;
	s1 =	ssub.s32 s1, s2  }
0x52: {  	s0 =	ssub.s32 $0x7D0, s0;
	p0 =	sgt.s32 s3, $0x7F;
	s28 =	sadd.s32 $0xFFFFFFFA, s1  }
0x53: {  	s2 =	sadd.s32 s23, s4;
	s1 =	ssub.s32 $0x7, s1;
	p1 =	sgt.s32 s28, $0x0  }
0x54: {  	s0 =	simm.s32 @p0 $0x0;
	s29 =	sadd.s32 $0xFFFFFFF9, s2;
	s1 =	simm.s32 @p1 $0x0  }
0x55: {  	p0 =	sgt.s32 s29, $0x0;
	s0 =	smul.u32 s0, s1;
	s1 =	ssub.s32 $0x8, s2  }
0x56: {  	s2 =	sadd.s32 $0x80, s14;
	s1 =	simm.s32 @p0 $0x0  }
0x57: {  	p0 =	slt.s32 s2, $0x7D0;
	s24 =	sshll.u32 s0, $0x7;
	s0 =	sadd.s32 $0x1, s13  }
0x58: {  	s2 =	simm.s32 @!p0 $0x7D0;
	p0 =	slt.s32 s0, $0x7  }
0x59: {  	s25 =	ssub.s32 s2, s14;
	s2 =	sadd.s32 $0x1, s12;
	s0 =	simm.s32 @!p0 $0x7  }
0x5a: {  	p0 =	slt.s32 s2, $0x7;
	p1 =	slt.s32 s25, $0x1;
	s26 =	ssub.s32 s0, s13  }
0x5b: {  	s2 =	simm.s32 @!p0 $0x7;
	p0 =	slt.s32 @!p1 s26, $0x1  }
0x5c: {  	s27 =	ssub.s32 s2, s12;
	p0 =	por p1, p0  }
0x5d: {  	p1 =	slt.s32 @!p0 s27, $0x1  }
0x5e: {  	s1 =	smul.u32 s1, s24;
	p0 =	por p0, p1  }
.Ltmp3:
0x5f: {  	_ = 	snop;
	(pc) =	sbr.rel @p0 .LBB1_11-.Ltmp3, $4  }
0x60: {  	s31 =	simm.s32 $0x1;
	s30 =	sand.u32 $0x3FFFFF80, s1  }
0x61: {  	_ =	swait.ge [sflag:s31], s30  }
0x62: {  	s0 =	ssub.s32 $0x0, s30;
	[sflag:s31] =	ssyncset.done $0x0  }
0x63: {  	s6 =	smov.u32 s7;
	[sflag:s31] =	ssyncadd.s32 s0  }
0x64: {  	s0 =	sshll.u32 s11, $0x2  }
0x65: {  	s0 =	sand.u32 $0x10000, s0  }
0x66: {  	s28 =	sshrl.u32 s0, $0x2  }
0x67: {  	s1 =	simm.s32 $0x0;
	s31 =	simm.s32 $0x0;
	s29 =	sor.u32 $0x8000, s28  }
.LBB1_4:
0x68: {  	s0 =	sand.u32 $0x3F80, s31  }
0x69: {  	s30 =	smov.u32 s1;
	s3 =	simm.s32 $0x0;
	s2 =	sadd.s32 s0, s29  }
.LBB1_5:
0x6a: {  	s9 =	simm.s32 $0x0;
	s10 =	smov.u32 s2;
	s4 =	simm.s32 $0x0  }
.LBB1_6:
0x6b: {  	s0 =	sand.u32 $0x7, s9  }
0x6c: {  	s0 =	sadd.s32 s0, s30  }
0x6d: {  	s0 =	sshll.u32 s0, $0x9  }
0x6e: {  	s0 =	sshra.s32 s0, $0x2  }
0x6f: {  	s8 =	simm.s32 $0xFFFFFFF0;
	s7 =	sadd.s32 s0, s28;
	s0 =	smov.u32 s10  }
.LBB1_7:
0x70: {  	s8 =	sadd.s32 $0x10, s8  }
0x71: {  	v0 =	vld [tilespmem:s7+$0x0];
	p0 =	slt.u32 s8, $0x70  }
.Ltmp4:
0x72: {  	_ = 	snop;
	(pc) =	sbr.rel @p0 .LBB1_7-.Ltmp4, $2  }
0x73: {  	_ =	sdelay $0x2  }
0x74: {  	s7 =	sadd.s32 $0x10, s7;
	[tilespmem:s0+$0x0] =	vst v0;
	s0 =	sadd.s32 $0x10, s0  }
0x75: {  	s4 =	sadd.s32 $0x1, s4  }
0x76: {  	p0 =	sne.s32 s4, s27  }
.Ltmp5:
0x77: {  	_ = 	snop;
	(pc) =	sbr.rel @p0 .LBB1_6-.Ltmp5, $2  }
0x78: {  	_ =	sdelay $0x2  }
0x79: {  	s10 =	sadd.s32 $0x4000, s10;
	s9 =	sadd.s32 $0x1, s9  }
0x7a: {  	s3 =	sadd.s32 $0x1, s3  }
0x7b: {  	p0 =	sne.s32 s3, s26  }
.Ltmp6:
0x7c: {  	_ = 	snop;
	(pc) =	sbr.rel @p0 .LBB1_5-.Ltmp6, $2  }
0x7d: {  	_ =	sdelay $0x2  }
0x7e: {  	s2 =	sadd.s32 $0x4000, s2;
	s30 =	sadd.s32 $0x1, s30  }
0x7f: {  	s1 =	sadd.s32 $0x1, s1  }
0x80: {  	p0 =	sne.s32 s1, s25  }
.Ltmp7:
0x81: {  	_ = 	snop;
	(pc) =	sbr.rel @p0 .LBB1_4-.Ltmp7, $4  }
.Ltmp8:
0x82: {  	_ = 	snop;
	(pc) =	sbr.rel @!p0 .LBB1_11-.Ltmp8, $4  }
0x83: {  	_ = 	snop  }
0x84: {  	_ = 	snop  }
0x85: {  	s31 =	sadd.s32 $0x80, s31  }
0x86: {  	_ = 	snop  }
.LBB1_13:
0x87: {  	_ =	sfence.sel $0x180000  }
0x88: {  	s0 =	simm.s32 $0x1;
	[bflag:$0x0] =	sbarrier.arrive $0xFFFF  }
0x89: {  	s30 =	simm.s32 $0x2;
	[sflag:s0] =	ssyncpa.u1 $0x1  }
0x8a: {  	[sflag:s30] =	ssyncpa.u1 $0x1  }
0x8b: {  	_ =	strace $0x9000004A  }
0x8c: {  	s31 =	stileid.u32;
	[bflag:$0x2] =	sbarrier.arrive $0xFFFF  }
0x8d: {  	p0 =	sne.s32 s31, $0x0;
	s0 =	rddreg [dreg:$0x2]  }
0x8e: {  	s0 =	sadd.s32 @!p0 $0x100000, s0  }
0x8f: {  	[sflag:s0] =	ssyncadd.tile.s32 @!p0 $0x1;
	_ =	shalt  }
.Lfunc_end1:
_tile_overlayer_lowered:
.L_overlay_start_2:
0x90: {  	(tag) =	ssettag $0x2  }
0x91: {  	s0 =	rddreg [dreg:$0x0];
	s2 =	stileid.u32  }
0x92: {  	s1 =	rddreg [dreg:$0x1];
	p0 =	sne.s32 s2, $0x0  }
0x93: {  	s3 =	rddreg [dreg:$0x2];
	[bflag:$0x3] =	sbarrier.arrive $0xFFFF;
	s2 =	simm.s32 @!p0 $0x1C01  }
0x94: {  	[timem:s3], [sflag:s2] =	dma.local @!p0 [hbm:s0], s1  }
0x95: {  	s0 =	simm.s32 @!p0 $0x1  }
0x96: {  	_ =	swait.ge @!p0 [sflag:s0], s1  }
0x97: {  	s1 =	ssub.s32 @!p0 $0x0, s1;
	[sflag:s0] =	ssyncset.done @!p0 $0x0  }
0x98: {  	[sflag:s0] =	ssyncadd.s32 @!p0 s1  }
0x99: {  	[bflag:$0x3] =	sbarrier.arrive $0xFFFF  }
0x9a: {  	_ =	shalt  }

</sc_bundles>
